<compile_context>
chip_gen: v7x
topology: tpu7x:2x2x1
jax: 0.10.2.dev20260603
libtpu: 0.0.44.dev20260713+nightly
codegen_flags: <defaults>
</compile_context>

<pallas_src>
import functools

import jax
import jax.numpy as jnp
from jax import lax
from jax.experimental import pallas as pl
from jax.experimental.pallas import tpu as pltpu
from jax.experimental.pallas import tpu_sc as plsc

KE = 14.399645
S6, S8, A1, A2 = 1.0, 1.2, 0.4, 5.0
CUTON = 2.5
SW_INV = 0.2
LR = 10.0
SQRT3 = 1.7320508075688772

NC, NS, NW, L = 2, 16, 32, 16

_CP = pltpu.CompilerParams(needs_layout_passes=False, use_tc_tiling_on_sc=False)


def _rsqrt(x):
    b = lax.bitcast_convert_type(x, jnp.int32)
    y = lax.bitcast_convert_type(
        jnp.int32(0x5F3759DF) - lax.shift_right_arithmetic(b, 1), jnp.float32)
    for _ in range(3):
        y = y * (1.5 - 0.5 * x * y * y)
    return y


def _make_atom_kernel(n_pad):
    nps = n_pad // NS
    npa = n_pad // NW

    @functools.partial(
        pl.kernel,
        out_type=[jax.ShapeDtypeStruct((n_pad,), jnp.float32),
                  jax.ShapeDtypeStruct((n_pad,), jnp.float32)],
        mesh=plsc.VectorSubcoreMesh(core_axis_name="c", subcore_axis_name="s"),
        compiler_params=_CP,
        scratch_types=[
            pltpu.VMEM((1024,), jnp.float32),
            pltpu.VMEM((nps,), jnp.int32),
            pltpu.VMEM((nps,), jnp.float32),
            pltpu.VMEM((96,), jnp.float32),
            pltpu.VMEM((96,), jnp.float32),
            pltpu.VMEM((8, 128), jnp.int32),
            pltpu.VMEM((1024,), jnp.float32),
            pltpu.VMEM((32,), jnp.float32),
            pltpu.VMEM((npa,), jnp.int32),
            pltpu.VMEM((npa,), jnp.float32),
            pltpu.VMEM((npa,), jnp.int32),
            pltpu.VMEM((npa,), jnp.float32),
            pltpu.VMEM((npa,), jnp.float32),
            pltpu.VMEM_SHARED((1024,), jnp.float32),
        ],
    )
    def atom_kernel(charge_hbm, idxm_hbm, z_hbm, sqc6_hbm, sqr4_hbm, idx8_hbm,
                    qa_hbm, pk_hbm, acc_v, idxm1_v, chg1_v, sqc6_v, sqr4_v,
                    idx8_v, binsf_v, qdiv_v, idxm2_v, chg2_v, z2_v, qat_v,
                    pkt_v, bins_sh):
        c = lax.axis_index("c")
        s = lax.axis_index("s")
        wid = s * NC + c
        iota = lax.iota(jnp.int32, 16)
        zero16 = jnp.zeros((16,), jnp.float32)

        pltpu.sync_copy(idxm_hbm.at[pl.ds(s * nps, nps)], idxm1_v)
        pltpu.sync_copy(charge_hbm.at[pl.ds(s * nps, nps)], chg1_v)
        pltpu.sync_copy(idx8_hbm, idx8_v)
        pltpu.sync_copy(sqc6_hbm, sqc6_v)
        pltpu.sync_copy(sqr4_hbm, sqr4_v)

        def zero_body(i, _):
            acc_v[pl.ds(i * 16, 16)] = zero16
            return 0
        lax.fori_loop(0, 64, zero_body, 0)

        @pl.when(s == 0)
        def _():
            pltpu.sync_copy(acc_v, bins_sh)
        plsc.subcore_barrier()

        m_lo = idxm1_v[pl.ds(0, 16)][0]
        m_hi = idxm1_v[pl.ds(nps - 16, 16)][15]

        def m_body(m, _):
            def v_body(v, carry):
                qa_, ca_ = carry
                im = idxm1_v[pl.ds(v * 16, 16)]
                ch = chg1_v[pl.ds(v * 16, 16)]
                mask = im == m
                qa_ = qa_ + jnp.where(mask, -ch, 0.0)
                ca_ = ca_ + jnp.where(mask, 1.0, 0.0)
                return (qa_, ca_)
            qa_, ca_ = lax.fori_loop(0, nps // 16, v_body, (zero16, zero16))
            plsc.addupdate(acc_v.at[pl.ds(m * 16, 16)], qa_)
            plsc.addupdate(acc_v.at[pl.ds(512 + m * 16, 16)], ca_)
            return 0
        lax.fori_loop(m_lo, m_hi + 1, m_body, 0)

        for k in range(8):
            pltpu.sync_copy(acc_v.at[pl.ds(k * 128, 128)],
                            bins_sh.at[idx8_v.at[k]], add=True)
        plsc.subcore_barrier()

        pltpu.sync_copy(bins_sh, binsf_v)
        qlo = qhi = clo = chi = zero16
        for k in range(16):
            qlo = qlo + plsc.load_gather(binsf_v, [iota * 16 + k])
            qhi = qhi + plsc.load_gather(binsf_v, [(iota + 16) * 16 + k])
            clo = clo + plsc.load_gather(binsf_v, [512 + iota * 16 + k])
            chi = chi + plsc.load_gather(binsf_v, [512 + (iota + 16) * 16 + k])
        qdiv_v[pl.ds(0, 16)] = qlo / jnp.maximum(clo, 1.0)
        qdiv_v[pl.ds(16, 16)] = qhi / jnp.maximum(chi, 1.0)

        base = wid * npa
        pltpu.sync_copy(idxm_hbm.at[pl.ds(base, npa)], idxm2_v)
        pltpu.sync_copy(charge_hbm.at[pl.ds(base, npa)], chg2_v)
        pltpu.sync_copy(z_hbm.at[pl.ds(base, npa)], z2_v)

        def a_body(v, _):
            off = v * 16
            ch = chg2_v[pl.ds(off, 16)]
            zz = z2_v[pl.ds(off, 16)]
            mm = jnp.minimum(idxm2_v[pl.ds(off, 16)], 31)
            qa = ch + plsc.load_gather(qdiv_v, [mm])
            sc6 = (plsc.load_gather(sqc6_v, [zz])
                   * jnp.exp(1.5 * (1.0 - jnp.exp(2.0 * qa))))
            srz = plsc.load_gather(sqr4_v, [zz])
            bs = lax.bitcast_convert_type(sc6, jnp.int32) + 0x8000
            br = lax.bitcast_convert_type(srz, jnp.int32) + 0x8000
            pk_bits = ((bs & jnp.int32(-65536))
                       | lax.shift_right_logical(br, 16))
            qat_v[pl.ds(off, 16)] = qa
            pkt_v[pl.ds(off, 16)] = lax.bitcast_convert_type(pk_bits,
                                                             jnp.float32)
            return 0
        lax.fori_loop(0, npa // 16, a_body, 0)
        pltpu.sync_copy(qat_v, qa_hbm.at[pl.ds(base, npa)])
        pltpu.sync_copy(pkt_v, pk_hbm.at[pl.ds(base, npa)])

    return atom_kernel


def _make_edge_kernel(n_pad, n_acc, e_total, ec):
    nchunk = e_total // ec
    k_per_tile = (nchunk + NW - 1) // NW
    nsl = n_acc // NS

    @functools.partial(
        pl.kernel,
        out_type=jax.ShapeDtypeStruct((NC, n_acc), jnp.float32),
        mesh=plsc.VectorSubcoreMesh(core_axis_name="c", subcore_axis_name="s"),
        compiler_params=_CP,
        scratch_types=[
            pltpu.VMEM((2, ec), jnp.float32),
            pltpu.VMEM((2, ec), jnp.float32),
            pltpu.VMEM((2, ec), jnp.float32),
            pltpu.VMEM((4, ec), jnp.int32),
            pltpu.VMEM((2, ec), jnp.int32),
            pltpu.VMEM((2, ec), jnp.float32),
            pltpu.VMEM((2, ec), jnp.float32),
            pltpu.VMEM((2, ec), jnp.float32),
            pltpu.VMEM((2, ec), jnp.float32),
            pltpu.VMEM((2, ec), jnp.float32),
            pltpu.VMEM_SHARED((n_acc,), jnp.float32),
            pltpu.SemaphoreType.DMA,
            pltpu.SemaphoreType.DMA,
            pltpu.SemaphoreType.DMA,
            pltpu.SemaphoreType.DMA,
            pltpu.SemaphoreType.DMA,
            pltpu.SemaphoreType.DMA,
        ],
    )
    def edge_kernel(qa_hbm, pk_hbm, xs_hbm, ys_hbm, zs_hbm, ii_hbm, jj_hbm,
                    zeros_hbm, part_hbm,
                    x_v, y_v, z_v, ii_v, jj_v, qi_v, pki_v, qj_v, pkj_v,
                    val_v, acc_sh,
                    isem0, isem1, gsem0, gsem1, ssem0, ssem1):
        c = lax.axis_index("c")
        s = lax.axis_index("s")
        wid = s * NC + c

        @pl.when(s == 0)
        def _():
            pltpu.sync_copy(zeros_hbm, acc_sh)
        plsc.subcore_barrier()

        def in_copies(x, isem):
            p, q = x % 2, x % 4
            eb = x * NW * ec + wid * ec
            return [
                pltpu.make_async_copy(xs_hbm.at[pl.ds(eb, ec)], x_v.at[p], isem),
                pltpu.make_async_copy(ys_hbm.at[pl.ds(eb, ec)], y_v.at[p], isem),
                pltpu.make_async_copy(zs_hbm.at[pl.ds(eb, ec)], z_v.at[p], isem),
                pltpu.make_async_copy(ii_hbm.at[pl.ds(eb, ec)], ii_v.at[q], isem),
                pltpu.make_async_copy(jj_hbm.at[pl.ds(eb, ec)], jj_v.at[p], isem),
            ]

        def gather_copies(x, gsem):
            p, q = x % 2, x % 4
            return [
                pltpu.make_async_copy(qa_hbm.at[ii_v.at[q]], qi_v.at[p], gsem),
                pltpu.make_async_copy(pk_hbm.at[ii_v.at[q]], pki_v.at[p], gsem),
                pltpu.make_async_copy(qa_hbm.at[jj_v.at[p]], qj_v.at[p], gsem),
                pltpu.make_async_copy(pk_hbm.at[jj_v.at[p]], pkj_v.at[p], gsem),
            ]

        def scatter_copies(x, ssem):
            p, q = x % 2, x % 4
            return [pltpu.make_async_copy(val_v.at[p],
                                          acc_sh.at[ii_v.at[q]], ssem)]

        def _compute(x):
            p = x % 2

            def v_body(v, _):
                off = v * 16
                sl = pl.ds(off, 16)
                xx = x_v[p, sl]
                yy = y_v[p, sl]
                zz = z_v[p, sl]
                qi = qi_v[p, sl]
                qj = qj_v[p, sl]
                pbi = lax.bitcast_convert_type(pki_v[p, sl], jnp.int32)
                pbj = lax.bitcast_convert_type(pkj_v[p, sl], jnp.int32)
                ci = lax.bitcast_convert_type(pbi & jnp.int32(-65536),
                                              jnp.float32)
                si = lax.bitcast_convert_type(lax.shift_left(pbi, 16),
                                              jnp.float32)
                cj = lax.bitcast_convert_type(pbj & jnp.int32(-65536),
                                              jnp.float32)
                sj = lax.bitcast_convert_type(lax.shift_left(pbj, 16),
                                              jnp.float32)

                r2 = xx * xx + yy * yy + zz * zz
                rs = _rsqrt(r2)
                d = r2 * rs
                r2s = r2 + 1.0
                rss = _rsqrt(r2s)
                dsh = r2s * rss
                t = (d - CUTON) * SW_INV
                poly = 1.0 + (t * t * t) * (-10.0 + t * (15.0 - 6.0 * t))
                f = jnp.where(t <= 0.0, 1.0,
                              jnp.where(t >= 1.0, 0.0, poly))
                coul = jnp.where(d < LR, rs + d * 0.01 - 0.2, 0.0)
                damp = jnp.where(dsh < LR, rss + dsh * 0.01 - 0.2, 0.0)
                epair = ((KE * 0.5) * qi * qj
                         * (f * damp + (1.0 - f) * coul))
                c6 = ci * cj
                sqq = SQRT3 * si * sj
                qq = sqq * sqq
                r0 = A1 * sqq + A2
                r02 = r0 * r0
                r06 = r02 * r02 * r02
                r08 = r06 * r02
                r6 = r2 * r2 * r2
                r8 = r6 * r2
                dpair = -0.5 * (S6 * c6 / (r6 + r06)
                                + S8 * c6 * qq / (r8 + r08))
                val_v[p, sl] = epair + dpair
                return 0
            lax.fori_loop(0, ec // 16, v_body, 0)

        def pipe_step(t, isem_t, gsem_t, ssem_t, isem_p, gsem_p):
            @pl.when((t >= 4) & ((t - 4) * NW + wid < nchunk))
            def _():
                for dcp in scatter_copies(t - 4, ssem_t):
                    dcp.wait()

            @pl.when((t >= 1) & ((t - 1) * NW + wid < nchunk))
            def _():
                for dcp in in_copies(t - 1, isem_p):
                    dcp.wait()
                for gcp in gather_copies(t - 1, gsem_p):
                    gcp.start()

            @pl.when((t >= 2) & ((t - 2) * NW + wid < nchunk))
            def _():
                for gcp in gather_copies(t - 2, gsem_t):
                    gcp.wait()
                _compute(t - 2)
                for scp in scatter_copies(t - 2, ssem_t):
                    scp.start(add=True)

            @pl.when((t < k_per_tile) & (t * NW + wid < nchunk))
            def _():
                for icp in in_copies(t, isem_t):
                    icp.start()

        def pipe_body(tt, _):
            t = tt * 2
            pipe_step(t, isem0, gsem0, ssem0, isem1, gsem1)
            pipe_step(t + 1, isem1, gsem1, ssem1, isem0, gsem0)
            return 0
        lax.fori_loop(0, (k_per_tile + 4 + 1) // 2, pipe_body, 0)
        plsc.subcore_barrier()

        pltpu.sync_copy(acc_sh.at[pl.ds(s * nsl, nsl)],
                        part_hbm.at[c, pl.ds(s * nsl, nsl)])

    return edge_kernel


def _combine_body(p_ref, e_ref, o_ref):
    o_ref[...] = p_ref[0] + p_ref[1] + e_ref[...]


def kernel(yi, Z, Rij, idx_i, idx_j, idx_m, c6_ref, r4r2):
    n = Z.shape[0]
    e_total = idx_i.shape[0]
    f32, i32 = jnp.float32, jnp.int32

    n_pad = ((n + 512 - 1) // 512) * 512
    n_acc = ((n + 128 - 1) // 128) * 128
    ec = 3200

    energy = yi[:, 0]
    charge = yi[:, 1]

    charge_p = jnp.concatenate([charge, jnp.zeros((n_pad - n,), f32)])
    idxm_p = jnp.concatenate([idx_m, jnp.full((n_pad - n,), 32, i32)])
    z_p = jnp.concatenate([Z, jnp.zeros((n_pad - n,), i32)])
    sqc6 = jnp.sqrt(jnp.concatenate([c6_ref, jnp.ones((1,), f32)]))
    sqr4 = jnp.sqrt(jnp.concatenate([r4r2, jnp.ones((1,), f32)]))
    idx8 = jnp.arange(1024, dtype=i32).reshape(8, 128)

    qa_tab, pk_tab = _make_atom_kernel(n_pad)(
        charge_p, idxm_p, z_p, sqc6, sqr4, idx8)

    zeros_acc = jnp.zeros((n_acc,), f32)
    part = _make_edge_kernel(n_pad, n_acc, e_total, ec)(
        qa_tab, pk_tab, Rij[:, 0], Rij[:, 1], Rij[:, 2], idx_i, idx_j,
        zeros_acc)

    en_p = jnp.concatenate([energy, jnp.zeros((n_acc - n,), f32)])
    rows = n_acc // 128
    out2 = pl.pallas_call(
        _combine_body,
        out_shape=jax.ShapeDtypeStruct((rows, 128), f32),
    )(part.reshape(NC, rows, 128), en_p.reshape(rows, 128))
    return out2.reshape(n_acc)[:n][:, None]

# --- scband reference (transcript-rebuilt; emitter-appended) ---
"""Pipeline reference for scband-phys-net-energy-75101798138143 (READ-ONLY COPY).

The authoritative reference and input builder live on the scoring server;
editing this copy changes nothing except your own understanding.
"""

import jax, jax.numpy as jnp
import numpy as np

CUTOFF = 10.0
CUTON = 0.25 * CUTOFF
SW_CUTOFF = 0.75 * CUTOFF
LR_CUTOFF = CUTOFF
KE = 14.399645
S6, S8, A1, A2 = 1.0, 1.2, 0.4, 5.0
GA, GC = 3.0, 2.0


def _switch(d):
    x = (d - CUTON) / (SW_CUTOFF - CUTON)
    x3 = x ** 3
    x4 = x3 * x
    x5 = x4 * x
    poly = 1.0 - 6.0 * x5 + 15.0 * x4 - 10.0 * x3
    return jnp.where(x <= 0.0, 1.0, jnp.where(x >= 1.0, 0.0, poly))


def _electrostatic(n_atoms, qa, d_ij, idx_i, idx_j):
    fac = KE * qa[idx_i] * qa[idx_j]
    f = _switch(d_ij)
    coulomb = jnp.where(d_ij < LR_CUTOFF, 1.0 / d_ij + d_ij / LR_CUTOFF ** 2 - 2.0 / LR_CUTOFF, 0.0)
    d_sh = jnp.sqrt(d_ij * d_ij + 1.0)
    damped = jnp.where(d_sh < LR_CUTOFF, 1.0 / d_sh + d_sh / LR_CUTOFF ** 2 - 2.0 / LR_CUTOFF, 0.0)
    pair = fac * (f * damped + (1.0 - f) * coulomb)
    return 0.5 * jax.ops.segment_sum(pair, idx_i, num_segments=n_atoms)


def _d4_dispersion(n_atoms, Z, qa, d_ij, idx_i, idx_j, c6_ref, r4r2):
    zeta = jnp.exp(GA * (1.0 - jnp.exp(GC * qa)))
    c6_at = c6_ref[Z] * zeta
    c6ij = jnp.sqrt(c6_at[idx_i] * c6_at[idx_j] + 1e-20)
    qq = 3.0 * r4r2[Z][idx_i] * r4r2[Z][idx_j]
    c8ij = c6ij * qq
    r0 = A1 * jnp.sqrt(qq) + A2
    r2 = d_ij * d_ij
    r6 = r2 ** 3
    r8 = r6 * r2
    pair = -0.5 * (S6 * c6ij / (r6 + r0 ** 6) + S8 * c8ij / (r8 + r0 ** 8))
    ea = jax.ops.segment_sum(pair, idx_i, num_segments=n_atoms)
    return ea, c6ij, pair


def setup_inputs(seed: int = 0):
    key = jax.random.key(seed)
    ks = jax.random.split(key, 8)
    N = 100000
    E = 6400000
    yi = jax.random.normal(ks[0], (N, 2), dtype=jnp.float32)
    Z = jax.random.randint(ks[1], (N,), 0, 94, dtype=jnp.int32)
    Rij = jax.random.normal(ks[2], (E, 3), dtype=jnp.float32)
    idx_i = jax.random.randint(ks[3], (E,), 0, N, dtype=jnp.int32)
    idx_j = jax.random.randint(ks[4], (E,), 0, N, dtype=jnp.int32)
    idx_m = jnp.sort(jax.random.randint(ks[5], (N,), 0, 32, dtype=jnp.int32))
    c6_ref = jax.random.uniform(ks[6], (95,), dtype=jnp.float32, minval=1.0, maxval=50.0)
    r4r2 = jax.random.uniform(ks[7], (95,), dtype=jnp.float32, minval=1.0, maxval=5.0)
    return {"yi": yi, "Z": Z, "Rij": Rij, "idx_i": idx_i, "idx_j": idx_j, "idx_m": idx_m, "c6_ref": c6_ref, "r4r2": r4r2}


def reference(yi, Z, Rij, idx_i, idx_j, idx_m, c6_ref, r4r2):
    energy = yi[:, 0]
    charge = yi[:, 1]
    n_atoms = Z.shape[0]
    d_ij = jnp.linalg.norm(Rij, axis=1)
    num_batch = 32
    Qleftover = jnp.zeros((n_atoms,), dtype=jnp.float32).at[idx_m].add(-charge)
    w = jnp.ones((n_atoms,), dtype=jnp.float32)
    denom = jax.ops.segment_sum(w, idx_m, num_segments=num_batch)
    w = w / denom[idx_m]
    qa = charge + Qleftover[idx_m] * w
    ec = _electrostatic(n_atoms, qa, d_ij, idx_i, idx_j)
    ea_vdw, _, _ = _d4_dispersion(n_atoms, Z, qa, d_ij, idx_i, idx_j, c6_ref, r4r2)
    return (ec + ea_vdw + energy)[:, None]

if __name__ == "__main__":
    import jax
    _d = setup_inputs()
    print(jax.jit(kernel)(*tuple(_d.values())))

</pallas_src>

<mosaic_0001>
#map = affine_map<(d0, d1) -> (0)>
#map1 = affine_map<(d0, d1) -> (0, 0)>
module attributes {stable_mosaic.version = 14 : i64} {
  func.func @edge_kernel(%arg0: i32, %arg1: i32, %arg2: memref<100352xf32, #tpu.memory_space<hbm>>, %arg3: memref<100352xf32, #tpu.memory_space<hbm>>, %arg4: memref<6400000xf32, #tpu.memory_space<hbm>>, %arg5: memref<6400000xf32, #tpu.memory_space<hbm>>, %arg6: memref<6400000xf32, #tpu.memory_space<hbm>>, %arg7: memref<6400000xi32, #tpu.memory_space<hbm>>, %arg8: memref<6400000xi32, #tpu.memory_space<hbm>>, %arg9: memref<100096xf32, #tpu.memory_space<hbm>>, %arg10: memref<2x100096xf32, #tpu.memory_space<hbm>>, %arg11: memref<2x3200xf32, #tpu.memory_space<vmem>>, %arg12: memref<2x3200xf32, #tpu.memory_space<vmem>>, %arg13: memref<2x3200xf32, #tpu.memory_space<vmem>>, %arg14: memref<4x3200xi32, #tpu.memory_space<vmem>>, %arg15: memref<2x3200xi32, #tpu.memory_space<vmem>>, %arg16: memref<2x3200xf32, #tpu.memory_space<vmem>>, %arg17: memref<2x3200xf32, #tpu.memory_space<vmem>>, %arg18: memref<2x3200xf32, #tpu.memory_space<vmem>>, %arg19: memref<2x3200xf32, #tpu.memory_space<vmem>>, %arg20: memref<2x3200xf32, #tpu.memory_space<vmem>>, %arg21: memref<100096xf32, #tpu.memory_space<vmem_shared>>, %arg22: memref<!tpu.dma_semaphore, #tpu.memory_space<semaphore_mem>>, %arg23: memref<!tpu.dma_semaphore, #tpu.memory_space<semaphore_mem>>, %arg24: memref<!tpu.dma_semaphore, #tpu.memory_space<semaphore_mem>>, %arg25: memref<!tpu.dma_semaphore, #tpu.memory_space<semaphore_mem>>, %arg26: memref<!tpu.dma_semaphore, #tpu.memory_space<semaphore_mem>>, %arg27: memref<!tpu.dma_semaphore, #tpu.memory_space<semaphore_mem>>) attributes {dimension_semantics = [#tpu.dimension_semantics<core_parallel>, #tpu.dimension_semantics<subcore_parallel>], iteration_bounds = array<i64: 2, 16>, scalar_prefetch = 0 : i64, scratch_operands = 17 : i64, tpu.core_type = #tpu.core_type<sc_vector_subcore>, window_params = [{transform_indices = #map}, {transform_indices = #map}, {transform_indices = #map}, {transform_indices = #map}, {transform_indices = #map}, {transform_indices = #map}, {transform_indices = #map}, {transform_indices = #map}, {transform_indices = #map1}]} {
    %mul3A = arith.constant 2 : i32
    %mul3A_0 = arith.muli %arg1, %mul3A : i32
    %add3A = arith.addi %mul3A_0, %arg0 : i32
    %eq3A = arith.constant 0 : i32
    %eq3A_1 = arith.cmpi eq, %arg1, %eq3A : i32
    %convert_element_type3A = arith.extui %eq3A_1 : i1 to i32
    %cond3A = arith.constant 0 : i32
    %cond3A_2 = arith.cmpi ne, %convert_element_type3A, %cond3A : i32
    scf.if %cond3A_2 {
      "tpu.region"() ({
        %run_scoped3A = tpu.sem_alloc : memref<!tpu.dma_semaphore, #tpu.memory_space<semaphore_mem>>
        tpu.enqueue_dma source(%arg9 : memref<100096xf32, #tpu.memory_space<hbm>>) target(%arg21 : memref<100096xf32, #tpu.memory_space<vmem_shared>>) target_semaphore(%run_scoped3A : memref<!tpu.dma_semaphore, #tpu.memory_space<semaphore_mem>>)
        tpu.wait_dma2 semaphore(%run_scoped3A : memref<!tpu.dma_semaphore, #tpu.memory_space<semaphore_mem>>) src(%arg9 : memref<100096xf32, #tpu.memory_space<hbm>>) dst(%arg21 : memref<100096xf32, #tpu.memory_space<vmem_shared>>)
        tpu.yield
      }) : () -> ()
    } else {
    }
    %barrier3A = arith.constant 0 : index
    tpu.barrier barrier_id(%barrier3A)
    %scan3A = arith.constant 0 : i32
    %scan3A_3 = arith.constant 0 : i32
    %scan3A_4 = arith.constant 34 : i32
    %scan3A_5 = arith.addi %scan3A_3, %scan3A_4 : i32
    %scan3A_6 = arith.constant 1 : i32
    %scan3A_7 = scf.for %scan3A_14 = %scan3A_3 to %scan3A_5 step %scan3A_6 iter_args(%scan3A_15 = %scan3A) -> (i32)  : i32 {
      %mul3A_16 = arith.constant 2 : i32
      %mul3A_17 = arith.muli %scan3A_14, %mul3A_16 : i32
      %ge3A = arith.constant 4 : i32
      %ge3A_18 = arith.cmpi sge, %mul3A_17, %ge3A : i32
      %sub3A = arith.constant 4 : i32
      %sub3A_19 = arith.subi %mul3A_17, %sub3A : i32
      %mul3A_20 = arith.constant 32 : i32
      %mul3A_21 = arith.muli %sub3A_19, %mul3A_20 : i32
      %add3A_22 = arith.addi %mul3A_21, %add3A : i32
      %lt3A = arith.constant 2000 : i32
      %lt3A_23 = arith.cmpi slt, %add3A_22, %lt3A : i32
      %and3A = arith.andi %ge3A_18, %lt3A_23 : i1
      %convert_element_type3A_24 = arith.extui %and3A : i1 to i32
      %cond3A_25 = arith.constant 0 : i32
      %cond3A_26 = arith.cmpi ne, %convert_element_type3A_24, %cond3A_25 : i32
      scf.if %cond3A_26 {
        %sub3A_117 = arith.constant 4 : i32
        %sub3A_118 = arith.subi %mul3A_17, %sub3A_117 : i32
        %jit3A = arith.constant 2 : i32
        %eq3A_119 = arith.constant 0 : i32
        %eq3A_120 = arith.cmpi eq, %jit3A, %eq3A_119 : i32
        %jit3A_121 = arith.constant 1 : i32
        %select_n3A = arith.select %eq3A_120, %jit3A_121, %jit3A : i32
        %rem3A = arith.remsi %sub3A_118, %select_n3A : i32
        %ne3A = arith.constant 0 : i32
        %ne3A_122 = arith.cmpi ne, %rem3A, %ne3A : i32
        %lt3A_123 = arith.constant 0 : i32
        %lt3A_124 = arith.cmpi slt, %rem3A, %lt3A_123 : i32
        %lt3A_125 = arith.constant 0 : i32
        %lt3A_126 = arith.cmpi slt, %select_n3A, %lt3A_125 : i32
        %ne3A_127 = arith.xori %lt3A_124, %lt3A_126 : i1
        %and3A_128 = arith.andi %ne3A_127, %ne3A_122 : i1
        %add3A_129 = arith.addi %rem3A, %select_n3A : i32
        %select_n3A_130 = arith.select %and3A_128, %add3A_129, %rem3A : i32
        %jit3A_131 = arith.constant 4 : i32
        %eq3A_132 = arith.constant 0 : i32
        %eq3A_133 = arith.cmpi eq, %jit3A_131, %eq3A_132 : i32
        %jit3A_134 = arith.constant 1 : i32
        %select_n3A_135 = arith.select %eq3A_133, %jit3A_134, %jit3A_131 : i32
        %rem3A_136 = arith.remsi %sub3A_118, %select_n3A_135 : i32
        %ne3A_137 = arith.constant 0 : i32
        %ne3A_138 = arith.cmpi ne, %rem3A_136, %ne3A_137 : i32
        %lt3A_139 = arith.constant 0 : i32
        %lt3A_140 = arith.cmpi slt, %rem3A_136, %lt3A_139 : i32
        %lt3A_141 = arith.constant 0 : i32
        %lt3A_142 = arith.cmpi slt, %select_n3A_135, %lt3A_141 : i32
        %ne3A_143 = arith.xori %lt3A_140, %lt3A_142 : i1
        %and3A_144 = arith.andi %ne3A_143, %ne3A_138 : i1
        %add3A_145 = arith.addi %rem3A_136, %select_n3A_135 : i32
        %select_n3A_146 = arith.select %and3A_144, %add3A_145, %rem3A_136 : i32
        %dma_wait3A = arith.constant 0 : i32
        %dma_wait3A_147 = tpu.memref_slice %arg20[%select_n3A_130, %dma_wait3A] : memref<2x3200xf32, #tpu.memory_space<vmem>> -> memref<1x3200xf32, #tpu.memory_space<vmem>>
        %dma_wait3A_148 = tpu.memref_squeeze %dma_wait3A_147 : memref<1x3200xf32, #tpu.memory_space<vmem>> -> memref<3200xf32, #tpu.memory_space<vmem>>
        %dma_wait3A_149 = arith.constant 0 : i32
        %dma_wait3A_150 = tpu.memref_slice %arg14[%select_n3A_146, %dma_wait3A_149] : memref<4x3200xi32, #tpu.memory_space<vmem>> -> memref<1x3200xi32, #tpu.memory_space<vmem>>
        %dma_wait3A_151 = tpu.memref_squeeze %dma_wait3A_150 : memref<1x3200xi32, #tpu.memory_space<vmem>> -> memref<3200xi32, #tpu.memory_space<vmem>>
        %dma_wait3A_152 = arith.constant 0 : i32
        %dma_wait3A_153 = tpu.memref_slice %arg21[%dma_wait3A_152] : memref<100096xf32, #tpu.memory_space<vmem_shared>> -> memref<100096xf32, #tpu.memory_space<vmem_shared>>
        tpu.wait_indirect_dma semaphore(%arg26 : memref<!tpu.dma_semaphore, #tpu.memory_space<semaphore_mem>>) src(%dma_wait3A_148 : memref<3200xf32, #tpu.memory_space<vmem>>) dst(%dma_wait3A_153 : memref<100096xf32, #tpu.memory_space<vmem_shared>>)
      } else {
      }
      %ge3A_27 = arith.constant 1 : i32
      %ge3A_28 = arith.cmpi sge, %mul3A_17, %ge3A_27 : i32
      %sub3A_29 = arith.constant 1 : i32
      %sub3A_30 = arith.subi %mul3A_17, %sub3A_29 : i32
      %mul3A_31 = arith.constant 32 : i32
      %mul3A_32 = arith.muli %sub3A_30, %mul3A_31 : i32
      %add3A_33 = arith.addi %mul3A_32, %add3A : i32
      %lt3A_34 = arith.constant 2000 : i32
      %lt3A_35 = arith.cmpi slt, %add3A_33, %lt3A_34 : i32
      %and3A_36 = arith.andi %ge3A_28, %lt3A_35 : i1
      %convert_element_type3A_37 = arith.extui %and3A_36 : i1 to i32
      %cond3A_38 = arith.constant 0 : i32
      %cond3A_39 = arith.cmpi ne, %convert_element_type3A_37, %cond3A_38 : i32
      scf.if %cond3A_39 {
        %sub3A_117 = arith.constant 1 : i32
        %sub3A_118 = arith.subi %mul3A_17, %sub3A_117 : i32
        %jit3A = arith.constant 2 : i32
        %eq3A_119 = arith.constant 0 : i32
        %eq3A_120 = arith.cmpi eq, %jit3A, %eq3A_119 : i32
        %jit3A_121 = arith.constant 1 : i32
        %select_n3A = arith.select %eq3A_120, %jit3A_121, %jit3A : i32
        %rem3A = arith.remsi %sub3A_118, %select_n3A : i32
        %ne3A = arith.constant 0 : i32
        %ne3A_122 = arith.cmpi ne, %rem3A, %ne3A : i32
        %lt3A_123 = arith.constant 0 : i32
        %lt3A_124 = arith.cmpi slt, %rem3A, %lt3A_123 : i32
        %lt3A_125 = arith.constant 0 : i32
        %lt3A_126 = arith.cmpi slt, %select_n3A, %lt3A_125 : i32
        %ne3A_127 = arith.xori %lt3A_124, %lt3A_126 : i1
        %and3A_128 = arith.andi %ne3A_127, %ne3A_122 : i1
        %add3A_129 = arith.addi %rem3A, %select_n3A : i32
        %select_n3A_130 = arith.select %and3A_128, %add3A_129, %rem3A : i32
        %jit3A_131 = arith.constant 4 : i32
        %eq3A_132 = arith.constant 0 : i32
        %eq3A_133 = arith.cmpi eq, %jit3A_131, %eq3A_132 : i32
        %jit3A_134 = arith.constant 1 : i32
        %select_n3A_135 = arith.select %eq3A_133, %jit3A_134, %jit3A_131 : i32
        %rem3A_136 = arith.remsi %sub3A_118, %select_n3A_135 : i32
        %ne3A_137 = arith.constant 0 : i32
        %ne3A_138 = arith.cmpi ne, %rem3A_136, %ne3A_137 : i32
        %lt3A_139 = arith.constant 0 : i32
        %lt3A_140 = arith.cmpi slt, %rem3A_136, %lt3A_139 : i32
        %lt3A_141 = arith.constant 0 : i32
        %lt3A_142 = arith.cmpi slt, %select_n3A_135, %lt3A_141 : i32
        %ne3A_143 = arith.xori %lt3A_140, %lt3A_142 : i1
        %and3A_144 = arith.andi %ne3A_143, %ne3A_138 : i1
        %add3A_145 = arith.addi %rem3A_136, %select_n3A_135 : i32
        %select_n3A_146 = arith.select %and3A_144, %add3A_145, %rem3A_136 : i32
        %mul3A_147 = arith.constant 32 : i32
        %mul3A_148 = arith.muli %sub3A_118, %mul3A_147 : i32
        %mul3A_149 = arith.constant 3200 : i32
        %mul3A_150 = arith.muli %mul3A_148, %mul3A_149 : i32
        %mul3A_151 = arith.constant 3200 : i32
        %mul3A_152 = arith.muli %add3A, %mul3A_151 : i32
        %add3A_153 = arith.addi %mul3A_150, %mul3A_152 : i32
        %dma_wait3A = arith.constant 0 : i32
        %dma_wait3A_154 = tpu.memref_slice %arg11[%select_n3A_130, %dma_wait3A] : memref<2x3200xf32, #tpu.memory_space<vmem>> -> memref<1x3200xf32, #tpu.memory_space<vmem>>
        %dma_wait3A_155 = tpu.memref_squeeze %dma_wait3A_154 : memref<1x3200xf32, #tpu.memory_space<vmem>> -> memref<3200xf32, #tpu.memory_space<vmem>>
        %dma_wait3A_156 = tpu.memref_slice %arg4[%add3A_153] : memref<6400000xf32, #tpu.memory_space<hbm>> -> memref<3200xf32, #tpu.memory_space<hbm>>
        %dma_wait3A_157 = arith.constant 0 : i32
        %dma_wait3A_158 = tpu.memref_slice %arg11[%select_n3A_130, %dma_wait3A_157] : memref<2x3200xf32, #tpu.memory_space<vmem>> -> memref<1x3200xf32, #tpu.memory_space<vmem>>
        %dma_wait3A_159 = tpu.memref_squeeze %dma_wait3A_158 : memref<1x3200xf32, #tpu.memory_space<vmem>> -> memref<3200xf32, #tpu.memory_space<vmem>>
        %dma_wait3A_160 = tpu.memref_slice %arg4[%add3A_153] : memref<6400000xf32, #tpu.memory_space<hbm>> -> memref<3200xf32, #tpu.memory_space<hbm>>
        tpu.wait_dma2 semaphore(%arg23 : memref<!tpu.dma_semaphore, #tpu.memory_space<semaphore_mem>>) src(%dma_wait3A_160 : memref<3200xf32, #tpu.memory_space<hbm>>) dst(%dma_wait3A_159 : memref<3200xf32, #tpu.memory_space<vmem>>)
        %dma_wait3A_161 = arith.constant 0 : i32
        %dma_wait3A_162 = tpu.memref_slice %arg12[%select_n3A_130, %dma_wait3A_161] : memref<2x3200xf32, #tpu.memory_space<vmem>> -> memref<1x3200xf32, #tpu.memory_space<vmem>>
        %dma_wait3A_163 = tpu.memref_squeeze %dma_wait3A_162 : memref<1x3200xf32, #tpu.memory_space<vmem>> -> memref<3200xf32, #tpu.memory_space<vmem>>
        %dma_wait3A_164 = tpu.memref_slice %arg5[%add3A_153] : memref<6400000xf32, #tpu.memory_space<hbm>> -> memref<3200xf32, #tpu.memory_space<hbm>>
        %dma_wait3A_165 = arith.constant 0 : i32
        %dma_wait3A_166 = tpu.memref_slice %arg12[%select_n3A_130, %dma_wait3A_165] : memref<2x3200xf32, #tpu.memory_space<vmem>> -> memref<1x3200xf32, #tpu.memory_space<vmem>>
        %dma_wait3A_167 = tpu.memref_squeeze %dma_wait3A_166 : memref<1x3200xf32, #tpu.memory_space<vmem>> -> memref<3200xf32, #tpu.memory_space<vmem>>
        %dma_wait3A_168 = tpu.memref_slice %arg5[%add3A_153] : memref<6400000xf32, #tpu.memory_space<hbm>> -> memref<3200xf32, #tpu.memory_space<hbm>>
        tpu.wait_dma2 semaphore(%arg23 : memref<!tpu.dma_semaphore, #tpu.memory_space<semaphore_mem>>) src(%dma_wait3A_168 : memref<3200xf32, #tpu.memory_space<hbm>>) dst(%dma_wait3A_167 : memref<3200xf32, #tpu.memory_space<vmem>>)
        %dma_wait3A_169 = arith.constant 0 : i32
        %dma_wait3A_170 = tpu.memref_slice %arg13[%select_n3A_130, %dma_wait3A_169] : memref<2x3200xf32, #tpu.memory_space<vmem>> -> memref<1x3200xf32, #tpu.memory_space<vmem>>
        %dma_wait3A_171 = tpu.memref_squeeze %dma_wait3A_170 : memref<1x3200xf32, #tpu.memory_space<vmem>> -> memref<3200xf32, #tpu.memory_space<vmem>>
        %dma_wait3A_172 = tpu.memref_slice %arg6[%add3A_153] : memref<6400000xf32, #tpu.memory_space<hbm>> -> memref<3200xf32, #tpu.memory_space<hbm>>
        %dma_wait3A_173 = arith.constant 0 : i32
        %dma_wait3A_174 = tpu.memref_slice %arg13[%select_n3A_130, %dma_wait3A_173] : memref<2x3200xf32, #tpu.memory_space<vmem>> -> memref<1x3200xf32, #tpu.memory_space<vmem>>
        %dma_wait3A_175 = tpu.memref_squeeze %dma_wait3A_174 : memref<1x3200xf32, #tpu.memory_space<vmem>> -> memref<3200xf32, #tpu.memory_space<vmem>>
        %dma_wait3A_176 = tpu.memref_slice %arg6[%add3A_153] : memref<6400000xf32, #tpu.memory_space<hbm>> -> memref<3200xf32, #tpu.memory_space<hbm>>
        tpu.wait_dma2 semaphore(%arg23 : memref<!tpu.dma_semaphore, #tpu.memory_space<semaphore_mem>>) src(%dma_wait3A_176 : memref<3200xf32, #tpu.memory_space<hbm>>) dst(%dma_wait3A_175 : memref<3200xf32, #tpu.memory_space<vmem>>)
        %dma_wait3A_177 = arith.constant 0 : i32
        %dma_wait3A_178 = tpu.memref_slice %arg14[%select_n3A_146, %dma_wait3A_177] : memref<4x3200xi32, #tpu.memory_space<vmem>> -> memref<1x3200xi32, #tpu.memory_space<vmem>>
        %dma_wait3A_179 = tpu.memref_squeeze %dma_wait3A_178 : memref<1x3200xi32, #tpu.memory_space<vmem>> -> memref<3200xi32, #tpu.memory_space<vmem>>
        %dma_wait3A_180 = tpu.memref_slice %arg7[%add3A_153] : memref<6400000xi32, #tpu.memory_space<hbm>> -> memref<3200xi32, #tpu.memory_space<hbm>>
        %dma_wait3A_181 = arith.constant 0 : i32
        %dma_wait3A_182 = tpu.memref_slice %arg14[%select_n3A_146, %dma_wait3A_181] : memref<4x3200xi32, #tpu.memory_space<vmem>> -> memref<1x3200xi32, #tpu.memory_space<vmem>>
        %dma_wait3A_183 = tpu.memref_squeeze %dma_wait3A_182 : memref<1x3200xi32, #tpu.memory_space<vmem>> -> memref<3200xi32, #tpu.memory_space<vmem>>
        %dma_wait3A_184 = tpu.memref_slice %arg7[%add3A_153] : memref<6400000xi32, #tpu.memory_space<hbm>> -> memref<3200xi32, #tpu.memory_space<hbm>>
        tpu.wait_dma2 semaphore(%arg23 : memref<!tpu.dma_semaphore, #tpu.memory_space<semaphore_mem>>) src(%dma_wait3A_184 : memref<3200xi32, #tpu.memory_space<hbm>>) dst(%dma_wait3A_183 : memref<3200xi32, #tpu.memory_space<vmem>>)
        %dma_wait3A_185 = arith.constant 0 : i32
        %dma_wait3A_186 = tpu.memref_slice %arg15[%select_n3A_130, %dma_wait3A_185] : memref<2x3200xi32, #tpu.memory_space<vmem>> -> memref<1x3200xi32, #tpu.memory_space<vmem>>
        %dma_wait3A_187 = tpu.memref_squeeze %dma_wait3A_186 : memref<1x3200xi32, #tpu.memory_space<vmem>> -> memref<3200xi32, #tpu.memory_space<vmem>>
        %dma_wait3A_188 = tpu.memref_slice %arg8[%add3A_153] : memref<6400000xi32, #tpu.memory_space<hbm>> -> memref<3200xi32, #tpu.memory_space<hbm>>
        %dma_wait3A_189 = arith.constant 0 : i32
        %dma_wait3A_190 = tpu.memref_slice %arg15[%select_n3A_130, %dma_wait3A_189] : memref<2x3200xi32, #tpu.memory_space<vmem>> -> memref<1x3200xi32, #tpu.memory_space<vmem>>
        %dma_wait3A_191 = tpu.memref_squeeze %dma_wait3A_190 : memref<1x3200xi32, #tpu.memory_space<vmem>> -> memref<3200xi32, #tpu.memory_space<vmem>>
        %dma_wait3A_192 = tpu.memref_slice %arg8[%add3A_153] : memref<6400000xi32, #tpu.memory_space<hbm>> -> memref<3200xi32, #tpu.memory_space<hbm>>
        tpu.wait_dma2 semaphore(%arg23 : memref<!tpu.dma_semaphore, #tpu.memory_space<semaphore_mem>>) src(%dma_wait3A_192 : memref<3200xi32, #tpu.memory_space<hbm>>) dst(%dma_wait3A_191 : memref<3200xi32, #tpu.memory_space<vmem>>)
        %sub3A_193 = arith.constant 1 : i32
        %sub3A_194 = arith.subi %mul3A_17, %sub3A_193 : i32
        %jit3A_195 = arith.constant 2 : i32
        %eq3A_196 = arith.constant 0 : i32
        %eq3A_197 = arith.cmpi eq, %jit3A_195, %eq3A_196 : i32
        %jit3A_198 = arith.constant 1 : i32
        %select_n3A_199 = arith.select %eq3A_197, %jit3A_198, %jit3A_195 : i32
        %rem3A_200 = arith.remsi %sub3A_194, %select_n3A_199 : i32
        %ne3A_201 = arith.constant 0 : i32
        %ne3A_202 = arith.cmpi ne, %rem3A_200, %ne3A_201 : i32
        %lt3A_203 = arith.constant 0 : i32
        %lt3A_204 = arith.cmpi slt, %rem3A_200, %lt3A_203 : i32
        %lt3A_205 = arith.constant 0 : i32
        %lt3A_206 = arith.cmpi slt, %select_n3A_199, %lt3A_205 : i32
        %ne3A_207 = arith.xori %lt3A_204, %lt3A_206 : i1
        %and3A_208 = arith.andi %ne3A_207, %ne3A_202 : i1
        %add3A_209 = arith.addi %rem3A_200, %select_n3A_199 : i32
        %select_n3A_210 = arith.select %and3A_208, %add3A_209, %rem3A_200 : i32
        %jit3A_211 = arith.constant 4 : i32
        %eq3A_212 = arith.constant 0 : i32
        %eq3A_213 = arith.cmpi eq, %jit3A_211, %eq3A_212 : i32
        %jit3A_214 = arith.constant 1 : i32
        %select_n3A_215 = arith.select %eq3A_213, %jit3A_214, %jit3A_211 : i32
        %rem3A_216 = arith.remsi %sub3A_194, %select_n3A_215 : i32
        %ne3A_217 = arith.constant 0 : i32
        %ne3A_218 = arith.cmpi ne, %rem3A_216, %ne3A_217 : i32
        %lt3A_219 = arith.constant 0 : i32
        %lt3A_220 = arith.cmpi slt, %rem3A_216, %lt3A_219 : i32
        %lt3A_221 = arith.constant 0 : i32
        %lt3A_222 = arith.cmpi slt, %select_n3A_215, %lt3A_221 : i32
        %ne3A_223 = arith.xori %lt3A_220, %lt3A_222 : i1
        %and3A_224 = arith.andi %ne3A_223, %ne3A_218 : i1
        %add3A_225 = arith.addi %rem3A_216, %select_n3A_215 : i32
        %select_n3A_226 = arith.select %and3A_224, %add3A_225, %rem3A_216 : i32
        %dma_start3A = arith.constant 0 : i32
        %dma_start3A_227 = tpu.memref_slice %arg16[%select_n3A_210, %dma_start3A] : memref<2x3200xf32, #tpu.memory_space<vmem>> -> memref<1x3200xf32, #tpu.memory_space<vmem>>
        %dma_start3A_228 = tpu.memref_squeeze %dma_start3A_227 : memref<1x3200xf32, #tpu.memory_space<vmem>> -> memref<3200xf32, #tpu.memory_space<vmem>>
        %dma_start3A_229 = arith.constant 0 : i32
        %dma_start3A_230 = tpu.memref_slice %arg14[%select_n3A_226, %dma_start3A_229] : memref<4x3200xi32, #tpu.memory_space<vmem>> -> memref<1x3200xi32, #tpu.memory_space<vmem>>
        %dma_start3A_231 = tpu.memref_squeeze %dma_start3A_230 : memref<1x3200xi32, #tpu.memory_space<vmem>> -> memref<3200xi32, #tpu.memory_space<vmem>>
        %dma_start3A_232 = arith.constant 0 : i32
        %dma_start3A_233 = tpu.memref_slice %arg2[%dma_start3A_232] : memref<100352xf32, #tpu.memory_space<hbm>> -> memref<100352xf32, #tpu.memory_space<hbm>>
        tpu.enqueue_indirect_dma source(%dma_start3A_233 : memref<100352xf32, #tpu.memory_space<hbm>>) target(%dma_start3A_228 : memref<3200xf32, #tpu.memory_space<vmem>>) offsets(%dma_start3A_231 : memref<3200xi32, #tpu.memory_space<vmem>>) semaphore(%arg25 : memref<!tpu.dma_semaphore, #tpu.memory_space<semaphore_mem>>)
        %dma_start3A_234 = arith.constant 0 : i32
        %dma_start3A_235 = tpu.memref_slice %arg17[%select_n3A_210, %dma_start3A_234] : memref<2x3200xf32, #tpu.memory_space<vmem>> -> memref<1x3200xf32, #tpu.memory_space<vmem>>
        %dma_start3A_236 = tpu.memref_squeeze %dma_start3A_235 : memref<1x3200xf32, #tpu.memory_space<vmem>> -> memref<3200xf32, #tpu.memory_space<vmem>>
        %dma_start3A_237 = arith.constant 0 : i32
        %dma_start3A_238 = tpu.memref_slice %arg14[%select_n3A_226, %dma_start3A_237] : memref<4x3200xi32, #tpu.memory_space<vmem>> -> memref<1x3200xi32, #tpu.memory_space<vmem>>
        %dma_start3A_239 = tpu.memref_squeeze %dma_start3A_238 : memref<1x3200xi32, #tpu.memory_space<vmem>> -> memref<3200xi32, #tpu.memory_space<vmem>>
        %dma_start3A_240 = arith.constant 0 : i32
        %dma_start3A_241 = tpu.memref_slice %arg3[%dma_start3A_240] : memref<100352xf32, #tpu.memory_space<hbm>> -> memref<100352xf32, #tpu.memory_space<hbm>>
        tpu.enqueue_indirect_dma source(%dma_start3A_241 : memref<100352xf32, #tpu.memory_space<hbm>>) target(%dma_start3A_236 : memref<3200xf32, #tpu.memory_space<vmem>>) offsets(%dma_start3A_239 : memref<3200xi32, #tpu.memory_space<vmem>>) semaphore(%arg25 : memref<!tpu.dma_semaphore, #tpu.memory_space<semaphore_mem>>)
        %dma_start3A_242 = arith.constant 0 : i32
        %dma_start3A_243 = tpu.memref_slice %arg18[%select_n3A_210, %dma_start3A_242] : memref<2x3200xf32, #tpu.memory_space<vmem>> -> memref<1x3200xf32, #tpu.memory_space<vmem>>
        %dma_start3A_244 = tpu.memref_squeeze %dma_start3A_243 : memref<1x3200xf32, #tpu.memory_space<vmem>> -> memref<3200xf32, #tpu.memory_space<vmem>>
        %dma_start3A_245 = arith.constant 0 : i32
        %dma_start3A_246 = tpu.memref_slice %arg15[%select_n3A_210, %dma_start3A_245] : memref<2x3200xi32, #tpu.memory_space<vmem>> -> memref<1x3200xi32, #tpu.memory_space<vmem>>
        %dma_start3A_247 = tpu.memref_squeeze %dma_start3A_246 : memref<1x3200xi32, #tpu.memory_space<vmem>> -> memref<3200xi32, #tpu.memory_space<vmem>>
        %dma_start3A_248 = arith.constant 0 : i32
        %dma_start3A_249 = tpu.memref_slice %arg2[%dma_start3A_248] : memref<100352xf32, #tpu.memory_space<hbm>> -> memref<100352xf32, #tpu.memory_space<hbm>>
        tpu.enqueue_indirect_dma source(%dma_start3A_249 : memref<100352xf32, #tpu.memory_space<hbm>>) target(%dma_start3A_244 : memref<3200xf32, #tpu.memory_space<vmem>>) offsets(%dma_start3A_247 : memref<3200xi32, #tpu.memory_space<vmem>>) semaphore(%arg25 : memref<!tpu.dma_semaphore, #tpu.memory_space<semaphore_mem>>)
        %dma_start3A_250 = arith.constant 0 : i32
        %dma_start3A_251 = tpu.memref_slice %arg19[%select_n3A_210, %dma_start3A_250] : memref<2x3200xf32, #tpu.memory_space<vmem>> -> memref<1x3200xf32, #tpu.memory_space<vmem>>
        %dma_start3A_252 = tpu.memref_squeeze %dma_start3A_251 : memref<1x3200xf32, #tpu.memory_space<vmem>> -> memref<3200xf32, #tpu.memory_space<vmem>>
        %dma_start3A_253 = arith.constant 0 : i32
        %dma_start3A_254 = tpu.memref_slice %arg15[%select_n3A_210, %dma_start3A_253] : memref<2x3200xi32, #tpu.memory_space<vmem>> -> memref<1x3200xi32, #tpu.memory_space<vmem>>
        %dma_start3A_255 = tpu.memref_squeeze %dma_start3A_254 : memref<1x3200xi32, #tpu.memory_space<vmem>> -> memref<3200xi32, #tpu.memory_space<vmem>>
        %dma_start3A_256 = arith.constant 0 : i32
        %dma_start3A_257 = tpu.memref_slice %arg3[%dma_start3A_256] : memref<100352xf32, #tpu.memory_space<hbm>> -> memref<100352xf32, #tpu.memory_space<hbm>>
        tpu.enqueue_indirect_dma source(%dma_start3A_257 : memref<100352xf32, #tpu.memory_space<hbm>>) target(%dma_start3A_252 : memref<3200xf32, #tpu.memory_space<vmem>>) offsets(%dma_start3A_255 : memref<3200xi32, #tpu.memory_space<vmem>>) semaphore(%arg25 : memref<!tpu.dma_semaphore, #tpu.memory_space<semaphore_mem>>)
      } else {
      }
      %ge3A_40 = arith.constant 2 : i32
      %ge3A_41 = arith.cmpi sge, %mul3A_17, %ge3A_40 : i32
      %sub3A_42 = arith.constant 2 : i32
      %sub3A_43 = arith.subi %mul3A_17, %sub3A_42 : i32
      %mul3A_44 = arith.constant 32 : i32
      %mul3A_45 = arith.muli %sub3A_43, %mul3A_44 : i32
      %add3A_46 = arith.addi %mul3A_45, %add3A : i32
      %lt3A_47 = arith.constant 2000 : i32
      %lt3A_48 = arith.cmpi slt, %add3A_46, %lt3A_47 : i32
      %and3A_49 = arith.andi %ge3A_41, %lt3A_48 : i1
      %convert_element_type3A_50 = arith.extui %and3A_49 : i1 to i32
      %cond3A_51 = arith.constant 0 : i32
      %cond3A_52 = arith.cmpi ne, %convert_element_type3A_50, %cond3A_51 : i32
      scf.if %cond3A_52 {
        %sub3A_117 = arith.constant 2 : i32
        %sub3A_118 = arith.subi %mul3A_17, %sub3A_117 : i32
        %jit3A = arith.constant 2 : i32
        %eq3A_119 = arith.constant 0 : i32
        %eq3A_120 = arith.cmpi eq, %jit3A, %eq3A_119 : i32
        %jit3A_121 = arith.constant 1 : i32
        %select_n3A = arith.select %eq3A_120, %jit3A_121, %jit3A : i32
        %rem3A = arith.remsi %sub3A_118, %select_n3A : i32
        %ne3A = arith.constant 0 : i32
        %ne3A_122 = arith.cmpi ne, %rem3A, %ne3A : i32
        %lt3A_123 = arith.constant 0 : i32
        %lt3A_124 = arith.cmpi slt, %rem3A, %lt3A_123 : i32
        %lt3A_125 = arith.constant 0 : i32
        %lt3A_126 = arith.cmpi slt, %select_n3A, %lt3A_125 : i32
        %ne3A_127 = arith.xori %lt3A_124, %lt3A_126 : i1
        %and3A_128 = arith.andi %ne3A_127, %ne3A_122 : i1
        %add3A_129 = arith.addi %rem3A, %select_n3A : i32
        %select_n3A_130 = arith.select %and3A_128, %add3A_129, %rem3A : i32
        %jit3A_131 = arith.constant 4 : i32
        %eq3A_132 = arith.constant 0 : i32
        %eq3A_133 = arith.cmpi eq, %jit3A_131, %eq3A_132 : i32
        %jit3A_134 = arith.constant 1 : i32
        %select_n3A_135 = arith.select %eq3A_133, %jit3A_134, %jit3A_131 : i32
        %rem3A_136 = arith.remsi %sub3A_118, %select_n3A_135 : i32
        %ne3A_137 = arith.constant 0 : i32
        %ne3A_138 = arith.cmpi ne, %rem3A_136, %ne3A_137 : i32
        %lt3A_139 = arith.constant 0 : i32
        %lt3A_140 = arith.cmpi slt, %rem3A_136, %lt3A_139 : i32
        %lt3A_141 = arith.constant 0 : i32
        %lt3A_142 = arith.cmpi slt, %select_n3A_135, %lt3A_141 : i32
        %ne3A_143 = arith.xori %lt3A_140, %lt3A_142 : i1
        %and3A_144 = arith.andi %ne3A_143, %ne3A_138 : i1
        %add3A_145 = arith.addi %rem3A_136, %select_n3A_135 : i32
        %select_n3A_146 = arith.select %and3A_144, %add3A_145, %rem3A_136 : i32
        %dma_wait3A = arith.constant 0 : i32
        %dma_wait3A_147 = tpu.memref_slice %arg16[%select_n3A_130, %dma_wait3A] : memref<2x3200xf32, #tpu.memory_space<vmem>> -> memref<1x3200xf32, #tpu.memory_space<vmem>>
        %dma_wait3A_148 = tpu.memref_squeeze %dma_wait3A_147 : memref<1x3200xf32, #tpu.memory_space<vmem>> -> memref<3200xf32, #tpu.memory_space<vmem>>
        %dma_wait3A_149 = arith.constant 0 : i32
        %dma_wait3A_150 = tpu.memref_slice %arg14[%select_n3A_146, %dma_wait3A_149] : memref<4x3200xi32, #tpu.memory_space<vmem>> -> memref<1x3200xi32, #tpu.memory_space<vmem>>
        %dma_wait3A_151 = tpu.memref_squeeze %dma_wait3A_150 : memref<1x3200xi32, #tpu.memory_space<vmem>> -> memref<3200xi32, #tpu.memory_space<vmem>>
        %dma_wait3A_152 = arith.constant 0 : i32
        %dma_wait3A_153 = tpu.memref_slice %arg2[%dma_wait3A_152] : memref<100352xf32, #tpu.memory_space<hbm>> -> memref<100352xf32, #tpu.memory_space<hbm>>
        tpu.wait_indirect_dma semaphore(%arg24 : memref<!tpu.dma_semaphore, #tpu.memory_space<semaphore_mem>>) src(%dma_wait3A_153 : memref<100352xf32, #tpu.memory_space<hbm>>) dst(%dma_wait3A_148 : memref<3200xf32, #tpu.memory_space<vmem>>)
        %dma_wait3A_154 = arith.constant 0 : i32
        %dma_wait3A_155 = tpu.memref_slice %arg17[%select_n3A_130, %dma_wait3A_154] : memref<2x3200xf32, #tpu.memory_space<vmem>> -> memref<1x3200xf32, #tpu.memory_space<vmem>>
        %dma_wait3A_156 = tpu.memref_squeeze %dma_wait3A_155 : memref<1x3200xf32, #tpu.memory_space<vmem>> -> memref<3200xf32, #tpu.memory_space<vmem>>
        %dma_wait3A_157 = arith.constant 0 : i32
        %dma_wait3A_158 = tpu.memref_slice %arg14[%select_n3A_146, %dma_wait3A_157] : memref<4x3200xi32, #tpu.memory_space<vmem>> -> memref<1x3200xi32, #tpu.memory_space<vmem>>
        %dma_wait3A_159 = tpu.memref_squeeze %dma_wait3A_158 : memref<1x3200xi32, #tpu.memory_space<vmem>> -> memref<3200xi32, #tpu.memory_space<vmem>>
        %dma_wait3A_160 = arith.constant 0 : i32
        %dma_wait3A_161 = tpu.memref_slice %arg3[%dma_wait3A_160] : memref<100352xf32, #tpu.memory_space<hbm>> -> memref<100352xf32, #tpu.memory_space<hbm>>
        tpu.wait_indirect_dma semaphore(%arg24 : memref<!tpu.dma_semaphore, #tpu.memory_space<semaphore_mem>>) src(%dma_wait3A_161 : memref<100352xf32, #tpu.memory_space<hbm>>) dst(%dma_wait3A_156 : memref<3200xf32, #tpu.memory_space<vmem>>)
        %dma_wait3A_162 = arith.constant 0 : i32
        %dma_wait3A_163 = tpu.memref_slice %arg18[%select_n3A_130, %dma_wait3A_162] : memref<2x3200xf32, #tpu.memory_space<vmem>> -> memref<1x3200xf32, #tpu.memory_space<vmem>>
        %dma_wait3A_164 = tpu.memref_squeeze %dma_wait3A_163 : memref<1x3200xf32, #tpu.memory_space<vmem>> -> memref<3200xf32, #tpu.memory_space<vmem>>
        %dma_wait3A_165 = arith.constant 0 : i32
        %dma_wait3A_166 = tpu.memref_slice %arg15[%select_n3A_130, %dma_wait3A_165] : memref<2x3200xi32, #tpu.memory_space<vmem>> -> memref<1x3200xi32, #tpu.memory_space<vmem>>
        %dma_wait3A_167 = tpu.memref_squeeze %dma_wait3A_166 : memref<1x3200xi32, #tpu.memory_space<vmem>> -> memref<3200xi32, #tpu.memory_space<vmem>>
        %dma_wait3A_168 = arith.constant 0 : i32
        %dma_wait3A_169 = tpu.memref_slice %arg2[%dma_wait3A_168] : memref<100352xf32, #tpu.memory_space<hbm>> -> memref<100352xf32, #tpu.memory_space<hbm>>
        tpu.wait_indirect_dma semaphore(%arg24 : memref<!tpu.dma_semaphore, #tpu.memory_space<semaphore_mem>>) src(%dma_wait3A_169 : memref<100352xf32, #tpu.memory_space<hbm>>) dst(%dma_wait3A_164 : memref<3200xf32, #tpu.memory_space<vmem>>)
        %dma_wait3A_170 = arith.constant 0 : i32
        %dma_wait3A_171 = tpu.memref_slice %arg19[%select_n3A_130, %dma_wait3A_170] : memref<2x3200xf32, #tpu.memory_space<vmem>> -> memref<1x3200xf32, #tpu.memory_space<vmem>>
        %dma_wait3A_172 = tpu.memref_squeeze %dma_wait3A_171 : memref<1x3200xf32, #tpu.memory_space<vmem>> -> memref<3200xf32, #tpu.memory_space<vmem>>
        %dma_wait3A_173 = arith.constant 0 : i32
        %dma_wait3A_174 = tpu.memref_slice %arg15[%select_n3A_130, %dma_wait3A_173] : memref<2x3200xi32, #tpu.memory_space<vmem>> -> memref<1x3200xi32, #tpu.memory_space<vmem>>
        %dma_wait3A_175 = tpu.memref_squeeze %dma_wait3A_174 : memref<1x3200xi32, #tpu.memory_space<vmem>> -> memref<3200xi32, #tpu.memory_space<vmem>>
        %dma_wait3A_176 = arith.constant 0 : i32
        %dma_wait3A_177 = tpu.memref_slice %arg3[%dma_wait3A_176] : memref<100352xf32, #tpu.memory_space<hbm>> -> memref<100352xf32, #tpu.memory_space<hbm>>
        tpu.wait_indirect_dma semaphore(%arg24 : memref<!tpu.dma_semaphore, #tpu.memory_space<semaphore_mem>>) src(%dma_wait3A_177 : memref<100352xf32, #tpu.memory_space<hbm>>) dst(%dma_wait3A_172 : memref<3200xf32, #tpu.memory_space<vmem>>)
        %sub3A_178 = arith.constant 2 : i32
        %sub3A_179 = arith.subi %mul3A_17, %sub3A_178 : i32
        %jit3A_180 = arith.constant 2 : i32
        %eq3A_181 = arith.constant 0 : i32
        %eq3A_182 = arith.cmpi eq, %jit3A_180, %eq3A_181 : i32
        %jit3A_183 = arith.constant 1 : i32
        %select_n3A_184 = arith.select %eq3A_182, %jit3A_183, %jit3A_180 : i32
        %rem3A_185 = arith.remsi %sub3A_179, %select_n3A_184 : i32
        %ne3A_186 = arith.constant 0 : i32
        %ne3A_187 = arith.cmpi ne, %rem3A_185, %ne3A_186 : i32
        %lt3A_188 = arith.constant 0 : i32
        %lt3A_189 = arith.cmpi slt, %rem3A_185, %lt3A_188 : i32
        %lt3A_190 = arith.constant 0 : i32
        %lt3A_191 = arith.cmpi slt, %select_n3A_184, %lt3A_190 : i32
        %ne3A_192 = arith.xori %lt3A_189, %lt3A_191 : i1
        %and3A_193 = arith.andi %ne3A_192, %ne3A_187 : i1
        %add3A_194 = arith.addi %rem3A_185, %select_n3A_184 : i32
        %select_n3A_195 = arith.select %and3A_193, %add3A_194, %rem3A_185 : i32
        %scan3A_196 = arith.constant 0 : i32
        %scan3A_197 = arith.constant 0 : i32
        %scan3A_198 = arith.constant 200 : i32
        %scan3A_199 = arith.addi %scan3A_197, %scan3A_198 : i32
        %scan3A_200 = arith.constant 1 : i32
        %scan3A_201 = scf.for %scan3A_244 = %scan3A_197 to %scan3A_199 step %scan3A_200 iter_args(%scan3A_245 = %scan3A_196) -> (i32)  : i32 {
          %mul3A_246 = arith.constant 16 : i32
          %mul3A_247 = arith.muli %scan3A_244, %mul3A_246 : i32
          %get3A = arith.index_cast %select_n3A_195 : i32 to index
          %get3A_248 = arith.index_cast %mul3A_247 : i32 to index
          %get3A_249 = tpu.vector_load %arg11[%get3A, %get3A_248] {strides = array<i32>} : memref<2x3200xf32, #tpu.memory_space<vmem>>, vector<16xf32>,
          %get3A_250 = arith.index_cast %select_n3A_195 : i32 to index
          %get3A_251 = arith.index_cast %mul3A_247 : i32 to index
          %get3A_252 = tpu.vector_load %arg12[%get3A_250, %get3A_251] {strides = array<i32>} : memref<2x3200xf32, #tpu.memory_space<vmem>>, vector<16xf32>,
          %get3A_253 = arith.index_cast %select_n3A_195 : i32 to index
          %get3A_254 = arith.index_cast %mul3A_247 : i32 to index
          %get3A_255 = tpu.vector_load %arg13[%get3A_253, %get3A_254] {strides = array<i32>} : memref<2x3200xf32, #tpu.memory_space<vmem>>, vector<16xf32>,
          %get3A_256 = arith.index_cast %select_n3A_195 : i32 to index
          %get3A_257 = arith.index_cast %mul3A_247 : i32 to index
          %get3A_258 = tpu.vector_load %arg16[%get3A_256, %get3A_257] {strides = array<i32>} : memref<2x3200xf32, #tpu.memory_space<vmem>>, vector<16xf32>,
          %get3A_259 = arith.index_cast %select_n3A_195 : i32 to index
          %get3A_260 = arith.index_cast %mul3A_247 : i32 to index
          %get3A_261 = tpu.vector_load %arg18[%get3A_259, %get3A_260] {strides = array<i32>} : memref<2x3200xf32, #tpu.memory_space<vmem>>, vector<16xf32>,
          %get3A_262 = arith.index_cast %select_n3A_195 : i32 to index
          %get3A_263 = arith.index_cast %mul3A_247 : i32 to index
          %get3A_264 = tpu.vector_load %arg17[%get3A_262, %get3A_263] {strides = array<i32>} : memref<2x3200xf32, #tpu.memory_space<vmem>>, vector<16xf32>,
          %bitcast_convert_type3A = tpu.bitcast %get3A_264 : vector<16xf32> -> vector<16xi32>
          %get3A_265 = arith.index_cast %select_n3A_195 : i32 to index
          %get3A_266 = arith.index_cast %mul3A_247 : i32 to index
          %get3A_267 = tpu.vector_load %arg19[%get3A_265, %get3A_266] {strides = array<i32>} : memref<2x3200xf32, #tpu.memory_space<vmem>>, vector<16xf32>,
          %bitcast_convert_type3A_268 = tpu.bitcast %get3A_267 : vector<16xf32> -> vector<16xi32>
          %and3A_269 = arith.constant -65536 : i32
          %and3A_270 = vector.broadcast %and3A_269 : i32 to vector<16xi32>
          %and3A_271 = arith.andi %bitcast_convert_type3A, %and3A_270 : vector<16xi32>
          %bitcast_convert_type3A_272 = tpu.bitcast %and3A_271 : vector<16xi32> -> vector<16xf32>
          %shift_left3A = arith.constant 16 : i32
          %shift_left3A_273 = vector.broadcast %shift_left3A : i32 to vector<16xi32>
          %shift_left3A_274 = arith.shli %bitcast_convert_type3A, %shift_left3A_273 : vector<16xi32>
          %bitcast_convert_type3A_275 = tpu.bitcast %shift_left3A_274 : vector<16xi32> -> vector<16xf32>
          %and3A_276 = arith.constant -65536 : i32
          %and3A_277 = vector.broadcast %and3A_276 : i32 to vector<16xi32>
          %and3A_278 = arith.andi %bitcast_convert_type3A_268, %and3A_277 : vector<16xi32>
          %bitcast_convert_type3A_279 = tpu.bitcast %and3A_278 : vector<16xi32> -> vector<16xf32>
          %shift_left3A_280 = arith.constant 16 : i32
          %shift_left3A_281 = vector.broadcast %shift_left3A_280 : i32 to vector<16xi32>
          %shift_left3A_282 = arith.shli %bitcast_convert_type3A_268, %shift_left3A_281 : vector<16xi32>
          %bitcast_convert_type3A_283 = tpu.bitcast %shift_left3A_282 : vector<16xi32> -> vector<16xf32>
          %mul3A_284 = arith.mulf %get3A_249, %get3A_249 : vector<16xf32>
          %mul3A_285 = arith.mulf %get3A_252, %get3A_252 : vector<16xf32>
          %add3A_286 = arith.addf %mul3A_284, %mul3A_285 : vector<16xf32>
          %mul3A_287 = arith.mulf %get3A_255, %get3A_255 : vector<16xf32>
          %add3A_288 = arith.addf %add3A_286, %mul3A_287 : vector<16xf32>
          %bitcast_convert_type3A_289 = tpu.bitcast %add3A_288 : vector<16xf32> -> vector<16xi32>
          %shift_right_arithmetic3A = arith.constant 1 : i32
          %shift_right_arithmetic3A_290 = vector.broadcast %shift_right_arithmetic3A : i32 to vector<16xi32>
          %shift_right_arithmetic3A_291 = arith.shrsi %bitcast_convert_type3A_289, %shift_right_arithmetic3A_290 : vector<16xi32>
          %sub3A_292 = arith.constant 1597463007 : i32
          %sub3A_293 = vector.broadcast %sub3A_292 : i32 to vector<16xi32>
          %sub3A_294 = arith.subi %sub3A_293, %shift_right_arithmetic3A_291 : vector<16xi32>
          %bitcast_convert_type3A_295 = tpu.bitcast %sub3A_294 : vector<16xi32> -> vector<16xf32>
          %mul3A_296 = arith.constant 5.000000e-01 : f32
          %mul3A_297 = vector.broadcast %mul3A_296 : f32 to vector<16xf32>
          %mul3A_298 = arith.mulf %mul3A_297, %add3A_288 : vector<16xf32>
          %mul3A_299 = arith.mulf %mul3A_298, %bitcast_convert_type3A_295 : vector<16xf32>
          %mul3A_300 = arith.mulf %mul3A_299, %bitcast_convert_type3A_295 : vector<16xf32>
          %sub3A_301 = arith.constant 1.500000e+00 : f32
          %sub3A_302 = vector.broadcast %sub3A_301 : f32 to vector<16xf32>
          %sub3A_303 = arith.subf %sub3A_302, %mul3A_300 : vector<16xf32>
          %mul3A_304 = arith.mulf %bitcast_convert_type3A_295, %sub3A_303 : vector<16xf32>
          %mul3A_305 = arith.constant 5.000000e-01 : f32
          %mul3A_306 = vector.broadcast %mul3A_305 : f32 to vector<16xf32>
          %mul3A_307 = arith.mulf %mul3A_306, %add3A_288 : vector<16xf32>
          %mul3A_308 = arith.mulf %mul3A_307, %mul3A_304 : vector<16xf32>
          %mul3A_309 = arith.mulf %mul3A_308, %mul3A_304 : vector<16xf32>
          %sub3A_310 = arith.constant 1.500000e+00 : f32
          %sub3A_311 = vector.broadcast %sub3A_310 : f32 to vector<16xf32>
          %sub3A_312 = arith.subf %sub3A_311, %mul3A_309 : vector<16xf32>
          %mul3A_313 = arith.mulf %mul3A_304, %sub3A_312 : vector<16xf32>
          %mul3A_314 = arith.constant 5.000000e-01 : f32
          %mul3A_315 = vector.broadcast %mul3A_314 : f32 to vector<16xf32>
          %mul3A_316 = arith.mulf %mul3A_315, %add3A_288 : vector<16xf32>
          %mul3A_317 = arith.mulf %mul3A_316, %mul3A_313 : vector<16xf32>
          %mul3A_318 = arith.mulf %mul3A_317, %mul3A_313 : vector<16xf32>
          %sub3A_319 = arith.constant 1.500000e+00 : f32
          %sub3A_320 = vector.broadcast %sub3A_319 : f32 to vector<16xf32>
          %sub3A_321 = arith.subf %sub3A_320, %mul3A_318 : vector<16xf32>
          %mul3A_322 = arith.mulf %mul3A_313, %sub3A_321 : vector<16xf32>
          %mul3A_323 = arith.mulf %add3A_288, %mul3A_322 : vector<16xf32>
          %add3A_324 = arith.constant 1.000000e+00 : f32
          %add3A_325 = vector.broadcast %add3A_324 : f32 to vector<16xf32>
          %add3A_326 = arith.addf %add3A_288, %add3A_325 : vector<16xf32>
          %bitcast_convert_type3A_327 = tpu.bitcast %add3A_326 : vector<16xf32> -> vector<16xi32>
          %shift_right_arithmetic3A_328 = arith.constant 1 : i32
          %shift_right_arithmetic3A_329 = vector.broadcast %shift_right_arithmetic3A_328 : i32 to vector<16xi32>
          %shift_right_arithmetic3A_330 = arith.shrsi %bitcast_convert_type3A_327, %shift_right_arithmetic3A_329 : vector<16xi32>
          %sub3A_331 = arith.constant 1597463007 : i32
          %sub3A_332 = vector.broadcast %sub3A_331 : i32 to vector<16xi32>
          %sub3A_333 = arith.subi %sub3A_332, %shift_right_arithmetic3A_330 : vector<16xi32>
          %bitcast_convert_type3A_334 = tpu.bitcast %sub3A_333 : vector<16xi32> -> vector<16xf32>
          %mul3A_335 = arith.constant 5.000000e-01 : f32
          %mul3A_336 = vector.broadcast %mul3A_335 : f32 to vector<16xf32>
          %mul3A_337 = arith.mulf %mul3A_336, %add3A_326 : vector<16xf32>
          %mul3A_338 = arith.mulf %mul3A_337, %bitcast_convert_type3A_334 : vector<16xf32>
          %mul3A_339 = arith.mulf %mul3A_338, %bitcast_convert_type3A_334 : vector<16xf32>
          %sub3A_340 = arith.constant 1.500000e+00 : f32
          %sub3A_341 = vector.broadcast %sub3A_340 : f32 to vector<16xf32>
          %sub3A_342 = arith.subf %sub3A_341, %mul3A_339 : vector<16xf32>
          %mul3A_343 = arith.mulf %bitcast_convert_type3A_334, %sub3A_342 : vector<16xf32>
          %mul3A_344 = arith.constant 5.000000e-01 : f32
          %mul3A_345 = vector.broadcast %mul3A_344 : f32 to vector<16xf32>
          %mul3A_346 = arith.mulf %mul3A_345, %add3A_326 : vector<16xf32>
          %mul3A_347 = arith.mulf %mul3A_346, %mul3A_343 : vector<16xf32>
          %mul3A_348 = arith.mulf %mul3A_347, %mul3A_343 : vector<16xf32>
          %sub3A_349 = arith.constant 1.500000e+00 : f32
          %sub3A_350 = vector.broadcast %sub3A_349 : f32 to vector<16xf32>
          %sub3A_351 = arith.subf %sub3A_350, %mul3A_348 : vector<16xf32>
          %mul3A_352 = arith.mulf %mul3A_343, %sub3A_351 : vector<16xf32>
          %mul3A_353 = arith.constant 5.000000e-01 : f32
          %mul3A_354 = vector.broadcast %mul3A_353 : f32 to vector<16xf32>
          %mul3A_355 = arith.mulf %mul3A_354, %add3A_326 : vector<16xf32>
          %mul3A_356 = arith.mulf %mul3A_355, %mul3A_352 : vector<16xf32>
          %mul3A_357 = arith.mulf %mul3A_356, %mul3A_352 : vector<16xf32>
          %sub3A_358 = arith.constant 1.500000e+00 : f32
          %sub3A_359 = vector.broadcast %sub3A_358 : f32 to vector<16xf32>
          %sub3A_360 = arith.subf %sub3A_359, %mul3A_357 : vector<16xf32>
          %mul3A_361 = arith.mulf %mul3A_352, %sub3A_360 : vector<16xf32>
          %mul3A_362 = arith.mulf %add3A_326, %mul3A_361 : vector<16xf32>
          %sub3A_363 = arith.constant 2.500000e+00 : f32
          %sub3A_364 = vector.broadcast %sub3A_363 : f32 to vector<16xf32>
          %sub3A_365 = arith.subf %mul3A_323, %sub3A_364 : vector<16xf32>
          %mul3A_366 = arith.constant 2.000000e-01 : f32
          %mul3A_367 = vector.broadcast %mul3A_366 : f32 to vector<16xf32>
          %mul3A_368 = arith.mulf %sub3A_365, %mul3A_367 : vector<16xf32>
          %mul3A_369 = arith.mulf %mul3A_368, %mul3A_368 : vector<16xf32>
          %mul3A_370 = arith.mulf %mul3A_369, %mul3A_368 : vector<16xf32>
          %mul3A_371 = arith.constant 6.000000e+00 : f32
          %mul3A_372 = vector.broadcast %mul3A_371 : f32 to vector<16xf32>
          %mul3A_373 = arith.mulf %mul3A_372, %mul3A_368 : vector<16xf32>
          %sub3A_374 = arith.constant 1.500000e+01 : f32
          %sub3A_375 = vector.broadcast %sub3A_374 : f32 to vector<16xf32>
          %sub3A_376 = arith.subf %sub3A_375, %mul3A_373 : vector<16xf32>
          %mul3A_377 = arith.mulf %mul3A_368, %sub3A_376 : vector<16xf32>
          %add3A_378 = arith.constant -1.000000e+01 : f32
          %add3A_379 = vector.broadcast %add3A_378 : f32 to vector<16xf32>
          %add3A_380 = arith.addf %add3A_379, %mul3A_377 : vector<16xf32>
          %mul3A_381 = arith.mulf %mul3A_370, %add3A_380 : vector<16xf32>
          %add3A_382 = arith.constant 1.000000e+00 : f32
          %add3A_383 = vector.broadcast %add3A_382 : f32 to vector<16xf32>
          %add3A_384 = arith.addf %add3A_383, %mul3A_381 : vector<16xf32>
          %le3A = arith.constant 0.000000e+00 : f32
          %le3A_385 = vector.broadcast %le3A : f32 to vector<16xf32>
          %le3A_386 = arith.cmpf ole, %mul3A_368, %le3A_385 : vector<16xf32>
          %ge3A_387 = arith.constant 1.000000e+00 : f32
          %ge3A_388 = vector.broadcast %ge3A_387 : f32 to vector<16xf32>
          %ge3A_389 = arith.cmpf oge, %mul3A_368, %ge3A_388 : vector<16xf32>
          %jit3A_390 = arith.constant 0.000000e+00 : f32
          %broadcast_in_dim3A = vector.broadcast %jit3A_390 : f32 to vector<16xf32>
          %select_n3A_391 = arith.select %ge3A_389, %broadcast_in_dim3A, %add3A_384 : vector<16xi1>, vector<16xf32>
          %jit3A_392 = arith.constant 1.000000e+00 : f32
          %broadcast_in_dim3A_393 = vector.broadcast %jit3A_392 : f32 to vector<16xf32>
          %select_n3A_394 = arith.select %le3A_386, %broadcast_in_dim3A_393, %select_n3A_391 : vector<16xi1>, vector<16xf32>
          %lt3A_395 = arith.constant 1.000000e+01 : f32
          %lt3A_396 = vector.broadcast %lt3A_395 : f32 to vector<16xf32>
          %lt3A_397 = arith.cmpf olt, %mul3A_323, %lt3A_396 : vector<16xf32>
          %mul3A_398 = arith.constant 0.00999999977 : f32
          %mul3A_399 = vector.broadcast %mul3A_398 : f32 to vector<16xf32>
          %mul3A_400 = arith.mulf %mul3A_323, %mul3A_399 : vector<16xf32>
          %add3A_401 = arith.addf %mul3A_322, %mul3A_400 : vector<16xf32>
          %sub3A_402 = arith.constant 2.000000e-01 : f32
          %sub3A_403 = vector.broadcast %sub3A_402 : f32 to vector<16xf32>
          %sub3A_404 = arith.subf %add3A_401, %sub3A_403 : vector<16xf32>
          %jit3A_405 = arith.constant 0.000000e+00 : f32
          %broadcast_in_dim3A_406 = vector.broadcast %jit3A_405 : f32 to vector<16xf32>
          %select_n3A_407 = arith.select %lt3A_397, %sub3A_404, %broadcast_in_dim3A_406 : vector<16xi1>, vector<16xf32>
          %lt3A_408 = arith.constant 1.000000e+01 : f32
          %lt3A_409 = vector.broadcast %lt3A_408 : f32 to vector<16xf32>
          %lt3A_410 = arith.cmpf olt, %mul3A_362, %lt3A_409 : vector<16xf32>
          %mul3A_411 = arith.constant 0.00999999977 : f32
          %mul3A_412 = vector.broadcast %mul3A_411 : f32 to vector<16xf32>
          %mul3A_413 = arith.mulf %mul3A_362, %mul3A_412 : vector<16xf32>
          %add3A_414 = arith.addf %mul3A_361, %mul3A_413 : vector<16xf32>
          %sub3A_415 = arith.constant 2.000000e-01 : f32
          %sub3A_416 = vector.broadcast %sub3A_415 : f32 to vector<16xf32>
          %sub3A_417 = arith.subf %add3A_414, %sub3A_416 : vector<16xf32>
          %jit3A_418 = arith.constant 0.000000e+00 : f32
          %broadcast_in_dim3A_419 = vector.broadcast %jit3A_418 : f32 to vector<16xf32>
          %select_n3A_420 = arith.select %lt3A_410, %sub3A_417, %broadcast_in_dim3A_419 : vector<16xi1>, vector<16xf32>
          %mul3A_421 = arith.constant 7.19982242 : f32
          %mul3A_422 = vector.broadcast %mul3A_421 : f32 to vector<16xf32>
          %mul3A_423 = arith.mulf %mul3A_422, %get3A_258 : vector<16xf32>
          %mul3A_424 = arith.mulf %mul3A_423, %get3A_261 : vector<16xf32>
          %mul3A_425 = arith.mulf %select_n3A_394, %select_n3A_420 : vector<16xf32>
          %sub3A_426 = arith.constant 1.000000e+00 : f32
          %sub3A_427 = vector.broadcast %sub3A_426 : f32 to vector<16xf32>
          %sub3A_428 = arith.subf %sub3A_427, %select_n3A_394 : vector<16xf32>
          %mul3A_429 = arith.mulf %sub3A_428, %select_n3A_407 : vector<16xf32>
          %add3A_430 = arith.addf %mul3A_425, %mul3A_429 : vector<16xf32>
          %mul3A_431 = arith.mulf %mul3A_424, %add3A_430 : vector<16xf32>
          %mul3A_432 = arith.mulf %bitcast_convert_type3A_272, %bitcast_convert_type3A_279 : vector<16xf32>
          %mul3A_433 = arith.constant 1.73205078 : f32
          %mul3A_434 = vector.broadcast %mul3A_433 : f32 to vector<16xf32>
          %mul3A_435 = arith.mulf %mul3A_434, %bitcast_convert_type3A_275 : vector<16xf32>
          %mul3A_436 = arith.mulf %mul3A_435, %bitcast_convert_type3A_283 : vector<16xf32>
          %mul3A_437 = arith.mulf %mul3A_436, %mul3A_436 : vector<16xf32>
          %mul3A_438 = arith.constant 4.000000e-01 : f32
          %mul3A_439 = vector.broadcast %mul3A_438 : f32 to vector<16xf32>
          %mul3A_440 = arith.mulf %mul3A_439, %mul3A_436 : vector<16xf32>
          %add3A_441 = arith.constant 5.000000e+00 : f32
          %add3A_442 = vector.broadcast %add3A_441 : f32 to vector<16xf32>
          %add3A_443 = arith.addf %mul3A_440, %add3A_442 : vector<16xf32>
          %mul3A_444 = arith.mulf %add3A_443, %add3A_443 : vector<16xf32>
          %mul3A_445 = arith.mulf %mul3A_444, %mul3A_444 : vector<16xf32>
          %mul3A_446 = arith.mulf %mul3A_445, %mul3A_444 : vector<16xf32>
          %mul3A_447 = arith.mulf %mul3A_446, %mul3A_444 : vector<16xf32>
          %mul3A_448 = arith.mulf %add3A_288, %add3A_288 : vector<16xf32>
          %mul3A_449 = arith.mulf %mul3A_448, %add3A_288 : vector<16xf32>
          %mul3A_450 = arith.mulf %mul3A_449, %add3A_288 : vector<16xf32>
          %mul3A_451 = arith.constant 1.000000e+00 : f32
          %mul3A_452 = vector.broadcast %mul3A_451 : f32 to vector<16xf32>
          %mul3A_453 = arith.mulf %mul3A_452, %mul3A_432 : vector<16xf32>
          %add3A_454 = arith.addf %mul3A_449, %mul3A_446 : vector<16xf32>
          %div3A = arith.divf %mul3A_453, %add3A_454 : vector<16xf32>
          %mul3A_455 = arith.constant 1.200000e+00 : f32
          %mul3A_456 = vector.broadcast %mul3A_455 : f32 to vector<16xf32>
          %mul3A_457 = arith.mulf %mul3A_456, %mul3A_432 : vector<16xf32>
          %mul3A_458 = arith.mulf %mul3A_457, %mul3A_437 : vector<16xf32>
          %add3A_459 = arith.addf %mul3A_450, %mul3A_447 : vector<16xf32>
          %div3A_460 = arith.divf %mul3A_458, %add3A_459 : vector<16xf32>
          %add3A_461 = arith.addf %div3A, %div3A_460 : vector<16xf32>
          %mul3A_462 = arith.constant -5.000000e-01 : f32
          %mul3A_463 = vector.broadcast %mul3A_462 : f32 to vector<16xf32>
          %mul3A_464 = arith.mulf %mul3A_463, %add3A_461 : vector<16xf32>
          %add3A_465 = arith.addf %mul3A_431, %mul3A_464 : vector<16xf32>
          %swap3A = arith.index_cast %select_n3A_195 : i32 to index
          %swap3A_466 = arith.index_cast %mul3A_247 : i32 to index
          %swap3A_467 = tpu.vector_load %arg20[%swap3A, %swap3A_466] {strides = array<i32>} : memref<2x3200xf32, #tpu.memory_space<vmem>>, vector<16xf32>,
          tpu.vector_store %arg20[%swap3A, %swap3A_466], %add3A_465 {strides = array<i32>} : memref<2x3200xf32, #tpu.memory_space<vmem>>, vector<16xf32>,
          %scan3A_468 = arith.constant 0 : i32
          scf.yield %scan3A_468 : i32
        }
        %scan3A_202 = arith.constant 200 : i32
        %sub3A_203 = arith.constant 2 : i32
        %sub3A_204 = arith.subi %mul3A_17, %sub3A_203 : i32
        %jit3A_205 = arith.constant 2 : i32
        %eq3A_206 = arith.constant 0 : i32
        %eq3A_207 = arith.cmpi eq, %jit3A_205, %eq3A_206 : i32
        %jit3A_208 = arith.constant 1 : i32
        %select_n3A_209 = arith.select %eq3A_207, %jit3A_208, %jit3A_205 : i32
        %rem3A_210 = arith.remsi %sub3A_204, %select_n3A_209 : i32
        %ne3A_211 = arith.constant 0 : i32
        %ne3A_212 = arith.cmpi ne, %rem3A_210, %ne3A_211 : i32
        %lt3A_213 = arith.constant 0 : i32
        %lt3A_214 = arith.cmpi slt, %rem3A_210, %lt3A_213 : i32
        %lt3A_215 = arith.constant 0 : i32
        %lt3A_216 = arith.cmpi slt, %select_n3A_209, %lt3A_215 : i32
        %ne3A_217 = arith.xori %lt3A_214, %lt3A_216 : i1
        %and3A_218 = arith.andi %ne3A_217, %ne3A_212 : i1
        %add3A_219 = arith.addi %rem3A_210, %select_n3A_209 : i32
        %select_n3A_220 = arith.select %and3A_218, %add3A_219, %rem3A_210 : i32
        %jit3A_221 = arith.constant 4 : i32
        %eq3A_222 = arith.constant 0 : i32
        %eq3A_223 = arith.cmpi eq, %jit3A_221, %eq3A_222 : i32
        %jit3A_224 = arith.constant 1 : i32
        %select_n3A_225 = arith.select %eq3A_223, %jit3A_224, %jit3A_221 : i32
        %rem3A_226 = arith.remsi %sub3A_204, %select_n3A_225 : i32
        %ne3A_227 = arith.constant 0 : i32
        %ne3A_228 = arith.cmpi ne, %rem3A_226, %ne3A_227 : i32
        %lt3A_229 = arith.constant 0 : i32
        %lt3A_230 = arith.cmpi slt, %rem3A_226, %lt3A_229 : i32
        %lt3A_231 = arith.constant 0 : i32
        %lt3A_232 = arith.cmpi slt, %select_n3A_225, %lt3A_231 : i32
        %ne3A_233 = arith.xori %lt3A_230, %lt3A_232 : i1
        %and3A_234 = arith.andi %ne3A_233, %ne3A_228 : i1
        %add3A_235 = arith.addi %rem3A_226, %select_n3A_225 : i32
        %select_n3A_236 = arith.select %and3A_234, %add3A_235, %rem3A_226 : i32
        %dma_start3A = arith.constant 0 : i32
        %dma_start3A_237 = tpu.memref_slice %arg20[%select_n3A_220, %dma_start3A] : memref<2x3200xf32, #tpu.memory_space<vmem>> -> memref<1x3200xf32, #tpu.memory_space<vmem>>
        %dma_start3A_238 = tpu.memref_squeeze %dma_start3A_237 : memref<1x3200xf32, #tpu.memory_space<vmem>> -> memref<3200xf32, #tpu.memory_space<vmem>>
        %dma_start3A_239 = arith.constant 0 : i32
        %dma_start3A_240 = tpu.memref_slice %arg14[%select_n3A_236, %dma_start3A_239] : memref<4x3200xi32, #tpu.memory_space<vmem>> -> memref<1x3200xi32, #tpu.memory_space<vmem>>
        %dma_start3A_241 = tpu.memref_squeeze %dma_start3A_240 : memref<1x3200xi32, #tpu.memory_space<vmem>> -> memref<3200xi32, #tpu.memory_space<vmem>>
        %dma_start3A_242 = arith.constant 0 : i32
        %dma_start3A_243 = tpu.memref_slice %arg21[%dma_start3A_242] : memref<100096xf32, #tpu.memory_space<vmem_shared>> -> memref<100096xf32, #tpu.memory_space<vmem_shared>>
        tpu.enqueue_indirect_dma source(%dma_start3A_238 : memref<3200xf32, #tpu.memory_space<vmem>>) target(%dma_start3A_243 : memref<100096xf32, #tpu.memory_space<vmem_shared>>) offsets(%dma_start3A_241 : memref<3200xi32, #tpu.memory_space<vmem>>) semaphore(%arg26 : memref<!tpu.dma_semaphore, #tpu.memory_space<semaphore_mem>>) {add = true}
      } else {
      }
      %lt3A_53 = arith.constant 63 : i32
      %lt3A_54 = arith.cmpi slt, %mul3A_17, %lt3A_53 : i32
      %mul3A_55 = arith.constant 32 : i32
      %mul3A_56 = arith.muli %mul3A_17, %mul3A_55 : i32
      %add3A_57 = arith.addi %mul3A_56, %add3A : i32
      %lt3A_58 = arith.constant 2000 : i32
      %lt3A_59 = arith.cmpi slt, %add3A_57, %lt3A_58 : i32
      %and3A_60 = arith.andi %lt3A_54, %lt3A_59 : i1
      %convert_element_type3A_61 = arith.extui %and3A_60 : i1 to i32
      %cond3A_62 = arith.constant 0 : i32
      %cond3A_63 = arith.cmpi ne, %convert_element_type3A_61, %cond3A_62 : i32
      scf.if %cond3A_63 {
        %jit3A = arith.constant 2 : i32
        %eq3A_117 = arith.constant 0 : i32
        %eq3A_118 = arith.cmpi eq, %jit3A, %eq3A_117 : i32
        %jit3A_119 = arith.constant 1 : i32
        %select_n3A = arith.select %eq3A_118, %jit3A_119, %jit3A : i32
        %rem3A = arith.remsi %mul3A_17, %select_n3A : i32
        %ne3A = arith.constant 0 : i32
        %ne3A_120 = arith.cmpi ne, %rem3A, %ne3A : i32
        %lt3A_121 = arith.constant 0 : i32
        %lt3A_122 = arith.cmpi slt, %rem3A, %lt3A_121 : i32
        %lt3A_123 = arith.constant 0 : i32
        %lt3A_124 = arith.cmpi slt, %select_n3A, %lt3A_123 : i32
        %ne3A_125 = arith.xori %lt3A_122, %lt3A_124 : i1
        %and3A_126 = arith.andi %ne3A_125, %ne3A_120 : i1
        %add3A_127 = arith.addi %rem3A, %select_n3A : i32
        %select_n3A_128 = arith.select %and3A_126, %add3A_127, %rem3A : i32
        %jit3A_129 = arith.constant 4 : i32
        %eq3A_130 = arith.constant 0 : i32
        %eq3A_131 = arith.cmpi eq, %jit3A_129, %eq3A_130 : i32
        %jit3A_132 = arith.constant 1 : i32
        %select_n3A_133 = arith.select %eq3A_131, %jit3A_132, %jit3A_129 : i32
        %rem3A_134 = arith.remsi %mul3A_17, %select_n3A_133 : i32
        %ne3A_135 = arith.constant 0 : i32
        %ne3A_136 = arith.cmpi ne, %rem3A_134, %ne3A_135 : i32
        %lt3A_137 = arith.constant 0 : i32
        %lt3A_138 = arith.cmpi slt, %rem3A_134, %lt3A_137 : i32
        %lt3A_139 = arith.constant 0 : i32
        %lt3A_140 = arith.cmpi slt, %select_n3A_133, %lt3A_139 : i32
        %ne3A_141 = arith.xori %lt3A_138, %lt3A_140 : i1
        %and3A_142 = arith.andi %ne3A_141, %ne3A_136 : i1
        %add3A_143 = arith.addi %rem3A_134, %select_n3A_133 : i32
        %select_n3A_144 = arith.select %and3A_142, %add3A_143, %rem3A_134 : i32
        %mul3A_145 = arith.constant 32 : i32
        %mul3A_146 = arith.muli %mul3A_17, %mul3A_145 : i32
        %mul3A_147 = arith.constant 3200 : i32
        %mul3A_148 = arith.muli %mul3A_146, %mul3A_147 : i32
        %mul3A_149 = arith.constant 3200 : i32
        %mul3A_150 = arith.muli %add3A, %mul3A_149 : i32
        %add3A_151 = arith.addi %mul3A_148, %mul3A_150 : i32
        %dma_start3A = arith.constant 0 : i32
        %dma_start3A_152 = tpu.memref_slice %arg11[%select_n3A_128, %dma_start3A] : memref<2x3200xf32, #tpu.memory_space<vmem>> -> memref<1x3200xf32, #tpu.memory_space<vmem>>
        %dma_start3A_153 = tpu.memref_squeeze %dma_start3A_152 : memref<1x3200xf32, #tpu.memory_space<vmem>> -> memref<3200xf32, #tpu.memory_space<vmem>>
        %dma_start3A_154 = tpu.memref_slice %arg4[%add3A_151] : memref<6400000xf32, #tpu.memory_space<hbm>> -> memref<3200xf32, #tpu.memory_space<hbm>>
        %dma_start3A_155 = arith.constant 0 : i32
        %dma_start3A_156 = tpu.memref_slice %arg11[%select_n3A_128, %dma_start3A_155] : memref<2x3200xf32, #tpu.memory_space<vmem>> -> memref<1x3200xf32, #tpu.memory_space<vmem>>
        %dma_start3A_157 = tpu.memref_squeeze %dma_start3A_156 : memref<1x3200xf32, #tpu.memory_space<vmem>> -> memref<3200xf32, #tpu.memory_space<vmem>>
        %dma_start3A_158 = tpu.memref_slice %arg4[%add3A_151] : memref<6400000xf32, #tpu.memory_space<hbm>> -> memref<3200xf32, #tpu.memory_space<hbm>>
        tpu.enqueue_dma source(%dma_start3A_158 : memref<3200xf32, #tpu.memory_space<hbm>>) target(%dma_start3A_157 : memref<3200xf32, #tpu.memory_space<vmem>>) target_semaphore(%arg22 : memref<!tpu.dma_semaphore, #tpu.memory_space<semaphore_mem>>)
        %dma_start3A_159 = arith.constant 0 : i32
        %dma_start3A_160 = tpu.memref_slice %arg12[%select_n3A_128, %dma_start3A_159] : memref<2x3200xf32, #tpu.memory_space<vmem>> -> memref<1x3200xf32, #tpu.memory_space<vmem>>
        %dma_start3A_161 = tpu.memref_squeeze %dma_start3A_160 : memref<1x3200xf32, #tpu.memory_space<vmem>> -> memref<3200xf32, #tpu.memory_space<vmem>>
        %dma_start3A_162 = tpu.memref_slice %arg5[%add3A_151] : memref<6400000xf32, #tpu.memory_space<hbm>> -> memref<3200xf32, #tpu.memory_space<hbm>>
        %dma_start3A_163 = arith.constant 0 : i32
        %dma_start3A_164 = tpu.memref_slice %arg12[%select_n3A_128, %dma_start3A_163] : memref<2x3200xf32, #tpu.memory_space<vmem>> -> memref<1x3200xf32, #tpu.memory_space<vmem>>
        %dma_start3A_165 = tpu.memref_squeeze %dma_start3A_164 : memref<1x3200xf32, #tpu.memory_space<vmem>> -> memref<3200xf32, #tpu.memory_space<vmem>>
        %dma_start3A_166 = tpu.memref_slice %arg5[%add3A_151] : memref<6400000xf32, #tpu.memory_space<hbm>> -> memref<3200xf32, #tpu.memory_space<hbm>>
        tpu.enqueue_dma source(%dma_start3A_166 : memref<3200xf32, #tpu.memory_space<hbm>>) target(%dma_start3A_165 : memref<3200xf32, #tpu.memory_space<vmem>>) target_semaphore(%arg22 : memref<!tpu.dma_semaphore, #tpu.memory_space<semaphore_mem>>)
        %dma_start3A_167 = arith.constant 0 : i32
        %dma_start3A_168 = tpu.memref_slice %arg13[%select_n3A_128, %dma_start3A_167] : memref<2x3200xf32, #tpu.memory_space<vmem>> -> memref<1x3200xf32, #tpu.memory_space<vmem>>
        %dma_start3A_169 = tpu.memref_squeeze %dma_start3A_168 : memref<1x3200xf32, #tpu.memory_space<vmem>> -> memref<3200xf32, #tpu.memory_space<vmem>>
        %dma_start3A_170 = tpu.memref_slice %arg6[%add3A_151] : memref<6400000xf32, #tpu.memory_space<hbm>> -> memref<3200xf32, #tpu.memory_space<hbm>>
        %dma_start3A_171 = arith.constant 0 : i32
        %dma_start3A_172 = tpu.memref_slice %arg13[%select_n3A_128, %dma_start3A_171] : memref<2x3200xf32, #tpu.memory_space<vmem>> -> memref<1x3200xf32, #tpu.memory_space<vmem>>
        %dma_start3A_173 = tpu.memref_squeeze %dma_start3A_172 : memref<1x3200xf32, #tpu.memory_space<vmem>> -> memref<3200xf32, #tpu.memory_space<vmem>>
        %dma_start3A_174 = tpu.memref_slice %arg6[%add3A_151] : memref<6400000xf32, #tpu.memory_space<hbm>> -> memref<3200xf32, #tpu.memory_space<hbm>>
        tpu.enqueue_dma source(%dma_start3A_174 : memref<3200xf32, #tpu.memory_space<hbm>>) target(%dma_start3A_173 : memref<3200xf32, #tpu.memory_space<vmem>>) target_semaphore(%arg22 : memref<!tpu.dma_semaphore, #tpu.memory_space<semaphore_mem>>)
        %dma_start3A_175 = arith.constant 0 : i32
        %dma_start3A_176 = tpu.memref_slice %arg14[%select_n3A_144, %dma_start3A_175] : memref<4x3200xi32, #tpu.memory_space<vmem>> -> memref<1x3200xi32, #tpu.memory_space<vmem>>
        %dma_start3A_177 = tpu.memref_squeeze %dma_start3A_176 : memref<1x3200xi32, #tpu.memory_space<vmem>> -> memref<3200xi32, #tpu.memory_space<vmem>>
        %dma_start3A_178 = tpu.memref_slice %arg7[%add3A_151] : memref<6400000xi32, #tpu.memory_space<hbm>> -> memref<3200xi32, #tpu.memory_space<hbm>>
        %dma_start3A_179 = arith.constant 0 : i32
        %dma_start3A_180 = tpu.memref_slice %arg14[%select_n3A_144, %dma_start3A_179] : memref<4x3200xi32, #tpu.memory_space<vmem>> -> memref<1x3200xi32, #tpu.memory_space<vmem>>
        %dma_start3A_181 = tpu.memref_squeeze %dma_start3A_180 : memref<1x3200xi32, #tpu.memory_space<vmem>> -> memref<3200xi32, #tpu.memory_space<vmem>>
        %dma_start3A_182 = tpu.memref_slice %arg7[%add3A_151] : memref<6400000xi32, #tpu.memory_space<hbm>> -> memref<3200xi32, #tpu.memory_space<hbm>>
        tpu.enqueue_dma source(%dma_start3A_182 : memref<3200xi32, #tpu.memory_space<hbm>>) target(%dma_start3A_181 : memref<3200xi32, #tpu.memory_space<vmem>>) target_semaphore(%arg22 : memref<!tpu.dma_semaphore, #tpu.memory_space<semaphore_mem>>)
        %dma_start3A_183 = arith.constant 0 : i32
        %dma_start3A_184 = tpu.memref_slice %arg15[%select_n3A_128, %dma_start3A_183] : memref<2x3200xi32, #tpu.memory_space<vmem>> -> memref<1x3200xi32, #tpu.memory_space<vmem>>
        %dma_start3A_185 = tpu.memref_squeeze %dma_start3A_184 : memref<1x3200xi32, #tpu.memory_space<vmem>> -> memref<3200xi32, #tpu.memory_space<vmem>>
        %dma_start3A_186 = tpu.memref_slice %arg8[%add3A_151] : memref<6400000xi32, #tpu.memory_space<hbm>> -> memref<3200xi32, #tpu.memory_space<hbm>>
        %dma_start3A_187 = arith.constant 0 : i32
        %dma_start3A_188 = tpu.memref_slice %arg15[%select_n3A_128, %dma_start3A_187] : memref<2x3200xi32, #tpu.memory_space<vmem>> -> memref<1x3200xi32, #tpu.memory_space<vmem>>
        %dma_start3A_189 = tpu.memref_squeeze %dma_start3A_188 : memref<1x3200xi32, #tpu.memory_space<vmem>> -> memref<3200xi32, #tpu.memory_space<vmem>>
        %dma_start3A_190 = tpu.memref_slice %arg8[%add3A_151] : memref<6400000xi32, #tpu.memory_space<hbm>> -> memref<3200xi32, #tpu.memory_space<hbm>>
        tpu.enqueue_dma source(%dma_start3A_190 : memref<3200xi32, #tpu.memory_space<hbm>>) target(%dma_start3A_189 : memref<3200xi32, #tpu.memory_space<vmem>>) target_semaphore(%arg22 : memref<!tpu.dma_semaphore, #tpu.memory_space<semaphore_mem>>)
      } else {
      }
      %add3A_64 = arith.constant 1 : i32
      %add3A_65 = arith.addi %mul3A_17, %add3A_64 : i32
      %ge3A_66 = arith.constant 4 : i32
      %ge3A_67 = arith.cmpi sge, %add3A_65, %ge3A_66 : i32
      %sub3A_68 = arith.constant 4 : i32
      %sub3A_69 = arith.subi %add3A_65, %sub3A_68 : i32
      %mul3A_70 = arith.constant 32 : i32
      %mul3A_71 = arith.muli %sub3A_69, %mul3A_70 : i32
      %add3A_72 = arith.addi %mul3A_71, %add3A : i32
      %lt3A_73 = arith.constant 2000 : i32
      %lt3A_74 = arith.cmpi slt, %add3A_72, %lt3A_73 : i32
      %and3A_75 = arith.andi %ge3A_67, %lt3A_74 : i1
      %convert_element_type3A_76 = arith.extui %and3A_75 : i1 to i32
      %cond3A_77 = arith.constant 0 : i32
      %cond3A_78 = arith.cmpi ne, %convert_element_type3A_76, %cond3A_77 : i32
      scf.if %cond3A_78 {
        %sub3A_117 = arith.constant 4 : i32
        %sub3A_118 = arith.subi %add3A_65, %sub3A_117 : i32
        %jit3A = arith.constant 2 : i32
        %eq3A_119 = arith.constant 0 : i32
        %eq3A_120 = arith.cmpi eq, %jit3A, %eq3A_119 : i32
        %jit3A_121 = arith.constant 1 : i32
        %select_n3A = arith.select %eq3A_120, %jit3A_121, %jit3A : i32
        %rem3A = arith.remsi %sub3A_118, %select_n3A : i32
        %ne3A = arith.constant 0 : i32
        %ne3A_122 = arith.cmpi ne, %rem3A, %ne3A : i32
        %lt3A_123 = arith.constant 0 : i32
        %lt3A_124 = arith.cmpi slt, %rem3A, %lt3A_123 : i32
        %lt3A_125 = arith.constant 0 : i32
        %lt3A_126 = arith.cmpi slt, %select_n3A, %lt3A_125 : i32
        %ne3A_127 = arith.xori %lt3A_124, %lt3A_126 : i1
        %and3A_128 = arith.andi %ne3A_127, %ne3A_122 : i1
        %add3A_129 = arith.addi %rem3A, %select_n3A : i32
        %select_n3A_130 = arith.select %and3A_128, %add3A_129, %rem3A : i32
        %jit3A_131 = arith.constant 4 : i32
        %eq3A_132 = arith.constant 0 : i32
        %eq3A_133 = arith.cmpi eq, %jit3A_131, %eq3A_132 : i32
        %jit3A_134 = arith.constant 1 : i32
        %select_n3A_135 = arith.select %eq3A_133, %jit3A_134, %jit3A_131 : i32
        %rem3A_136 = arith.remsi %sub3A_118, %select_n3A_135 : i32
        %ne3A_137 = arith.constant 0 : i32
        %ne3A_138 = arith.cmpi ne, %rem3A_136, %ne3A_137 : i32
        %lt3A_139 = arith.constant 0 : i32
        %lt3A_140 = arith.cmpi slt, %rem3A_136, %lt3A_139 : i32
        %lt3A_141 = arith.constant 0 : i32
        %lt3A_142 = arith.cmpi slt, %select_n3A_135, %lt3A_141 : i32
        %ne3A_143 = arith.xori %lt3A_140, %lt3A_142 : i1
        %and3A_144 = arith.andi %ne3A_143, %ne3A_138 : i1
        %add3A_145 = arith.addi %rem3A_136, %select_n3A_135 : i32
        %select_n3A_146 = arith.select %and3A_144, %add3A_145, %rem3A_136 : i32
        %dma_wait3A = arith.constant 0 : i32
        %dma_wait3A_147 = tpu.memref_slice %arg20[%select_n3A_130, %dma_wait3A] : memref<2x3200xf32, #tpu.memory_space<vmem>> -> memref<1x3200xf32, #tpu.memory_space<vmem>>
        %dma_wait3A_148 = tpu.memref_squeeze %dma_wait3A_147 : memref<1x3200xf32, #tpu.memory_space<vmem>> -> memref<3200xf32, #tpu.memory_space<vmem>>
        %dma_wait3A_149 = arith.constant 0 : i32
        %dma_wait3A_150 = tpu.memref_slice %arg14[%select_n3A_146, %dma_wait3A_149] : memref<4x3200xi32, #tpu.memory_space<vmem>> -> memref<1x3200xi32, #tpu.memory_space<vmem>>
        %dma_wait3A_151 = tpu.memref_squeeze %dma_wait3A_150 : memref<1x3200xi32, #tpu.memory_space<vmem>> -> memref<3200xi32, #tpu.memory_space<vmem>>
        %dma_wait3A_152 = arith.constant 0 : i32
        %dma_wait3A_153 = tpu.memref_slice %arg21[%dma_wait3A_152] : memref<100096xf32, #tpu.memory_space<vmem_shared>> -> memref<100096xf32, #tpu.memory_space<vmem_shared>>
        tpu.wait_indirect_dma semaphore(%arg27 : memref<!tpu.dma_semaphore, #tpu.memory_space<semaphore_mem>>) src(%dma_wait3A_148 : memref<3200xf32, #tpu.memory_space<vmem>>) dst(%dma_wait3A_153 : memref<100096xf32, #tpu.memory_space<vmem_shared>>)
      } else {
      }
      %ge3A_79 = arith.constant 1 : i32
      %ge3A_80 = arith.cmpi sge, %add3A_65, %ge3A_79 : i32
      %sub3A_81 = arith.constant 1 : i32
      %sub3A_82 = arith.subi %add3A_65, %sub3A_81 : i32
      %mul3A_83 = arith.constant 32 : i32
      %mul3A_84 = arith.muli %sub3A_82, %mul3A_83 : i32
      %add3A_85 = arith.addi %mul3A_84, %add3A : i32
      %lt3A_86 = arith.constant 2000 : i32
      %lt3A_87 = arith.cmpi slt, %add3A_85, %lt3A_86 : i32
      %and3A_88 = arith.andi %ge3A_80, %lt3A_87 : i1
      %convert_element_type3A_89 = arith.extui %and3A_88 : i1 to i32
      %cond3A_90 = arith.constant 0 : i32
      %cond3A_91 = arith.cmpi ne, %convert_element_type3A_89, %cond3A_90 : i32
      scf.if %cond3A_91 {
        %sub3A_117 = arith.constant 1 : i32
        %sub3A_118 = arith.subi %add3A_65, %sub3A_117 : i32
        %jit3A = arith.constant 2 : i32
        %eq3A_119 = arith.constant 0 : i32
        %eq3A_120 = arith.cmpi eq, %jit3A, %eq3A_119 : i32
        %jit3A_121 = arith.constant 1 : i32
        %select_n3A = arith.select %eq3A_120, %jit3A_121, %jit3A : i32
        %rem3A = arith.remsi %sub3A_118, %select_n3A : i32
        %ne3A = arith.constant 0 : i32
        %ne3A_122 = arith.cmpi ne, %rem3A, %ne3A : i32
        %lt3A_123 = arith.constant 0 : i32
        %lt3A_124 = arith.cmpi slt, %rem3A, %lt3A_123 : i32
        %lt3A_125 = arith.constant 0 : i32
        %lt3A_126 = arith.cmpi slt, %select_n3A, %lt3A_125 : i32
        %ne3A_127 = arith.xori %lt3A_124, %lt3A_126 : i1
        %and3A_128 = arith.andi %ne3A_127, %ne3A_122 : i1
        %add3A_129 = arith.addi %rem3A, %select_n3A : i32
        %select_n3A_130 = arith.select %and3A_128, %add3A_129, %rem3A : i32
        %jit3A_131 = arith.constant 4 : i32
        %eq3A_132 = arith.constant 0 : i32
        %eq3A_133 = arith.cmpi eq, %jit3A_131, %eq3A_132 : i32
        %jit3A_134 = arith.constant 1 : i32
        %select_n3A_135 = arith.select %eq3A_133, %jit3A_134, %jit3A_131 : i32
        %rem3A_136 = arith.remsi %sub3A_118, %select_n3A_135 : i32
        %ne3A_137 = arith.constant 0 : i32
        %ne3A_138 = arith.cmpi ne, %rem3A_136, %ne3A_137 : i32
        %lt3A_139 = arith.constant 0 : i32
        %lt3A_140 = arith.cmpi slt, %rem3A_136, %lt3A_139 : i32
        %lt3A_141 = arith.constant 0 : i32
        %lt3A_142 = arith.cmpi slt, %select_n3A_135, %lt3A_141 : i32
        %ne3A_143 = arith.xori %lt3A_140, %lt3A_142 : i1
        %and3A_144 = arith.andi %ne3A_143, %ne3A_138 : i1
        %add3A_145 = arith.addi %rem3A_136, %select_n3A_135 : i32
        %select_n3A_146 = arith.select %and3A_144, %add3A_145, %rem3A_136 : i32
        %mul3A_147 = arith.constant 32 : i32
        %mul3A_148 = arith.muli %sub3A_118, %mul3A_147 : i32
        %mul3A_149 = arith.constant 3200 : i32
        %mul3A_150 = arith.muli %mul3A_148, %mul3A_149 : i32
        %mul3A_151 = arith.constant 3200 : i32
        %mul3A_152 = arith.muli %add3A, %mul3A_151 : i32
        %add3A_153 = arith.addi %mul3A_150, %mul3A_152 : i32
        %dma_wait3A = arith.constant 0 : i32
        %dma_wait3A_154 = tpu.memref_slice %arg11[%select_n3A_130, %dma_wait3A] : memref<2x3200xf32, #tpu.memory_space<vmem>> -> memref<1x3200xf32, #tpu.memory_space<vmem>>
        %dma_wait3A_155 = tpu.memref_squeeze %dma_wait3A_154 : memref<1x3200xf32, #tpu.memory_space<vmem>> -> memref<3200xf32, #tpu.memory_space<vmem>>
        %dma_wait3A_156 = tpu.memref_slice %arg4[%add3A_153] : memref<6400000xf32, #tpu.memory_space<hbm>> -> memref<3200xf32, #tpu.memory_space<hbm>>
        %dma_wait3A_157 = arith.constant 0 : i32
        %dma_wait3A_158 = tpu.memref_slice %arg11[%select_n3A_130, %dma_wait3A_157] : memref<2x3200xf32, #tpu.memory_space<vmem>> -> memref<1x3200xf32, #tpu.memory_space<vmem>>
        %dma_wait3A_159 = tpu.memref_squeeze %dma_wait3A_158 : memref<1x3200xf32, #tpu.memory_space<vmem>> -> memref<3200xf32, #tpu.memory_space<vmem>>
        %dma_wait3A_160 = tpu.memref_slice %arg4[%add3A_153] : memref<6400000xf32, #tpu.memory_space<hbm>> -> memref<3200xf32, #tpu.memory_space<hbm>>
        tpu.wait_dma2 semaphore(%arg22 : memref<!tpu.dma_semaphore, #tpu.memory_space<semaphore_mem>>) src(%dma_wait3A_160 : memref<3200xf32, #tpu.memory_space<hbm>>) dst(%dma_wait3A_159 : memref<3200xf32, #tpu.memory_space<vmem>>)
        %dma_wait3A_161 = arith.constant 0 : i32
        %dma_wait3A_162 = tpu.memref_slice %arg12[%select_n3A_130, %dma_wait3A_161] : memref<2x3200xf32, #tpu.memory_space<vmem>> -> memref<1x3200xf32, #tpu.memory_space<vmem>>
        %dma_wait3A_163 = tpu.memref_squeeze %dma_wait3A_162 : memref<1x3200xf32, #tpu.memory_space<vmem>> -> memref<3200xf32, #tpu.memory_space<vmem>>
        %dma_wait3A_164 = tpu.memref_slice %arg5[%add3A_153] : memref<6400000xf32, #tpu.memory_space<hbm>> -> memref<3200xf32, #tpu.memory_space<hbm>>
        %dma_wait3A_165 = arith.constant 0 : i32
        %dma_wait3A_166 = tpu.memref_slice %arg12[%select_n3A_130, %dma_wait3A_165] : memref<2x3200xf32, #tpu.memory_space<vmem>> -> memref<1x3200xf32, #tpu.memory_space<vmem>>
        %dma_wait3A_167 = tpu.memref_squeeze %dma_wait3A_166 : memref<1x3200xf32, #tpu.memory_space<vmem>> -> memref<3200xf32, #tpu.memory_space<vmem>>
        %dma_wait3A_168 = tpu.memref_slice %arg5[%add3A_153] : memref<6400000xf32, #tpu.memory_space<hbm>> -> memref<3200xf32, #tpu.memory_space<hbm>>
        tpu.wait_dma2 semaphore(%arg22 : memref<!tpu.dma_semaphore, #tpu.memory_space<semaphore_mem>>) src(%dma_wait3A_168 : memref<3200xf32, #tpu.memory_space<hbm>>) dst(%dma_wait3A_167 : memref<3200xf32, #tpu.memory_space<vmem>>)
        %dma_wait3A_169 = arith.constant 0 : i32
        %dma_wait3A_170 = tpu.memref_slice %arg13[%select_n3A_130, %dma_wait3A_169] : memref<2x3200xf32, #tpu.memory_space<vmem>> -> memref<1x3200xf32, #tpu.memory_space<vmem>>
        %dma_wait3A_171 = tpu.memref_squeeze %dma_wait3A_170 : memref<1x3200xf32, #tpu.memory_space<vmem>> -> memref<3200xf32, #tpu.memory_space<vmem>>
        %dma_wait3A_172 = tpu.memref_slice %arg6[%add3A_153] : memref<6400000xf32, #tpu.memory_space<hbm>> -> memref<3200xf32, #tpu.memory_space<hbm>>
        %dma_wait3A_173 = arith.constant 0 : i32
        %dma_wait3A_174 = tpu.memref_slice %arg13[%select_n3A_130, %dma_wait3A_173] : memref<2x3200xf32, #tpu.memory_space<vmem>> -> memref<1x3200xf32, #tpu.memory_space<vmem>>
        %dma_wait3A_175 = tpu.memref_squeeze %dma_wait3A_174 : memref<1x3200xf32, #tpu.memory_space<vmem>> -> memref<3200xf32, #tpu.memory_space<vmem>>
        %dma_wait3A_176 = tpu.memref_slice %arg6[%add3A_153] : memref<6400000xf32, #tpu.memory_space<hbm>> -> memref<3200xf32, #tpu.memory_space<hbm>>
        tpu.wait_dma2 semaphore(%arg22 : memref<!tpu.dma_semaphore, #tpu.memory_space<semaphore_mem>>) src(%dma_wait3A_176 : memref<3200xf32, #tpu.memory_space<hbm>>) dst(%dma_wait3A_175 : memref<3200xf32, #tpu.memory_space<vmem>>)
        %dma_wait3A_177 = arith.constant 0 : i32
        %dma_wait3A_178 = tpu.memref_slice %arg14[%select_n3A_146, %dma_wait3A_177] : memref<4x3200xi32, #tpu.memory_space<vmem>> -> memref<1x3200xi32, #tpu.memory_space<vmem>>
        %dma_wait3A_179 = tpu.memref_squeeze %dma_wait3A_178 : memref<1x3200xi32, #tpu.memory_space<vmem>> -> memref<3200xi32, #tpu.memory_space<vmem>>
        %dma_wait3A_180 = tpu.memref_slice %arg7[%add3A_153] : memref<6400000xi32, #tpu.memory_space<hbm>> -> memref<3200xi32, #tpu.memory_space<hbm>>
        %dma_wait3A_181 = arith.constant 0 : i32
        %dma_wait3A_182 = tpu.memref_slice %arg14[%select_n3A_146, %dma_wait3A_181] : memref<4x3200xi32, #tpu.memory_space<vmem>> -> memref<1x3200xi32, #tpu.memory_space<vmem>>
        %dma_wait3A_183 = tpu.memref_squeeze %dma_wait3A_182 : memref<1x3200xi32, #tpu.memory_space<vmem>> -> memref<3200xi32, #tpu.memory_space<vmem>>
        %dma_wait3A_184 = tpu.memref_slice %arg7[%add3A_153] : memref<6400000xi32, #tpu.memory_space<hbm>> -> memref<3200xi32, #tpu.memory_space<hbm>>
        tpu.wait_dma2 semaphore(%arg22 : memref<!tpu.dma_semaphore, #tpu.memory_space<semaphore_mem>>) src(%dma_wait3A_184 : memref<3200xi32, #tpu.memory_space<hbm>>) dst(%dma_wait3A_183 : memref<3200xi32, #tpu.memory_space<vmem>>)
        %dma_wait3A_185 = arith.constant 0 : i32
        %dma_wait3A_186 = tpu.memref_slice %arg15[%select_n3A_130, %dma_wait3A_185] : memref<2x3200xi32, #tpu.memory_space<vmem>> -> memref<1x3200xi32, #tpu.memory_space<vmem>>
        %dma_wait3A_187 = tpu.memref_squeeze %dma_wait3A_186 : memref<1x3200xi32, #tpu.memory_space<vmem>> -> memref<3200xi32, #tpu.memory_space<vmem>>
        %dma_wait3A_188 = tpu.memref_slice %arg8[%add3A_153] : memref<6400000xi32, #tpu.memory_space<hbm>> -> memref<3200xi32, #tpu.memory_space<hbm>>
        %dma_wait3A_189 = arith.constant 0 : i32
        %dma_wait3A_190 = tpu.memref_slice %arg15[%select_n3A_130, %dma_wait3A_189] : memref<2x3200xi32, #tpu.memory_space<vmem>> -> memref<1x3200xi32, #tpu.memory_space<vmem>>
        %dma_wait3A_191 = tpu.memref_squeeze %dma_wait3A_190 : memref<1x3200xi32, #tpu.memory_space<vmem>> -> memref<3200xi32, #tpu.memory_space<vmem>>
        %dma_wait3A_192 = tpu.memref_slice %arg8[%add3A_153] : memref<6400000xi32, #tpu.memory_space<hbm>> -> memref<3200xi32, #tpu.memory_space<hbm>>
        tpu.wait_dma2 semaphore(%arg22 : memref<!tpu.dma_semaphore, #tpu.memory_space<semaphore_mem>>) src(%dma_wait3A_192 : memref<3200xi32, #tpu.memory_space<hbm>>) dst(%dma_wait3A_191 : memref<3200xi32, #tpu.memory_space<vmem>>)
        %sub3A_193 = arith.constant 1 : i32
        %sub3A_194 = arith.subi %add3A_65, %sub3A_193 : i32
        %jit3A_195 = arith.constant 2 : i32
        %eq3A_196 = arith.constant 0 : i32
        %eq3A_197 = arith.cmpi eq, %jit3A_195, %eq3A_196 : i32
        %jit3A_198 = arith.constant 1 : i32
        %select_n3A_199 = arith.select %eq3A_197, %jit3A_198, %jit3A_195 : i32
        %rem3A_200 = arith.remsi %sub3A_194, %select_n3A_199 : i32
        %ne3A_201 = arith.constant 0 : i32
        %ne3A_202 = arith.cmpi ne, %rem3A_200, %ne3A_201 : i32
        %lt3A_203 = arith.constant 0 : i32
        %lt3A_204 = arith.cmpi slt, %rem3A_200, %lt3A_203 : i32
        %lt3A_205 = arith.constant 0 : i32
        %lt3A_206 = arith.cmpi slt, %select_n3A_199, %lt3A_205 : i32
        %ne3A_207 = arith.xori %lt3A_204, %lt3A_206 : i1
        %and3A_208 = arith.andi %ne3A_207, %ne3A_202 : i1
        %add3A_209 = arith.addi %rem3A_200, %select_n3A_199 : i32
        %select_n3A_210 = arith.select %and3A_208, %add3A_209, %rem3A_200 : i32
        %jit3A_211 = arith.constant 4 : i32
        %eq3A_212 = arith.constant 0 : i32
        %eq3A_213 = arith.cmpi eq, %jit3A_211, %eq3A_212 : i32
        %jit3A_214 = arith.constant 1 : i32
        %select_n3A_215 = arith.select %eq3A_213, %jit3A_214, %jit3A_211 : i32
        %rem3A_216 = arith.remsi %sub3A_194, %select_n3A_215 : i32
        %ne3A_217 = arith.constant 0 : i32
        %ne3A_218 = arith.cmpi ne, %rem3A_216, %ne3A_217 : i32
        %lt3A_219 = arith.constant 0 : i32
        %lt3A_220 = arith.cmpi slt, %rem3A_216, %lt3A_219 : i32
        %lt3A_221 = arith.constant 0 : i32
        %lt3A_222 = arith.cmpi slt, %select_n3A_215, %lt3A_221 : i32
        %ne3A_223 = arith.xori %lt3A_220, %lt3A_222 : i1
        %and3A_224 = arith.andi %ne3A_223, %ne3A_218 : i1
        %add3A_225 = arith.addi %rem3A_216, %select_n3A_215 : i32
        %select_n3A_226 = arith.select %and3A_224, %add3A_225, %rem3A_216 : i32
        %dma_start3A = arith.constant 0 : i32
        %dma_start3A_227 = tpu.memref_slice %arg16[%select_n3A_210, %dma_start3A] : memref<2x3200xf32, #tpu.memory_space<vmem>> -> memref<1x3200xf32, #tpu.memory_space<vmem>>
        %dma_start3A_228 = tpu.memref_squeeze %dma_start3A_227 : memref<1x3200xf32, #tpu.memory_space<vmem>> -> memref<3200xf32, #tpu.memory_space<vmem>>
        %dma_start3A_229 = arith.constant 0 : i32
        %dma_start3A_230 = tpu.memref_slice %arg14[%select_n3A_226, %dma_start3A_229] : memref<4x3200xi32, #tpu.memory_space<vmem>> -> memref<1x3200xi32, #tpu.memory_space<vmem>>
        %dma_start3A_231 = tpu.memref_squeeze %dma_start3A_230 : memref<1x3200xi32, #tpu.memory_space<vmem>> -> memref<3200xi32, #tpu.memory_space<vmem>>
        %dma_start3A_232 = arith.constant 0 : i32
        %dma_start3A_233 = tpu.memref_slice %arg2[%dma_start3A_232] : memref<100352xf32, #tpu.memory_space<hbm>> -> memref<100352xf32, #tpu.memory_space<hbm>>
        tpu.enqueue_indirect_dma source(%dma_start3A_233 : memref<100352xf32, #tpu.memory_space<hbm>>) target(%dma_start3A_228 : memref<3200xf32, #tpu.memory_space<vmem>>) offsets(%dma_start3A_231 : memref<3200xi32, #tpu.memory_space<vmem>>) semaphore(%arg24 : memref<!tpu.dma_semaphore, #tpu.memory_space<semaphore_mem>>)
        %dma_start3A_234 = arith.constant 0 : i32
        %dma_start3A_235 = tpu.memref_slice %arg17[%select_n3A_210, %dma_start3A_234] : memref<2x3200xf32, #tpu.memory_space<vmem>> -> memref<1x3200xf32, #tpu.memory_space<vmem>>
        %dma_start3A_236 = tpu.memref_squeeze %dma_start3A_235 : memref<1x3200xf32, #tpu.memory_space<vmem>> -> memref<3200xf32, #tpu.memory_space<vmem>>
        %dma_start3A_237 = arith.constant 0 : i32
        %dma_start3A_238 = tpu.memref_slice %arg14[%select_n3A_226, %dma_start3A_237] : memref<4x3200xi32, #tpu.memory_space<vmem>> -> memref<1x3200xi32, #tpu.memory_space<vmem>>
        %dma_start3A_239 = tpu.memref_squeeze %dma_start3A_238 : memref<1x3200xi32, #tpu.memory_space<vmem>> -> memref<3200xi32, #tpu.memory_space<vmem>>
        %dma_start3A_240 = arith.constant 0 : i32
        %dma_start3A_241 = tpu.memref_slice %arg3[%dma_start3A_240] : memref<100352xf32, #tpu.memory_space<hbm>> -> memref<100352xf32, #tpu.memory_space<hbm>>
        tpu.enqueue_indirect_dma source(%dma_start3A_241 : memref<100352xf32, #tpu.memory_space<hbm>>) target(%dma_start3A_236 : memref<3200xf32, #tpu.memory_space<vmem>>) offsets(%dma_start3A_239 : memref<3200xi32, #tpu.memory_space<vmem>>) semaphore(%arg24 : memref<!tpu.dma_semaphore, #tpu.memory_space<semaphore_mem>>)
        %dma_start3A_242 = arith.constant 0 : i32
        %dma_start3A_243 = tpu.memref_slice %arg18[%select_n3A_210, %dma_start3A_242] : memref<2x3200xf32, #tpu.memory_space<vmem>> -> memref<1x3200xf32, #tpu.memory_space<vmem>>
        %dma_start3A_244 = tpu.memref_squeeze %dma_start3A_243 : memref<1x3200xf32, #tpu.memory_space<vmem>> -> memref<3200xf32, #tpu.memory_space<vmem>>
        %dma_start3A_245 = arith.constant 0 : i32
        %dma_start3A_246 = tpu.memref_slice %arg15[%select_n3A_210, %dma_start3A_245] : memref<2x3200xi32, #tpu.memory_space<vmem>> -> memref<1x3200xi32, #tpu.memory_space<vmem>>
        %dma_start3A_247 = tpu.memref_squeeze %dma_start3A_246 : memref<1x3200xi32, #tpu.memory_space<vmem>> -> memref<3200xi32, #tpu.memory_space<vmem>>
        %dma_start3A_248 = arith.constant 0 : i32
        %dma_start3A_249 = tpu.memref_slice %arg2[%dma_start3A_248] : memref<100352xf32, #tpu.memory_space<hbm>> -> memref<100352xf32, #tpu.memory_space<hbm>>
        tpu.enqueue_indirect_dma source(%dma_start3A_249 : memref<100352xf32, #tpu.memory_space<hbm>>) target(%dma_start3A_244 : memref<3200xf32, #tpu.memory_space<vmem>>) offsets(%dma_start3A_247 : memref<3200xi32, #tpu.memory_space<vmem>>) semaphore(%arg24 : memref<!tpu.dma_semaphore, #tpu.memory_space<semaphore_mem>>)
        %dma_start3A_250 = arith.constant 0 : i32
        %dma_start3A_251 = tpu.memref_slice %arg19[%select_n3A_210, %dma_start3A_250] : memref<2x3200xf32, #tpu.memory_space<vmem>> -> memref<1x3200xf32, #tpu.memory_space<vmem>>
        %dma_start3A_252 = tpu.memref_squeeze %dma_start3A_251 : memref<1x3200xf32, #tpu.memory_space<vmem>> -> memref<3200xf32, #tpu.memory_space<vmem>>
        %dma_start3A_253 = arith.constant 0 : i32
        %dma_start3A_254 = tpu.memref_slice %arg15[%select_n3A_210, %dma_start3A_253] : memref<2x3200xi32, #tpu.memory_space<vmem>> -> memref<1x3200xi32, #tpu.memory_space<vmem>>
        %dma_start3A_255 = tpu.memref_squeeze %dma_start3A_254 : memref<1x3200xi32, #tpu.memory_space<vmem>> -> memref<3200xi32, #tpu.memory_space<vmem>>
        %dma_start3A_256 = arith.constant 0 : i32
        %dma_start3A_257 = tpu.memref_slice %arg3[%dma_start3A_256] : memref<100352xf32, #tpu.memory_space<hbm>> -> memref<100352xf32, #tpu.memory_space<hbm>>
        tpu.enqueue_indirect_dma source(%dma_start3A_257 : memref<100352xf32, #tpu.memory_space<hbm>>) target(%dma_start3A_252 : memref<3200xf32, #tpu.memory_space<vmem>>) offsets(%dma_start3A_255 : memref<3200xi32, #tpu.memory_space<vmem>>) semaphore(%arg24 : memref<!tpu.dma_semaphore, #tpu.memory_space<semaphore_mem>>)
      } else {
      }
      %ge3A_92 = arith.constant 2 : i32
      %ge3A_93 = arith.cmpi sge, %add3A_65, %ge3A_92 : i32
      %sub3A_94 = arith.constant 2 : i32
      %sub3A_95 = arith.subi %add3A_65, %sub3A_94 : i32
      %mul3A_96 = arith.constant 32 : i32
      %mul3A_97 = arith.muli %sub3A_95, %mul3A_96 : i32
      %add3A_98 = arith.addi %mul3A_97, %add3A : i32
      %lt3A_99 = arith.constant 2000 : i32
      %lt3A_100 = arith.cmpi slt, %add3A_98, %lt3A_99 : i32
      %and3A_101 = arith.andi %ge3A_93, %lt3A_100 : i1
      %convert_element_type3A_102 = arith.extui %and3A_101 : i1 to i32
      %cond3A_103 = arith.constant 0 : i32
      %cond3A_104 = arith.cmpi ne, %convert_element_type3A_102, %cond3A_103 : i32
      scf.if %cond3A_104 {
        %sub3A_117 = arith.constant 2 : i32
        %sub3A_118 = arith.subi %add3A_65, %sub3A_117 : i32
        %jit3A = arith.constant 2 : i32
        %eq3A_119 = arith.constant 0 : i32
        %eq3A_120 = arith.cmpi eq, %jit3A, %eq3A_119 : i32
        %jit3A_121 = arith.constant 1 : i32
        %select_n3A = arith.select %eq3A_120, %jit3A_121, %jit3A : i32
        %rem3A = arith.remsi %sub3A_118, %select_n3A : i32
        %ne3A = arith.constant 0 : i32
        %ne3A_122 = arith.cmpi ne, %rem3A, %ne3A : i32
        %lt3A_123 = arith.constant 0 : i32
        %lt3A_124 = arith.cmpi slt, %rem3A, %lt3A_123 : i32
        %lt3A_125 = arith.constant 0 : i32
        %lt3A_126 = arith.cmpi slt, %select_n3A, %lt3A_125 : i32
        %ne3A_127 = arith.xori %lt3A_124, %lt3A_126 : i1
        %and3A_128 = arith.andi %ne3A_127, %ne3A_122 : i1
        %add3A_129 = arith.addi %rem3A, %select_n3A : i32
        %select_n3A_130 = arith.select %and3A_128, %add3A_129, %rem3A : i32
        %jit3A_131 = arith.constant 4 : i32
        %eq3A_132 = arith.constant 0 : i32
        %eq3A_133 = arith.cmpi eq, %jit3A_131, %eq3A_132 : i32
        %jit3A_134 = arith.constant 1 : i32
        %select_n3A_135 = arith.select %eq3A_133, %jit3A_134, %jit3A_131 : i32
        %rem3A_136 = arith.remsi %sub3A_118, %select_n3A_135 : i32
        %ne3A_137 = arith.constant 0 : i32
        %ne3A_138 = arith.cmpi ne, %rem3A_136, %ne3A_137 : i32
        %lt3A_139 = arith.constant 0 : i32
        %lt3A_140 = arith.cmpi slt, %rem3A_136, %lt3A_139 : i32
        %lt3A_141 = arith.constant 0 : i32
        %lt3A_142 = arith.cmpi slt, %select_n3A_135, %lt3A_141 : i32
        %ne3A_143 = arith.xori %lt3A_140, %lt3A_142 : i1
        %and3A_144 = arith.andi %ne3A_143, %ne3A_138 : i1
        %add3A_145 = arith.addi %rem3A_136, %select_n3A_135 : i32
        %select_n3A_146 = arith.select %and3A_144, %add3A_145, %rem3A_136 : i32
        %dma_wait3A = arith.constant 0 : i32
        %dma_wait3A_147 = tpu.memref_slice %arg16[%select_n3A_130, %dma_wait3A] : memref<2x3200xf32, #tpu.memory_space<vmem>> -> memref<1x3200xf32, #tpu.memory_space<vmem>>
        %dma_wait3A_148 = tpu.memref_squeeze %dma_wait3A_147 : memref<1x3200xf32, #tpu.memory_space<vmem>> -> memref<3200xf32, #tpu.memory_space<vmem>>
        %dma_wait3A_149 = arith.constant 0 : i32
        %dma_wait3A_150 = tpu.memref_slice %arg14[%select_n3A_146, %dma_wait3A_149] : memref<4x3200xi32, #tpu.memory_space<vmem>> -> memref<1x3200xi32, #tpu.memory_space<vmem>>
        %dma_wait3A_151 = tpu.memref_squeeze %dma_wait3A_150 : memref<1x3200xi32, #tpu.memory_space<vmem>> -> memref<3200xi32, #tpu.memory_space<vmem>>
        %dma_wait3A_152 = arith.constant 0 : i32
        %dma_wait3A_153 = tpu.memref_slice %arg2[%dma_wait3A_152] : memref<100352xf32, #tpu.memory_space<hbm>> -> memref<100352xf32, #tpu.memory_space<hbm>>
        tpu.wait_indirect_dma semaphore(%arg25 : memref<!tpu.dma_semaphore, #tpu.memory_space<semaphore_mem>>) src(%dma_wait3A_153 : memref<100352xf32, #tpu.memory_space<hbm>>) dst(%dma_wait3A_148 : memref<3200xf32, #tpu.memory_space<vmem>>)
        %dma_wait3A_154 = arith.constant 0 : i32
        %dma_wait3A_155 = tpu.memref_slice %arg17[%select_n3A_130, %dma_wait3A_154] : memref<2x3200xf32, #tpu.memory_space<vmem>> -> memref<1x3200xf32, #tpu.memory_space<vmem>>
        %dma_wait3A_156 = tpu.memref_squeeze %dma_wait3A_155 : memref<1x3200xf32, #tpu.memory_space<vmem>> -> memref<3200xf32, #tpu.memory_space<vmem>>
        %dma_wait3A_157 = arith.constant 0 : i32
        %dma_wait3A_158 = tpu.memref_slice %arg14[%select_n3A_146, %dma_wait3A_157] : memref<4x3200xi32, #tpu.memory_space<vmem>> -> memref<1x3200xi32, #tpu.memory_space<vmem>>
        %dma_wait3A_159 = tpu.memref_squeeze %dma_wait3A_158 : memref<1x3200xi32, #tpu.memory_space<vmem>> -> memref<3200xi32, #tpu.memory_space<vmem>>
        %dma_wait3A_160 = arith.constant 0 : i32
        %dma_wait3A_161 = tpu.memref_slice %arg3[%dma_wait3A_160] : memref<100352xf32, #tpu.memory_space<hbm>> -> memref<100352xf32, #tpu.memory_space<hbm>>
        tpu.wait_indirect_dma semaphore(%arg25 : memref<!tpu.dma_semaphore, #tpu.memory_space<semaphore_mem>>) src(%dma_wait3A_161 : memref<100352xf32, #tpu.memory_space<hbm>>) dst(%dma_wait3A_156 : memref<3200xf32, #tpu.memory_space<vmem>>)
        %dma_wait3A_162 = arith.constant 0 : i32
        %dma_wait3A_163 = tpu.memref_slice %arg18[%select_n3A_130, %dma_wait3A_162] : memref<2x3200xf32, #tpu.memory_space<vmem>> -> memref<1x3200xf32, #tpu.memory_space<vmem>>
        %dma_wait3A_164 = tpu.memref_squeeze %dma_wait3A_163 : memref<1x3200xf32, #tpu.memory_space<vmem>> -> memref<3200xf32, #tpu.memory_space<vmem>>
        %dma_wait3A_165 = arith.constant 0 : i32
        %dma_wait3A_166 = tpu.memref_slice %arg15[%select_n3A_130, %dma_wait3A_165] : memref<2x3200xi32, #tpu.memory_space<vmem>> -> memref<1x3200xi32, #tpu.memory_space<vmem>>
        %dma_wait3A_167 = tpu.memref_squeeze %dma_wait3A_166 : memref<1x3200xi32, #tpu.memory_space<vmem>> -> memref<3200xi32, #tpu.memory_space<vmem>>
        %dma_wait3A_168 = arith.constant 0 : i32
        %dma_wait3A_169 = tpu.memref_slice %arg2[%dma_wait3A_168] : memref<100352xf32, #tpu.memory_space<hbm>> -> memref<100352xf32, #tpu.memory_space<hbm>>
        tpu.wait_indirect_dma semaphore(%arg25 : memref<!tpu.dma_semaphore, #tpu.memory_space<semaphore_mem>>) src(%dma_wait3A_169 : memref<100352xf32, #tpu.memory_space<hbm>>) dst(%dma_wait3A_164 : memref<3200xf32, #tpu.memory_space<vmem>>)
        %dma_wait3A_170 = arith.constant 0 : i32
        %dma_wait3A_171 = tpu.memref_slice %arg19[%select_n3A_130, %dma_wait3A_170] : memref<2x3200xf32, #tpu.memory_space<vmem>> -> memref<1x3200xf32, #tpu.memory_space<vmem>>
        %dma_wait3A_172 = tpu.memref_squeeze %dma_wait3A_171 : memref<1x3200xf32, #tpu.memory_space<vmem>> -> memref<3200xf32, #tpu.memory_space<vmem>>
        %dma_wait3A_173 = arith.constant 0 : i32
        %dma_wait3A_174 = tpu.memref_slice %arg15[%select_n3A_130, %dma_wait3A_173] : memref<2x3200xi32, #tpu.memory_space<vmem>> -> memref<1x3200xi32, #tpu.memory_space<vmem>>
        %dma_wait3A_175 = tpu.memref_squeeze %dma_wait3A_174 : memref<1x3200xi32, #tpu.memory_space<vmem>> -> memref<3200xi32, #tpu.memory_space<vmem>>
        %dma_wait3A_176 = arith.constant 0 : i32
        %dma_wait3A_177 = tpu.memref_slice %arg3[%dma_wait3A_176] : memref<100352xf32, #tpu.memory_space<hbm>> -> memref<100352xf32, #tpu.memory_space<hbm>>
        tpu.wait_indirect_dma semaphore(%arg25 : memref<!tpu.dma_semaphore, #tpu.memory_space<semaphore_mem>>) src(%dma_wait3A_177 : memref<100352xf32, #tpu.memory_space<hbm>>) dst(%dma_wait3A_172 : memref<3200xf32, #tpu.memory_space<vmem>>)
        %sub3A_178 = arith.constant 2 : i32
        %sub3A_179 = arith.subi %add3A_65, %sub3A_178 : i32
        %jit3A_180 = arith.constant 2 : i32
        %eq3A_181 = arith.constant 0 : i32
        %eq3A_182 = arith.cmpi eq, %jit3A_180, %eq3A_181 : i32
        %jit3A_183 = arith.constant 1 : i32
        %select_n3A_184 = arith.select %eq3A_182, %jit3A_183, %jit3A_180 : i32
        %rem3A_185 = arith.remsi %sub3A_179, %select_n3A_184 : i32
        %ne3A_186 = arith.constant 0 : i32
        %ne3A_187 = arith.cmpi ne, %rem3A_185, %ne3A_186 : i32
        %lt3A_188 = arith.constant 0 : i32
        %lt3A_189 = arith.cmpi slt, %rem3A_185, %lt3A_188 : i32
        %lt3A_190 = arith.constant 0 : i32
        %lt3A_191 = arith.cmpi slt, %select_n3A_184, %lt3A_190 : i32
        %ne3A_192 = arith.xori %lt3A_189, %lt3A_191 : i1
        %and3A_193 = arith.andi %ne3A_192, %ne3A_187 : i1
        %add3A_194 = arith.addi %rem3A_185, %select_n3A_184 : i32
        %select_n3A_195 = arith.select %and3A_193, %add3A_194, %rem3A_185 : i32
        %scan3A_196 = arith.constant 0 : i32
        %scan3A_197 = arith.constant 0 : i32
        %scan3A_198 = arith.constant 200 : i32
        %scan3A_199 = arith.addi %scan3A_197, %scan3A_198 : i32
        %scan3A_200 = arith.constant 1 : i32
        %scan3A_201 = scf.for %scan3A_244 = %scan3A_197 to %scan3A_199 step %scan3A_200 iter_args(%scan3A_245 = %scan3A_196) -> (i32)  : i32 {
          %mul3A_246 = arith.constant 16 : i32
          %mul3A_247 = arith.muli %scan3A_244, %mul3A_246 : i32
          %get3A = arith.index_cast %select_n3A_195 : i32 to index
          %get3A_248 = arith.index_cast %mul3A_247 : i32 to index
          %get3A_249 = tpu.vector_load %arg11[%get3A, %get3A_248] {strides = array<i32>} : memref<2x3200xf32, #tpu.memory_space<vmem>>, vector<16xf32>,
          %get3A_250 = arith.index_cast %select_n3A_195 : i32 to index
          %get3A_251 = arith.index_cast %mul3A_247 : i32 to index
          %get3A_252 = tpu.vector_load %arg12[%get3A_250, %get3A_251] {strides = array<i32>} : memref<2x3200xf32, #tpu.memory_space<vmem>>, vector<16xf32>,
          %get3A_253 = arith.index_cast %select_n3A_195 : i32 to index
          %get3A_254 = arith.index_cast %mul3A_247 : i32 to index
          %get3A_255 = tpu.vector_load %arg13[%get3A_253, %get3A_254] {strides = array<i32>} : memref<2x3200xf32, #tpu.memory_space<vmem>>, vector<16xf32>,
          %get3A_256 = arith.index_cast %select_n3A_195 : i32 to index
          %get3A_257 = arith.index_cast %mul3A_247 : i32 to index
          %get3A_258 = tpu.vector_load %arg16[%get3A_256, %get3A_257] {strides = array<i32>} : memref<2x3200xf32, #tpu.memory_space<vmem>>, vector<16xf32>,
          %get3A_259 = arith.index_cast %select_n3A_195 : i32 to index
          %get3A_260 = arith.index_cast %mul3A_247 : i32 to index
          %get3A_261 = tpu.vector_load %arg18[%get3A_259, %get3A_260] {strides = array<i32>} : memref<2x3200xf32, #tpu.memory_space<vmem>>, vector<16xf32>,
          %get3A_262 = arith.index_cast %select_n3A_195 : i32 to index
          %get3A_263 = arith.index_cast %mul3A_247 : i32 to index
          %get3A_264 = tpu.vector_load %arg17[%get3A_262, %get3A_263] {strides = array<i32>} : memref<2x3200xf32, #tpu.memory_space<vmem>>, vector<16xf32>,
          %bitcast_convert_type3A = tpu.bitcast %get3A_264 : vector<16xf32> -> vector<16xi32>
          %get3A_265 = arith.index_cast %select_n3A_195 : i32 to index
          %get3A_266 = arith.index_cast %mul3A_247 : i32 to index
          %get3A_267 = tpu.vector_load %arg19[%get3A_265, %get3A_266] {strides = array<i32>} : memref<2x3200xf32, #tpu.memory_space<vmem>>, vector<16xf32>,
          %bitcast_convert_type3A_268 = tpu.bitcast %get3A_267 : vector<16xf32> -> vector<16xi32>
          %and3A_269 = arith.constant -65536 : i32
          %and3A_270 = vector.broadcast %and3A_269 : i32 to vector<16xi32>
          %and3A_271 = arith.andi %bitcast_convert_type3A, %and3A_270 : vector<16xi32>
          %bitcast_convert_type3A_272 = tpu.bitcast %and3A_271 : vector<16xi32> -> vector<16xf32>
          %shift_left3A = arith.constant 16 : i32
          %shift_left3A_273 = vector.broadcast %shift_left3A : i32 to vector<16xi32>
          %shift_left3A_274 = arith.shli %bitcast_convert_type3A, %shift_left3A_273 : vector<16xi32>
          %bitcast_convert_type3A_275 = tpu.bitcast %shift_left3A_274 : vector<16xi32> -> vector<16xf32>
          %and3A_276 = arith.constant -65536 : i32
          %and3A_277 = vector.broadcast %and3A_276 : i32 to vector<16xi32>
          %and3A_278 = arith.andi %bitcast_convert_type3A_268, %and3A_277 : vector<16xi32>
          %bitcast_convert_type3A_279 = tpu.bitcast %and3A_278 : vector<16xi32> -> vector<16xf32>
          %shift_left3A_280 = arith.constant 16 : i32
          %shift_left3A_281 = vector.broadcast %shift_left3A_280 : i32 to vector<16xi32>
          %shift_left3A_282 = arith.shli %bitcast_convert_type3A_268, %shift_left3A_281 : vector<16xi32>
          %bitcast_convert_type3A_283 = tpu.bitcast %shift_left3A_282 : vector<16xi32> -> vector<16xf32>
          %mul3A_284 = arith.mulf %get3A_249, %get3A_249 : vector<16xf32>
          %mul3A_285 = arith.mulf %get3A_252, %get3A_252 : vector<16xf32>
          %add3A_286 = arith.addf %mul3A_284, %mul3A_285 : vector<16xf32>
          %mul3A_287 = arith.mulf %get3A_255, %get3A_255 : vector<16xf32>
          %add3A_288 = arith.addf %add3A_286, %mul3A_287 : vector<16xf32>
          %bitcast_convert_type3A_289 = tpu.bitcast %add3A_288 : vector<16xf32> -> vector<16xi32>
          %shift_right_arithmetic3A = arith.constant 1 : i32
          %shift_right_arithmetic3A_290 = vector.broadcast %shift_right_arithmetic3A : i32 to vector<16xi32>
          %shift_right_arithmetic3A_291 = arith.shrsi %bitcast_convert_type3A_289, %shift_right_arithmetic3A_290 : vector<16xi32>
          %sub3A_292 = arith.constant 1597463007 : i32
          %sub3A_293 = vector.broadcast %sub3A_292 : i32 to vector<16xi32>
          %sub3A_294 = arith.subi %sub3A_293, %shift_right_arithmetic3A_291 : vector<16xi32>
          %bitcast_convert_type3A_295 = tpu.bitcast %sub3A_294 : vector<16xi32> -> vector<16xf32>
          %mul3A_296 = arith.constant 5.000000e-01 : f32
          %mul3A_297 = vector.broadcast %mul3A_296 : f32 to vector<16xf32>
          %mul3A_298 = arith.mulf %mul3A_297, %add3A_288 : vector<16xf32>
          %mul3A_299 = arith.mulf %mul3A_298, %bitcast_convert_type3A_295 : vector<16xf32>
          %mul3A_300 = arith.mulf %mul3A_299, %bitcast_convert_type3A_295 : vector<16xf32>
          %sub3A_301 = arith.constant 1.500000e+00 : f32
          %sub3A_302 = vector.broadcast %sub3A_301 : f32 to vector<16xf32>
          %sub3A_303 = arith.subf %sub3A_302, %mul3A_300 : vector<16xf32>
          %mul3A_304 = arith.mulf %bitcast_convert_type3A_295, %sub3A_303 : vector<16xf32>
          %mul3A_305 = arith.constant 5.000000e-01 : f32
          %mul3A_306 = vector.broadcast %mul3A_305 : f32 to vector<16xf32>
          %mul3A_307 = arith.mulf %mul3A_306, %add3A_288 : vector<16xf32>
          %mul3A_308 = arith.mulf %mul3A_307, %mul3A_304 : vector<16xf32>
          %mul3A_309 = arith.mulf %mul3A_308, %mul3A_304 : vector<16xf32>
          %sub3A_310 = arith.constant 1.500000e+00 : f32
          %sub3A_311 = vector.broadcast %sub3A_310 : f32 to vector<16xf32>
          %sub3A_312 = arith.subf %sub3A_311, %mul3A_309 : vector<16xf32>
          %mul3A_313 = arith.mulf %mul3A_304, %sub3A_312 : vector<16xf32>
          %mul3A_314 = arith.constant 5.000000e-01 : f32
          %mul3A_315 = vector.broadcast %mul3A_314 : f32 to vector<16xf32>
          %mul3A_316 = arith.mulf %mul3A_315, %add3A_288 : vector<16xf32>
          %mul3A_317 = arith.mulf %mul3A_316, %mul3A_313 : vector<16xf32>
          %mul3A_318 = arith.mulf %mul3A_317, %mul3A_313 : vector<16xf32>
          %sub3A_319 = arith.constant 1.500000e+00 : f32
          %sub3A_320 = vector.broadcast %sub3A_319 : f32 to vector<16xf32>
          %sub3A_321 = arith.subf %sub3A_320, %mul3A_318 : vector<16xf32>
          %mul3A_322 = arith.mulf %mul3A_313, %sub3A_321 : vector<16xf32>
          %mul3A_323 = arith.mulf %add3A_288, %mul3A_322 : vector<16xf32>
          %add3A_324 = arith.constant 1.000000e+00 : f32
          %add3A_325 = vector.broadcast %add3A_324 : f32 to vector<16xf32>
          %add3A_326 = arith.addf %add3A_288, %add3A_325 : vector<16xf32>
          %bitcast_convert_type3A_327 = tpu.bitcast %add3A_326 : vector<16xf32> -> vector<16xi32>
          %shift_right_arithmetic3A_328 = arith.constant 1 : i32
          %shift_right_arithmetic3A_329 = vector.broadcast %shift_right_arithmetic3A_328 : i32 to vector<16xi32>
          %shift_right_arithmetic3A_330 = arith.shrsi %bitcast_convert_type3A_327, %shift_right_arithmetic3A_329 : vector<16xi32>
          %sub3A_331 = arith.constant 1597463007 : i32
          %sub3A_332 = vector.broadcast %sub3A_331 : i32 to vector<16xi32>
          %sub3A_333 = arith.subi %sub3A_332, %shift_right_arithmetic3A_330 : vector<16xi32>
          %bitcast_convert_type3A_334 = tpu.bitcast %sub3A_333 : vector<16xi32> -> vector<16xf32>
          %mul3A_335 = arith.constant 5.000000e-01 : f32
          %mul3A_336 = vector.broadcast %mul3A_335 : f32 to vector<16xf32>
          %mul3A_337 = arith.mulf %mul3A_336, %add3A_326 : vector<16xf32>
          %mul3A_338 = arith.mulf %mul3A_337, %bitcast_convert_type3A_334 : vector<16xf32>
          %mul3A_339 = arith.mulf %mul3A_338, %bitcast_convert_type3A_334 : vector<16xf32>
          %sub3A_340 = arith.constant 1.500000e+00 : f32
          %sub3A_341 = vector.broadcast %sub3A_340 : f32 to vector<16xf32>
          %sub3A_342 = arith.subf %sub3A_341, %mul3A_339 : vector<16xf32>
          %mul3A_343 = arith.mulf %bitcast_convert_type3A_334, %sub3A_342 : vector<16xf32>
          %mul3A_344 = arith.constant 5.000000e-01 : f32
          %mul3A_345 = vector.broadcast %mul3A_344 : f32 to vector<16xf32>
          %mul3A_346 = arith.mulf %mul3A_345, %add3A_326 : vector<16xf32>
          %mul3A_347 = arith.mulf %mul3A_346, %mul3A_343 : vector<16xf32>
          %mul3A_348 = arith.mulf %mul3A_347, %mul3A_343 : vector<16xf32>
          %sub3A_349 = arith.constant 1.500000e+00 : f32
          %sub3A_350 = vector.broadcast %sub3A_349 : f32 to vector<16xf32>
          %sub3A_351 = arith.subf %sub3A_350, %mul3A_348 : vector<16xf32>
          %mul3A_352 = arith.mulf %mul3A_343, %sub3A_351 : vector<16xf32>
          %mul3A_353 = arith.constant 5.000000e-01 : f32
          %mul3A_354 = vector.broadcast %mul3A_353 : f32 to vector<16xf32>
          %mul3A_355 = arith.mulf %mul3A_354, %add3A_326 : vector<16xf32>
          %mul3A_356 = arith.mulf %mul3A_355, %mul3A_352 : vector<16xf32>
          %mul3A_357 = arith.mulf %mul3A_356, %mul3A_352 : vector<16xf32>
          %sub3A_358 = arith.constant 1.500000e+00 : f32
          %sub3A_359 = vector.broadcast %sub3A_358 : f32 to vector<16xf32>
          %sub3A_360 = arith.subf %sub3A_359, %mul3A_357 : vector<16xf32>
          %mul3A_361 = arith.mulf %mul3A_352, %sub3A_360 : vector<16xf32>
          %mul3A_362 = arith.mulf %add3A_326, %mul3A_361 : vector<16xf32>
          %sub3A_363 = arith.constant 2.500000e+00 : f32
          %sub3A_364 = vector.broadcast %sub3A_363 : f32 to vector<16xf32>
          %sub3A_365 = arith.subf %mul3A_323, %sub3A_364 : vector<16xf32>
          %mul3A_366 = arith.constant 2.000000e-01 : f32
          %mul3A_367 = vector.broadcast %mul3A_366 : f32 to vector<16xf32>
          %mul3A_368 = arith.mulf %sub3A_365, %mul3A_367 : vector<16xf32>
          %mul3A_369 = arith.mulf %mul3A_368, %mul3A_368 : vector<16xf32>
          %mul3A_370 = arith.mulf %mul3A_369, %mul3A_368 : vector<16xf32>
          %mul3A_371 = arith.constant 6.000000e+00 : f32
          %mul3A_372 = vector.broadcast %mul3A_371 : f32 to vector<16xf32>
          %mul3A_373 = arith.mulf %mul3A_372, %mul3A_368 : vector<16xf32>
          %sub3A_374 = arith.constant 1.500000e+01 : f32
          %sub3A_375 = vector.broadcast %sub3A_374 : f32 to vector<16xf32>
          %sub3A_376 = arith.subf %sub3A_375, %mul3A_373 : vector<16xf32>
          %mul3A_377 = arith.mulf %mul3A_368, %sub3A_376 : vector<16xf32>
          %add3A_378 = arith.constant -1.000000e+01 : f32
          %add3A_379 = vector.broadcast %add3A_378 : f32 to vector<16xf32>
          %add3A_380 = arith.addf %add3A_379, %mul3A_377 : vector<16xf32>
          %mul3A_381 = arith.mulf %mul3A_370, %add3A_380 : vector<16xf32>
          %add3A_382 = arith.constant 1.000000e+00 : f32
          %add3A_383 = vector.broadcast %add3A_382 : f32 to vector<16xf32>
          %add3A_384 = arith.addf %add3A_383, %mul3A_381 : vector<16xf32>
          %le3A = arith.constant 0.000000e+00 : f32
          %le3A_385 = vector.broadcast %le3A : f32 to vector<16xf32>
          %le3A_386 = arith.cmpf ole, %mul3A_368, %le3A_385 : vector<16xf32>
          %ge3A_387 = arith.constant 1.000000e+00 : f32
          %ge3A_388 = vector.broadcast %ge3A_387 : f32 to vector<16xf32>
          %ge3A_389 = arith.cmpf oge, %mul3A_368, %ge3A_388 : vector<16xf32>
          %jit3A_390 = arith.constant 0.000000e+00 : f32
          %broadcast_in_dim3A = vector.broadcast %jit3A_390 : f32 to vector<16xf32>
          %select_n3A_391 = arith.select %ge3A_389, %broadcast_in_dim3A, %add3A_384 : vector<16xi1>, vector<16xf32>
          %jit3A_392 = arith.constant 1.000000e+00 : f32
          %broadcast_in_dim3A_393 = vector.broadcast %jit3A_392 : f32 to vector<16xf32>
          %select_n3A_394 = arith.select %le3A_386, %broadcast_in_dim3A_393, %select_n3A_391 : vector<16xi1>, vector<16xf32>
          %lt3A_395 = arith.constant 1.000000e+01 : f32
          %lt3A_396 = vector.broadcast %lt3A_395 : f32 to vector<16xf32>
          %lt3A_397 = arith.cmpf olt, %mul3A_323, %lt3A_396 : vector<16xf32>
          %mul3A_398 = arith.constant 0.00999999977 : f32
          %mul3A_399 = vector.broadcast %mul3A_398 : f32 to vector<16xf32>
          %mul3A_400 = arith.mulf %mul3A_323, %mul3A_399 : vector<16xf32>
          %add3A_401 = arith.addf %mul3A_322, %mul3A_400 : vector<16xf32>
          %sub3A_402 = arith.constant 2.000000e-01 : f32
          %sub3A_403 = vector.broadcast %sub3A_402 : f32 to vector<16xf32>
          %sub3A_404 = arith.subf %add3A_401, %sub3A_403 : vector<16xf32>
          %jit3A_405 = arith.constant 0.000000e+00 : f32
          %broadcast_in_dim3A_406 = vector.broadcast %jit3A_405 : f32 to vector<16xf32>
          %select_n3A_407 = arith.select %lt3A_397, %sub3A_404, %broadcast_in_dim3A_406 : vector<16xi1>, vector<16xf32>
          %lt3A_408 = arith.constant 1.000000e+01 : f32
          %lt3A_409 = vector.broadcast %lt3A_408 : f32 to vector<16xf32>
          %lt3A_410 = arith.cmpf olt, %mul3A_362, %lt3A_409 : vector<16xf32>
          %mul3A_411 = arith.constant 0.00999999977 : f32
          %mul3A_412 = vector.broadcast %mul3A_411 : f32 to vector<16xf32>
          %mul3A_413 = arith.mulf %mul3A_362, %mul3A_412 : vector<16xf32>
          %add3A_414 = arith.addf %mul3A_361, %mul3A_413 : vector<16xf32>
          %sub3A_415 = arith.constant 2.000000e-01 : f32
          %sub3A_416 = vector.broadcast %sub3A_415 : f32 to vector<16xf32>
          %sub3A_417 = arith.subf %add3A_414, %sub3A_416 : vector<16xf32>
          %jit3A_418 = arith.constant 0.000000e+00 : f32
          %broadcast_in_dim3A_419 = vector.broadcast %jit3A_418 : f32 to vector<16xf32>
          %select_n3A_420 = arith.select %lt3A_410, %sub3A_417, %broadcast_in_dim3A_419 : vector<16xi1>, vector<16xf32>
          %mul3A_421 = arith.constant 7.19982242 : f32
          %mul3A_422 = vector.broadcast %mul3A_421 : f32 to vector<16xf32>
          %mul3A_423 = arith.mulf %mul3A_422, %get3A_258 : vector<16xf32>
          %mul3A_424 = arith.mulf %mul3A_423, %get3A_261 : vector<16xf32>
          %mul3A_425 = arith.mulf %select_n3A_394, %select_n3A_420 : vector<16xf32>
          %sub3A_426 = arith.constant 1.000000e+00 : f32
          %sub3A_427 = vector.broadcast %sub3A_426 : f32 to vector<16xf32>
          %sub3A_428 = arith.subf %sub3A_427, %select_n3A_394 : vector<16xf32>
          %mul3A_429 = arith.mulf %sub3A_428, %select_n3A_407 : vector<16xf32>
          %add3A_430 = arith.addf %mul3A_425, %mul3A_429 : vector<16xf32>
          %mul3A_431 = arith.mulf %mul3A_424, %add3A_430 : vector<16xf32>
          %mul3A_432 = arith.mulf %bitcast_convert_type3A_272, %bitcast_convert_type3A_279 : vector<16xf32>
          %mul3A_433 = arith.constant 1.73205078 : f32
          %mul3A_434 = vector.broadcast %mul3A_433 : f32 to vector<16xf32>
          %mul3A_435 = arith.mulf %mul3A_434, %bitcast_convert_type3A_275 : vector<16xf32>
          %mul3A_436 = arith.mulf %mul3A_435, %bitcast_convert_type3A_283 : vector<16xf32>
          %mul3A_437 = arith.mulf %mul3A_436, %mul3A_436 : vector<16xf32>
          %mul3A_438 = arith.constant 4.000000e-01 : f32
          %mul3A_439 = vector.broadcast %mul3A_438 : f32 to vector<16xf32>
          %mul3A_440 = arith.mulf %mul3A_439, %mul3A_436 : vector<16xf32>
          %add3A_441 = arith.constant 5.000000e+00 : f32
          %add3A_442 = vector.broadcast %add3A_441 : f32 to vector<16xf32>
          %add3A_443 = arith.addf %mul3A_440, %add3A_442 : vector<16xf32>
          %mul3A_444 = arith.mulf %add3A_443, %add3A_443 : vector<16xf32>
          %mul3A_445 = arith.mulf %mul3A_444, %mul3A_444 : vector<16xf32>
          %mul3A_446 = arith.mulf %mul3A_445, %mul3A_444 : vector<16xf32>
          %mul3A_447 = arith.mulf %mul3A_446, %mul3A_444 : vector<16xf32>
          %mul3A_448 = arith.mulf %add3A_288, %add3A_288 : vector<16xf32>
          %mul3A_449 = arith.mulf %mul3A_448, %add3A_288 : vector<16xf32>
          %mul3A_450 = arith.mulf %mul3A_449, %add3A_288 : vector<16xf32>
          %mul3A_451 = arith.constant 1.000000e+00 : f32
          %mul3A_452 = vector.broadcast %mul3A_451 : f32 to vector<16xf32>
          %mul3A_453 = arith.mulf %mul3A_452, %mul3A_432 : vector<16xf32>
          %add3A_454 = arith.addf %mul3A_449, %mul3A_446 : vector<16xf32>
          %div3A = arith.divf %mul3A_453, %add3A_454 : vector<16xf32>
          %mul3A_455 = arith.constant 1.200000e+00 : f32
          %mul3A_456 = vector.broadcast %mul3A_455 : f32 to vector<16xf32>
          %mul3A_457 = arith.mulf %mul3A_456, %mul3A_432 : vector<16xf32>
          %mul3A_458 = arith.mulf %mul3A_457, %mul3A_437 : vector<16xf32>
          %add3A_459 = arith.addf %mul3A_450, %mul3A_447 : vector<16xf32>
          %div3A_460 = arith.divf %mul3A_458, %add3A_459 : vector<16xf32>
          %add3A_461 = arith.addf %div3A, %div3A_460 : vector<16xf32>
          %mul3A_462 = arith.constant -5.000000e-01 : f32
          %mul3A_463 = vector.broadcast %mul3A_462 : f32 to vector<16xf32>
          %mul3A_464 = arith.mulf %mul3A_463, %add3A_461 : vector<16xf32>
          %add3A_465 = arith.addf %mul3A_431, %mul3A_464 : vector<16xf32>
          %swap3A = arith.index_cast %select_n3A_195 : i32 to index
          %swap3A_466 = arith.index_cast %mul3A_247 : i32 to index
          %swap3A_467 = tpu.vector_load %arg20[%swap3A, %swap3A_466] {strides = array<i32>} : memref<2x3200xf32, #tpu.memory_space<vmem>>, vector<16xf32>,
          tpu.vector_store %arg20[%swap3A, %swap3A_466], %add3A_465 {strides = array<i32>} : memref<2x3200xf32, #tpu.memory_space<vmem>>, vector<16xf32>,
          %scan3A_468 = arith.constant 0 : i32
          scf.yield %scan3A_468 : i32
        }
        %scan3A_202 = arith.constant 200 : i32
        %sub3A_203 = arith.constant 2 : i32
        %sub3A_204 = arith.subi %add3A_65, %sub3A_203 : i32
        %jit3A_205 = arith.constant 2 : i32
        %eq3A_206 = arith.constant 0 : i32
        %eq3A_207 = arith.cmpi eq, %jit3A_205, %eq3A_206 : i32
        %jit3A_208 = arith.constant 1 : i32
        %select_n3A_209 = arith.select %eq3A_207, %jit3A_208, %jit3A_205 : i32
        %rem3A_210 = arith.remsi %sub3A_204, %select_n3A_209 : i32
        %ne3A_211 = arith.constant 0 : i32
        %ne3A_212 = arith.cmpi ne, %rem3A_210, %ne3A_211 : i32
        %lt3A_213 = arith.constant 0 : i32
        %lt3A_214 = arith.cmpi slt, %rem3A_210, %lt3A_213 : i32
        %lt3A_215 = arith.constant 0 : i32
        %lt3A_216 = arith.cmpi slt, %select_n3A_209, %lt3A_215 : i32
        %ne3A_217 = arith.xori %lt3A_214, %lt3A_216 : i1
        %and3A_218 = arith.andi %ne3A_217, %ne3A_212 : i1
        %add3A_219 = arith.addi %rem3A_210, %select_n3A_209 : i32
        %select_n3A_220 = arith.select %and3A_218, %add3A_219, %rem3A_210 : i32
        %jit3A_221 = arith.constant 4 : i32
        %eq3A_222 = arith.constant 0 : i32
        %eq3A_223 = arith.cmpi eq, %jit3A_221, %eq3A_222 : i32
        %jit3A_224 = arith.constant 1 : i32
        %select_n3A_225 = arith.select %eq3A_223, %jit3A_224, %jit3A_221 : i32
        %rem3A_226 = arith.remsi %sub3A_204, %select_n3A_225 : i32
        %ne3A_227 = arith.constant 0 : i32
        %ne3A_228 = arith.cmpi ne, %rem3A_226, %ne3A_227 : i32
        %lt3A_229 = arith.constant 0 : i32
        %lt3A_230 = arith.cmpi slt, %rem3A_226, %lt3A_229 : i32
        %lt3A_231 = arith.constant 0 : i32
        %lt3A_232 = arith.cmpi slt, %select_n3A_225, %lt3A_231 : i32
        %ne3A_233 = arith.xori %lt3A_230, %lt3A_232 : i1
        %and3A_234 = arith.andi %ne3A_233, %ne3A_228 : i1
        %add3A_235 = arith.addi %rem3A_226, %select_n3A_225 : i32
        %select_n3A_236 = arith.select %and3A_234, %add3A_235, %rem3A_226 : i32
        %dma_start3A = arith.constant 0 : i32
        %dma_start3A_237 = tpu.memref_slice %arg20[%select_n3A_220, %dma_start3A] : memref<2x3200xf32, #tpu.memory_space<vmem>> -> memref<1x3200xf32, #tpu.memory_space<vmem>>
        %dma_start3A_238 = tpu.memref_squeeze %dma_start3A_237 : memref<1x3200xf32, #tpu.memory_space<vmem>> -> memref<3200xf32, #tpu.memory_space<vmem>>
        %dma_start3A_239 = arith.constant 0 : i32
        %dma_start3A_240 = tpu.memref_slice %arg14[%select_n3A_236, %dma_start3A_239] : memref<4x3200xi32, #tpu.memory_space<vmem>> -> memref<1x3200xi32, #tpu.memory_space<vmem>>
        %dma_start3A_241 = tpu.memref_squeeze %dma_start3A_240 : memref<1x3200xi32, #tpu.memory_space<vmem>> -> memref<3200xi32, #tpu.memory_space<vmem>>
        %dma_start3A_242 = arith.constant 0 : i32
        %dma_start3A_243 = tpu.memref_slice %arg21[%dma_start3A_242] : memref<100096xf32, #tpu.memory_space<vmem_shared>> -> memref<100096xf32, #tpu.memory_space<vmem_shared>>
        tpu.enqueue_indirect_dma source(%dma_start3A_238 : memref<3200xf32, #tpu.memory_space<vmem>>) target(%dma_start3A_243 : memref<100096xf32, #tpu.memory_space<vmem_shared>>) offsets(%dma_start3A_241 : memref<3200xi32, #tpu.memory_space<vmem>>) semaphore(%arg27 : memref<!tpu.dma_semaphore, #tpu.memory_space<semaphore_mem>>) {add = true}
      } else {
      }
      %lt3A_105 = arith.constant 63 : i32
      %lt3A_106 = arith.cmpi slt, %add3A_65, %lt3A_105 : i32
      %mul3A_107 = arith.constant 32 : i32
      %mul3A_108 = arith.muli %add3A_65, %mul3A_107 : i32
      %add3A_109 = arith.addi %mul3A_108, %add3A : i32
      %lt3A_110 = arith.constant 2000 : i32
      %lt3A_111 = arith.cmpi slt, %add3A_109, %lt3A_110 : i32
      %and3A_112 = arith.andi %lt3A_106, %lt3A_111 : i1
      %convert_element_type3A_113 = arith.extui %and3A_112 : i1 to i32
      %cond3A_114 = arith.constant 0 : i32
      %cond3A_115 = arith.cmpi ne, %convert_element_type3A_113, %cond3A_114 : i32
      scf.if %cond3A_115 {
        %jit3A = arith.constant 2 : i32
        %eq3A_117 = arith.constant 0 : i32
        %eq3A_118 = arith.cmpi eq, %jit3A, %eq3A_117 : i32
        %jit3A_119 = arith.constant 1 : i32
        %select_n3A = arith.select %eq3A_118, %jit3A_119, %jit3A : i32
        %rem3A = arith.remsi %add3A_65, %select_n3A : i32
        %ne3A = arith.constant 0 : i32
        %ne3A_120 = arith.cmpi ne, %rem3A, %ne3A : i32
        %lt3A_121 = arith.constant 0 : i32
        %lt3A_122 = arith.cmpi slt, %rem3A, %lt3A_121 : i32
        %lt3A_123 = arith.constant 0 : i32
        %lt3A_124 = arith.cmpi slt, %select_n3A, %lt3A_123 : i32
        %ne3A_125 = arith.xori %lt3A_122, %lt3A_124 : i1
        %and3A_126 = arith.andi %ne3A_125, %ne3A_120 : i1
        %add3A_127 = arith.addi %rem3A, %select_n3A : i32
        %select_n3A_128 = arith.select %and3A_126, %add3A_127, %rem3A : i32
        %jit3A_129 = arith.constant 4 : i32
        %eq3A_130 = arith.constant 0 : i32
        %eq3A_131 = arith.cmpi eq, %jit3A_129, %eq3A_130 : i32
        %jit3A_132 = arith.constant 1 : i32
        %select_n3A_133 = arith.select %eq3A_131, %jit3A_132, %jit3A_129 : i32
        %rem3A_134 = arith.remsi %add3A_65, %select_n3A_133 : i32
        %ne3A_135 = arith.constant 0 : i32
        %ne3A_136 = arith.cmpi ne, %rem3A_134, %ne3A_135 : i32
        %lt3A_137 = arith.constant 0 : i32
        %lt3A_138 = arith.cmpi slt, %rem3A_134, %lt3A_137 : i32
        %lt3A_139 = arith.constant 0 : i32
        %lt3A_140 = arith.cmpi slt, %select_n3A_133, %lt3A_139 : i32
        %ne3A_141 = arith.xori %lt3A_138, %lt3A_140 : i1
        %and3A_142 = arith.andi %ne3A_141, %ne3A_136 : i1
        %add3A_143 = arith.addi %rem3A_134, %select_n3A_133 : i32
        %select_n3A_144 = arith.select %and3A_142, %add3A_143, %rem3A_134 : i32
        %mul3A_145 = arith.constant 32 : i32
        %mul3A_146 = arith.muli %add3A_65, %mul3A_145 : i32
        %mul3A_147 = arith.constant 3200 : i32
        %mul3A_148 = arith.muli %mul3A_146, %mul3A_147 : i32
        %mul3A_149 = arith.constant 3200 : i32
        %mul3A_150 = arith.muli %add3A, %mul3A_149 : i32
        %add3A_151 = arith.addi %mul3A_148, %mul3A_150 : i32
        %dma_start3A = arith.constant 0 : i32
        %dma_start3A_152 = tpu.memref_slice %arg11[%select_n3A_128, %dma_start3A] : memref<2x3200xf32, #tpu.memory_space<vmem>> -> memref<1x3200xf32, #tpu.memory_space<vmem>>
        %dma_start3A_153 = tpu.memref_squeeze %dma_start3A_152 : memref<1x3200xf32, #tpu.memory_space<vmem>> -> memref<3200xf32, #tpu.memory_space<vmem>>
        %dma_start3A_154 = tpu.memref_slice %arg4[%add3A_151] : memref<6400000xf32, #tpu.memory_space<hbm>> -> memref<3200xf32, #tpu.memory_space<hbm>>
        %dma_start3A_155 = arith.constant 0 : i32
        %dma_start3A_156 = tpu.memref_slice %arg11[%select_n3A_128, %dma_start3A_155] : memref<2x3200xf32, #tpu.memory_space<vmem>> -> memref<1x3200xf32, #tpu.memory_space<vmem>>
        %dma_start3A_157 = tpu.memref_squeeze %dma_start3A_156 : memref<1x3200xf32, #tpu.memory_space<vmem>> -> memref<3200xf32, #tpu.memory_space<vmem>>
        %dma_start3A_158 = tpu.memref_slice %arg4[%add3A_151] : memref<6400000xf32, #tpu.memory_space<hbm>> -> memref<3200xf32, #tpu.memory_space<hbm>>
        tpu.enqueue_dma source(%dma_start3A_158 : memref<3200xf32, #tpu.memory_space<hbm>>) target(%dma_start3A_157 : memref<3200xf32, #tpu.memory_space<vmem>>) target_semaphore(%arg23 : memref<!tpu.dma_semaphore, #tpu.memory_space<semaphore_mem>>)
        %dma_start3A_159 = arith.constant 0 : i32
        %dma_start3A_160 = tpu.memref_slice %arg12[%select_n3A_128, %dma_start3A_159] : memref<2x3200xf32, #tpu.memory_space<vmem>> -> memref<1x3200xf32, #tpu.memory_space<vmem>>
        %dma_start3A_161 = tpu.memref_squeeze %dma_start3A_160 : memref<1x3200xf32, #tpu.memory_space<vmem>> -> memref<3200xf32, #tpu.memory_space<vmem>>
        %dma_start3A_162 = tpu.memref_slice %arg5[%add3A_151] : memref<6400000xf32, #tpu.memory_space<hbm>> -> memref<3200xf32, #tpu.memory_space<hbm>>
        %dma_start3A_163 = arith.constant 0 : i32
        %dma_start3A_164 = tpu.memref_slice %arg12[%select_n3A_128, %dma_start3A_163] : memref<2x3200xf32, #tpu.memory_space<vmem>> -> memref<1x3200xf32, #tpu.memory_space<vmem>>
        %dma_start3A_165 = tpu.memref_squeeze %dma_start3A_164 : memref<1x3200xf32, #tpu.memory_space<vmem>> -> memref<3200xf32, #tpu.memory_space<vmem>>
        %dma_start3A_166 = tpu.memref_slice %arg5[%add3A_151] : memref<6400000xf32, #tpu.memory_space<hbm>> -> memref<3200xf32, #tpu.memory_space<hbm>>
        tpu.enqueue_dma source(%dma_start3A_166 : memref<3200xf32, #tpu.memory_space<hbm>>) target(%dma_start3A_165 : memref<3200xf32, #tpu.memory_space<vmem>>) target_semaphore(%arg23 : memref<!tpu.dma_semaphore, #tpu.memory_space<semaphore_mem>>)
        %dma_start3A_167 = arith.constant 0 : i32
        %dma_start3A_168 = tpu.memref_slice %arg13[%select_n3A_128, %dma_start3A_167] : memref<2x3200xf32, #tpu.memory_space<vmem>> -> memref<1x3200xf32, #tpu.memory_space<vmem>>
        %dma_start3A_169 = tpu.memref_squeeze %dma_start3A_168 : memref<1x3200xf32, #tpu.memory_space<vmem>> -> memref<3200xf32, #tpu.memory_space<vmem>>
        %dma_start3A_170 = tpu.memref_slice %arg6[%add3A_151] : memref<6400000xf32, #tpu.memory_space<hbm>> -> memref<3200xf32, #tpu.memory_space<hbm>>
        %dma_start3A_171 = arith.constant 0 : i32
        %dma_start3A_172 = tpu.memref_slice %arg13[%select_n3A_128, %dma_start3A_171] : memref<2x3200xf32, #tpu.memory_space<vmem>> -> memref<1x3200xf32, #tpu.memory_space<vmem>>
        %dma_start3A_173 = tpu.memref_squeeze %dma_start3A_172 : memref<1x3200xf32, #tpu.memory_space<vmem>> -> memref<3200xf32, #tpu.memory_space<vmem>>
        %dma_start3A_174 = tpu.memref_slice %arg6[%add3A_151] : memref<6400000xf32, #tpu.memory_space<hbm>> -> memref<3200xf32, #tpu.memory_space<hbm>>
        tpu.enqueue_dma source(%dma_start3A_174 : memref<3200xf32, #tpu.memory_space<hbm>>) target(%dma_start3A_173 : memref<3200xf32, #tpu.memory_space<vmem>>) target_semaphore(%arg23 : memref<!tpu.dma_semaphore, #tpu.memory_space<semaphore_mem>>)
        %dma_start3A_175 = arith.constant 0 : i32
        %dma_start3A_176 = tpu.memref_slice %arg14[%select_n3A_144, %dma_start3A_175] : memref<4x3200xi32, #tpu.memory_space<vmem>> -> memref<1x3200xi32, #tpu.memory_space<vmem>>
        %dma_start3A_177 = tpu.memref_squeeze %dma_start3A_176 : memref<1x3200xi32, #tpu.memory_space<vmem>> -> memref<3200xi32, #tpu.memory_space<vmem>>
        %dma_start3A_178 = tpu.memref_slice %arg7[%add3A_151] : memref<6400000xi32, #tpu.memory_space<hbm>> -> memref<3200xi32, #tpu.memory_space<hbm>>
        %dma_start3A_179 = arith.constant 0 : i32
        %dma_start3A_180 = tpu.memref_slice %arg14[%select_n3A_144, %dma_start3A_179] : memref<4x3200xi32, #tpu.memory_space<vmem>> -> memref<1x3200xi32, #tpu.memory_space<vmem>>
        %dma_start3A_181 = tpu.memref_squeeze %dma_start3A_180 : memref<1x3200xi32, #tpu.memory_space<vmem>> -> memref<3200xi32, #tpu.memory_space<vmem>>
        %dma_start3A_182 = tpu.memref_slice %arg7[%add3A_151] : memref<6400000xi32, #tpu.memory_space<hbm>> -> memref<3200xi32, #tpu.memory_space<hbm>>
        tpu.enqueue_dma source(%dma_start3A_182 : memref<3200xi32, #tpu.memory_space<hbm>>) target(%dma_start3A_181 : memref<3200xi32, #tpu.memory_space<vmem>>) target_semaphore(%arg23 : memref<!tpu.dma_semaphore, #tpu.memory_space<semaphore_mem>>)
        %dma_start3A_183 = arith.constant 0 : i32
        %dma_start3A_184 = tpu.memref_slice %arg15[%select_n3A_128, %dma_start3A_183] : memref<2x3200xi32, #tpu.memory_space<vmem>> -> memref<1x3200xi32, #tpu.memory_space<vmem>>
        %dma_start3A_185 = tpu.memref_squeeze %dma_start3A_184 : memref<1x3200xi32, #tpu.memory_space<vmem>> -> memref<3200xi32, #tpu.memory_space<vmem>>
        %dma_start3A_186 = tpu.memref_slice %arg8[%add3A_151] : memref<6400000xi32, #tpu.memory_space<hbm>> -> memref<3200xi32, #tpu.memory_space<hbm>>
        %dma_start3A_187 = arith.constant 0 : i32
        %dma_start3A_188 = tpu.memref_slice %arg15[%select_n3A_128, %dma_start3A_187] : memref<2x3200xi32, #tpu.memory_space<vmem>> -> memref<1x3200xi32, #tpu.memory_space<vmem>>
        %dma_start3A_189 = tpu.memref_squeeze %dma_start3A_188 : memref<1x3200xi32, #tpu.memory_space<vmem>> -> memref<3200xi32, #tpu.memory_space<vmem>>
        %dma_start3A_190 = tpu.memref_slice %arg8[%add3A_151] : memref<6400000xi32, #tpu.memory_space<hbm>> -> memref<3200xi32, #tpu.memory_space<hbm>>
        tpu.enqueue_dma source(%dma_start3A_190 : memref<3200xi32, #tpu.memory_space<hbm>>) target(%dma_start3A_189 : memref<3200xi32, #tpu.memory_space<vmem>>) target_semaphore(%arg23 : memref<!tpu.dma_semaphore, #tpu.memory_space<semaphore_mem>>)
      } else {
      }
      %scan3A_116 = arith.constant 0 : i32
      scf.yield %scan3A_116 : i32
    }
    %scan3A_8 = arith.constant 34 : i32
    %barrier3A_9 = arith.constant 0 : index
    tpu.barrier barrier_id(%barrier3A_9)
    %mul3A_10 = arith.constant 6256 : i32
    %mul3A_11 = arith.muli %arg1, %mul3A_10 : i32
    %mul3A_12 = arith.constant 6256 : i32
    %mul3A_13 = arith.muli %arg1, %mul3A_12 : i32
    "tpu.region"() ({
      %run_scoped3A = tpu.sem_alloc : memref<!tpu.dma_semaphore, #tpu.memory_space<semaphore_mem>>
      %dma_start3A = tpu.memref_slice %arg10[%arg0, %mul3A_13] : memref<2x100096xf32, #tpu.memory_space<hbm>> -> memref<1x6256xf32, #tpu.memory_space<hbm>>
      %dma_start3A_14 = tpu.memref_squeeze %dma_start3A : memref<1x6256xf32, #tpu.memory_space<hbm>> -> memref<6256xf32, #tpu.memory_space<hbm>>
      %dma_start3A_15 = tpu.memref_slice %arg21[%mul3A_11] : memref<100096xf32, #tpu.memory_space<vmem_shared>> -> memref<6256xf32, #tpu.memory_space<vmem_shared>>
      tpu.enqueue_dma source(%dma_start3A_15 : memref<6256xf32, #tpu.memory_space<vmem_shared>>) target(%dma_start3A_14 : memref<6256xf32, #tpu.memory_space<hbm>>) target_semaphore(%run_scoped3A : memref<!tpu.dma_semaphore, #tpu.memory_space<semaphore_mem>>)
      %dma_wait3A = tpu.memref_slice %arg10[%arg0, %mul3A_13] : memref<2x100096xf32, #tpu.memory_space<hbm>> -> memref<1x6256xf32, #tpu.memory_space<hbm>>
      %dma_wait3A_16 = tpu.memref_squeeze %dma_wait3A : memref<1x6256xf32, #tpu.memory_space<hbm>> -> memref<6256xf32, #tpu.memory_space<hbm>>
      %dma_wait3A_17 = tpu.memref_slice %arg21[%mul3A_11] : memref<100096xf32, #tpu.memory_space<vmem_shared>> -> memref<6256xf32, #tpu.memory_space<vmem_shared>>
      tpu.wait_dma2 semaphore(%run_scoped3A : memref<!tpu.dma_semaphore, #tpu.memory_space<semaphore_mem>>) src(%dma_wait3A_17 : memref<6256xf32, #tpu.memory_space<vmem_shared>>) dst(%dma_wait3A_16 : memref<6256xf32, #tpu.memory_space<hbm>>)
      tpu.yield
    }) : () -> ()
    return
  }
}

#map = affine_map<(d0, d1) -> (0)>
#map1 = affine_map<(d0, d1) -> (0, 0)>
module attributes {stable_mosaic.version = 14 : i64} {
  func.func @atom_kernel(%arg0: i32, %arg1: i32, %arg2: memref<100352xf32, #tpu.memory_space<hbm>>, %arg3: memref<100352xi32, #tpu.memory_space<hbm>>, %arg4: memref<100352xi32, #tpu.memory_space<hbm>>, %arg5: memref<96xf32, #tpu.memory_space<hbm>>, %arg6: memref<96xf32, #tpu.memory_space<hbm>>, %arg7: memref<8x128xi32, #tpu.memory_space<hbm>>, %arg8: memref<100352xf32, #tpu.memory_space<hbm>>, %arg9: memref<100352xf32, #tpu.memory_space<hbm>>, %arg10: memref<1024xf32, #tpu.memory_space<vmem>>, %arg11: memref<6272xi32, #tpu.memory_space<vmem>>, %arg12: memref<6272xf32, #tpu.memory_space<vmem>>, %arg13: memref<96xf32, #tpu.memory_space<vmem>>, %arg14: memref<96xf32, #tpu.memory_space<vmem>>, %arg15: memref<8x128xi32, #tpu.memory_space<vmem>>, %arg16: memref<1024xf32, #tpu.memory_space<vmem>>, %arg17: memref<32xf32, #tpu.memory_space<vmem>>, %arg18: memref<3136xi32, #tpu.memory_space<vmem>>, %arg19: memref<3136xf32, #tpu.memory_space<vmem>>, %arg20: memref<3136xi32, #tpu.memory_space<vmem>>, %arg21: memref<3136xf32, #tpu.memory_space<vmem>>, %arg22: memref<3136xf32, #tpu.memory_space<vmem>>, %arg23: memref<1024xf32, #tpu.memory_space<vmem_shared>>) attributes {dimension_semantics = [#tpu.dimension_semantics<core_parallel>, #tpu.dimension_semantics<subcore_parallel>], iteration_bounds = array<i64: 2, 16>, scalar_prefetch = 0 : i64, scratch_operands = 14 : i64, tpu.core_type = #tpu.core_type<sc_vector_subcore>, window_params = [{transform_indices = #map}, {transform_indices = #map}, {transform_indices = #map}, {transform_indices = #map}, {transform_indices = #map}, {transform_indices = #map1}, {transform_indices = #map}, {transform_indices = #map}]} {
    %mul3A = arith.constant 2 : i32
    %mul3A_0 = arith.muli %arg1, %mul3A : i32
    %add3A = arith.addi %mul3A_0, %arg0 : i32
    %iota3A = tpu.iota {dimensions = array<i32: 0>} : vector<16xi32>
    %broadcast_in_dim3A = arith.constant 0.000000e+00 : f32
    %broadcast_in_dim3A_1 = vector.broadcast %broadcast_in_dim3A : f32 to vector<16xf32>
    %mul3A_2 = arith.constant 6272 : i32
    %mul3A_3 = arith.muli %arg1, %mul3A_2 : i32
    "tpu.region"() ({
      %run_scoped3A_760 = tpu.sem_alloc : memref<!tpu.dma_semaphore, #tpu.memory_space<semaphore_mem>>
      %dma_start3A = tpu.memref_slice %arg3[%mul3A_3] : memref<100352xi32, #tpu.memory_space<hbm>> -> memref<6272xi32, #tpu.memory_space<hbm>>
      %dma_start3A_761 = tpu.memref_slice %arg3[%mul3A_3] : memref<100352xi32, #tpu.memory_space<hbm>> -> memref<6272xi32, #tpu.memory_space<hbm>>
      tpu.enqueue_dma source(%dma_start3A_761 : memref<6272xi32, #tpu.memory_space<hbm>>) target(%arg11 : memref<6272xi32, #tpu.memory_space<vmem>>) target_semaphore(%run_scoped3A_760 : memref<!tpu.dma_semaphore, #tpu.memory_space<semaphore_mem>>)
      %dma_wait3A = tpu.memref_slice %arg3[%mul3A_3] : memref<100352xi32, #tpu.memory_space<hbm>> -> memref<6272xi32, #tpu.memory_space<hbm>>
      %dma_wait3A_762 = tpu.memref_slice %arg3[%mul3A_3] : memref<100352xi32, #tpu.memory_space<hbm>> -> memref<6272xi32, #tpu.memory_space<hbm>>
      tpu.wait_dma2 semaphore(%run_scoped3A_760 : memref<!tpu.dma_semaphore, #tpu.memory_space<semaphore_mem>>) src(%dma_wait3A_762 : memref<6272xi32, #tpu.memory_space<hbm>>) dst(%arg11 : memref<6272xi32, #tpu.memory_space<vmem>>)
      tpu.yield
    }) : () -> ()
    %mul3A_4 = arith.constant 6272 : i32
    %mul3A_5 = arith.muli %arg1, %mul3A_4 : i32
    "tpu.region"() ({
      %run_scoped3A_760 = tpu.sem_alloc : memref<!tpu.dma_semaphore, #tpu.memory_space<semaphore_mem>>
      %dma_start3A = tpu.memref_slice %arg2[%mul3A_5] : memref<100352xf32, #tpu.memory_space<hbm>> -> memref<6272xf32, #tpu.memory_space<hbm>>
      %dma_start3A_761 = tpu.memref_slice %arg2[%mul3A_5] : memref<100352xf32, #tpu.memory_space<hbm>> -> memref<6272xf32, #tpu.memory_space<hbm>>
      tpu.enqueue_dma source(%dma_start3A_761 : memref<6272xf32, #tpu.memory_space<hbm>>) target(%arg12 : memref<6272xf32, #tpu.memory_space<vmem>>) target_semaphore(%run_scoped3A_760 : memref<!tpu.dma_semaphore, #tpu.memory_space<semaphore_mem>>)
      %dma_wait3A = tpu.memref_slice %arg2[%mul3A_5] : memref<100352xf32, #tpu.memory_space<hbm>> -> memref<6272xf32, #tpu.memory_space<hbm>>
      %dma_wait3A_762 = tpu.memref_slice %arg2[%mul3A_5] : memref<100352xf32, #tpu.memory_space<hbm>> -> memref<6272xf32, #tpu.memory_space<hbm>>
      tpu.wait_dma2 semaphore(%run_scoped3A_760 : memref<!tpu.dma_semaphore, #tpu.memory_space<semaphore_mem>>) src(%dma_wait3A_762 : memref<6272xf32, #tpu.memory_space<hbm>>) dst(%arg12 : memref<6272xf32, #tpu.memory_space<vmem>>)
      tpu.yield
    }) : () -> ()
    "tpu.region"() ({
      %run_scoped3A_760 = tpu.sem_alloc : memref<!tpu.dma_semaphore, #tpu.memory_space<semaphore_mem>>
      tpu.enqueue_dma source(%arg7 : memref<8x128xi32, #tpu.memory_space<hbm>>) target(%arg15 : memref<8x128xi32, #tpu.memory_space<vmem>>) target_semaphore(%run_scoped3A_760 : memref<!tpu.dma_semaphore, #tpu.memory_space<semaphore_mem>>)
      tpu.wait_dma2 semaphore(%run_scoped3A_760 : memref<!tpu.dma_semaphore, #tpu.memory_space<semaphore_mem>>) src(%arg7 : memref<8x128xi32, #tpu.memory_space<hbm>>) dst(%arg15 : memref<8x128xi32, #tpu.memory_space<vmem>>)
      tpu.yield
    }) : () -> ()
    "tpu.region"() ({
      %run_scoped3A_760 = tpu.sem_alloc : memref<!tpu.dma_semaphore, #tpu.memory_space<semaphore_mem>>
      tpu.enqueue_dma source(%arg5 : memref<96xf32, #tpu.memory_space<hbm>>) target(%arg13 : memref<96xf32, #tpu.memory_space<vmem>>) target_semaphore(%run_scoped3A_760 : memref<!tpu.dma_semaphore, #tpu.memory_space<semaphore_mem>>)
      tpu.wait_dma2 semaphore(%run_scoped3A_760 : memref<!tpu.dma_semaphore, #tpu.memory_space<semaphore_mem>>) src(%arg5 : memref<96xf32, #tpu.memory_space<hbm>>) dst(%arg13 : memref<96xf32, #tpu.memory_space<vmem>>)
      tpu.yield
    }) : () -> ()
    "tpu.region"() ({
      %run_scoped3A_760 = tpu.sem_alloc : memref<!tpu.dma_semaphore, #tpu.memory_space<semaphore_mem>>
      tpu.enqueue_dma source(%arg6 : memref<96xf32, #tpu.memory_space<hbm>>) target(%arg14 : memref<96xf32, #tpu.memory_space<vmem>>) target_semaphore(%run_scoped3A_760 : memref<!tpu.dma_semaphore, #tpu.memory_space<semaphore_mem>>)
      tpu.wait_dma2 semaphore(%run_scoped3A_760 : memref<!tpu.dma_semaphore, #tpu.memory_space<semaphore_mem>>) src(%arg6 : memref<96xf32, #tpu.memory_space<hbm>>) dst(%arg14 : memref<96xf32, #tpu.memory_space<vmem>>)
      tpu.yield
    }) : () -> ()
    %scan3A = arith.constant 0 : i32
    %scan3A_6 = arith.constant 0 : i32
    %scan3A_7 = arith.constant 64 : i32
    %scan3A_8 = arith.addi %scan3A_6, %scan3A_7 : i32
    %scan3A_9 = arith.constant 1 : i32
    %scan3A_10 = scf.for %scan3A_760 = %scan3A_6 to %scan3A_8 step %scan3A_9 iter_args(%scan3A_761 = %scan3A) -> (i32)  : i32 {
      %mul3A_762 = arith.constant 16 : i32
      %mul3A_763 = arith.muli %scan3A_760, %mul3A_762 : i32
      %swap3A_764 = arith.index_cast %mul3A_763 : i32 to index
      %swap3A_765 = tpu.vector_load %arg10[%swap3A_764] {strides = array<i32>} : memref<1024xf32, #tpu.memory_space<vmem>>, vector<16xf32>,
      tpu.vector_store %arg10[%swap3A_764], %broadcast_in_dim3A_1 {strides = array<i32>} : memref<1024xf32, #tpu.memory_space<vmem>>, vector<16xf32>,
      %scan3A_766 = arith.constant 0 : i32
      scf.yield %scan3A_766 : i32
    }
    %scan3A_11 = arith.constant 64 : i32
    %eq3A = arith.constant 0 : i32
    %eq3A_12 = arith.cmpi eq, %arg1, %eq3A : i32
    %convert_element_type3A = arith.extui %eq3A_12 : i1 to i32
    %cond3A = arith.constant 0 : i32
    %cond3A_13 = arith.cmpi ne, %convert_element_type3A, %cond3A : i32
    scf.if %cond3A_13 {
      "tpu.region"() ({
        %run_scoped3A_760 = tpu.sem_alloc : memref<!tpu.dma_semaphore, #tpu.memory_space<semaphore_mem>>
        tpu.enqueue_dma source(%arg10 : memref<1024xf32, #tpu.memory_space<vmem>>) target(%arg23 : memref<1024xf32, #tpu.memory_space<vmem_shared>>) target_semaphore(%run_scoped3A_760 : memref<!tpu.dma_semaphore, #tpu.memory_space<semaphore_mem>>)
        tpu.wait_dma2 semaphore(%run_scoped3A_760 : memref<!tpu.dma_semaphore, #tpu.memory_space<semaphore_mem>>) src(%arg10 : memref<1024xf32, #tpu.memory_space<vmem>>) dst(%arg23 : memref<1024xf32, #tpu.memory_space<vmem_shared>>)
        tpu.yield
      }) : () -> ()
    } else {
    }
    %barrier3A = arith.constant 0 : index
    tpu.barrier barrier_id(%barrier3A)
    %get3A = arith.constant 0 : index
    %get3A_14 = tpu.vector_load %arg11[%get3A] {strides = array<i32>} : memref<6272xi32, #tpu.memory_space<vmem>>, vector<16xi32>,
    %slice3A = vector.extract_strided_slice %get3A_14 {offsets = [0], sizes = [1], strides = [1]} : vector<16xi32> to vector<1xi32>
    %squeeze3A = vector.extract %slice3A[0] : i32 from vector<1xi32>
    %get3A_15 = arith.constant 6256 : index
    %get3A_16 = tpu.vector_load %arg11[%get3A_15] {strides = array<i32>} : memref<6272xi32, #tpu.memory_space<vmem>>, vector<16xi32>,
    %slice3A_17 = vector.extract_strided_slice %get3A_16 {offsets = [15], sizes = [1], strides = [1]} : vector<16xi32> to vector<1xi32>
    %squeeze3A_18 = vector.extract %slice3A_17[0] : i32 from vector<1xi32>
    %add3A_19 = arith.constant 1 : i32
    %add3A_20 = arith.addi %squeeze3A_18, %add3A_19 : i32
    %while3A = arith.constant 0 : i32
    %while3A_21 = arith.subi %add3A_20, %squeeze3A : i32
    %while3A_22 = arith.addi %squeeze3A, %while3A_21 : i32
    %while3A_23 = arith.constant 1 : i32
    %while3A_24 = arith.divsi %while3A_21, %while3A_23 : i32
    %while3A_25 = arith.muli %while3A_24, %while3A_23 : i32
    %while3A_26 = arith.addi %squeeze3A, %while3A_25 : i32
    %while3A_27 = arith.constant 1 : i32
    %while3A_28 = scf.for %while3A_760 = %squeeze3A to %while3A_26 step %while3A_27 iter_args(%while3A_761 = %while3A) -> (i32)  : i32 {
      %scan3A_762 = arith.constant 0 : i32
      %scan3A_763 = arith.constant 392 : i32
      %scan3A_764 = arith.addi %scan3A_762, %scan3A_763 : i32
      %scan3A_765 = arith.constant 1 : i32
      %scan3A_766:2 = scf.for %scan3A_779 = %scan3A_762 to %scan3A_764 step %scan3A_765 iter_args(%scan3A_780 = %broadcast_in_dim3A_1, %scan3A_781 = %broadcast_in_dim3A_1) -> (vector<16xf32>, vector<16xf32>)  : i32 {
        %mul3A_782 = arith.constant 16 : i32
        %mul3A_783 = arith.muli %scan3A_779, %mul3A_782 : i32
        %get3A_784 = arith.index_cast %mul3A_783 : i32 to index
        %get3A_785 = tpu.vector_load %arg11[%get3A_784] {strides = array<i32>} : memref<6272xi32, #tpu.memory_space<vmem>>, vector<16xi32>,
        %mul3A_786 = arith.constant 16 : i32
        %mul3A_787 = arith.muli %scan3A_779, %mul3A_786 : i32
        %get3A_788 = arith.index_cast %mul3A_787 : i32 to index
        %get3A_789 = tpu.vector_load %arg12[%get3A_788] {strides = array<i32>} : memref<6272xf32, #tpu.memory_space<vmem>>, vector<16xf32>,
        %eq3A_790 = vector.broadcast %while3A_760 : i32 to vector<16xi32>
        %eq3A_791 = arith.cmpi eq, %get3A_785, %eq3A_790 : vector<16xi32>
        %neg3A = arith.constant 0.000000e+00 : f32
        %neg3A_792 = vector.broadcast %neg3A : f32 to vector<16xf32>
        %neg3A_793 = arith.subf %neg3A_792, %get3A_789 : vector<16xf32>
        %jit3A = arith.constant 0.000000e+00 : f32
        %broadcast_in_dim3A_794 = vector.broadcast %jit3A : f32 to vector<16xf32>
        %select_n3A = arith.select %eq3A_791, %neg3A_793, %broadcast_in_dim3A_794 : vector<16xi1>, vector<16xf32>
        %add3A_795 = arith.addf %scan3A_780, %select_n3A : vector<16xf32>
        %jit3A_796 = arith.constant 1.000000e+00 : f32
        %jit3A_797 = arith.constant 0.000000e+00 : f32
        %broadcast_in_dim3A_798 = vector.broadcast %jit3A_796 : f32 to vector<16xf32>
        %broadcast_in_dim3A_799 = vector.broadcast %jit3A_797 : f32 to vector<16xf32>
        %select_n3A_800 = arith.select %eq3A_791, %broadcast_in_dim3A_798, %broadcast_in_dim3A_799 : vector<16xi1>, vector<16xf32>
        %add3A_801 = arith.addf %scan3A_781, %select_n3A_800 : vector<16xf32>
        scf.yield %add3A_795, %add3A_801 : vector<16xf32>, vector<16xf32>
      }
      %scan3A_767 = arith.constant 392 : i32
      %mul3A_768 = arith.constant 16 : i32
      %mul3A_769 = arith.muli %while3A_760, %mul3A_768 : i32
      %swap3A_770 = arith.index_cast %mul3A_769 : i32 to index
      %swap3A_771 = tpu.vector_load %arg10[%swap3A_770] {strides = array<i32>} : memref<1024xf32, #tpu.memory_space<vmem>>, vector<16xf32>,
      tpu.vector_store %arg10[%swap3A_770], %scan3A_766#0 {add = true, strides = array<i32>} : memref<1024xf32, #tpu.memory_space<vmem>>, vector<16xf32>,
      %mul3A_772 = arith.constant 16 : i32
      %mul3A_773 = arith.muli %while3A_760, %mul3A_772 : i32
      %add3A_774 = arith.constant 512 : i32
      %add3A_775 = arith.addi %add3A_774, %mul3A_773 : i32
      %swap3A_776 = arith.index_cast %add3A_775 : i32 to index
      %swap3A_777 = tpu.vector_load %arg10[%swap3A_776] {strides = array<i32>} : memref<1024xf32, #tpu.memory_space<vmem>>, vector<16xf32>,
      tpu.vector_store %arg10[%swap3A_776], %scan3A_766#1 {add = true, strides = array<i32>} : memref<1024xf32, #tpu.memory_space<vmem>>, vector<16xf32>,
      %while3A_778 = arith.constant 0 : i32
      scf.yield %while3A_778 : i32
    }
    %while3A_29 = arith.constant 1 : i32
    %while3A_30 = scf.for %while3A_760 = %while3A_26 to %while3A_22 step %while3A_29 iter_args(%while3A_761 = %while3A_28) -> (i32)  : i32 {
      %scan3A_762 = arith.constant 0 : i32
      %scan3A_763 = arith.constant 392 : i32
      %scan3A_764 = arith.addi %scan3A_762, %scan3A_763 : i32
      %scan3A_765 = arith.constant 1 : i32
      %scan3A_766:2 = scf.for %scan3A_779 = %scan3A_762 to %scan3A_764 step %scan3A_765 iter_args(%scan3A_780 = %broadcast_in_dim3A_1, %scan3A_781 = %broadcast_in_dim3A_1) -> (vector<16xf32>, vector<16xf32>)  : i32 {
        %mul3A_782 = arith.constant 16 : i32
        %mul3A_783 = arith.muli %scan3A_779, %mul3A_782 : i32
        %get3A_784 = arith.index_cast %mul3A_783 : i32 to index
        %get3A_785 = tpu.vector_load %arg11[%get3A_784] {strides = array<i32>} : memref<6272xi32, #tpu.memory_space<vmem>>, vector<16xi32>,
        %mul3A_786 = arith.constant 16 : i32
        %mul3A_787 = arith.muli %scan3A_779, %mul3A_786 : i32
        %get3A_788 = arith.index_cast %mul3A_787 : i32 to index
        %get3A_789 = tpu.vector_load %arg12[%get3A_788] {strides = array<i32>} : memref<6272xf32, #tpu.memory_space<vmem>>, vector<16xf32>,
        %eq3A_790 = vector.broadcast %while3A_760 : i32 to vector<16xi32>
        %eq3A_791 = arith.cmpi eq, %get3A_785, %eq3A_790 : vector<16xi32>
        %neg3A = arith.constant 0.000000e+00 : f32
        %neg3A_792 = vector.broadcast %neg3A : f32 to vector<16xf32>
        %neg3A_793 = arith.subf %neg3A_792, %get3A_789 : vector<16xf32>
        %jit3A = arith.constant 0.000000e+00 : f32
        %broadcast_in_dim3A_794 = vector.broadcast %jit3A : f32 to vector<16xf32>
        %select_n3A = arith.select %eq3A_791, %neg3A_793, %broadcast_in_dim3A_794 : vector<16xi1>, vector<16xf32>
        %add3A_795 = arith.addf %scan3A_780, %select_n3A : vector<16xf32>
        %jit3A_796 = arith.constant 1.000000e+00 : f32
        %jit3A_797 = arith.constant 0.000000e+00 : f32
        %broadcast_in_dim3A_798 = vector.broadcast %jit3A_796 : f32 to vector<16xf32>
        %broadcast_in_dim3A_799 = vector.broadcast %jit3A_797 : f32 to vector<16xf32>
        %select_n3A_800 = arith.select %eq3A_791, %broadcast_in_dim3A_798, %broadcast_in_dim3A_799 : vector<16xi1>, vector<16xf32>
        %add3A_801 = arith.addf %scan3A_781, %select_n3A_800 : vector<16xf32>
        scf.yield %add3A_795, %add3A_801 : vector<16xf32>, vector<16xf32>
      }
      %scan3A_767 = arith.constant 392 : i32
      %mul3A_768 = arith.constant 16 : i32
      %mul3A_769 = arith.muli %while3A_760, %mul3A_768 : i32
      %swap3A_770 = arith.index_cast %mul3A_769 : i32 to index
      %swap3A_771 = tpu.vector_load %arg10[%swap3A_770] {strides = array<i32>} : memref<1024xf32, #tpu.memory_space<vmem>>, vector<16xf32>,
      tpu.vector_store %arg10[%swap3A_770], %scan3A_766#0 {add = true, strides = array<i32>} : memref<1024xf32, #tpu.memory_space<vmem>>, vector<16xf32>,
      %mul3A_772 = arith.constant 16 : i32
      %mul3A_773 = arith.muli %while3A_760, %mul3A_772 : i32
      %add3A_774 = arith.constant 512 : i32
      %add3A_775 = arith.addi %add3A_774, %mul3A_773 : i32
      %swap3A_776 = arith.index_cast %add3A_775 : i32 to index
      %swap3A_777 = tpu.vector_load %arg10[%swap3A_776] {strides = array<i32>} : memref<1024xf32, #tpu.memory_space<vmem>>, vector<16xf32>,
      tpu.vector_store %arg10[%swap3A_776], %scan3A_766#1 {add = true, strides = array<i32>} : memref<1024xf32, #tpu.memory_space<vmem>>, vector<16xf32>,
      %while3A_778 = arith.constant 0 : i32
      scf.yield %while3A_778 : i32
    }
    %run_scoped3A = arith.constant 0 : i32
    "tpu.region"() ({
      %run_scoped3A_760 = tpu.sem_alloc : memref<!tpu.dma_semaphore, #tpu.memory_space<semaphore_mem>>
      %dma_start3A = arith.constant 0 : i32
      %dma_start3A_761 = tpu.memref_slice %arg10[%dma_start3A] : memref<1024xf32, #tpu.memory_space<vmem>> -> memref<128xf32, #tpu.memory_space<vmem>>
      %dma_start3A_762 = arith.constant 0 : i32
      %dma_start3A_763 = tpu.memref_slice %arg15[%run_scoped3A, %dma_start3A_762] : memref<8x128xi32, #tpu.memory_space<vmem>> -> memref<1x128xi32, #tpu.memory_space<vmem>>
      %dma_start3A_764 = tpu.memref_squeeze %dma_start3A_763 : memref<1x128xi32, #tpu.memory_space<vmem>> -> memref<128xi32, #tpu.memory_space<vmem>>
      %dma_start3A_765 = arith.constant 0 : i32
      %dma_start3A_766 = tpu.memref_slice %arg23[%dma_start3A_765] : memref<1024xf32, #tpu.memory_space<vmem_shared>> -> memref<1024xf32, #tpu.memory_space<vmem_shared>>
      tpu.enqueue_indirect_dma source(%dma_start3A_761 : memref<128xf32, #tpu.memory_space<vmem>>) target(%dma_start3A_766 : memref<1024xf32, #tpu.memory_space<vmem_shared>>) offsets(%dma_start3A_764 : memref<128xi32, #tpu.memory_space<vmem>>) semaphore(%run_scoped3A_760 : memref<!tpu.dma_semaphore, #tpu.memory_space<semaphore_mem>>) {add = true}
      %dma_wait3A = arith.constant 0 : i32
      %dma_wait3A_767 = tpu.memref_slice %arg10[%dma_wait3A] : memref<1024xf32, #tpu.memory_space<vmem>> -> memref<128xf32, #tpu.memory_space<vmem>>
      %dma_wait3A_768 = arith.constant 0 : i32
      %dma_wait3A_769 = tpu.memref_slice %arg15[%run_scoped3A, %dma_wait3A_768] : memref<8x128xi32, #tpu.memory_space<vmem>> -> memref<1x128xi32, #tpu.memory_space<vmem>>
      %dma_wait3A_770 = tpu.memref_squeeze %dma_wait3A_769 : memref<1x128xi32, #tpu.memory_space<vmem>> -> memref<128xi32, #tpu.memory_space<vmem>>
      %dma_wait3A_771 = arith.constant 0 : i32
      %dma_wait3A_772 = tpu.memref_slice %arg23[%dma_wait3A_771] : memref<1024xf32, #tpu.memory_space<vmem_shared>> -> memref<1024xf32, #tpu.memory_space<vmem_shared>>
      tpu.wait_indirect_dma semaphore(%run_scoped3A_760 : memref<!tpu.dma_semaphore, #tpu.memory_space<semaphore_mem>>) src(%dma_wait3A_767 : memref<128xf32, #tpu.memory_space<vmem>>) dst(%dma_wait3A_772 : memref<1024xf32, #tpu.memory_space<vmem_shared>>)
      tpu.yield
    }) : () -> ()
    %run_scoped3A_31 = arith.constant 1 : i32
    "tpu.region"() ({
      %run_scoped3A_760 = tpu.sem_alloc : memref<!tpu.dma_semaphore, #tpu.memory_space<semaphore_mem>>
      %dma_start3A = arith.constant 128 : i32
      %dma_start3A_761 = tpu.memref_slice %arg10[%dma_start3A] : memref<1024xf32, #tpu.memory_space<vmem>> -> memref<128xf32, #tpu.memory_space<vmem>>
      %dma_start3A_762 = arith.constant 0 : i32
      %dma_start3A_763 = tpu.memref_slice %arg15[%run_scoped3A_31, %dma_start3A_762] : memref<8x128xi32, #tpu.memory_space<vmem>> -> memref<1x128xi32, #tpu.memory_space<vmem>>
      %dma_start3A_764 = tpu.memref_squeeze %dma_start3A_763 : memref<1x128xi32, #tpu.memory_space<vmem>> -> memref<128xi32, #tpu.memory_space<vmem>>
      %dma_start3A_765 = arith.constant 0 : i32
      %dma_start3A_766 = tpu.memref_slice %arg23[%dma_start3A_765] : memref<1024xf32, #tpu.memory_space<vmem_shared>> -> memref<1024xf32, #tpu.memory_space<vmem_shared>>
      tpu.enqueue_indirect_dma source(%dma_start3A_761 : memref<128xf32, #tpu.memory_space<vmem>>) target(%dma_start3A_766 : memref<1024xf32, #tpu.memory_space<vmem_shared>>) offsets(%dma_start3A_764 : memref<128xi32, #tpu.memory_space<vmem>>) semaphore(%run_scoped3A_760 : memref<!tpu.dma_semaphore, #tpu.memory_space<semaphore_mem>>) {add = true}
      %dma_wait3A = arith.constant 128 : i32
      %dma_wait3A_767 = tpu.memref_slice %arg10[%dma_wait3A] : memref<1024xf32, #tpu.memory_space<vmem>> -> memref<128xf32, #tpu.memory_space<vmem>>
      %dma_wait3A_768 = arith.constant 0 : i32
      %dma_wait3A_769 = tpu.memref_slice %arg15[%run_scoped3A_31, %dma_wait3A_768] : memref<8x128xi32, #tpu.memory_space<vmem>> -> memref<1x128xi32, #tpu.memory_space<vmem>>
      %dma_wait3A_770 = tpu.memref_squeeze %dma_wait3A_769 : memref<1x128xi32, #tpu.memory_space<vmem>> -> memref<128xi32, #tpu.memory_space<vmem>>
      %dma_wait3A_771 = arith.constant 0 : i32
      %dma_wait3A_772 = tpu.memref_slice %arg23[%dma_wait3A_771] : memref<1024xf32, #tpu.memory_space<vmem_shared>> -> memref<1024xf32, #tpu.memory_space<vmem_shared>>
      tpu.wait_indirect_dma semaphore(%run_scoped3A_760 : memref<!tpu.dma_semaphore, #tpu.memory_space<semaphore_mem>>) src(%dma_wait3A_767 : memref<128xf32, #tpu.memory_space<vmem>>) dst(%dma_wait3A_772 : memref<1024xf32, #tpu.memory_space<vmem_shared>>)
      tpu.yield
    }) : () -> ()
    %run_scoped3A_32 = arith.constant 2 : i32
    "tpu.region"() ({
      %run_scoped3A_760 = tpu.sem_alloc : memref<!tpu.dma_semaphore, #tpu.memory_space<semaphore_mem>>
      %dma_start3A = arith.constant 256 : i32
      %dma_start3A_761 = tpu.memref_slice %arg10[%dma_start3A] : memref<1024xf32, #tpu.memory_space<vmem>> -> memref<128xf32, #tpu.memory_space<vmem>>
      %dma_start3A_762 = arith.constant 0 : i32
      %dma_start3A_763 = tpu.memref_slice %arg15[%run_scoped3A_32, %dma_start3A_762] : memref<8x128xi32, #tpu.memory_space<vmem>> -> memref<1x128xi32, #tpu.memory_space<vmem>>
      %dma_start3A_764 = tpu.memref_squeeze %dma_start3A_763 : memref<1x128xi32, #tpu.memory_space<vmem>> -> memref<128xi32, #tpu.memory_space<vmem>>
      %dma_start3A_765 = arith.constant 0 : i32
      %dma_start3A_766 = tpu.memref_slice %arg23[%dma_start3A_765] : memref<1024xf32, #tpu.memory_space<vmem_shared>> -> memref<1024xf32, #tpu.memory_space<vmem_shared>>
      tpu.enqueue_indirect_dma source(%dma_start3A_761 : memref<128xf32, #tpu.memory_space<vmem>>) target(%dma_start3A_766 : memref<1024xf32, #tpu.memory_space<vmem_shared>>) offsets(%dma_start3A_764 : memref<128xi32, #tpu.memory_space<vmem>>) semaphore(%run_scoped3A_760 : memref<!tpu.dma_semaphore, #tpu.memory_space<semaphore_mem>>) {add = true}
      %dma_wait3A = arith.constant 256 : i32
      %dma_wait3A_767 = tpu.memref_slice %arg10[%dma_wait3A] : memref<1024xf32, #tpu.memory_space<vmem>> -> memref<128xf32, #tpu.memory_space<vmem>>
      %dma_wait3A_768 = arith.constant 0 : i32
      %dma_wait3A_769 = tpu.memref_slice %arg15[%run_scoped3A_32, %dma_wait3A_768] : memref<8x128xi32, #tpu.memory_space<vmem>> -> memref<1x128xi32, #tpu.memory_space<vmem>>
      %dma_wait3A_770 = tpu.memref_squeeze %dma_wait3A_769 : memref<1x128xi32, #tpu.memory_space<vmem>> -> memref<128xi32, #tpu.memory_space<vmem>>
      %dma_wait3A_771 = arith.constant 0 : i32
      %dma_wait3A_772 = tpu.memref_slice %arg23[%dma_wait3A_771] : memref<1024xf32, #tpu.memory_space<vmem_shared>> -> memref<1024xf32, #tpu.memory_space<vmem_shared>>
      tpu.wait_indirect_dma semaphore(%run_scoped3A_760 : memref<!tpu.dma_semaphore, #tpu.memory_space<semaphore_mem>>) src(%dma_wait3A_767 : memref<128xf32, #tpu.memory_space<vmem>>) dst(%dma_wait3A_772 : memref<1024xf32, #tpu.memory_space<vmem_shared>>)
      tpu.yield
    }) : () -> ()
    %run_scoped3A_33 = arith.constant 3 : i32
    "tpu.region"() ({
      %run_scoped3A_760 = tpu.sem_alloc : memref<!tpu.dma_semaphore, #tpu.memory_space<semaphore_mem>>
      %dma_start3A = arith.constant 384 : i32
      %dma_start3A_761 = tpu.memref_slice %arg10[%dma_start3A] : memref<1024xf32, #tpu.memory_space<vmem>> -> memref<128xf32, #tpu.memory_space<vmem>>
      %dma_start3A_762 = arith.constant 0 : i32
      %dma_start3A_763 = tpu.memref_slice %arg15[%run_scoped3A_33, %dma_start3A_762] : memref<8x128xi32, #tpu.memory_space<vmem>> -> memref<1x128xi32, #tpu.memory_space<vmem>>
      %dma_start3A_764 = tpu.memref_squeeze %dma_start3A_763 : memref<1x128xi32, #tpu.memory_space<vmem>> -> memref<128xi32, #tpu.memory_space<vmem>>
      %dma_start3A_765 = arith.constant 0 : i32
      %dma_start3A_766 = tpu.memref_slice %arg23[%dma_start3A_765] : memref<1024xf32, #tpu.memory_space<vmem_shared>> -> memref<1024xf32, #tpu.memory_space<vmem_shared>>
      tpu.enqueue_indirect_dma source(%dma_start3A_761 : memref<128xf32, #tpu.memory_space<vmem>>) target(%dma_start3A_766 : memref<1024xf32, #tpu.memory_space<vmem_shared>>) offsets(%dma_start3A_764 : memref<128xi32, #tpu.memory_space<vmem>>) semaphore(%run_scoped3A_760 : memref<!tpu.dma_semaphore, #tpu.memory_space<semaphore_mem>>) {add = true}
      %dma_wait3A = arith.constant 384 : i32
      %dma_wait3A_767 = tpu.memref_slice %arg10[%dma_wait3A] : memref<1024xf32, #tpu.memory_space<vmem>> -> memref<128xf32, #tpu.memory_space<vmem>>
      %dma_wait3A_768 = arith.constant 0 : i32
      %dma_wait3A_769 = tpu.memref_slice %arg15[%run_scoped3A_33, %dma_wait3A_768] : memref<8x128xi32, #tpu.memory_space<vmem>> -> memref<1x128xi32, #tpu.memory_space<vmem>>
      %dma_wait3A_770 = tpu.memref_squeeze %dma_wait3A_769 : memref<1x128xi32, #tpu.memory_space<vmem>> -> memref<128xi32, #tpu.memory_space<vmem>>
      %dma_wait3A_771 = arith.constant 0 : i32
      %dma_wait3A_772 = tpu.memref_slice %arg23[%dma_wait3A_771] : memref<1024xf32, #tpu.memory_space<vmem_shared>> -> memref<1024xf32, #tpu.memory_space<vmem_shared>>
      tpu.wait_indirect_dma semaphore(%run_scoped3A_760 : memref<!tpu.dma_semaphore, #tpu.memory_space<semaphore_mem>>) src(%dma_wait3A_767 : memref<128xf32, #tpu.memory_space<vmem>>) dst(%dma_wait3A_772 : memref<1024xf32, #tpu.memory_space<vmem_shared>>)
      tpu.yield
    }) : () -> ()
    %run_scoped3A_34 = arith.constant 4 : i32
    "tpu.region"() ({
      %run_scoped3A_760 = tpu.sem_alloc : memref<!tpu.dma_semaphore, #tpu.memory_space<semaphore_mem>>
      %dma_start3A = arith.constant 512 : i32
      %dma_start3A_761 = tpu.memref_slice %arg10[%dma_start3A] : memref<1024xf32, #tpu.memory_space<vmem>> -> memref<128xf32, #tpu.memory_space<vmem>>
      %dma_start3A_762 = arith.constant 0 : i32
      %dma_start3A_763 = tpu.memref_slice %arg15[%run_scoped3A_34, %dma_start3A_762] : memref<8x128xi32, #tpu.memory_space<vmem>> -> memref<1x128xi32, #tpu.memory_space<vmem>>
      %dma_start3A_764 = tpu.memref_squeeze %dma_start3A_763 : memref<1x128xi32, #tpu.memory_space<vmem>> -> memref<128xi32, #tpu.memory_space<vmem>>
      %dma_start3A_765 = arith.constant 0 : i32
      %dma_start3A_766 = tpu.memref_slice %arg23[%dma_start3A_765] : memref<1024xf32, #tpu.memory_space<vmem_shared>> -> memref<1024xf32, #tpu.memory_space<vmem_shared>>
      tpu.enqueue_indirect_dma source(%dma_start3A_761 : memref<128xf32, #tpu.memory_space<vmem>>) target(%dma_start3A_766 : memref<1024xf32, #tpu.memory_space<vmem_shared>>) offsets(%dma_start3A_764 : memref<128xi32, #tpu.memory_space<vmem>>) semaphore(%run_scoped3A_760 : memref<!tpu.dma_semaphore, #tpu.memory_space<semaphore_mem>>) {add = true}
      %dma_wait3A = arith.constant 512 : i32
      %dma_wait3A_767 = tpu.memref_slice %arg10[%dma_wait3A] : memref<1024xf32, #tpu.memory_space<vmem>> -> memref<128xf32, #tpu.memory_space<vmem>>
      %dma_wait3A_768 = arith.constant 0 : i32
      %dma_wait3A_769 = tpu.memref_slice %arg15[%run_scoped3A_34, %dma_wait3A_768] : memref<8x128xi32, #tpu.memory_space<vmem>> -> memref<1x128xi32, #tpu.memory_space<vmem>>
      %dma_wait3A_770 = tpu.memref_squeeze %dma_wait3A_769 : memref<1x128xi32, #tpu.memory_space<vmem>> -> memref<128xi32, #tpu.memory_space<vmem>>
      %dma_wait3A_771 = arith.constant 0 : i32
      %dma_wait3A_772 = tpu.memref_slice %arg23[%dma_wait3A_771] : memref<1024xf32, #tpu.memory_space<vmem_shared>> -> memref<1024xf32, #tpu.memory_space<vmem_shared>>
      tpu.wait_indirect_dma semaphore(%run_scoped3A_760 : memref<!tpu.dma_semaphore, #tpu.memory_space<semaphore_mem>>) src(%dma_wait3A_767 : memref<128xf32, #tpu.memory_space<vmem>>) dst(%dma_wait3A_772 : memref<1024xf32, #tpu.memory_space<vmem_shared>>)
      tpu.yield
    }) : () -> ()
    %run_scoped3A_35 = arith.constant 5 : i32
    "tpu.region"() ({
      %run_scoped3A_760 = tpu.sem_alloc : memref<!tpu.dma_semaphore, #tpu.memory_space<semaphore_mem>>
      %dma_start3A = arith.constant 640 : i32
      %dma_start3A_761 = tpu.memref_slice %arg10[%dma_start3A] : memref<1024xf32, #tpu.memory_space<vmem>> -> memref<128xf32, #tpu.memory_space<vmem>>
      %dma_start3A_762 = arith.constant 0 : i32
      %dma_start3A_763 = tpu.memref_slice %arg15[%run_scoped3A_35, %dma_start3A_762] : memref<8x128xi32, #tpu.memory_space<vmem>> -> memref<1x128xi32, #tpu.memory_space<vmem>>
      %dma_start3A_764 = tpu.memref_squeeze %dma_start3A_763 : memref<1x128xi32, #tpu.memory_space<vmem>> -> memref<128xi32, #tpu.memory_space<vmem>>
      %dma_start3A_765 = arith.constant 0 : i32
      %dma_start3A_766 = tpu.memref_slice %arg23[%dma_start3A_765] : memref<1024xf32, #tpu.memory_space<vmem_shared>> -> memref<1024xf32, #tpu.memory_space<vmem_shared>>
      tpu.enqueue_indirect_dma source(%dma_start3A_761 : memref<128xf32, #tpu.memory_space<vmem>>) target(%dma_start3A_766 : memref<1024xf32, #tpu.memory_space<vmem_shared>>) offsets(%dma_start3A_764 : memref<128xi32, #tpu.memory_space<vmem>>) semaphore(%run_scoped3A_760 : memref<!tpu.dma_semaphore, #tpu.memory_space<semaphore_mem>>) {add = true}
      %dma_wait3A = arith.constant 640 : i32
      %dma_wait3A_767 = tpu.memref_slice %arg10[%dma_wait3A] : memref<1024xf32, #tpu.memory_space<vmem>> -> memref<128xf32, #tpu.memory_space<vmem>>
      %dma_wait3A_768 = arith.constant 0 : i32
      %dma_wait3A_769 = tpu.memref_slice %arg15[%run_scoped3A_35, %dma_wait3A_768] : memref<8x128xi32, #tpu.memory_space<vmem>> -> memref<1x128xi32, #tpu.memory_space<vmem>>
      %dma_wait3A_770 = tpu.memref_squeeze %dma_wait3A_769 : memref<1x128xi32, #tpu.memory_space<vmem>> -> memref<128xi32, #tpu.memory_space<vmem>>
      %dma_wait3A_771 = arith.constant 0 : i32
      %dma_wait3A_772 = tpu.memref_slice %arg23[%dma_wait3A_771] : memref<1024xf32, #tpu.memory_space<vmem_shared>> -> memref<1024xf32, #tpu.memory_space<vmem_shared>>
      tpu.wait_indirect_dma semaphore(%run_scoped3A_760 : memref<!tpu.dma_semaphore, #tpu.memory_space<semaphore_mem>>) src(%dma_wait3A_767 : memref<128xf32, #tpu.memory_space<vmem>>) dst(%dma_wait3A_772 : memref<1024xf32, #tpu.memory_space<vmem_shared>>)
      tpu.yield
    }) : () -> ()
    %run_scoped3A_36 = arith.constant 6 : i32
    "tpu.region"() ({
      %run_scoped3A_760 = tpu.sem_alloc : memref<!tpu.dma_semaphore, #tpu.memory_space<semaphore_mem>>
      %dma_start3A = arith.constant 768 : i32
      %dma_start3A_761 = tpu.memref_slice %arg10[%dma_start3A] : memref<1024xf32, #tpu.memory_space<vmem>> -> memref<128xf32, #tpu.memory_space<vmem>>
      %dma_start3A_762 = arith.constant 0 : i32
      %dma_start3A_763 = tpu.memref_slice %arg15[%run_scoped3A_36, %dma_start3A_762] : memref<8x128xi32, #tpu.memory_space<vmem>> -> memref<1x128xi32, #tpu.memory_space<vmem>>
      %dma_start3A_764 = tpu.memref_squeeze %dma_start3A_763 : memref<1x128xi32, #tpu.memory_space<vmem>> -> memref<128xi32, #tpu.memory_space<vmem>>
      %dma_start3A_765 = arith.constant 0 : i32
      %dma_start3A_766 = tpu.memref_slice %arg23[%dma_start3A_765] : memref<1024xf32, #tpu.memory_space<vmem_shared>> -> memref<1024xf32, #tpu.memory_space<vmem_shared>>
      tpu.enqueue_indirect_dma source(%dma_start3A_761 : memref<128xf32, #tpu.memory_space<vmem>>) target(%dma_start3A_766 : memref<1024xf32, #tpu.memory_space<vmem_shared>>) offsets(%dma_start3A_764 : memref<128xi32, #tpu.memory_space<vmem>>) semaphore(%run_scoped3A_760 : memref<!tpu.dma_semaphore, #tpu.memory_space<semaphore_mem>>) {add = true}
      %dma_wait3A = arith.constant 768 : i32
      %dma_wait3A_767 = tpu.memref_slice %arg10[%dma_wait3A] : memref<1024xf32, #tpu.memory_space<vmem>> -> memref<128xf32, #tpu.memory_space<vmem>>
      %dma_wait3A_768 = arith.constant 0 : i32
      %dma_wait3A_769 = tpu.memref_slice %arg15[%run_scoped3A_36, %dma_wait3A_768] : memref<8x128xi32, #tpu.memory_space<vmem>> -> memref<1x128xi32, #tpu.memory_space<vmem>>
      %dma_wait3A_770 = tpu.memref_squeeze %dma_wait3A_769 : memref<1x128xi32, #tpu.memory_space<vmem>> -> memref<128xi32, #tpu.memory_space<vmem>>
      %dma_wait3A_771 = arith.constant 0 : i32
      %dma_wait3A_772 = tpu.memref_slice %arg23[%dma_wait3A_771] : memref<1024xf32, #tpu.memory_space<vmem_shared>> -> memref<1024xf32, #tpu.memory_space<vmem_shared>>
      tpu.wait_indirect_dma semaphore(%run_scoped3A_760 : memref<!tpu.dma_semaphore, #tpu.memory_space<semaphore_mem>>) src(%dma_wait3A_767 : memref<128xf32, #tpu.memory_space<vmem>>) dst(%dma_wait3A_772 : memref<1024xf32, #tpu.memory_space<vmem_shared>>)
      tpu.yield
    }) : () -> ()
    %run_scoped3A_37 = arith.constant 7 : i32
    "tpu.region"() ({
      %run_scoped3A_760 = tpu.sem_alloc : memref<!tpu.dma_semaphore, #tpu.memory_space<semaphore_mem>>
      %dma_start3A = arith.constant 896 : i32
      %dma_start3A_761 = tpu.memref_slice %arg10[%dma_start3A] : memref<1024xf32, #tpu.memory_space<vmem>> -> memref<128xf32, #tpu.memory_space<vmem>>
      %dma_start3A_762 = arith.constant 0 : i32
      %dma_start3A_763 = tpu.memref_slice %arg15[%run_scoped3A_37, %dma_start3A_762] : memref<8x128xi32, #tpu.memory_space<vmem>> -> memref<1x128xi32, #tpu.memory_space<vmem>>
      %dma_start3A_764 = tpu.memref_squeeze %dma_start3A_763 : memref<1x128xi32, #tpu.memory_space<vmem>> -> memref<128xi32, #tpu.memory_space<vmem>>
      %dma_start3A_765 = arith.constant 0 : i32
      %dma_start3A_766 = tpu.memref_slice %arg23[%dma_start3A_765] : memref<1024xf32, #tpu.memory_space<vmem_shared>> -> memref<1024xf32, #tpu.memory_space<vmem_shared>>
      tpu.enqueue_indirect_dma source(%dma_start3A_761 : memref<128xf32, #tpu.memory_space<vmem>>) target(%dma_start3A_766 : memref<1024xf32, #tpu.memory_space<vmem_shared>>) offsets(%dma_start3A_764 : memref<128xi32, #tpu.memory_space<vmem>>) semaphore(%run_scoped3A_760 : memref<!tpu.dma_semaphore, #tpu.memory_space<semaphore_mem>>) {add = true}
      %dma_wait3A = arith.constant 896 : i32
      %dma_wait3A_767 = tpu.memref_slice %arg10[%dma_wait3A] : memref<1024xf32, #tpu.memory_space<vmem>> -> memref<128xf32, #tpu.memory_space<vmem>>
      %dma_wait3A_768 = arith.constant 0 : i32
      %dma_wait3A_769 = tpu.memref_slice %arg15[%run_scoped3A_37, %dma_wait3A_768] : memref<8x128xi32, #tpu.memory_space<vmem>> -> memref<1x128xi32, #tpu.memory_space<vmem>>
      %dma_wait3A_770 = tpu.memref_squeeze %dma_wait3A_769 : memref<1x128xi32, #tpu.memory_space<vmem>> -> memref<128xi32, #tpu.memory_space<vmem>>
      %dma_wait3A_771 = arith.constant 0 : i32
      %dma_wait3A_772 = tpu.memref_slice %arg23[%dma_wait3A_771] : memref<1024xf32, #tpu.memory_space<vmem_shared>> -> memref<1024xf32, #tpu.memory_space<vmem_shared>>
      tpu.wait_indirect_dma semaphore(%run_scoped3A_760 : memref<!tpu.dma_semaphore, #tpu.memory_space<semaphore_mem>>) src(%dma_wait3A_767 : memref<128xf32, #tpu.memory_space<vmem>>) dst(%dma_wait3A_772 : memref<1024xf32, #tpu.memory_space<vmem_shared>>)
      tpu.yield
    }) : () -> ()
    %barrier3A_38 = arith.constant 0 : index
    tpu.barrier barrier_id(%barrier3A_38)
    "tpu.region"() ({
      %run_scoped3A_760 = tpu.sem_alloc : memref<!tpu.dma_semaphore, #tpu.memory_space<semaphore_mem>>
      tpu.enqueue_dma source(%arg23 : memref<1024xf32, #tpu.memory_space<vmem_shared>>) target(%arg16 : memref<1024xf32, #tpu.memory_space<vmem>>) target_semaphore(%run_scoped3A_760 : memref<!tpu.dma_semaphore, #tpu.memory_space<semaphore_mem>>)
      tpu.wait_dma2 semaphore(%run_scoped3A_760 : memref<!tpu.dma_semaphore, #tpu.memory_space<semaphore_mem>>) src(%arg23 : memref<1024xf32, #tpu.memory_space<vmem_shared>>) dst(%arg16 : memref<1024xf32, #tpu.memory_space<vmem>>)
      tpu.yield
    }) : () -> ()
    %mul3A_39 = arith.constant 16 : i32
    %mul3A_40 = vector.broadcast %mul3A_39 : i32 to vector<16xi32>
    %mul3A_41 = arith.muli %iota3A, %mul3A_40 : vector<16xi32>
    %add3A_42 = arith.constant 0 : i32
    %add3A_43 = vector.broadcast %add3A_42 : i32 to vector<16xi32>
    %add3A_44 = arith.addi %mul3A_41, %add3A_43 : vector<16xi32>
    %gather3A = tpu.vector_load_idx %arg16[%add3A_44] : memref<1024xf32, #tpu.memory_space<vmem>>[vector<16xi32>], vector<16xf32>,
    %add3A_45 = arith.addf %broadcast_in_dim3A_1, %gather3A : vector<16xf32>
    %add3A_46 = arith.constant 16 : i32
    %add3A_47 = vector.broadcast %add3A_46 : i32 to vector<16xi32>
    %add3A_48 = arith.addi %iota3A, %add3A_47 : vector<16xi32>
    %mul3A_49 = arith.constant 16 : i32
    %mul3A_50 = vector.broadcast %mul3A_49 : i32 to vector<16xi32>
    %mul3A_51 = arith.muli %add3A_48, %mul3A_50 : vector<16xi32>
    %add3A_52 = arith.constant 0 : i32
    %add3A_53 = vector.broadcast %add3A_52 : i32 to vector<16xi32>
    %add3A_54 = arith.addi %mul3A_51, %add3A_53 : vector<16xi32>
    %gather3A_55 = tpu.vector_load_idx %arg16[%add3A_54] : memref<1024xf32, #tpu.memory_space<vmem>>[vector<16xi32>], vector<16xf32>,
    %add3A_56 = arith.addf %broadcast_in_dim3A_1, %gather3A_55 : vector<16xf32>
    %mul3A_57 = arith.constant 16 : i32
    %mul3A_58 = vector.broadcast %mul3A_57 : i32 to vector<16xi32>
    %mul3A_59 = arith.muli %iota3A, %mul3A_58 : vector<16xi32>
    %add3A_60 = arith.constant 512 : i32
    %add3A_61 = vector.broadcast %add3A_60 : i32 to vector<16xi32>
    %add3A_62 = arith.addi %add3A_61, %mul3A_59 : vector<16xi32>
    %add3A_63 = arith.constant 0 : i32
    %add3A_64 = vector.broadcast %add3A_63 : i32 to vector<16xi32>
    %add3A_65 = arith.addi %add3A_62, %add3A_64 : vector<16xi32>
    %gather3A_66 = tpu.vector_load_idx %arg16[%add3A_65] : memref<1024xf32, #tpu.memory_space<vmem>>[vector<16xi32>], vector<16xf32>,
    %add3A_67 = arith.addf %broadcast_in_dim3A_1, %gather3A_66 : vector<16xf32>
    %add3A_68 = arith.constant 16 : i32
    %add3A_69 = vector.broadcast %add3A_68 : i32 to vector<16xi32>
    %add3A_70 = arith.addi %iota3A, %add3A_69 : vector<16xi32>
    %mul3A_71 = arith.constant 16 : i32
    %mul3A_72 = vector.broadcast %mul3A_71 : i32 to vector<16xi32>
    %mul3A_73 = arith.muli %add3A_70, %mul3A_72 : vector<16xi32>
    %add3A_74 = arith.constant 512 : i32
    %add3A_75 = vector.broadcast %add3A_74 : i32 to vector<16xi32>
    %add3A_76 = arith.addi %add3A_75, %mul3A_73 : vector<16xi32>
    %add3A_77 = arith.constant 0 : i32
    %add3A_78 = vector.broadcast %add3A_77 : i32 to vector<16xi32>
    %add3A_79 = arith.addi %add3A_76, %add3A_78 : vector<16xi32>
    %gather3A_80 = tpu.vector_load_idx %arg16[%add3A_79] : memref<1024xf32, #tpu.memory_space<vmem>>[vector<16xi32>], vector<16xf32>,
    %add3A_81 = arith.addf %broadcast_in_dim3A_1, %gather3A_80 : vector<16xf32>
    %mul3A_82 = arith.constant 16 : i32
    %mul3A_83 = vector.broadcast %mul3A_82 : i32 to vector<16xi32>
    %mul3A_84 = arith.muli %iota3A, %mul3A_83 : vector<16xi32>
    %add3A_85 = arith.constant 1 : i32
    %add3A_86 = vector.broadcast %add3A_85 : i32 to vector<16xi32>
    %add3A_87 = arith.addi %mul3A_84, %add3A_86 : vector<16xi32>
    %gather3A_88 = tpu.vector_load_idx %arg16[%add3A_87] : memref<1024xf32, #tpu.memory_space<vmem>>[vector<16xi32>], vector<16xf32>,
    %add3A_89 = arith.addf %add3A_45, %gather3A_88 : vector<16xf32>
    %add3A_90 = arith.constant 16 : i32
    %add3A_91 = vector.broadcast %add3A_90 : i32 to vector<16xi32>
    %add3A_92 = arith.addi %iota3A, %add3A_91 : vector<16xi32>
    %mul3A_93 = arith.constant 16 : i32
    %mul3A_94 = vector.broadcast %mul3A_93 : i32 to vector<16xi32>
    %mul3A_95 = arith.muli %add3A_92, %mul3A_94 : vector<16xi32>
    %add3A_96 = arith.constant 1 : i32
    %add3A_97 = vector.broadcast %add3A_96 : i32 to vector<16xi32>
    %add3A_98 = arith.addi %mul3A_95, %add3A_97 : vector<16xi32>
    %gather3A_99 = tpu.vector_load_idx %arg16[%add3A_98] : memref<1024xf32, #tpu.memory_space<vmem>>[vector<16xi32>], vector<16xf32>,
    %add3A_100 = arith.addf %add3A_56, %gather3A_99 : vector<16xf32>
    %mul3A_101 = arith.constant 16 : i32
    %mul3A_102 = vector.broadcast %mul3A_101 : i32 to vector<16xi32>
    %mul3A_103 = arith.muli %iota3A, %mul3A_102 : vector<16xi32>
    %add3A_104 = arith.constant 512 : i32
    %add3A_105 = vector.broadcast %add3A_104 : i32 to vector<16xi32>
    %add3A_106 = arith.addi %add3A_105, %mul3A_103 : vector<16xi32>
    %add3A_107 = arith.constant 1 : i32
    %add3A_108 = vector.broadcast %add3A_107 : i32 to vector<16xi32>
    %add3A_109 = arith.addi %add3A_106, %add3A_108 : vector<16xi32>
    %gather3A_110 = tpu.vector_load_idx %arg16[%add3A_109] : memref<1024xf32, #tpu.memory_space<vmem>>[vector<16xi32>], vector<16xf32>,
    %add3A_111 = arith.addf %add3A_67, %gather3A_110 : vector<16xf32>
    %add3A_112 = arith.constant 16 : i32
    %add3A_113 = vector.broadcast %add3A_112 : i32 to vector<16xi32>
    %add3A_114 = arith.addi %iota3A, %add3A_113 : vector<16xi32>
    %mul3A_115 = arith.constant 16 : i32
    %mul3A_116 = vector.broadcast %mul3A_115 : i32 to vector<16xi32>
    %mul3A_117 = arith.muli %add3A_114, %mul3A_116 : vector<16xi32>
    %add3A_118 = arith.constant 512 : i32
    %add3A_119 = vector.broadcast %add3A_118 : i32 to vector<16xi32>
    %add3A_120 = arith.addi %add3A_119, %mul3A_117 : vector<16xi32>
    %add3A_121 = arith.constant 1 : i32
    %add3A_122 = vector.broadcast %add3A_121 : i32 to vector<16xi32>
    %add3A_123 = arith.addi %add3A_120, %add3A_122 : vector<16xi32>
    %gather3A_124 = tpu.vector_load_idx %arg16[%add3A_123] : memref<1024xf32, #tpu.memory_space<vmem>>[vector<16xi32>], vector<16xf32>,
    %add3A_125 = arith.addf %add3A_81, %gather3A_124 : vector<16xf32>
    %mul3A_126 = arith.constant 16 : i32
    %mul3A_127 = vector.broadcast %mul3A_126 : i32 to vector<16xi32>
    %mul3A_128 = arith.muli %iota3A, %mul3A_127 : vector<16xi32>
    %add3A_129 = arith.constant 2 : i32
    %add3A_130 = vector.broadcast %add3A_129 : i32 to vector<16xi32>
    %add3A_131 = arith.addi %mul3A_128, %add3A_130 : vector<16xi32>
    %gather3A_132 = tpu.vector_load_idx %arg16[%add3A_131] : memref<1024xf32, #tpu.memory_space<vmem>>[vector<16xi32>], vector<16xf32>,
    %add3A_133 = arith.addf %add3A_89, %gather3A_132 : vector<16xf32>
    %add3A_134 = arith.constant 16 : i32
    %add3A_135 = vector.broadcast %add3A_134 : i32 to vector<16xi32>
    %add3A_136 = arith.addi %iota3A, %add3A_135 : vector<16xi32>
    %mul3A_137 = arith.constant 16 : i32
    %mul3A_138 = vector.broadcast %mul3A_137 : i32 to vector<16xi32>
    %mul3A_139 = arith.muli %add3A_136, %mul3A_138 : vector<16xi32>
    %add3A_140 = arith.constant 2 : i32
    %add3A_141 = vector.broadcast %add3A_140 : i32 to vector<16xi32>
    %add3A_142 = arith.addi %mul3A_139, %add3A_141 : vector<16xi32>
    %gather3A_143 = tpu.vector_load_idx %arg16[%add3A_142] : memref<1024xf32, #tpu.memory_space<vmem>>[vector<16xi32>], vector<16xf32>,
    %add3A_144 = arith.addf %add3A_100, %gather3A_143 : vector<16xf32>
    %mul3A_145 = arith.constant 16 : i32
    %mul3A_146 = vector.broadcast %mul3A_145 : i32 to vector<16xi32>
    %mul3A_147 = arith.muli %iota3A, %mul3A_146 : vector<16xi32>
    %add3A_148 = arith.constant 512 : i32
    %add3A_149 = vector.broadcast %add3A_148 : i32 to vector<16xi32>
    %add3A_150 = arith.addi %add3A_149, %mul3A_147 : vector<16xi32>
    %add3A_151 = arith.constant 2 : i32
    %add3A_152 = vector.broadcast %add3A_151 : i32 to vector<16xi32>
    %add3A_153 = arith.addi %add3A_150, %add3A_152 : vector<16xi32>
    %gather3A_154 = tpu.vector_load_idx %arg16[%add3A_153] : memref<1024xf32, #tpu.memory_space<vmem>>[vector<16xi32>], vector<16xf32>,
    %add3A_155 = arith.addf %add3A_111, %gather3A_154 : vector<16xf32>
    %add3A_156 = arith.constant 16 : i32
    %add3A_157 = vector.broadcast %add3A_156 : i32 to vector<16xi32>
    %add3A_158 = arith.addi %iota3A, %add3A_157 : vector<16xi32>
    %mul3A_159 = arith.constant 16 : i32
    %mul3A_160 = vector.broadcast %mul3A_159 : i32 to vector<16xi32>
    %mul3A_161 = arith.muli %add3A_158, %mul3A_160 : vector<16xi32>
    %add3A_162 = arith.constant 512 : i32
    %add3A_163 = vector.broadcast %add3A_162 : i32 to vector<16xi32>
    %add3A_164 = arith.addi %add3A_163, %mul3A_161 : vector<16xi32>
    %add3A_165 = arith.constant 2 : i32
    %add3A_166 = vector.broadcast %add3A_165 : i32 to vector<16xi32>
    %add3A_167 = arith.addi %add3A_164, %add3A_166 : vector<16xi32>
    %gather3A_168 = tpu.vector_load_idx %arg16[%add3A_167] : memref<1024xf32, #tpu.memory_space<vmem>>[vector<16xi32>], vector<16xf32>,
    %add3A_169 = arith.addf %add3A_125, %gather3A_168 : vector<16xf32>
    %mul3A_170 = arith.constant 16 : i32
    %mul3A_171 = vector.broadcast %mul3A_170 : i32 to vector<16xi32>
    %mul3A_172 = arith.muli %iota3A, %mul3A_171 : vector<16xi32>
    %add3A_173 = arith.constant 3 : i32
    %add3A_174 = vector.broadcast %add3A_173 : i32 to vector<16xi32>
    %add3A_175 = arith.addi %mul3A_172, %add3A_174 : vector<16xi32>
    %gather3A_176 = tpu.vector_load_idx %arg16[%add3A_175] : memref<1024xf32, #tpu.memory_space<vmem>>[vector<16xi32>], vector<16xf32>,
    %add3A_177 = arith.addf %add3A_133, %gather3A_176 : vector<16xf32>
    %add3A_178 = arith.constant 16 : i32
    %add3A_179 = vector.broadcast %add3A_178 : i32 to vector<16xi32>
    %add3A_180 = arith.addi %iota3A, %add3A_179 : vector<16xi32>
    %mul3A_181 = arith.constant 16 : i32
    %mul3A_182 = vector.broadcast %mul3A_181 : i32 to vector<16xi32>
    %mul3A_183 = arith.muli %add3A_180, %mul3A_182 : vector<16xi32>
    %add3A_184 = arith.constant 3 : i32
    %add3A_185 = vector.broadcast %add3A_184 : i32 to vector<16xi32>
    %add3A_186 = arith.addi %mul3A_183, %add3A_185 : vector<16xi32>
    %gather3A_187 = tpu.vector_load_idx %arg16[%add3A_186] : memref<1024xf32, #tpu.memory_space<vmem>>[vector<16xi32>], vector<16xf32>,
    %add3A_188 = arith.addf %add3A_144, %gather3A_187 : vector<16xf32>
    %mul3A_189 = arith.constant 16 : i32
    %mul3A_190 = vector.broadcast %mul3A_189 : i32 to vector<16xi32>
    %mul3A_191 = arith.muli %iota3A, %mul3A_190 : vector<16xi32>
    %add3A_192 = arith.constant 512 : i32
    %add3A_193 = vector.broadcast %add3A_192 : i32 to vector<16xi32>
    %add3A_194 = arith.addi %add3A_193, %mul3A_191 : vector<16xi32>
    %add3A_195 = arith.constant 3 : i32
    %add3A_196 = vector.broadcast %add3A_195 : i32 to vector<16xi32>
    %add3A_197 = arith.addi %add3A_194, %add3A_196 : vector<16xi32>
    %gather3A_198 = tpu.vector_load_idx %arg16[%add3A_197] : memref<1024xf32, #tpu.memory_space<vmem>>[vector<16xi32>], vector<16xf32>,
    %add3A_199 = arith.addf %add3A_155, %gather3A_198 : vector<16xf32>
    %add3A_200 = arith.constant 16 : i32
    %add3A_201 = vector.broadcast %add3A_200 : i32 to vector<16xi32>
    %add3A_202 = arith.addi %iota3A, %add3A_201 : vector<16xi32>
    %mul3A_203 = arith.constant 16 : i32
    %mul3A_204 = vector.broadcast %mul3A_203 : i32 to vector<16xi32>
    %mul3A_205 = arith.muli %add3A_202, %mul3A_204 : vector<16xi32>
    %add3A_206 = arith.constant 512 : i32
    %add3A_207 = vector.broadcast %add3A_206 : i32 to vector<16xi32>
    %add3A_208 = arith.addi %add3A_207, %mul3A_205 : vector<16xi32>
    %add3A_209 = arith.constant 3 : i32
    %add3A_210 = vector.broadcast %add3A_209 : i32 to vector<16xi32>
    %add3A_211 = arith.addi %add3A_208, %add3A_210 : vector<16xi32>
    %gather3A_212 = tpu.vector_load_idx %arg16[%add3A_211] : memref<1024xf32, #tpu.memory_space<vmem>>[vector<16xi32>], vector<16xf32>,
    %add3A_213 = arith.addf %add3A_169, %gather3A_212 : vector<16xf32>
    %mul3A_214 = arith.constant 16 : i32
    %mul3A_215 = vector.broadcast %mul3A_214 : i32 to vector<16xi32>
    %mul3A_216 = arith.muli %iota3A, %mul3A_215 : vector<16xi32>
    %add3A_217 = arith.constant 4 : i32
    %add3A_218 = vector.broadcast %add3A_217 : i32 to vector<16xi32>
    %add3A_219 = arith.addi %mul3A_216, %add3A_218 : vector<16xi32>
    %gather3A_220 = tpu.vector_load_idx %arg16[%add3A_219] : memref<1024xf32, #tpu.memory_space<vmem>>[vector<16xi32>], vector<16xf32>,
    %add3A_221 = arith.addf %add3A_177, %gather3A_220 : vector<16xf32>
    %add3A_222 = arith.constant 16 : i32
    %add3A_223 = vector.broadcast %add3A_222 : i32 to vector<16xi32>
    %add3A_224 = arith.addi %iota3A, %add3A_223 : vector<16xi32>
    %mul3A_225 = arith.constant 16 : i32
    %mul3A_226 = vector.broadcast %mul3A_225 : i32 to vector<16xi32>
    %mul3A_227 = arith.muli %add3A_224, %mul3A_226 : vector<16xi32>
    %add3A_228 = arith.constant 4 : i32
    %add3A_229 = vector.broadcast %add3A_228 : i32 to vector<16xi32>
    %add3A_230 = arith.addi %mul3A_227, %add3A_229 : vector<16xi32>
    %gather3A_231 = tpu.vector_load_idx %arg16[%add3A_230] : memref<1024xf32, #tpu.memory_space<vmem>>[vector<16xi32>], vector<16xf32>,
    %add3A_232 = arith.addf %add3A_188, %gather3A_231 : vector<16xf32>
    %mul3A_233 = arith.constant 16 : i32
    %mul3A_234 = vector.broadcast %mul3A_233 : i32 to vector<16xi32>
    %mul3A_235 = arith.muli %iota3A, %mul3A_234 : vector<16xi32>
    %add3A_236 = arith.constant 512 : i32
    %add3A_237 = vector.broadcast %add3A_236 : i32 to vector<16xi32>
    %add3A_238 = arith.addi %add3A_237, %mul3A_235 : vector<16xi32>
    %add3A_239 = arith.constant 4 : i32
    %add3A_240 = vector.broadcast %add3A_239 : i32 to vector<16xi32>
    %add3A_241 = arith.addi %add3A_238, %add3A_240 : vector<16xi32>
    %gather3A_242 = tpu.vector_load_idx %arg16[%add3A_241] : memref<1024xf32, #tpu.memory_space<vmem>>[vector<16xi32>], vector<16xf32>,
    %add3A_243 = arith.addf %add3A_199, %gather3A_242 : vector<16xf32>
    %add3A_244 = arith.constant 16 : i32
    %add3A_245 = vector.broadcast %add3A_244 : i32 to vector<16xi32>
    %add3A_246 = arith.addi %iota3A, %add3A_245 : vector<16xi32>
    %mul3A_247 = arith.constant 16 : i32
    %mul3A_248 = vector.broadcast %mul3A_247 : i32 to vector<16xi32>
    %mul3A_249 = arith.muli %add3A_246, %mul3A_248 : vector<16xi32>
    %add3A_250 = arith.constant 512 : i32
    %add3A_251 = vector.broadcast %add3A_250 : i32 to vector<16xi32>
    %add3A_252 = arith.addi %add3A_251, %mul3A_249 : vector<16xi32>
    %add3A_253 = arith.constant 4 : i32
    %add3A_254 = vector.broadcast %add3A_253 : i32 to vector<16xi32>
    %add3A_255 = arith.addi %add3A_252, %add3A_254 : vector<16xi32>
    %gather3A_256 = tpu.vector_load_idx %arg16[%add3A_255] : memref<1024xf32, #tpu.memory_space<vmem>>[vector<16xi32>], vector<16xf32>,
    %add3A_257 = arith.addf %add3A_213, %gather3A_256 : vector<16xf32>
    %mul3A_258 = arith.constant 16 : i32
    %mul3A_259 = vector.broadcast %mul3A_258 : i32 to vector<16xi32>
    %mul3A_260 = arith.muli %iota3A, %mul3A_259 : vector<16xi32>
    %add3A_261 = arith.constant 5 : i32
    %add3A_262 = vector.broadcast %add3A_261 : i32 to vector<16xi32>
    %add3A_263 = arith.addi %mul3A_260, %add3A_262 : vector<16xi32>
    %gather3A_264 = tpu.vector_load_idx %arg16[%add3A_263] : memref<1024xf32, #tpu.memory_space<vmem>>[vector<16xi32>], vector<16xf32>,
    %add3A_265 = arith.addf %add3A_221, %gather3A_264 : vector<16xf32>
    %add3A_266 = arith.constant 16 : i32
    %add3A_267 = vector.broadcast %add3A_266 : i32 to vector<16xi32>
    %add3A_268 = arith.addi %iota3A, %add3A_267 : vector<16xi32>
    %mul3A_269 = arith.constant 16 : i32
    %mul3A_270 = vector.broadcast %mul3A_269 : i32 to vector<16xi32>
    %mul3A_271 = arith.muli %add3A_268, %mul3A_270 : vector<16xi32>
    %add3A_272 = arith.constant 5 : i32
    %add3A_273 = vector.broadcast %add3A_272 : i32 to vector<16xi32>
    %add3A_274 = arith.addi %mul3A_271, %add3A_273 : vector<16xi32>
    %gather3A_275 = tpu.vector_load_idx %arg16[%add3A_274] : memref<1024xf32, #tpu.memory_space<vmem>>[vector<16xi32>], vector<16xf32>,
    %add3A_276 = arith.addf %add3A_232, %gather3A_275 : vector<16xf32>
    %mul3A_277 = arith.constant 16 : i32
    %mul3A_278 = vector.broadcast %mul3A_277 : i32 to vector<16xi32>
    %mul3A_279 = arith.muli %iota3A, %mul3A_278 : vector<16xi32>
    %add3A_280 = arith.constant 512 : i32
    %add3A_281 = vector.broadcast %add3A_280 : i32 to vector<16xi32>
    %add3A_282 = arith.addi %add3A_281, %mul3A_279 : vector<16xi32>
    %add3A_283 = arith.constant 5 : i32
    %add3A_284 = vector.broadcast %add3A_283 : i32 to vector<16xi32>
    %add3A_285 = arith.addi %add3A_282, %add3A_284 : vector<16xi32>
    %gather3A_286 = tpu.vector_load_idx %arg16[%add3A_285] : memref<1024xf32, #tpu.memory_space<vmem>>[vector<16xi32>], vector<16xf32>,
    %add3A_287 = arith.addf %add3A_243, %gather3A_286 : vector<16xf32>
    %add3A_288 = arith.constant 16 : i32
    %add3A_289 = vector.broadcast %add3A_288 : i32 to vector<16xi32>
    %add3A_290 = arith.addi %iota3A, %add3A_289 : vector<16xi32>
    %mul3A_291 = arith.constant 16 : i32
    %mul3A_292 = vector.broadcast %mul3A_291 : i32 to vector<16xi32>
    %mul3A_293 = arith.muli %add3A_290, %mul3A_292 : vector<16xi32>
    %add3A_294 = arith.constant 512 : i32
    %add3A_295 = vector.broadcast %add3A_294 : i32 to vector<16xi32>
    %add3A_296 = arith.addi %add3A_295, %mul3A_293 : vector<16xi32>
    %add3A_297 = arith.constant 5 : i32
    %add3A_298 = vector.broadcast %add3A_297 : i32 to vector<16xi32>
    %add3A_299 = arith.addi %add3A_296, %add3A_298 : vector<16xi32>
    %gather3A_300 = tpu.vector_load_idx %arg16[%add3A_299] : memref<1024xf32, #tpu.memory_space<vmem>>[vector<16xi32>], vector<16xf32>,
    %add3A_301 = arith.addf %add3A_257, %gather3A_300 : vector<16xf32>
    %mul3A_302 = arith.constant 16 : i32
    %mul3A_303 = vector.broadcast %mul3A_302 : i32 to vector<16xi32>
    %mul3A_304 = arith.muli %iota3A, %mul3A_303 : vector<16xi32>
    %add3A_305 = arith.constant 6 : i32
    %add3A_306 = vector.broadcast %add3A_305 : i32 to vector<16xi32>
    %add3A_307 = arith.addi %mul3A_304, %add3A_306 : vector<16xi32>
    %gather3A_308 = tpu.vector_load_idx %arg16[%add3A_307] : memref<1024xf32, #tpu.memory_space<vmem>>[vector<16xi32>], vector<16xf32>,
    %add3A_309 = arith.addf %add3A_265, %gather3A_308 : vector<16xf32>
    %add3A_310 = arith.constant 16 : i32
    %add3A_311 = vector.broadcast %add3A_310 : i32 to vector<16xi32>
    %add3A_312 = arith.addi %iota3A, %add3A_311 : vector<16xi32>
    %mul3A_313 = arith.constant 16 : i32
    %mul3A_314 = vector.broadcast %mul3A_313 : i32 to vector<16xi32>
    %mul3A_315 = arith.muli %add3A_312, %mul3A_314 : vector<16xi32>
    %add3A_316 = arith.constant 6 : i32
    %add3A_317 = vector.broadcast %add3A_316 : i32 to vector<16xi32>
    %add3A_318 = arith.addi %mul3A_315, %add3A_317 : vector<16xi32>
    %gather3A_319 = tpu.vector_load_idx %arg16[%add3A_318] : memref<1024xf32, #tpu.memory_space<vmem>>[vector<16xi32>], vector<16xf32>,
    %add3A_320 = arith.addf %add3A_276, %gather3A_319 : vector<16xf32>
    %mul3A_321 = arith.constant 16 : i32
    %mul3A_322 = vector.broadcast %mul3A_321 : i32 to vector<16xi32>
    %mul3A_323 = arith.muli %iota3A, %mul3A_322 : vector<16xi32>
    %add3A_324 = arith.constant 512 : i32
    %add3A_325 = vector.broadcast %add3A_324 : i32 to vector<16xi32>
    %add3A_326 = arith.addi %add3A_325, %mul3A_323 : vector<16xi32>
    %add3A_327 = arith.constant 6 : i32
    %add3A_328 = vector.broadcast %add3A_327 : i32 to vector<16xi32>
    %add3A_329 = arith.addi %add3A_326, %add3A_328 : vector<16xi32>
    %gather3A_330 = tpu.vector_load_idx %arg16[%add3A_329] : memref<1024xf32, #tpu.memory_space<vmem>>[vector<16xi32>], vector<16xf32>,
    %add3A_331 = arith.addf %add3A_287, %gather3A_330 : vector<16xf32>
    %add3A_332 = arith.constant 16 : i32
    %add3A_333 = vector.broadcast %add3A_332 : i32 to vector<16xi32>
    %add3A_334 = arith.addi %iota3A, %add3A_333 : vector<16xi32>
    %mul3A_335 = arith.constant 16 : i32
    %mul3A_336 = vector.broadcast %mul3A_335 : i32 to vector<16xi32>
    %mul3A_337 = arith.muli %add3A_334, %mul3A_336 : vector<16xi32>
    %add3A_338 = arith.constant 512 : i32
    %add3A_339 = vector.broadcast %add3A_338 : i32 to vector<16xi32>
    %add3A_340 = arith.addi %add3A_339, %mul3A_337 : vector<16xi32>
    %add3A_341 = arith.constant 6 : i32
    %add3A_342 = vector.broadcast %add3A_341 : i32 to vector<16xi32>
    %add3A_343 = arith.addi %add3A_340, %add3A_342 : vector<16xi32>
    %gather3A_344 = tpu.vector_load_idx %arg16[%add3A_343] : memref<1024xf32, #tpu.memory_space<vmem>>[vector<16xi32>], vector<16xf32>,
    %add3A_345 = arith.addf %add3A_301, %gather3A_344 : vector<16xf32>
    %mul3A_346 = arith.constant 16 : i32
    %mul3A_347 = vector.broadcast %mul3A_346 : i32 to vector<16xi32>
    %mul3A_348 = arith.muli %iota3A, %mul3A_347 : vector<16xi32>
    %add3A_349 = arith.constant 7 : i32
    %add3A_350 = vector.broadcast %add3A_349 : i32 to vector<16xi32>
    %add3A_351 = arith.addi %mul3A_348, %add3A_350 : vector<16xi32>
    %gather3A_352 = tpu.vector_load_idx %arg16[%add3A_351] : memref<1024xf32, #tpu.memory_space<vmem>>[vector<16xi32>], vector<16xf32>,
    %add3A_353 = arith.addf %add3A_309, %gather3A_352 : vector<16xf32>
    %add3A_354 = arith.constant 16 : i32
    %add3A_355 = vector.broadcast %add3A_354 : i32 to vector<16xi32>
    %add3A_356 = arith.addi %iota3A, %add3A_355 : vector<16xi32>
    %mul3A_357 = arith.constant 16 : i32
    %mul3A_358 = vector.broadcast %mul3A_357 : i32 to vector<16xi32>
    %mul3A_359 = arith.muli %add3A_356, %mul3A_358 : vector<16xi32>
    %add3A_360 = arith.constant 7 : i32
    %add3A_361 = vector.broadcast %add3A_360 : i32 to vector<16xi32>
    %add3A_362 = arith.addi %mul3A_359, %add3A_361 : vector<16xi32>
    %gather3A_363 = tpu.vector_load_idx %arg16[%add3A_362] : memref<1024xf32, #tpu.memory_space<vmem>>[vector<16xi32>], vector<16xf32>,
    %add3A_364 = arith.addf %add3A_320, %gather3A_363 : vector<16xf32>
    %mul3A_365 = arith.constant 16 : i32
    %mul3A_366 = vector.broadcast %mul3A_365 : i32 to vector<16xi32>
    %mul3A_367 = arith.muli %iota3A, %mul3A_366 : vector<16xi32>
    %add3A_368 = arith.constant 512 : i32
    %add3A_369 = vector.broadcast %add3A_368 : i32 to vector<16xi32>
    %add3A_370 = arith.addi %add3A_369, %mul3A_367 : vector<16xi32>
    %add3A_371 = arith.constant 7 : i32
    %add3A_372 = vector.broadcast %add3A_371 : i32 to vector<16xi32>
    %add3A_373 = arith.addi %add3A_370, %add3A_372 : vector<16xi32>
    %gather3A_374 = tpu.vector_load_idx %arg16[%add3A_373] : memref<1024xf32, #tpu.memory_space<vmem>>[vector<16xi32>], vector<16xf32>,
    %add3A_375 = arith.addf %add3A_331, %gather3A_374 : vector<16xf32>
    %add3A_376 = arith.constant 16 : i32
    %add3A_377 = vector.broadcast %add3A_376 : i32 to vector<16xi32>
    %add3A_378 = arith.addi %iota3A, %add3A_377 : vector<16xi32>
    %mul3A_379 = arith.constant 16 : i32
    %mul3A_380 = vector.broadcast %mul3A_379 : i32 to vector<16xi32>
    %mul3A_381 = arith.muli %add3A_378, %mul3A_380 : vector<16xi32>
    %add3A_382 = arith.constant 512 : i32
    %add3A_383 = vector.broadcast %add3A_382 : i32 to vector<16xi32>
    %add3A_384 = arith.addi %add3A_383, %mul3A_381 : vector<16xi32>
    %add3A_385 = arith.constant 7 : i32
    %add3A_386 = vector.broadcast %add3A_385 : i32 to vector<16xi32>
    %add3A_387 = arith.addi %add3A_384, %add3A_386 : vector<16xi32>
    %gather3A_388 = tpu.vector_load_idx %arg16[%add3A_387] : memref<1024xf32, #tpu.memory_space<vmem>>[vector<16xi32>], vector<16xf32>,
    %add3A_389 = arith.addf %add3A_345, %gather3A_388 : vector<16xf32>
    %mul3A_390 = arith.constant 16 : i32
    %mul3A_391 = vector.broadcast %mul3A_390 : i32 to vector<16xi32>
    %mul3A_392 = arith.muli %iota3A, %mul3A_391 : vector<16xi32>
    %add3A_393 = arith.constant 8 : i32
    %add3A_394 = vector.broadcast %add3A_393 : i32 to vector<16xi32>
    %add3A_395 = arith.addi %mul3A_392, %add3A_394 : vector<16xi32>
    %gather3A_396 = tpu.vector_load_idx %arg16[%add3A_395] : memref<1024xf32, #tpu.memory_space<vmem>>[vector<16xi32>], vector<16xf32>,
    %add3A_397 = arith.addf %add3A_353, %gather3A_396 : vector<16xf32>
    %add3A_398 = arith.constant 16 : i32
    %add3A_399 = vector.broadcast %add3A_398 : i32 to vector<16xi32>
    %add3A_400 = arith.addi %iota3A, %add3A_399 : vector<16xi32>
    %mul3A_401 = arith.constant 16 : i32
    %mul3A_402 = vector.broadcast %mul3A_401 : i32 to vector<16xi32>
    %mul3A_403 = arith.muli %add3A_400, %mul3A_402 : vector<16xi32>
    %add3A_404 = arith.constant 8 : i32
    %add3A_405 = vector.broadcast %add3A_404 : i32 to vector<16xi32>
    %add3A_406 = arith.addi %mul3A_403, %add3A_405 : vector<16xi32>
    %gather3A_407 = tpu.vector_load_idx %arg16[%add3A_406] : memref<1024xf32, #tpu.memory_space<vmem>>[vector<16xi32>], vector<16xf32>,
    %add3A_408 = arith.addf %add3A_364, %gather3A_407 : vector<16xf32>
    %mul3A_409 = arith.constant 16 : i32
    %mul3A_410 = vector.broadcast %mul3A_409 : i32 to vector<16xi32>
    %mul3A_411 = arith.muli %iota3A, %mul3A_410 : vector<16xi32>
    %add3A_412 = arith.constant 512 : i32
    %add3A_413 = vector.broadcast %add3A_412 : i32 to vector<16xi32>
    %add3A_414 = arith.addi %add3A_413, %mul3A_411 : vector<16xi32>
    %add3A_415 = arith.constant 8 : i32
    %add3A_416 = vector.broadcast %add3A_415 : i32 to vector<16xi32>
    %add3A_417 = arith.addi %add3A_414, %add3A_416 : vector<16xi32>
    %gather3A_418 = tpu.vector_load_idx %arg16[%add3A_417] : memref<1024xf32, #tpu.memory_space<vmem>>[vector<16xi32>], vector<16xf32>,
    %add3A_419 = arith.addf %add3A_375, %gather3A_418 : vector<16xf32>
    %add3A_420 = arith.constant 16 : i32
    %add3A_421 = vector.broadcast %add3A_420 : i32 to vector<16xi32>
    %add3A_422 = arith.addi %iota3A, %add3A_421 : vector<16xi32>
    %mul3A_423 = arith.constant 16 : i32
    %mul3A_424 = vector.broadcast %mul3A_423 : i32 to vector<16xi32>
    %mul3A_425 = arith.muli %add3A_422, %mul3A_424 : vector<16xi32>
    %add3A_426 = arith.constant 512 : i32
    %add3A_427 = vector.broadcast %add3A_426 : i32 to vector<16xi32>
    %add3A_428 = arith.addi %add3A_427, %mul3A_425 : vector<16xi32>
    %add3A_429 = arith.constant 8 : i32
    %add3A_430 = vector.broadcast %add3A_429 : i32 to vector<16xi32>
    %add3A_431 = arith.addi %add3A_428, %add3A_430 : vector<16xi32>
    %gather3A_432 = tpu.vector_load_idx %arg16[%add3A_431] : memref<1024xf32, #tpu.memory_space<vmem>>[vector<16xi32>], vector<16xf32>,
    %add3A_433 = arith.addf %add3A_389, %gather3A_432 : vector<16xf32>
    %mul3A_434 = arith.constant 16 : i32
    %mul3A_435 = vector.broadcast %mul3A_434 : i32 to vector<16xi32>
    %mul3A_436 = arith.muli %iota3A, %mul3A_435 : vector<16xi32>
    %add3A_437 = arith.constant 9 : i32
    %add3A_438 = vector.broadcast %add3A_437 : i32 to vector<16xi32>
    %add3A_439 = arith.addi %mul3A_436, %add3A_438 : vector<16xi32>
    %gather3A_440 = tpu.vector_load_idx %arg16[%add3A_439] : memref<1024xf32, #tpu.memory_space<vmem>>[vector<16xi32>], vector<16xf32>,
    %add3A_441 = arith.addf %add3A_397, %gather3A_440 : vector<16xf32>
    %add3A_442 = arith.constant 16 : i32
    %add3A_443 = vector.broadcast %add3A_442 : i32 to vector<16xi32>
    %add3A_444 = arith.addi %iota3A, %add3A_443 : vector<16xi32>
    %mul3A_445 = arith.constant 16 : i32
    %mul3A_446 = vector.broadcast %mul3A_445 : i32 to vector<16xi32>
    %mul3A_447 = arith.muli %add3A_444, %mul3A_446 : vector<16xi32>
    %add3A_448 = arith.constant 9 : i32
    %add3A_449 = vector.broadcast %add3A_448 : i32 to vector<16xi32>
    %add3A_450 = arith.addi %mul3A_447, %add3A_449 : vector<16xi32>
    %gather3A_451 = tpu.vector_load_idx %arg16[%add3A_450] : memref<1024xf32, #tpu.memory_space<vmem>>[vector<16xi32>], vector<16xf32>,
    %add3A_452 = arith.addf %add3A_408, %gather3A_451 : vector<16xf32>
    %mul3A_453 = arith.constant 16 : i32
    %mul3A_454 = vector.broadcast %mul3A_453 : i32 to vector<16xi32>
    %mul3A_455 = arith.muli %iota3A, %mul3A_454 : vector<16xi32>
    %add3A_456 = arith.constant 512 : i32
    %add3A_457 = vector.broadcast %add3A_456 : i32 to vector<16xi32>
    %add3A_458 = arith.addi %add3A_457, %mul3A_455 : vector<16xi32>
    %add3A_459 = arith.constant 9 : i32
    %add3A_460 = vector.broadcast %add3A_459 : i32 to vector<16xi32>
    %add3A_461 = arith.addi %add3A_458, %add3A_460 : vector<16xi32>
    %gather3A_462 = tpu.vector_load_idx %arg16[%add3A_461] : memref<1024xf32, #tpu.memory_space<vmem>>[vector<16xi32>], vector<16xf32>,
    %add3A_463 = arith.addf %add3A_419, %gather3A_462 : vector<16xf32>
    %add3A_464 = arith.constant 16 : i32
    %add3A_465 = vector.broadcast %add3A_464 : i32 to vector<16xi32>
    %add3A_466 = arith.addi %iota3A, %add3A_465 : vector<16xi32>
    %mul3A_467 = arith.constant 16 : i32
    %mul3A_468 = vector.broadcast %mul3A_467 : i32 to vector<16xi32>
    %mul3A_469 = arith.muli %add3A_466, %mul3A_468 : vector<16xi32>
    %add3A_470 = arith.constant 512 : i32
    %add3A_471 = vector.broadcast %add3A_470 : i32 to vector<16xi32>
    %add3A_472 = arith.addi %add3A_471, %mul3A_469 : vector<16xi32>
    %add3A_473 = arith.constant 9 : i32
    %add3A_474 = vector.broadcast %add3A_473 : i32 to vector<16xi32>
    %add3A_475 = arith.addi %add3A_472, %add3A_474 : vector<16xi32>
    %gather3A_476 = tpu.vector_load_idx %arg16[%add3A_475] : memref<1024xf32, #tpu.memory_space<vmem>>[vector<16xi32>], vector<16xf32>,
    %add3A_477 = arith.addf %add3A_433, %gather3A_476 : vector<16xf32>
    %mul3A_478 = arith.constant 16 : i32
    %mul3A_479 = vector.broadcast %mul3A_478 : i32 to vector<16xi32>
    %mul3A_480 = arith.muli %iota3A, %mul3A_479 : vector<16xi32>
    %add3A_481 = arith.constant 10 : i32
    %add3A_482 = vector.broadcast %add3A_481 : i32 to vector<16xi32>
    %add3A_483 = arith.addi %mul3A_480, %add3A_482 : vector<16xi32>
    %gather3A_484 = tpu.vector_load_idx %arg16[%add3A_483] : memref<1024xf32, #tpu.memory_space<vmem>>[vector<16xi32>], vector<16xf32>,
    %add3A_485 = arith.addf %add3A_441, %gather3A_484 : vector<16xf32>
    %add3A_486 = arith.constant 16 : i32
    %add3A_487 = vector.broadcast %add3A_486 : i32 to vector<16xi32>
    %add3A_488 = arith.addi %iota3A, %add3A_487 : vector<16xi32>
    %mul3A_489 = arith.constant 16 : i32
    %mul3A_490 = vector.broadcast %mul3A_489 : i32 to vector<16xi32>
    %mul3A_491 = arith.muli %add3A_488, %mul3A_490 : vector<16xi32>
    %add3A_492 = arith.constant 10 : i32
    %add3A_493 = vector.broadcast %add3A_492 : i32 to vector<16xi32>
    %add3A_494 = arith.addi %mul3A_491, %add3A_493 : vector<16xi32>
    %gather3A_495 = tpu.vector_load_idx %arg16[%add3A_494] : memref<1024xf32, #tpu.memory_space<vmem>>[vector<16xi32>], vector<16xf32>,
    %add3A_496 = arith.addf %add3A_452, %gather3A_495 : vector<16xf32>
    %mul3A_497 = arith.constant 16 : i32
    %mul3A_498 = vector.broadcast %mul3A_497 : i32 to vector<16xi32>
    %mul3A_499 = arith.muli %iota3A, %mul3A_498 : vector<16xi32>
    %add3A_500 = arith.constant 512 : i32
    %add3A_501 = vector.broadcast %add3A_500 : i32 to vector<16xi32>
    %add3A_502 = arith.addi %add3A_501, %mul3A_499 : vector<16xi32>
    %add3A_503 = arith.constant 10 : i32
    %add3A_504 = vector.broadcast %add3A_503 : i32 to vector<16xi32>
    %add3A_505 = arith.addi %add3A_502, %add3A_504 : vector<16xi32>
    %gather3A_506 = tpu.vector_load_idx %arg16[%add3A_505] : memref<1024xf32, #tpu.memory_space<vmem>>[vector<16xi32>], vector<16xf32>,
    %add3A_507 = arith.addf %add3A_463, %gather3A_506 : vector<16xf32>
    %add3A_508 = arith.constant 16 : i32
    %add3A_509 = vector.broadcast %add3A_508 : i32 to vector<16xi32>
    %add3A_510 = arith.addi %iota3A, %add3A_509 : vector<16xi32>
    %mul3A_511 = arith.constant 16 : i32
    %mul3A_512 = vector.broadcast %mul3A_511 : i32 to vector<16xi32>
    %mul3A_513 = arith.muli %add3A_510, %mul3A_512 : vector<16xi32>
    %add3A_514 = arith.constant 512 : i32
    %add3A_515 = vector.broadcast %add3A_514 : i32 to vector<16xi32>
    %add3A_516 = arith.addi %add3A_515, %mul3A_513 : vector<16xi32>
    %add3A_517 = arith.constant 10 : i32
    %add3A_518 = vector.broadcast %add3A_517 : i32 to vector<16xi32>
    %add3A_519 = arith.addi %add3A_516, %add3A_518 : vector<16xi32>
    %gather3A_520 = tpu.vector_load_idx %arg16[%add3A_519] : memref<1024xf32, #tpu.memory_space<vmem>>[vector<16xi32>], vector<16xf32>,
    %add3A_521 = arith.addf %add3A_477, %gather3A_520 : vector<16xf32>
    %mul3A_522 = arith.constant 16 : i32
    %mul3A_523 = vector.broadcast %mul3A_522 : i32 to vector<16xi32>
    %mul3A_524 = arith.muli %iota3A, %mul3A_523 : vector<16xi32>
    %add3A_525 = arith.constant 11 : i32
    %add3A_526 = vector.broadcast %add3A_525 : i32 to vector<16xi32>
    %add3A_527 = arith.addi %mul3A_524, %add3A_526 : vector<16xi32>
    %gather3A_528 = tpu.vector_load_idx %arg16[%add3A_527] : memref<1024xf32, #tpu.memory_space<vmem>>[vector<16xi32>], vector<16xf32>,
    %add3A_529 = arith.addf %add3A_485, %gather3A_528 : vector<16xf32>
    %add3A_530 = arith.constant 16 : i32
    %add3A_531 = vector.broadcast %add3A_530 : i32 to vector<16xi32>
    %add3A_532 = arith.addi %iota3A, %add3A_531 : vector<16xi32>
    %mul3A_533 = arith.constant 16 : i32
    %mul3A_534 = vector.broadcast %mul3A_533 : i32 to vector<16xi32>
    %mul3A_535 = arith.muli %add3A_532, %mul3A_534 : vector<16xi32>
    %add3A_536 = arith.constant 11 : i32
    %add3A_537 = vector.broadcast %add3A_536 : i32 to vector<16xi32>
    %add3A_538 = arith.addi %mul3A_535, %add3A_537 : vector<16xi32>
    %gather3A_539 = tpu.vector_load_idx %arg16[%add3A_538] : memref<1024xf32, #tpu.memory_space<vmem>>[vector<16xi32>], vector<16xf32>,
    %add3A_540 = arith.addf %add3A_496, %gather3A_539 : vector<16xf32>
    %mul3A_541 = arith.constant 16 : i32
    %mul3A_542 = vector.broadcast %mul3A_541 : i32 to vector<16xi32>
    %mul3A_543 = arith.muli %iota3A, %mul3A_542 : vector<16xi32>
    %add3A_544 = arith.constant 512 : i32
    %add3A_545 = vector.broadcast %add3A_544 : i32 to vector<16xi32>
    %add3A_546 = arith.addi %add3A_545, %mul3A_543 : vector<16xi32>
    %add3A_547 = arith.constant 11 : i32
    %add3A_548 = vector.broadcast %add3A_547 : i32 to vector<16xi32>
    %add3A_549 = arith.addi %add3A_546, %add3A_548 : vector<16xi32>
    %gather3A_550 = tpu.vector_load_idx %arg16[%add3A_549] : memref<1024xf32, #tpu.memory_space<vmem>>[vector<16xi32>], vector<16xf32>,
    %add3A_551 = arith.addf %add3A_507, %gather3A_550 : vector<16xf32>
    %add3A_552 = arith.constant 16 : i32
    %add3A_553 = vector.broadcast %add3A_552 : i32 to vector<16xi32>
    %add3A_554 = arith.addi %iota3A, %add3A_553 : vector<16xi32>
    %mul3A_555 = arith.constant 16 : i32
    %mul3A_556 = vector.broadcast %mul3A_555 : i32 to vector<16xi32>
    %mul3A_557 = arith.muli %add3A_554, %mul3A_556 : vector<16xi32>
    %add3A_558 = arith.constant 512 : i32
    %add3A_559 = vector.broadcast %add3A_558 : i32 to vector<16xi32>
    %add3A_560 = arith.addi %add3A_559, %mul3A_557 : vector<16xi32>
    %add3A_561 = arith.constant 11 : i32
    %add3A_562 = vector.broadcast %add3A_561 : i32 to vector<16xi32>
    %add3A_563 = arith.addi %add3A_560, %add3A_562 : vector<16xi32>
    %gather3A_564 = tpu.vector_load_idx %arg16[%add3A_563] : memref<1024xf32, #tpu.memory_space<vmem>>[vector<16xi32>], vector<16xf32>,
    %add3A_565 = arith.addf %add3A_521, %gather3A_564 : vector<16xf32>
    %mul3A_566 = arith.constant 16 : i32
    %mul3A_567 = vector.broadcast %mul3A_566 : i32 to vector<16xi32>
    %mul3A_568 = arith.muli %iota3A, %mul3A_567 : vector<16xi32>
    %add3A_569 = arith.constant 12 : i32
    %add3A_570 = vector.broadcast %add3A_569 : i32 to vector<16xi32>
    %add3A_571 = arith.addi %mul3A_568, %add3A_570 : vector<16xi32>
    %gather3A_572 = tpu.vector_load_idx %arg16[%add3A_571] : memref<1024xf32, #tpu.memory_space<vmem>>[vector<16xi32>], vector<16xf32>,
    %add3A_573 = arith.addf %add3A_529, %gather3A_572 : vector<16xf32>
    %add3A_574 = arith.constant 16 : i32
    %add3A_575 = vector.broadcast %add3A_574 : i32 to vector<16xi32>
    %add3A_576 = arith.addi %iota3A, %add3A_575 : vector<16xi32>
    %mul3A_577 = arith.constant 16 : i32
    %mul3A_578 = vector.broadcast %mul3A_577 : i32 to vector<16xi32>
    %mul3A_579 = arith.muli %add3A_576, %mul3A_578 : vector<16xi32>
    %add3A_580 = arith.constant 12 : i32
    %add3A_581 = vector.broadcast %add3A_580 : i32 to vector<16xi32>
    %add3A_582 = arith.addi %mul3A_579, %add3A_581 : vector<16xi32>
    %gather3A_583 = tpu.vector_load_idx %arg16[%add3A_582] : memref<1024xf32, #tpu.memory_space<vmem>>[vector<16xi32>], vector<16xf32>,
    %add3A_584 = arith.addf %add3A_540, %gather3A_583 : vector<16xf32>
    %mul3A_585 = arith.constant 16 : i32
    %mul3A_586 = vector.broadcast %mul3A_585 : i32 to vector<16xi32>
    %mul3A_587 = arith.muli %iota3A, %mul3A_586 : vector<16xi32>
    %add3A_588 = arith.constant 512 : i32
    %add3A_589 = vector.broadcast %add3A_588 : i32 to vector<16xi32>
    %add3A_590 = arith.addi %add3A_589, %mul3A_587 : vector<16xi32>
    %add3A_591 = arith.constant 12 : i32
    %add3A_592 = vector.broadcast %add3A_591 : i32 to vector<16xi32>
    %add3A_593 = arith.addi %add3A_590, %add3A_592 : vector<16xi32>
    %gather3A_594 = tpu.vector_load_idx %arg16[%add3A_593] : memref<1024xf32, #tpu.memory_space<vmem>>[vector<16xi32>], vector<16xf32>,
    %add3A_595 = arith.addf %add3A_551, %gather3A_594 : vector<16xf32>
    %add3A_596 = arith.constant 16 : i32
    %add3A_597 = vector.broadcast %add3A_596 : i32 to vector<16xi32>
    %add3A_598 = arith.addi %iota3A, %add3A_597 : vector<16xi32>
    %mul3A_599 = arith.constant 16 : i32
    %mul3A_600 = vector.broadcast %mul3A_599 : i32 to vector<16xi32>
    %mul3A_601 = arith.muli %add3A_598, %mul3A_600 : vector<16xi32>
    %add3A_602 = arith.constant 512 : i32
    %add3A_603 = vector.broadcast %add3A_602 : i32 to vector<16xi32>
    %add3A_604 = arith.addi %add3A_603, %mul3A_601 : vector<16xi32>
    %add3A_605 = arith.constant 12 : i32
    %add3A_606 = vector.broadcast %add3A_605 : i32 to vector<16xi32>
    %add3A_607 = arith.addi %add3A_604, %add3A_606 : vector<16xi32>
    %gather3A_608 = tpu.vector_load_idx %arg16[%add3A_607] : memref<1024xf32, #tpu.memory_space<vmem>>[vector<16xi32>], vector<16xf32>,
    %add3A_609 = arith.addf %add3A_565, %gather3A_608 : vector<16xf32>
    %mul3A_610 = arith.constant 16 : i32
    %mul3A_611 = vector.broadcast %mul3A_610 : i32 to vector<16xi32>
    %mul3A_612 = arith.muli %iota3A, %mul3A_611 : vector<16xi32>
    %add3A_613 = arith.constant 13 : i32
    %add3A_614 = vector.broadcast %add3A_613 : i32 to vector<16xi32>
    %add3A_615 = arith.addi %mul3A_612, %add3A_614 : vector<16xi32>
    %gather3A_616 = tpu.vector_load_idx %arg16[%add3A_615] : memref<1024xf32, #tpu.memory_space<vmem>>[vector<16xi32>], vector<16xf32>,
    %add3A_617 = arith.addf %add3A_573, %gather3A_616 : vector<16xf32>
    %add3A_618 = arith.constant 16 : i32
    %add3A_619 = vector.broadcast %add3A_618 : i32 to vector<16xi32>
    %add3A_620 = arith.addi %iota3A, %add3A_619 : vector<16xi32>
    %mul3A_621 = arith.constant 16 : i32
    %mul3A_622 = vector.broadcast %mul3A_621 : i32 to vector<16xi32>
    %mul3A_623 = arith.muli %add3A_620, %mul3A_622 : vector<16xi32>
    %add3A_624 = arith.constant 13 : i32
    %add3A_625 = vector.broadcast %add3A_624 : i32 to vector<16xi32>
    %add3A_626 = arith.addi %mul3A_623, %add3A_625 : vector<16xi32>
    %gather3A_627 = tpu.vector_load_idx %arg16[%add3A_626] : memref<1024xf32, #tpu.memory_space<vmem>>[vector<16xi32>], vector<16xf32>,
    %add3A_628 = arith.addf %add3A_584, %gather3A_627 : vector<16xf32>
    %mul3A_629 = arith.constant 16 : i32
    %mul3A_630 = vector.broadcast %mul3A_629 : i32 to vector<16xi32>
    %mul3A_631 = arith.muli %iota3A, %mul3A_630 : vector<16xi32>
    %add3A_632 = arith.constant 512 : i32
    %add3A_633 = vector.broadcast %add3A_632 : i32 to vector<16xi32>
    %add3A_634 = arith.addi %add3A_633, %mul3A_631 : vector<16xi32>
    %add3A_635 = arith.constant 13 : i32
    %add3A_636 = vector.broadcast %add3A_635 : i32 to vector<16xi32>
    %add3A_637 = arith.addi %add3A_634, %add3A_636 : vector<16xi32>
    %gather3A_638 = tpu.vector_load_idx %arg16[%add3A_637] : memref<1024xf32, #tpu.memory_space<vmem>>[vector<16xi32>], vector<16xf32>,
    %add3A_639 = arith.addf %add3A_595, %gather3A_638 : vector<16xf32>
    %add3A_640 = arith.constant 16 : i32
    %add3A_641 = vector.broadcast %add3A_640 : i32 to vector<16xi32>
    %add3A_642 = arith.addi %iota3A, %add3A_641 : vector<16xi32>
    %mul3A_643 = arith.constant 16 : i32
    %mul3A_644 = vector.broadcast %mul3A_643 : i32 to vector<16xi32>
    %mul3A_645 = arith.muli %add3A_642, %mul3A_644 : vector<16xi32>
    %add3A_646 = arith.constant 512 : i32
    %add3A_647 = vector.broadcast %add3A_646 : i32 to vector<16xi32>
    %add3A_648 = arith.addi %add3A_647, %mul3A_645 : vector<16xi32>
    %add3A_649 = arith.constant 13 : i32
    %add3A_650 = vector.broadcast %add3A_649 : i32 to vector<16xi32>
    %add3A_651 = arith.addi %add3A_648, %add3A_650 : vector<16xi32>
    %gather3A_652 = tpu.vector_load_idx %arg16[%add3A_651] : memref<1024xf32, #tpu.memory_space<vmem>>[vector<16xi32>], vector<16xf32>,
    %add3A_653 = arith.addf %add3A_609, %gather3A_652 : vector<16xf32>
    %mul3A_654 = arith.constant 16 : i32
    %mul3A_655 = vector.broadcast %mul3A_654 : i32 to vector<16xi32>
    %mul3A_656 = arith.muli %iota3A, %mul3A_655 : vector<16xi32>
    %add3A_657 = arith.constant 14 : i32
    %add3A_658 = vector.broadcast %add3A_657 : i32 to vector<16xi32>
    %add3A_659 = arith.addi %mul3A_656, %add3A_658 : vector<16xi32>
    %gather3A_660 = tpu.vector_load_idx %arg16[%add3A_659] : memref<1024xf32, #tpu.memory_space<vmem>>[vector<16xi32>], vector<16xf32>,
    %add3A_661 = arith.addf %add3A_617, %gather3A_660 : vector<16xf32>
    %add3A_662 = arith.constant 16 : i32
    %add3A_663 = vector.broadcast %add3A_662 : i32 to vector<16xi32>
    %add3A_664 = arith.addi %iota3A, %add3A_663 : vector<16xi32>
    %mul3A_665 = arith.constant 16 : i32
    %mul3A_666 = vector.broadcast %mul3A_665 : i32 to vector<16xi32>
    %mul3A_667 = arith.muli %add3A_664, %mul3A_666 : vector<16xi32>
    %add3A_668 = arith.constant 14 : i32
    %add3A_669 = vector.broadcast %add3A_668 : i32 to vector<16xi32>
    %add3A_670 = arith.addi %mul3A_667, %add3A_669 : vector<16xi32>
    %gather3A_671 = tpu.vector_load_idx %arg16[%add3A_670] : memref<1024xf32, #tpu.memory_space<vmem>>[vector<16xi32>], vector<16xf32>,
    %add3A_672 = arith.addf %add3A_628, %gather3A_671 : vector<16xf32>
    %mul3A_673 = arith.constant 16 : i32
    %mul3A_674 = vector.broadcast %mul3A_673 : i32 to vector<16xi32>
    %mul3A_675 = arith.muli %iota3A, %mul3A_674 : vector<16xi32>
    %add3A_676 = arith.constant 512 : i32
    %add3A_677 = vector.broadcast %add3A_676 : i32 to vector<16xi32>
    %add3A_678 = arith.addi %add3A_677, %mul3A_675 : vector<16xi32>
    %add3A_679 = arith.constant 14 : i32
    %add3A_680 = vector.broadcast %add3A_679 : i32 to vector<16xi32>
    %add3A_681 = arith.addi %add3A_678, %add3A_680 : vector<16xi32>
    %gather3A_682 = tpu.vector_load_idx %arg16[%add3A_681] : memref<1024xf32, #tpu.memory_space<vmem>>[vector<16xi32>], vector<16xf32>,
    %add3A_683 = arith.addf %add3A_639, %gather3A_682 : vector<16xf32>
    %add3A_684 = arith.constant 16 : i32
    %add3A_685 = vector.broadcast %add3A_684 : i32 to vector<16xi32>
    %add3A_686 = arith.addi %iota3A, %add3A_685 : vector<16xi32>
    %mul3A_687 = arith.constant 16 : i32
    %mul3A_688 = vector.broadcast %mul3A_687 : i32 to vector<16xi32>
    %mul3A_689 = arith.muli %add3A_686, %mul3A_688 : vector<16xi32>
    %add3A_690 = arith.constant 512 : i32
    %add3A_691 = vector.broadcast %add3A_690 : i32 to vector<16xi32>
    %add3A_692 = arith.addi %add3A_691, %mul3A_689 : vector<16xi32>
    %add3A_693 = arith.constant 14 : i32
    %add3A_694 = vector.broadcast %add3A_693 : i32 to vector<16xi32>
    %add3A_695 = arith.addi %add3A_692, %add3A_694 : vector<16xi32>
    %gather3A_696 = tpu.vector_load_idx %arg16[%add3A_695] : memref<1024xf32, #tpu.memory_space<vmem>>[vector<16xi32>], vector<16xf32>,
    %add3A_697 = arith.addf %add3A_653, %gather3A_696 : vector<16xf32>
    %mul3A_698 = arith.constant 16 : i32
    %mul3A_699 = vector.broadcast %mul3A_698 : i32 to vector<16xi32>
    %mul3A_700 = arith.muli %iota3A, %mul3A_699 : vector<16xi32>
    %add3A_701 = arith.constant 15 : i32
    %add3A_702 = vector.broadcast %add3A_701 : i32 to vector<16xi32>
    %add3A_703 = arith.addi %mul3A_700, %add3A_702 : vector<16xi32>
    %gather3A_704 = tpu.vector_load_idx %arg16[%add3A_703] : memref<1024xf32, #tpu.memory_space<vmem>>[vector<16xi32>], vector<16xf32>,
    %add3A_705 = arith.addf %add3A_661, %gather3A_704 : vector<16xf32>
    %add3A_706 = arith.constant 16 : i32
    %add3A_707 = vector.broadcast %add3A_706 : i32 to vector<16xi32>
    %add3A_708 = arith.addi %iota3A, %add3A_707 : vector<16xi32>
    %mul3A_709 = arith.constant 16 : i32
    %mul3A_710 = vector.broadcast %mul3A_709 : i32 to vector<16xi32>
    %mul3A_711 = arith.muli %add3A_708, %mul3A_710 : vector<16xi32>
    %add3A_712 = arith.constant 15 : i32
    %add3A_713 = vector.broadcast %add3A_712 : i32 to vector<16xi32>
    %add3A_714 = arith.addi %mul3A_711, %add3A_713 : vector<16xi32>
    %gather3A_715 = tpu.vector_load_idx %arg16[%add3A_714] : memref<1024xf32, #tpu.memory_space<vmem>>[vector<16xi32>], vector<16xf32>,
    %add3A_716 = arith.addf %add3A_672, %gather3A_715 : vector<16xf32>
    %mul3A_717 = arith.constant 16 : i32
    %mul3A_718 = vector.broadcast %mul3A_717 : i32 to vector<16xi32>
    %mul3A_719 = arith.muli %iota3A, %mul3A_718 : vector<16xi32>
    %add3A_720 = arith.constant 512 : i32
    %add3A_721 = vector.broadcast %add3A_720 : i32 to vector<16xi32>
    %add3A_722 = arith.addi %add3A_721, %mul3A_719 : vector<16xi32>
    %add3A_723 = arith.constant 15 : i32
    %add3A_724 = vector.broadcast %add3A_723 : i32 to vector<16xi32>
    %add3A_725 = arith.addi %add3A_722, %add3A_724 : vector<16xi32>
    %gather3A_726 = tpu.vector_load_idx %arg16[%add3A_725] : memref<1024xf32, #tpu.memory_space<vmem>>[vector<16xi32>], vector<16xf32>,
    %add3A_727 = arith.addf %add3A_683, %gather3A_726 : vector<16xf32>
    %add3A_728 = arith.constant 16 : i32
    %add3A_729 = vector.broadcast %add3A_728 : i32 to vector<16xi32>
    %add3A_730 = arith.addi %iota3A, %add3A_729 : vector<16xi32>
    %mul3A_731 = arith.constant 16 : i32
    %mul3A_732 = vector.broadcast %mul3A_731 : i32 to vector<16xi32>
    %mul3A_733 = arith.muli %add3A_730, %mul3A_732 : vector<16xi32>
    %add3A_734 = arith.constant 512 : i32
    %add3A_735 = vector.broadcast %add3A_734 : i32 to vector<16xi32>
    %add3A_736 = arith.addi %add3A_735, %mul3A_733 : vector<16xi32>
    %add3A_737 = arith.constant 15 : i32
    %add3A_738 = vector.broadcast %add3A_737 : i32 to vector<16xi32>
    %add3A_739 = arith.addi %add3A_736, %add3A_738 : vector<16xi32>
    %gather3A_740 = tpu.vector_load_idx %arg16[%add3A_739] : memref<1024xf32, #tpu.memory_space<vmem>>[vector<16xi32>], vector<16xf32>,
    %add3A_741 = arith.addf %add3A_697, %gather3A_740 : vector<16xf32>
    %max3A = arith.constant 1.000000e+00 : f32
    %max3A_742 = vector.broadcast %max3A : f32 to vector<16xf32>
    %max3A_743 = arith.maximumf %add3A_727, %max3A_742 : vector<16xf32>
    %div3A = arith.divf %add3A_705, %max3A_743 : vector<16xf32>
    %swap3A = arith.constant 0 : index
    %swap3A_744 = tpu.vector_load %arg17[%swap3A] {strides = array<i32>} : memref<32xf32, #tpu.memory_space<vmem>>, vector<16xf32>,
    tpu.vector_store %arg17[%swap3A], %div3A {strides = array<i32>} : memref<32xf32, #tpu.memory_space<vmem>>, vector<16xf32>,
    %max3A_745 = arith.constant 1.000000e+00 : f32
    %max3A_746 = vector.broadcast %max3A_745 : f32 to vector<16xf32>
    %max3A_747 = arith.maximumf %add3A_741, %max3A_746 : vector<16xf32>
    %div3A_748 = arith.divf %add3A_716, %max3A_747 : vector<16xf32>
    %swap3A_749 = arith.constant 16 : index
    %swap3A_750 = tpu.vector_load %arg17[%swap3A_749] {strides = array<i32>} : memref<32xf32, #tpu.memory_space<vmem>>, vector<16xf32>,
    tpu.vector_store %arg17[%swap3A_749], %div3A_748 {strides = array<i32>} : memref<32xf32, #tpu.memory_space<vmem>>, vector<16xf32>,
    %mul3A_751 = arith.constant 3136 : i32
    %mul3A_752 = arith.muli %add3A, %mul3A_751 : i32
    "tpu.region"() ({
      %run_scoped3A_760 = tpu.sem_alloc : memref<!tpu.dma_semaphore, #tpu.memory_space<semaphore_mem>>
      %dma_start3A = tpu.memref_slice %arg3[%mul3A_752] : memref<100352xi32, #tpu.memory_space<hbm>> -> memref<3136xi32, #tpu.memory_space<hbm>>
      %dma_start3A_761 = tpu.memref_slice %arg3[%mul3A_752] : memref<100352xi32, #tpu.memory_space<hbm>> -> memref<3136xi32, #tpu.memory_space<hbm>>
      tpu.enqueue_dma source(%dma_start3A_761 : memref<3136xi32, #tpu.memory_space<hbm>>) target(%arg18 : memref<3136xi32, #tpu.memory_space<vmem>>) target_semaphore(%run_scoped3A_760 : memref<!tpu.dma_semaphore, #tpu.memory_space<semaphore_mem>>)
      %dma_wait3A = tpu.memref_slice %arg3[%mul3A_752] : memref<100352xi32, #tpu.memory_space<hbm>> -> memref<3136xi32, #tpu.memory_space<hbm>>
      %dma_wait3A_762 = tpu.memref_slice %arg3[%mul3A_752] : memref<100352xi32, #tpu.memory_space<hbm>> -> memref<3136xi32, #tpu.memory_space<hbm>>
      tpu.wait_dma2 semaphore(%run_scoped3A_760 : memref<!tpu.dma_semaphore, #tpu.memory_space<semaphore_mem>>) src(%dma_wait3A_762 : memref<3136xi32, #tpu.memory_space<hbm>>) dst(%arg18 : memref<3136xi32, #tpu.memory_space<vmem>>)
      tpu.yield
    }) : () -> ()
    "tpu.region"() ({
      %run_scoped3A_760 = tpu.sem_alloc : memref<!tpu.dma_semaphore, #tpu.memory_space<semaphore_mem>>
      %dma_start3A = tpu.memref_slice %arg2[%mul3A_752] : memref<100352xf32, #tpu.memory_space<hbm>> -> memref<3136xf32, #tpu.memory_space<hbm>>
      %dma_start3A_761 = tpu.memref_slice %arg2[%mul3A_752] : memref<100352xf32, #tpu.memory_space<hbm>> -> memref<3136xf32, #tpu.memory_space<hbm>>
      tpu.enqueue_dma source(%dma_start3A_761 : memref<3136xf32, #tpu.memory_space<hbm>>) target(%arg19 : memref<3136xf32, #tpu.memory_space<vmem>>) target_semaphore(%run_scoped3A_760 : memref<!tpu.dma_semaphore, #tpu.memory_space<semaphore_mem>>)
      %dma_wait3A = tpu.memref_slice %arg2[%mul3A_752] : memref<100352xf32, #tpu.memory_space<hbm>> -> memref<3136xf32, #tpu.memory_space<hbm>>
      %dma_wait3A_762 = tpu.memref_slice %arg2[%mul3A_752] : memref<100352xf32, #tpu.memory_space<hbm>> -> memref<3136xf32, #tpu.memory_space<hbm>>
      tpu.wait_dma2 semaphore(%run_scoped3A_760 : memref<!tpu.dma_semaphore, #tpu.memory_space<semaphore_mem>>) src(%dma_wait3A_762 : memref<3136xf32, #tpu.memory_space<hbm>>) dst(%arg19 : memref<3136xf32, #tpu.memory_space<vmem>>)
      tpu.yield
    }) : () -> ()
    "tpu.region"() ({
      %run_scoped3A_760 = tpu.sem_alloc : memref<!tpu.dma_semaphore, #tpu.memory_space<semaphore_mem>>
      %dma_start3A = tpu.memref_slice %arg4[%mul3A_752] : memref<100352xi32, #tpu.memory_space<hbm>> -> memref<3136xi32, #tpu.memory_space<hbm>>
      %dma_start3A_761 = tpu.memref_slice %arg4[%mul3A_752] : memref<100352xi32, #tpu.memory_space<hbm>> -> memref<3136xi32, #tpu.memory_space<hbm>>
      tpu.enqueue_dma source(%dma_start3A_761 : memref<3136xi32, #tpu.memory_space<hbm>>) target(%arg20 : memref<3136xi32, #tpu.memory_space<vmem>>) target_semaphore(%run_scoped3A_760 : memref<!tpu.dma_semaphore, #tpu.memory_space<semaphore_mem>>)
      %dma_wait3A = tpu.memref_slice %arg4[%mul3A_752] : memref<100352xi32, #tpu.memory_space<hbm>> -> memref<3136xi32, #tpu.memory_space<hbm>>
      %dma_wait3A_762 = tpu.memref_slice %arg4[%mul3A_752] : memref<100352xi32, #tpu.memory_space<hbm>> -> memref<3136xi32, #tpu.memory_space<hbm>>
      tpu.wait_dma2 semaphore(%run_scoped3A_760 : memref<!tpu.dma_semaphore, #tpu.memory_space<semaphore_mem>>) src(%dma_wait3A_762 : memref<3136xi32, #tpu.memory_space<hbm>>) dst(%arg20 : memref<3136xi32, #tpu.memory_space<vmem>>)
      tpu.yield
    }) : () -> ()
    %scan3A_753 = arith.constant 0 : i32
    %scan3A_754 = arith.constant 0 : i32
    %scan3A_755 = arith.constant 196 : i32
    %scan3A_756 = arith.addi %scan3A_754, %scan3A_755 : i32
    %scan3A_757 = arith.constant 1 : i32
    %scan3A_758 = scf.for %scan3A_760 = %scan3A_754 to %scan3A_756 step %scan3A_757 iter_args(%scan3A_761 = %scan3A_753) -> (i32)  : i32 {
      %mul3A_762 = arith.constant 16 : i32
      %mul3A_763 = arith.muli %scan3A_760, %mul3A_762 : i32
      %get3A_764 = arith.index_cast %mul3A_763 : i32 to index
      %get3A_765 = tpu.vector_load %arg19[%get3A_764] {strides = array<i32>} : memref<3136xf32, #tpu.memory_space<vmem>>, vector<16xf32>,
      %get3A_766 = arith.index_cast %mul3A_763 : i32 to index
      %get3A_767 = tpu.vector_load %arg20[%get3A_766] {strides = array<i32>} : memref<3136xi32, #tpu.memory_space<vmem>>, vector<16xi32>,
      %get3A_768 = arith.index_cast %mul3A_763 : i32 to index
      %get3A_769 = tpu.vector_load %arg18[%get3A_768] {strides = array<i32>} : memref<3136xi32, #tpu.memory_space<vmem>>, vector<16xi32>,
      %min3A = arith.constant 31 : i32
      %min3A_770 = vector.broadcast %min3A : i32 to vector<16xi32>
      %min3A_771 = arith.minsi %get3A_769, %min3A_770 : vector<16xi32>
      %gather3A_772 = tpu.vector_load_idx %arg17[%min3A_771] : memref<32xf32, #tpu.memory_space<vmem>>[vector<16xi32>], vector<16xf32>,
      %add3A_773 = arith.addf %get3A_765, %gather3A_772 : vector<16xf32>
      %gather3A_774 = tpu.vector_load_idx %arg13[%get3A_767] : memref<96xf32, #tpu.memory_space<vmem>>[vector<16xi32>], vector<16xf32>,
      %mul3A_775 = arith.constant 2.000000e+00 : f32
      %mul3A_776 = vector.broadcast %mul3A_775 : f32 to vector<16xf32>
      %mul3A_777 = arith.mulf %mul3A_776, %add3A_773 : vector<16xf32>
      %exp3A = math.exp %mul3A_777 : vector<16xf32>
      %sub3A = arith.constant 1.000000e+00 : f32
      %sub3A_778 = vector.broadcast %sub3A : f32 to vector<16xf32>
      %sub3A_779 = arith.subf %sub3A_778, %exp3A : vector<16xf32>
      %mul3A_780 = arith.constant 1.500000e+00 : f32
      %mul3A_781 = vector.broadcast %mul3A_780 : f32 to vector<16xf32>
      %mul3A_782 = arith.mulf %mul3A_781, %sub3A_779 : vector<16xf32>
      %exp3A_783 = math.exp %mul3A_782 : vector<16xf32>
      %mul3A_784 = arith.mulf %gather3A_774, %exp3A_783 : vector<16xf32>
      %gather3A_785 = tpu.vector_load_idx %arg14[%get3A_767] : memref<96xf32, #tpu.memory_space<vmem>>[vector<16xi32>], vector<16xf32>,
      %bitcast_convert_type3A = tpu.bitcast %mul3A_784 : vector<16xf32> -> vector<16xi32>
      %add3A_786 = arith.constant 32768 : i32
      %add3A_787 = vector.broadcast %add3A_786 : i32 to vector<16xi32>
      %add3A_788 = arith.addi %bitcast_convert_type3A, %add3A_787 : vector<16xi32>
      %bitcast_convert_type3A_789 = tpu.bitcast %gather3A_785 : vector<16xf32> -> vector<16xi32>
      %add3A_790 = arith.constant 32768 : i32
      %add3A_791 = vector.broadcast %add3A_790 : i32 to vector<16xi32>
      %add3A_792 = arith.addi %bitcast_convert_type3A_789, %add3A_791 : vector<16xi32>
      %and3A = arith.constant -65536 : i32
      %and3A_793 = vector.broadcast %and3A : i32 to vector<16xi32>
      %and3A_794 = arith.andi %add3A_788, %and3A_793 : vector<16xi32>
      %shift_right_logical3A = arith.constant 16 : i32
      %shift_right_logical3A_795 = vector.broadcast %shift_right_logical3A : i32 to vector<16xi32>
      %shift_right_logical3A_796 = arith.shrui %add3A_792, %shift_right_logical3A_795 : vector<16xi32>
      %or3A = arith.ori %and3A_794, %shift_right_logical3A_796 : vector<16xi32>
      %swap3A_797 = arith.index_cast %mul3A_763 : i32 to index
      %swap3A_798 = tpu.vector_load %arg21[%swap3A_797] {strides = array<i32>} : memref<3136xf32, #tpu.memory_space<vmem>>, vector<16xf32>,
      tpu.vector_store %arg21[%swap3A_797], %add3A_773 {strides = array<i32>} : memref<3136xf32, #tpu.memory_space<vmem>>, vector<16xf32>,
      %bitcast_convert_type3A_799 = tpu.bitcast %or3A : vector<16xi32> -> vector<16xf32>
      %swap3A_800 = arith.index_cast %mul3A_763 : i32 to index
      %swap3A_801 = tpu.vector_load %arg22[%swap3A_800] {strides = array<i32>} : memref<3136xf32, #tpu.memory_space<vmem>>, vector<16xf32>,
      tpu.vector_store %arg22[%swap3A_800], %bitcast_convert_type3A_799 {strides = array<i32>} : memref<3136xf32, #tpu.memory_space<vmem>>, vector<16xf32>,
      %scan3A_802 = arith.constant 0 : i32
      scf.yield %scan3A_802 : i32
    }
    %scan3A_759 = arith.constant 196 : i32
    "tpu.region"() ({
      %run_scoped3A_760 = tpu.sem_alloc : memref<!tpu.dma_semaphore, #tpu.memory_space<semaphore_mem>>
      %dma_start3A = tpu.memref_slice %arg8[%mul3A_752] : memref<100352xf32, #tpu.memory_space<hbm>> -> memref<3136xf32, #tpu.memory_space<hbm>>
      %dma_start3A_761 = tpu.memref_slice %arg8[%mul3A_752] : memref<100352xf32, #tpu.memory_space<hbm>> -> memref<3136xf32, #tpu.memory_space<hbm>>
      tpu.enqueue_dma source(%arg21 : memref<3136xf32, #tpu.memory_space<vmem>>) target(%dma_start3A_761 : memref<3136xf32, #tpu.memory_space<hbm>>) target_semaphore(%run_scoped3A_760 : memref<!tpu.dma_semaphore, #tpu.memory_space<semaphore_mem>>)
      %dma_wait3A = tpu.memref_slice %arg8[%mul3A_752] : memref<100352xf32, #tpu.memory_space<hbm>> -> memref<3136xf32, #tpu.memory_space<hbm>>
      %dma_wait3A_762 = tpu.memref_slice %arg8[%mul3A_752] : memref<100352xf32, #tpu.memory_space<hbm>> -> memref<3136xf32, #tpu.memory_space<hbm>>
      tpu.wait_dma2 semaphore(%run_scoped3A_760 : memref<!tpu.dma_semaphore, #tpu.memory_space<semaphore_mem>>) src(%arg21 : memref<3136xf32, #tpu.memory_space<vmem>>) dst(%dma_wait3A_762 : memref<3136xf32, #tpu.memory_space<hbm>>)
      tpu.yield
    }) : () -> ()
    "tpu.region"() ({
      %run_scoped3A_760 = tpu.sem_alloc : memref<!tpu.dma_semaphore, #tpu.memory_space<semaphore_mem>>
      %dma_start3A = tpu.memref_slice %arg9[%mul3A_752] : memref<100352xf32, #tpu.memory_space<hbm>> -> memref<3136xf32, #tpu.memory_space<hbm>>
      %dma_start3A_761 = tpu.memref_slice %arg9[%mul3A_752] : memref<100352xf32, #tpu.memory_space<hbm>> -> memref<3136xf32, #tpu.memory_space<hbm>>
      tpu.enqueue_dma source(%arg22 : memref<3136xf32, #tpu.memory_space<vmem>>) target(%dma_start3A_761 : memref<3136xf32, #tpu.memory_space<hbm>>) target_semaphore(%run_scoped3A_760 : memref<!tpu.dma_semaphore, #tpu.memory_space<semaphore_mem>>)
      %dma_wait3A = tpu.memref_slice %arg9[%mul3A_752] : memref<100352xf32, #tpu.memory_space<hbm>> -> memref<3136xf32, #tpu.memory_space<hbm>>
      %dma_wait3A_762 = tpu.memref_slice %arg9[%mul3A_752] : memref<100352xf32, #tpu.memory_space<hbm>> -> memref<3136xf32, #tpu.memory_space<hbm>>
      tpu.wait_dma2 semaphore(%run_scoped3A_760 : memref<!tpu.dma_semaphore, #tpu.memory_space<semaphore_mem>>) src(%arg22 : memref<3136xf32, #tpu.memory_space<vmem>>) dst(%dma_wait3A_762 : memref<3136xf32, #tpu.memory_space<hbm>>)
      tpu.yield
    }) : () -> ()
    return
  }
}

module attributes {stable_mosaic.version = 14 : i64} {
  func.func @_combine_body(%arg0: memref<2x782x128xf32, #tpu.memory_space<vmem>>, %arg1: memref<782x128xf32, #tpu.memory_space<vmem>>, %arg2: memref<782x128xf32, #tpu.memory_space<vmem>>) attributes {dimension_semantics = [], scalar_prefetch = 0 : i64, scratch_operands = 0 : i64, tpu.core_type = #tpu.core_type<tc>} {
    %get3A = arith.constant 0 : index
    %get3A_0 = arith.constant 0 : index
    %get3A_1 = arith.constant 0 : index
    %get3A_2 = vector.load %arg0[%get3A, %get3A_0, %get3A_1] : memref<2x782x128xf32, #tpu.memory_space<vmem>>, vector<1x782x128xf32>
    %get3A_3 = vector.shape_cast %get3A_2 : vector<1x782x128xf32> to vector<782x128xf32>
    %get3A_4 = arith.constant 1 : index
    %get3A_5 = arith.constant 0 : index
    %get3A_6 = arith.constant 0 : index
    %get3A_7 = vector.load %arg0[%get3A_4, %get3A_5, %get3A_6] : memref<2x782x128xf32, #tpu.memory_space<vmem>>, vector<1x782x128xf32>
    %get3A_8 = vector.shape_cast %get3A_7 : vector<1x782x128xf32> to vector<782x128xf32>
    %add3A = arith.addf %get3A_3, %get3A_8 : vector<782x128xf32>
    %get3A_9 = arith.constant 0 : index
    %get3A_10 = arith.constant 0 : index
    %get3A_11 = vector.load %arg1[%get3A_9, %get3A_10] : memref<782x128xf32, #tpu.memory_space<vmem>>, vector<782x128xf32>
    %add3A_12 = arith.addf %add3A, %get3A_11 : vector<782x128xf32>
    %swap3A = arith.constant 0 : index
    %swap3A_13 = arith.constant 0 : index
    %swap3A_14 = vector.load %arg2[%swap3A, %swap3A_13] : memref<782x128xf32, #tpu.memory_space<vmem>>, vector<782x128xf32>
    tpu.vector_store %arg2[%swap3A, %swap3A_13], %add3A_12 {strides = array<i32>} : memref<782x128xf32, #tpu.memory_space<vmem>>, vector<782x128xf32>,
    return
  }
}

</mosaic_0001>

<sc_bundles>
// kernel: kernel.5.cloned.1.call-start
scs
__scs_entry_jumppad:
0x0: {  	(pc) =	sbr.rel $0x88, $3  }
0x1: {  	(tag) =	ssettag $0x0;
	lr =	simm.s32 $0x1  }
0x2: {  	[smem:$0x3F99] =	sst lr;
	_ =	strace $0xD0000000  }
0x3: {  	_ = 	snop  }
0x4: {  	_ = 	snop  }
0x5: {  	_ = 	snop  }
0x6: {  	_ = 	snop  }
0x7: {  	_ = 	snop  }
__scs_overlays_trampoline_lowered:
0x8: {  	[smem:$0x3FA8] =	sst s0  }
0x9: {  	[smem:$0x3FA9] =	sst s1  }
0xa: {  	[smem:$0x3FAA] =	sst s2  }
0xb: {  	[smem:$0x3FAB] =	sst s3  }
0xc: {  	[smem:$0x3FAC] =	sst s4  }
0xd: {  	[smem:$0x3FAD] =	sst s5  }
0xe: {  	[smem:$0x3FAE] =	sst s6  }
0xf: {  	[smem:$0x3FAF] =	sst s7  }
0x10: {  	[smem:$0x3FB0] =	sst s8  }
0x11: {  	[smem:$0x3FB1] =	sst s9;
	s0 =	simm.s32 @!p0 $0x0  }
0x12: {  	s1 =	sld [smem:$0x3F97];
	s0 =	simm.s32 @p0 $0x1  }
0x13: {  	[smem:$0x3FB2] =	sst s0;
	s0 =	simm.s32 @!p1 $0x0  }
0x14: {  	s2 =	sld [smem:$0x3F96];
	s0 =	simm.s32 @p1 $0x1  }
0x15: {  	[smem:$0x3FB3] =	sst s0;
	s0 =	simm.s32 @!p2 $0x0  }
0x16: {  	s3 =	sld [smem:$0x3FDB];
	s0 =	simm.s32 @p2 $0x1  }
0x17: {  	s4 =	simm.s32 $0x1BF5;
	[smem:$0x3FB5] =	sst s0  }
0x18: {  	s0 =	sld [smem:$0x3F98];
	_ =	swait.ge [sflag:s4], $0x0  }
0x19: {  	s7 =	sld [smem:$0x3F99]  }
0x1a: {  	s8 =	sadd.s32 $0xFFFFE003, lr  }
0x1b: {  	s9 =	sadd.s32 $0xFFFFFEF7, lr;
	s5 =	simm.s32 $0xFFFFFFFF;
	p2 =	slt.u32 s8, $0xFFFFF086  }
0x1c: {  	p1 =	slt.u32 s9, $0xF7A;
	s5 =	simm.s32 @!p2 $0x0  }
0x1d: {  	s5 =	simm.s32 @p1 $0x1;
	p0 =	seq.s32 s7, s2  }
0x1e: {  	s7 =	smul.u32 @!p0 $0xF7A, s2;
	p2 =	seq.s32 @!p0 s5, $0x0  }
0x1f: {  	s9 =	smul.u32 $0xF7A, s1;
	s8 =	simm.s32 @!p0 $0x1BF5;
	p2 =	por !p2, p0  }
0x20: {  	[sflag:s8] =	ssyncset.s32 @!p0 $0xFFFFF086;
	s6 =	sadd.s32 @!p0 s3, s7;
	s7 =	simm.s32 @!p0 $0x108  }
0x21: {  	s3 =	sadd.s32 s3, s9;
	s6 =	sadd.s32 @!p0 $0x88, s6;
	s7 =	simm.s32 @p2 $0x1082  }
0x22: {  	[simem:s7], [sflag:s8] =	dma.local @!p0 [hbm:s6], $0xF7A  }
0x23: {  	s9 =	sor.u32 $0xD0000000, s2;
	s6 =	simm.s32 $0x108;
	_ =	swait.ge @!p0 [sflag:s8], $0x0  }
0x24: {  	s3 =	sadd.s32 $0x88, s3;
	s6 =	simm.s32 @!p1 $0x1082;
	[sflag:s4] =	ssyncset.s32 $0xFFFFF086  }
0x25: {  	[simem:s6], [sflag:s4] =	dma.local [hbm:s3], $0xF7A  }
0x26: {  	[smem:$0x3F99] =	sst s1;
	(tag) =	ssettag s2;
	_ =	strace s9  }
0x27: {  	s1 =	sld [smem:$0x3FA9]  }
0x28: {  	s2 =	sld [smem:$0x3FAA]  }
0x29: {  	s4 =	sld [smem:$0x3FAC]  }
0x2a: {  	p0 =	seq.s32 s5, $0x0;
	s5 =	sld [smem:$0x3FAD]  }
0x2b: {  	s6 =	sld [smem:$0x3FAE]  }
0x2c: {  	s7 =	sld [smem:$0x3FAF]  }
0x2d: {  	s3 =	simm.s32 $0x108;
	s8 =	sld [smem:$0x3FB0]  }
0x2e: {  	s3 =	simm.s32 @!p0 $0x1082;
	s9 =	sld [smem:$0x3FB1]  }
0x2f: {  	lr =	sadd.s32 s0, s3;
	s0 =	sld [smem:$0x3FA8]  }
0x30: {  	s3 =	sld [smem:$0x3FAB]  }
0x31: {  	[smem:$0x3FB4] =	sst s10  }
0x32: {  	s10 =	sld [smem:$0x3FB2];
	_ =	sdelay $0x3  }
0x33: {  	p0 =	seq.s32 s10, $0x1;
	s10 =	sld [smem:$0x3FB4];
	_ =	sdelay $0x3  }
0x34: {  	[smem:$0x3FB4] =	sst s10  }
0x35: {  	s10 =	sld [smem:$0x3FB3];
	_ =	sdelay $0x3  }
0x36: {  	p1 =	seq.s32 s10, $0x1;
	s10 =	sld [smem:$0x3FB4];
	_ =	sdelay $0x3  }
0x37: {  	[smem:$0x3FB4] =	sst s10  }
0x38: {  	s10 =	sld [smem:$0x3FB5]  }
0x39: {  	_ = 	snop;
	(pc) =	sbr.ind lr, $3  }
0x3a: {  	_ = 	snop  }
0x3b: {  	_ = 	snop  }
0x3c: {  	p2 =	seq.s32 s10, $0x1;
	s10 =	sld [smem:$0x3FB4]  }
0x3d: {  	_ =	shalt  }
0x3e: {  	_ =	shalt  }
0x3f: {  	_ =	shalt  }
0x40: {  	_ =	shalt  }
0x41: {  	_ =	shalt  }
0x42: {  	_ =	shalt  }
0x43: {  	_ =	shalt  }
0x44: {  	_ =	shalt  }
0x45: {  	_ =	shalt  }
0x46: {  	_ =	shalt  }
0x47: {  	_ =	shalt  }
0x48: {  	_ =	shalt  }
0x49: {  	_ =	shalt  }
0x4a: {  	_ =	shalt  }
0x4b: {  	_ =	shalt  }
0x4c: {  	_ =	shalt  }
0x4d: {  	_ =	shalt  }
0x4e: {  	_ =	shalt  }
0x4f: {  	_ =	shalt  }
0x50: {  	_ =	shalt  }
0x51: {  	_ =	shalt  }
0x52: {  	_ =	shalt  }
0x53: {  	_ =	shalt  }
0x54: {  	_ =	shalt  }
0x55: {  	_ =	shalt  }
0x56: {  	_ =	shalt  }
0x57: {  	_ =	shalt  }
0x58: {  	_ =	shalt  }
0x59: {  	_ =	shalt  }
0x5a: {  	_ =	shalt  }
0x5b: {  	_ =	shalt  }
0x5c: {  	_ =	shalt  }
0x5d: {  	_ =	shalt  }
0x5e: {  	_ =	shalt  }
0x5f: {  	_ =	shalt  }
0x60: {  	_ =	shalt  }
0x61: {  	_ =	shalt  }
0x62: {  	_ =	shalt  }
0x63: {  	_ =	shalt  }
0x64: {  	_ =	shalt  }
0x65: {  	_ =	shalt  }
0x66: {  	_ =	shalt  }
0x67: {  	_ =	shalt  }
0x68: {  	_ =	shalt  }
0x69: {  	_ =	shalt  }
0x6a: {  	_ =	shalt  }
0x6b: {  	_ =	shalt  }
0x6c: {  	_ =	shalt  }
0x6d: {  	_ =	shalt  }
0x6e: {  	_ =	shalt  }
0x6f: {  	_ =	shalt  }
0x70: {  	_ =	shalt  }
0x71: {  	_ =	shalt  }
0x72: {  	_ =	shalt  }
0x73: {  	_ =	shalt  }
0x74: {  	_ =	shalt  }
0x75: {  	_ =	shalt  }
0x76: {  	_ =	shalt  }
0x77: {  	_ =	shalt  }
0x78: {  	_ =	shalt  }
0x79: {  	_ =	shalt  }
0x7a: {  	_ =	shalt  }
0x7b: {  	_ =	shalt  }
0x7c: {  	_ =	shalt  }
0x7d: {  	_ =	shalt  }
0x7e: {  	_ =	shalt  }
0x7f: {  	_ =	shalt  }
0x80: {  	_ =	shalt  }
0x81: {  	_ =	shalt  }
0x82: {  	_ =	shalt  }
0x83: {  	_ =	shalt  }
0x84: {  	_ =	shalt  }
0x85: {  	_ =	shalt  }
0x86: {  	_ =	shalt  }
0x87: {  	_ =	shalt  }
.Lfunc_end0:
.L_simem_size_0:
called_computation_lowered:
.L_overlay_start_0:
0x88: {  	s2 =	sld [smem:$0x3FD9]  }
0x89: {  	s3 =	sld [smem:$0x3FFE];
	_ =	sdelay $0x1  }
0x8a: {  	s1 =	srdreg.scid  }
0x8b: {  	s0 =	sand.u32 $0x1, s1  }
0x8c: {  	s17 =	sshll.u32 s0, $0xA;
	s2 =	sadd.s32 s3, s2  }
0x8d: {  	s2 =	sadd.s32 s2, s17  }
0x8e: {  	[smem:$0x3FC0] =	sst s2  }
0x8f: {  	_ = 	snop  }
0x90: {  	s2 =	sld [smem:$0x3FD0];
	(tm) =	ssettm $0x1  }
0x91: {  	s18 =	sld [smem:$0x3FFB];
	_ =	sdelay $0x3  }
0x92: {  	_ =	strace s18  }
0x93: {  	s3 =	sld [smem:$0x3FFC];
	_ =	sdelay $0x3  }
0x94: {  	_ =	strace s3  }
0x95: {  	s3 =	sld [smem:$0x3FFD];
	_ =	sdelay $0x3  }
0x96: {  	_ =	strace s3  }
0x97: {  	_ =	strace $0x8FFFFFFF  }
0x98: {  	s19 =	sld [smem:$0x3FDB];
	_ =	sdelay $0x1  }
0x99: {  	s4 =	simm.s32 $_scs_section_size  }
0x9a: {  	s5 =	simm.s32 $_size__tile_overlayer_lowered;
	s6 =	simm.s32 $_tile_overlayer_lowered  }
0x9b: {  	s22 =	simm.s32 $0x1BFF;
	s21 =	sshll.u32 s6, $0x1;
	s3 =	sadd.s32 s4, s19  }
0x9c: {  	s7 =	simm.s32 $0x0;
	s20 =	sshll.u32 s5, $0x1;
	s5 =	sadd.s32 s21, s3  }
0x9d: {  	[timem:s7], [sflag:s22] =	dma.local [hbm:s5], s20  }
0x9e: {  	_ =	swait.ge [sflag:s22], s20  }
0x9f: {  	s4 =	ssub.s32 $0x0, s20;
	[sflag:s22] =	ssyncset.done $0x0  }
0xa0: {  	[sflag:s22] =	ssyncadd.s32 s4;
	_ =	sdelay $0x1  }
0xa1: {  	s23 =	simm.s32 $0x1B8B  }
0xa2: {  	_ =	swait.ge [sflag:s23], $0x1  }
0xa3: {  	[sflag:s23] =	ssyncset.done $0x0  }
0xa4: {  	s25 =	simm.s32 $0x1B8E;
	s24 =	sld [smem:$0x3FFE];
	[sflag:s23] =	ssyncadd.s32 $0xFFFFFFFF  }
0xa5: {  	s26 =	simm.s32 $execute0_lowered;
	[smem:$0x3FD2] =	sst s25  }
0xa6: {  	s5 =	sshll.u32 s26, $0x1;
	_ =	strace $0x80000046;
	[dreg:$0x1] =	wrdreg $0xFFFFFFFF  }
0xa7: {  	s28 =	simm.s32 $_size_execute0_lowered;
	s3 =	sadd.s32 s3, s5;
	[dreg:$0x0] =	wrdreg $0x0  }
0xa8: {  	s5 =	sshll.u32 s28, $0x1;
	[dreg:$0x2] =	wrdreg s3  }
0xa9: {  	[dreg:$0x3] =	wrdreg s5  }
0xaa: {  	[dreg:$0x4] =	wrdreg $0xC0  }
0xab: {  	_ =	task [dreg:s7], $0x5FFFF  }
0xac: {  	[dreg:$0x1] =	wrdreg $0xFFFFFFFF  }
0xad: {  	[dreg:$0x0] =	wrdreg $0x60  }
0xae: {  	[dreg:$0x2] =	wrdreg s24  }
0xaf: {  	[dreg:$0x3] =	wrdreg s2  }
0xb0: {  	[dreg:$0x4] =	wrdreg $0x7B200  }
0xb1: {  	[dreg:$0x5] =	wrdreg $0x9  }
0xb2: {  	_ =	task.clear_ibuf [dreg:s7], $0x6FFFF;
	_ =	strace $0x90000046  }
0xb3: {  	s29 =	simm.s32 $0x9;
	_ =	strace $0x80000048  }
0xb4: {  	_ =	swait.ge [sflag:s29], $0x1  }
0xb5: {  	[sflag:s29] =	ssyncadd.s32 $0xFFFFFFFF  }
0xb6: {  	_ =	strace $0x90000048  }
0xb7: {  	_ =	sfence  }
0xb8: {  	s30 =	sld [smem:$0x0];
	_ =	sdelay $0x2  }
0xb9: {  	s31 =	sshll.u32 s1, $0xD;
	s1 =	sshrl.u32 s1, $0x2  }
0xba: {  	s3 =	sand.u32 $0x4000, s31;
	s1 =	sadd.s32 s1, s30  }
0xbb: {  	s0 =	sor.u32 s3, s0;
	s1 =	sshll.u32 s1, $0x11  }
0xbc: {  	s0 =	sor.u32 s1, s0  }
0xbd: {  	s0 =	sadd.s32 $0x8F2B, s0  }
0xbe: {  	[sflag:s0] =	ssyncadd.remote.s32 $0x1  }
0xbf: {  	_ =	sfence.sel $0xFFFF  }
0xc0: {  	[dreg:$0x0] =	wrdreg $0xFFFFFFFF;
	(pc) =	sbr.abs _section_cstart, $3  }
0xc1: {  	[dreg:$0x1] =	wrdreg $0xFFFFFFFF  }
0xc2: {  	_ =	task.clear_ibuf [dreg:s7], $0x2FFFF;
	_ =	strace $0x9FFFFFFF  }
0xc3: {  	(tm) =	ssettm $0x7FFFFFFF  }
tec
execute0_lowered:
.L_overlay_start_1:
0x0: {  	(tag) =	ssettag $0x1  }
0x1: {  	v0 =	vlaneseq.u32  }
0x2: {  	v0 =	vmul.u32 $0x10, v0;
	_ =	sdelay $0x1  }
0x3: {  	v2 =	vor.u32 $0x100, v0  }
0x4: {  	[tilespmem:$0x1FE60] =	vst v2;
	v2 =	vor.u32 $0x200, v0  }
0x5: {  	[tilespmem:$0x1FE70] =	vst v2;
	v2 =	vor.u32 $0x300, v0  }
0x6: {  	[tilespmem:$0x1FE80] =	vst v2;
	v2 =	vor.u32 $0x1, v0  }
0x7: {  	[tilespmem:$0x1FE90] =	vst v2;
	v2 =	vor.u32 $0x101, v0  }
0x8: {  	[tilespmem:$0x1FEA0] =	vst v2;
	v2 =	vor.u32 $0x201, v0  }
0x9: {  	[tilespmem:$0x1FEB0] =	vst v2;
	v2 =	vor.u32 $0x301, v0  }
0xa: {  	[tilespmem:$0x1FEC0] =	vst v2;
	v2 =	vor.u32 $0x2, v0  }
0xb: {  	s1 =	rddreg [dreg:$0x0];
	s3 =	simm.s32 $0x0;
	[tilespmem:$0x1FED0] =	vst v2;
	v2 =	vor.u32 $0x102, v0  }
0xc: {  	[smem:$0x7FF] =	sst s3;
	[tilespmem:$0x1FEE0] =	vst v2;
	v2 =	vor.u32 $0x202, v0  }
0xd: {  	s2 =	rddreg [dreg:$0x2];
	v1 =	vimm.f32 $0.0e+00;
	v28 =	vor.u32 $0x306, v0;
	_ =	strace $0x80000047;
	[tilespmem:$0x1FEF0] =	vst v2;
	v2 =	vor.u32 $0x302, v0  }
0xe: {  	v29 =	vor.u32 $0x7, v0;
	v30 =	vor.u32 $0x107, v0;
	[tilespmem:$0x1FF00] =	vst v2;
	v2 =	vor.u32 $0x3, v0  }
0xf: {  	v31 =	vor.u32 $0x207, v0;
	v32 =	vor.u32 $0x307, v0;
	[tilespmem:$0x1FF10] =	vst v2;
	v2 =	vor.u32 $0x103, v0  }
0x10: {  	v34 =	vor.u32 $0x108, v0;
	v35 =	vor.u32 $0x208, v0;
	[tilespmem:$0x1FF20] =	vst v2;
	v2 =	vor.u32 $0x203, v0  }
0x11: {  	s4 =	srdreg.scid;
	s17 =	simm.s32 $0x35C0;
	s18 =	simm.s32 $0x3500;
	v36 =	vor.u32 $0x308, v0;
	v37 =	vor.u32 $0x9, v0;
	[tilespmem:$0x1FF30] =	vst v2;
	v2 =	vor.u32 $0x303, v0  }
0x12: {  	s19 =	simm.s32 $0x3560;
	s14 =	simm.s32 $0x380;
	s16 =	simm.s32 $0x39C0;
	v38 =	vor.u32 $0x109, v0;
	v39 =	vor.u32 $0x209, v0;
	[tilespmem:$0x1FF40] =	vst v2;
	v2 =	vor.u32 $0x4, v0  }
0x13: {  	s0 =	stileid.u32;
	s21 =	simm.s32 $0x3DE0;
	s22 =	simm.s32 $0x4A20;
	v40 =	vor.u32 $0x309, v0;
	v41 =	vor.u32 $0xA, v0;
	[tilespmem:$0x1FF50] =	vst v2;
	v2 =	vor.u32 $0x104, v0  }
0x14: {  	s15 =	simm.s32 $0x1;
	s23 =	simm.s32 $0x5660;
	s24 =	simm.s32 $0x3DC0;
	v42 =	vor.u32 $0x10A, v0;
	v43 =	vor.u32 $0x20A, v0;
	[tilespmem:$0x1FF60] =	vst v2;
	v2 =	vor.u32 $0x204, v0  }
0x15: {  	s20 =	simm.s32 $0x80;
	s25 =	simm.s32 $0x62A0;
	s26 =	simm.s32 $0x6EE0;
	v44 =	vor.u32 $0x30A, v0;
	v45 =	vor.u32 $0xB, v0;
	[tilespmem:$0x1FF70] =	vst v2;
	v2 =	vor.u32 $0x304, v0  }
0x16: {  	s28 =	simm.s32 $0x0;
	s4 =	sand.u32 $0x1, s4;
	s9 =	sadd.s32 $0xA000, s1;
	v46 =	vor.u32 $0x10B, v0;
	v47 =	vor.u32 $0x20B, v0;
	[tilespmem:$0x1FF80] =	vst v2;
	v2 =	vor.u32 $0x5, v0  }
0x17: {  	s5 =	sshll.u32 s0, $0x1;
	s8 =	sadd.s32 $0x6E00, s1;
	s7 =	smul.u32 $0x310, s0;
	v48 =	vor.u32 $0x30B, v0;
	v49 =	vor.u32 $0xC, v0;
	[tilespmem:$0x1FF90] =	vst v2;
	v2 =	vor.u32 $0x105, v0  }
0x18: {  	p0 =	sne.s32 s0, $0x0;
	s5 =	sor.u32 s4, s5;
	s6 =	ssub.s32 $0x2, s4;
	v50 =	vor.u32 $0x10C, v0;
	v51 =	vor.u32 $0x20C, v0;
	[tilespmem:$0x1FFA0] =	vst v2;
	v2 =	vor.u32 $0x205, v0  }
0x19: {  	s4 =	sadd.s32 $0xD200, s1;
	s10 =	smul.u32 $0x188, s5;
	s11 =	sshrl.u32 s6, $0x1;
	v52 =	vor.u32 $0x30C, v0;
	v53 =	vor.u32 $0xD, v0;
	[tilespmem:$0x1FFB0] =	vst v2;
	v2 =	vor.u32 $0x305, v0  }
0x1a: {  	s5 =	sadd.s32 $0xD400, s1;
	v54 =	vor.u32 $0x10D, v0;
	v55 =	vor.u32 $0x20D, v0;
	s13 =	ssub.s32 s6, s11;
	s6 =	sadd.s32 s8, s7;
	[tilespmem:$0x1FFC0] =	vst v2;
	v2 =	vor.u32 $0x6, v0  }
0x1b: {  	v56 =	vor.u32 $0x30D, v0;
	v57 =	vor.u32 $0xE, v0;
	s7 =	sadd.s32 s9, s7;
	s1 =	sadd.s32 s10, s1;
	s8 =	sadd.s32 s8, s10;
	[tilespmem:$0x1FFD0] =	vst v2;
	v2 =	vor.u32 $0x106, v0  }
0x1c: {  	v58 =	vor.u32 $0x10E, v0;
	v59 =	vor.u32 $0x20E, v0;
	s9 =	sadd.s32 s9, s10;
	s13 =	smax.u32 s13, $0x1;
	s10 =	sadd.s32 $0x3C00, s1;
	[tilespmem:$0x1FFE0] =	vst v2;
	v2 =	vor.u32 $0x206, v0  }
0x1d: {  	v33 =	vor.u32 $0x8, v0;
	v60 =	vor.u32 $0x30E, v0;
	v61 =	vor.u32 $0xF, v0;
	s11 =	sadd.s32 $0xD600, s1;
	s12 =	sadd.s32 $0x10800, s1;
	s1 =	simm.s32 $0x3940;
	[tilespmem:$0x1FFF0] =	vst v2  }
.LBB2_1:
0x1e: {  	s0 =	simm.s32 $0x400  }
0x1f: {  	[tilespmem:s0], [sflag:$0x1] =	stream.linear.gather [hbm4b:s6+s3], $0x1880, $0x38;
	[tilespmem:$0x7B60] =	vst v63  }
0x20: {  	_ =	swait.ge [sflag:s15], $0x1880  }
0x21: {  	[sflag:s15] =	ssyncset.done $0x0  }
0x22: {  	s31 =	simm.s32 $0x1C80;
	[sflag:s15] =	ssyncadd.s32 $0xFFFFE780  }
0x23: {  	[tilespmem:s31], [sflag:$0x1] =	stream.linear.gather [hbm4b:s7+s3], $0x1880, $0x38;
	[tilespmem:$0x7B60] =	vst v63  }
0x24: {  	_ =	swait.ge [sflag:s15], $0x1880  }
0x25: {  	[sflag:s15] =	ssyncset.done $0x0  }
0x26: {  	[sflag:s15] =	ssyncadd.s32 $0xFFFFE780  }
0x27: {  	s31 =	rddreg [dreg:$0x1]  }
0x28: {  	[tilespmem:s17], [sflag:$0x1] =	stream.linear.gather [hbm4b:s31+s3], $0x400, $0x38;
	[tilespmem:$0x7B60] =	vst v63  }
0x29: {  	_ =	swait.ge [sflag:s15], $0x400  }
0x2a: {  	[sflag:s15] =	ssyncset.done $0x0  }
0x2b: {  	[sflag:s15] =	ssyncadd.s32 $0xFFFFFC00  }
0x2c: {  	[tilespmem:s18], [sflag:$0x1] =	stream.linear.gather [hbm4b:s4+s3], $0x60, $0x38;
	[tilespmem:$0x7B60] =	vst v63  }
0x2d: {  	_ =	swait.ge [sflag:s15], $0x60  }
0x2e: {  	[sflag:s15] =	ssyncset.done $0x0  }
0x2f: {  	[sflag:s15] =	ssyncadd.s32 $0xFFFFFFA0  }
0x30: {  	[tilespmem:s19], [sflag:$0x1] =	stream.linear.gather [hbm4b:s5+s3], $0x60, $0x38;
	[tilespmem:$0x7B60] =	vst v63  }
0x31: {  	_ =	swait.ge [sflag:s15], $0x60  }
0x32: {  	[sflag:s15] =	ssyncset.done $0x0  }
0x33: {  	s29 =	simm.s32 $0x40;
	s30 =	simm.s32 $0x0;
	[sflag:s15] =	ssyncadd.s32 $0xFFFFFFA0  }
.LBB2_2:
0x34: {  	p1 =	sne.s32 s29, $0xFC0;
	[tilespmem:s30+$0x0] =	vst v1;
	s30 =	smov.u32 s29;
	s29 =	sadd.s32 $0x40, s29  }
.Ltmp0:
0x35: {  	(pc) =	sbr.rel @p1 .LBB2_2-.Ltmp0, $2  }
0x36: {  	_ =	sdelay $0x2  }
0x37: {  	s30 =	sshra.s32 s30, $0x2  }
0x38: {  	[tilespmem:s30+$0x0] =	vst v1;
	s29 =	simm.s32 @!p0 $0x0  }
0x39: {  	[spmem:s2] =	stream.linear.scatter @!p0 [tilespmem:s29], [sflag:$0x1], $0x400, $0x38;
	[tilespmem:$0x7B60] =	vst v63  }
0x3a: {  	s29 =	simm.s32 @!p0 $0x1  }
0x3b: {  	_ =	swait.ge @!p0 [sflag:s29], $0x400  }
0x3c: {  	[sflag:s29] =	ssyncset.done @!p0 $0x0  }
0x3d: {  	[sflag:s29] =	ssyncadd.s32 @!p0 $0xFFFFFC00  }
0x3e: {  	[bflag:$0x0] =	sbarrier.arrive $0xFFFF  }
0x3f: {  	v2 =	vld [tilespmem:$0x400]  }
0x40: {  	v3 =	vld [tilespmem:$0x1C70];
	_ =	sdelay $0x3  }
0x41: {  	(v2sf) =	vpush v2, $0x0  }
0x42: {  	(v2sf) =	vpush v3, $0xF;
	_ =	sdelay $0xd  }
0x43: {  	s30 =	spop (v2sf)  }
0x44: {  	s29 =	spop (v2sf)  }
0x45: {  	s31 =	sadd.s32 $0x1, s29  }
0x46: {  	p1 =	sge.s32 s30, s31  }
.Ltmp1:
0x47: {  	_ = 	snop;
	(pc) =	sbr.rel @p1 .LBB2_7-.Ltmp1, $1  }
0x48: {  	_ =	sdelay $0x3  }
.LBB2_4:
0x49: {  	s0 =	simm.s32 $0x0  }
0x4a: {  	v3 =	vld [tilespmem:s0+$0x1C80]  }
0x4b: {  	v63 =	vmov s30;
	v2 =	vimm.f32 $0.0e+00;
	s31 =	simm.s32 $0x40;
	v62 =	vimm.f32 $0.0e+00;
	v4 =	vld [tilespmem:s0+$0x400]  }
.LBB2_5:
0x4c: {  	_ = 	snop  }
0x4d: {  	p1 =	sne.s32 s31, $0x61C0  }
.Ltmp2:
0x4e: {  	_ = 	snop;
	(pc) =	sbr.rel @p1 .LBB2_5-.Ltmp2, $4  }
0x4f: {  	v5 =	vsub.f32 $0.0e+00, v3  }
0x50: {  	s0 =	sshra.s32 s31, $0x2;
	vm0 =	veq.s32 v4, v63  }
0x51: {  	v3 =	vld [tilespmem:s0+$0x1C80];
	v6 =	vsel vm0, $0x3F800000, v1;
	v5 =	vnsel vm0, $0x0, v5  }
0x52: {  	s31 =	sadd.s32 $0x40, s31;
	v4 =	vld [tilespmem:s0+$0x400];
	v62 =	vadd.f32 v6, v62;
	v2 =	vadd.f32 v5, v2  }
0x53: {  	_ =	sdelay $0x2  }
0x54: {  	v3 =	vsub.f32 $0.0e+00, v3  }
0x55: {  	p1 =	sne.s32 s30, s29;
	vm0 =	veq.s32 v4, v63  }
.Ltmp3:
0x56: {  	v3 =	vnsel vm0, $0x0, v3;
	(pc) =	sbr.rel @p1 .LBB2_4-.Ltmp3, $4  }
0x57: {  	s0 =	sshll.u32 s30, $0x6;
	v4 =	vsel vm0, $0x3F800000, v1;
	v2 =	vadd.f32 v3, v2  }
0x58: {  	s0 =	sshra.s32 s0, $0x2;
	v3 =	vadd.f32 v4, v62  }
0x59: {  	s31 =	sadd.s32 $0x1, s30;
	[tilespmem:s0+$0x0] =	vst.add.f32.msk $0xffff, v2  }
0x5a: {  	s30 =	smov.u32 s31;
	[tilespmem:s0+$0x200] =	vst.add.f32.msk $0xffff, v3  }
.LBB2_7:
0x5b: {  	s29 =	simm.s32 $0x0  }
0x5c: {  	[spmem:s2] =	stream.indirect.scatter.add.f32 [tilespmem:s29], [sflag:$0x1], $0x1, s17, s20, $0xb8;
	[tilespmem:$0x7B60] =	vst v63  }
0x5d: {  	_ =	swait.ge [sflag:s15], $0x80  }
0x5e: {  	[sflag:s15] =	ssyncset.done $0x0  }
0x5f: {  	s0 =	simm.s32 $0x3640;
	[sflag:s15] =	ssyncadd.s32 $0xFFFFFF80  }
0x60: {  	[spmem:s2] =	stream.indirect.scatter.add.f32 [tilespmem:s20], [sflag:$0x1], $0x1, s0, s20, $0xb8;
	[tilespmem:$0x7B60] =	vst v63  }
0x61: {  	_ =	swait.ge [sflag:s15], $0x80  }
0x62: {  	[sflag:s15] =	ssyncset.done $0x0  }
0x63: {  	s30 =	simm.s32 $0x100;
	s0 =	simm.s32 $0x36C0;
	[sflag:s15] =	ssyncadd.s32 $0xFFFFFF80  }
0x64: {  	[spmem:s2] =	stream.indirect.scatter.add.f32 [tilespmem:s30], [sflag:$0x1], $0x1, s0, s20, $0xb8;
	[tilespmem:$0x7B60] =	vst v63  }
0x65: {  	_ =	swait.ge [sflag:s15], $0x80  }
0x66: {  	[sflag:s15] =	ssyncset.done $0x0  }
0x67: {  	s0 =	simm.s32 $0x3740;
	s30 =	simm.s32 $0x180;
	[sflag:s15] =	ssyncadd.s32 $0xFFFFFF80  }
0x68: {  	[spmem:s2] =	stream.indirect.scatter.add.f32 [tilespmem:s30], [sflag:$0x1], $0x1, s0, s20, $0xb8;
	[tilespmem:$0x7B60] =	vst v63  }
0x69: {  	_ =	swait.ge [sflag:s15], $0x80  }
0x6a: {  	[sflag:s15] =	ssyncset.done $0x0  }
0x6b: {  	s0 =	simm.s32 $0x37C0;
	s30 =	simm.s32 $0x200;
	[sflag:s15] =	ssyncadd.s32 $0xFFFFFF80  }
0x6c: {  	[spmem:s2] =	stream.indirect.scatter.add.f32 [tilespmem:s30], [sflag:$0x1], $0x1, s0, s20, $0xb8;
	[tilespmem:$0x7B60] =	vst v63  }
0x6d: {  	_ =	swait.ge [sflag:s15], $0x80  }
0x6e: {  	[sflag:s15] =	ssyncset.done $0x0  }
0x6f: {  	s0 =	simm.s32 $0x3840;
	s30 =	simm.s32 $0x280;
	[sflag:s15] =	ssyncadd.s32 $0xFFFFFF80  }
0x70: {  	[spmem:s2] =	stream.indirect.scatter.add.f32 [tilespmem:s30], [sflag:$0x1], $0x1, s0, s20, $0xb8;
	[tilespmem:$0x7B60] =	vst v63  }
0x71: {  	_ =	swait.ge [sflag:s15], $0x80  }
0x72: {  	[sflag:s15] =	ssyncset.done $0x0  }
0x73: {  	s0 =	simm.s32 $0x38C0;
	s30 =	simm.s32 $0x300;
	[sflag:s15] =	ssyncadd.s32 $0xFFFFFF80  }
0x74: {  	[spmem:s2] =	stream.indirect.scatter.add.f32 [tilespmem:s30], [sflag:$0x1], $0x1, s0, s20, $0xb8;
	[tilespmem:$0x7B60] =	vst v63  }
0x75: {  	_ =	swait.ge [sflag:s15], $0x80  }
0x76: {  	[sflag:s15] =	ssyncset.done $0x0  }
0x77: {  	[sflag:s15] =	ssyncadd.s32 $0xFFFFFF80  }
0x78: {  	[spmem:s2] =	stream.indirect.scatter.add.f32 [tilespmem:s14], [sflag:$0x1], $0x1, s1, s20, $0xb8;
	[tilespmem:$0x7B60] =	vst v63  }
0x79: {  	_ =	swait.ge [sflag:s15], $0x80  }
0x7a: {  	[sflag:s15] =	ssyncset.done $0x0  }
0x7b: {  	[sflag:s15] =	ssyncadd.s32 $0xFFFFFF80  }
0x7c: {  	[bflag:$0x0] =	sbarrier.arrive $0xFFFF  }
0x7d: {  	[tilespmem:s16], [sflag:$0x1] =	stream.linear.gather [spmem:s2], $0x400, $0x38;
	[tilespmem:$0x7B60] =	vst v63  }
0x7e: {  	_ =	swait.ge [sflag:s15], $0x400  }
0x7f: {  	v3 =	vld [tilespmem:$0x1FE60]  }
0x80: {  	v4 =	vld [tilespmem:$0x1FE70]  }
0x81: {  	v5 =	vld [tilespmem:$0x1FE80]  }
0x82: {  	v6 =	vld [tilespmem:$0x1FE90]  }
0x83: {  	v7 =	vld [tilespmem:$0x1FEA0]  }
0x84: {  	v16 =	vld [tilespmem:$0x1FEB0]  }
0x85: {  	v17 =	vld [tilespmem:$0x1FEC0]  }
0x86: {  	v8 =	vld [tilespmem:$0x1FED0]  }
0x87: {  	v9 =	vld [tilespmem:$0x1FEE0]  }
0x88: {  	v10 =	vld [tilespmem:$0x1FEF0]  }
0x89: {  	v11 =	vld [tilespmem:$0x1FF00]  }
0x8a: {  	v12 =	vld [tilespmem:$0x1FF10]  }
0x8b: {  	v13 =	vld [tilespmem:$0x1FF20]  }
0x8c: {  	v14 =	vld [tilespmem:$0x1FF30]  }
0x8d: {  	v15 =	vld [tilespmem:$0x1FF40]  }
0x8e: {  	v18 =	vld [tilespmem:$0x1FF70]  }
0x8f: {  	v19 =	vld [tilespmem:$0x1FF80]  }
0x90: {  	v20 =	vld [tilespmem:$0x1FF90]  }
0x91: {  	v21 =	vld [tilespmem:$0x1FFA0]  }
0x92: {  	v22 =	vld [tilespmem:$0x1FFB0]  }
0x93: {  	v23 =	vld [tilespmem:$0x1FFC0]  }
0x94: {  	v24 =	vld [tilespmem:$0x1FFD0]  }
0x95: {  	[sflag:s15] =	ssyncset.done $0x0;
	v25 =	vld [tilespmem:$0x1FFE0]  }
0x96: {  	v26 =	vld [tilespmem:$0x1FFF0];
	[sflag:s15] =	ssyncadd.s32 $0xFFFFFC00  }
0x97: {  	v2 =	vld.idx.msk [tilespmem:v0+s16+$0x0], $0xffff  }
0x98: {  	v27 =	vld.idx.msk [tilespmem:v28+s16+$0x0], $0xffff  }
0x99: {  	v3 =	vld.idx.msk [tilespmem:v3+s16+$0x0], $0xffff  }
0x9a: {  	v4 =	vld.idx.msk [tilespmem:v4+s16+$0x0], $0xffff  }
0x9b: {  	v5 =	vld.idx.msk [tilespmem:v5+s16+$0x0], $0xffff  }
0x9c: {  	v6 =	vld.idx.msk [tilespmem:v6+s16+$0x0], $0xffff  }
0x9d: {  	v62 =	vld.idx.msk [tilespmem:v7+s16+$0x0], $0xffff  }
0x9e: {  	v63 =	vld.idx.msk [tilespmem:v16+s16+$0x0], $0xffff  }
0x9f: {  	v7 =	vld.idx.msk [tilespmem:v17+s16+$0x0], $0xffff  }
0xa0: {  	v8 =	vld.idx.msk [tilespmem:v8+s16+$0x0], $0xffff  }
0xa1: {  	v9 =	vld.idx.msk [tilespmem:v9+s16+$0x0], $0xffff  }
0xa2: {  	v10 =	vld.idx.msk [tilespmem:v10+s16+$0x0], $0xffff  }
0xa3: {  	v11 =	vld.idx.msk [tilespmem:v11+s16+$0x0], $0xffff  }
0xa4: {  	v12 =	vld.idx.msk [tilespmem:v12+s16+$0x0], $0xffff  }
0xa5: {  	v13 =	vld.idx.msk [tilespmem:v13+s16+$0x0], $0xffff  }
0xa6: {  	v14 =	vld.idx.msk [tilespmem:v14+s16+$0x0], $0xffff  }
0xa7: {  	v15 =	vld.idx.msk [tilespmem:v15+s16+$0x0], $0xffff  }
0xa8: {  	v16 =	vld [tilespmem:$0x1FF50]  }
0xa9: {  	v17 =	vld [tilespmem:$0x1FF60]  }
0xaa: {  	v18 =	vld.idx.msk [tilespmem:v18+s16+$0x0], $0xffff  }
0xab: {  	v19 =	vld.idx.msk [tilespmem:v19+s16+$0x0], $0xffff  }
0xac: {  	v20 =	vld.idx.msk [tilespmem:v20+s16+$0x0], $0xffff  }
0xad: {  	v21 =	vld.idx.msk [tilespmem:v21+s16+$0x0], $0xffff  }
0xae: {  	v22 =	vld.idx.msk [tilespmem:v22+s16+$0x0], $0xffff  }
0xaf: {  	v23 =	vld.idx.msk [tilespmem:v23+s16+$0x0], $0xffff  }
0xb0: {  	v24 =	vld.idx.msk [tilespmem:v24+s16+$0x0], $0xffff  }
0xb1: {  	v2 =	vadd.f32 $0.0e+00, v2;
	v25 =	vld.idx.msk [tilespmem:v25+s16+$0x0], $0xffff  }
0xb2: {  	v26 =	vld.idx.msk [tilespmem:v26+s16+$0x0], $0xffff;
	v4 =	vadd.f32 $0.0e+00, v4  }
0xb3: {  	v5 =	vadd.f32 $0.0e+00, v5;
	v2 =	vadd.f32 v6, v2;
	v6 =	vld.idx.msk [tilespmem:v40+s16+$0x0], $0xffff  }
0xb4: {  	v4 =	vadd.f32 v63, v4;
	v63 =	vld.idx.msk [tilespmem:v29+s16+$0x0], $0xffff  }
0xb5: {  	v3 =	vadd.f32 $0.0e+00, v3;
	v5 =	vadd.f32 v7, v5;
	v7 =	vld.idx.msk [tilespmem:v30+s16+$0x0], $0xffff  }
0xb6: {  	v2 =	vadd.f32 v8, v2;
	v8 =	vld.idx.msk [tilespmem:v43+s16+$0x0], $0xffff  }
0xb7: {  	v3 =	vadd.f32 v62, v3;
	v62 =	vld.idx.msk [tilespmem:v51+s16+$0x0], $0xffff;
	v4 =	vadd.f32 v10, v4  }
0xb8: {  	v16 =	vld.idx.msk [tilespmem:v16+s16+$0x0], $0xffff;
	v5 =	vadd.f32 v11, v5  }
0xb9: {  	v17 =	vld.idx.msk [tilespmem:v17+s16+$0x0], $0xffff;
	v4 =	vadd.f32 v14, v4  }
0xba: {  	v10 =	vld.idx.msk [tilespmem:v31+s16+$0x0], $0xffff;
	v5 =	vadd.f32 v15, v5  }
0xbb: {  	v11 =	vld.idx.msk [tilespmem:v32+s16+$0x0], $0xffff;
	v4 =	vadd.f32 v18, v4  }
0xbc: {  	v3 =	vadd.f32 v9, v3;
	v9 =	vld.idx.msk [tilespmem:v55+s16+$0x0], $0xffff;
	v5 =	vadd.f32 v19, v5  }
0xbd: {  	v14 =	vld.idx.msk [tilespmem:v33+s16+$0x0], $0xffff;
	v4 =	vadd.f32 v22, v4  }
0xbe: {  	v18 =	vld.idx.msk [tilespmem:v35+s16+$0x0], $0xffff;
	v5 =	vadd.f32 v23, v5  }
0xbf: {  	v19 =	vld.idx.msk [tilespmem:v36+s16+$0x0], $0xffff;
	v4 =	vadd.f32 v26, v4  }
0xc0: {  	v26 =	vld.idx.msk [tilespmem:v39+s16+$0x0], $0xffff;
	v5 =	vadd.f32 v27, v5  }
0xc1: {  	v15 =	vld.idx.msk [tilespmem:v34+s16+$0x0], $0xffff;
	v4 =	vadd.f32 v10, v4  }
0xc2: {  	v22 =	vld.idx.msk [tilespmem:v37+s16+$0x0], $0xffff;
	v5 =	vadd.f32 v11, v5  }
0xc3: {  	v2 =	vadd.f32 v12, v2;
	v4 =	vadd.f32 v18, v4;
	v18 =	vld.idx.msk [tilespmem:v44+s16+$0x0], $0xffff  }
0xc4: {  	v3 =	vadd.f32 v13, v3;
	v11 =	vld.idx.msk [tilespmem:v47+s16+$0x0], $0xffff;
	v5 =	vadd.f32 v19, v5  }
0xc5: {  	v2 =	vadd.f32 v16, v2;
	v4 =	vadd.f32 v26, v4;
	v26 =	vld.idx.msk [tilespmem:v48+s16+$0x0], $0xffff  }
0xc6: {  	v3 =	vadd.f32 v17, v3;
	v23 =	vld.idx.msk [tilespmem:v38+s16+$0x0], $0xffff;
	v5 =	vadd.f32 v6, v5  }
0xc7: {  	v13 =	vor.u32 $0x20F, v0;
	v2 =	vadd.f32 v20, v2;
	v4 =	vadd.f32 v8, v4;
	v8 =	vld.idx.msk [tilespmem:v52+s16+$0x0], $0xffff  }
0xc8: {  	v20 =	vor.u32 $0x30F, v0;
	v3 =	vadd.f32 v21, v3;
	v21 =	vld.idx.msk [tilespmem:v56+s16+$0x0], $0xffff;
	v5 =	vadd.f32 v18, v5  }
0xc9: {  	v10 =	vld.idx.msk [tilespmem:v41+s16+$0x0], $0xffff;
	v4 =	vadd.f32 v11, v4  }
0xca: {  	v2 =	vadd.f32 v24, v2;
	v5 =	vadd.f32 v26, v5;
	v26 =	vld.idx.msk [tilespmem:v59+s16+$0x0], $0xffff  }
0xcb: {  	v3 =	vadd.f32 v25, v3;
	v4 =	vadd.f32 v62, v4;
	v62 =	vld.idx.msk [tilespmem:v60+s16+$0x0], $0xffff  }
0xcc: {  	v2 =	vadd.f32 v63, v2;
	v63 =	vld.idx.msk [tilespmem:v13+s16+$0x0], $0xffff;
	v5 =	vadd.f32 v8, v5  }
0xcd: {  	v3 =	vadd.f32 v7, v3;
	v13 =	vld.idx.msk [tilespmem:v20+s16+$0x0], $0xffff;
	v4 =	vadd.f32 v9, v4  }
0xce: {  	v2 =	vadd.f32 v14, v2;
	v14 =	vld.idx.msk [tilespmem:v42+s16+$0x0], $0xffff;
	v5 =	vadd.f32 v21, v5  }
0xcf: {  	v16 =	vld.idx.msk [tilespmem:v45+s16+$0x0], $0xffff;
	v3 =	vadd.f32 v15, v3;
	v4 =	vadd.f32 v26, v4  }
0xd0: {  	v17 =	vld.idx.msk [tilespmem:v46+s16+$0x0], $0xffff;
	v2 =	vadd.f32 v22, v2;
	v5 =	vadd.f32 v62, v5  }
0xd1: {  	v3 =	vadd.f32 v23, v3;
	v18 =	vld.idx.msk [tilespmem:v49+s16+$0x0], $0xffff;
	v4 =	vadd.f32 v63, v4  }
0xd2: {  	v19 =	vld.idx.msk [tilespmem:v50+s16+$0x0], $0xffff;
	v2 =	vadd.f32 v10, v2;
	v5 =	vadd.f32 v13, v5  }
0xd3: {  	v20 =	vld.idx.msk [tilespmem:v53+s16+$0x0], $0xffff;
	v3 =	vadd.f32 v14, v3;
	v21 =	vor.u32 $0x10F, v0;
	v4 =	vmax.f32 v4, $1.000000000e+00  }
0xd4: {  	v22 =	vld.idx.msk [tilespmem:v54+s16+$0x0], $0xffff;
	v2 =	vadd.f32 v16, v2;
	(erf) = vrcp.f32 v4;
	v5 =	vmax.f32 v5, $1.000000000e+00  }
0xd5: {  	v23 =	vld.idx.msk [tilespmem:v57+s16+$0x0], $0xffff;
	v3 =	vadd.f32 v17, v3;
	(erf) = vrcp.f32 v5  }
0xd6: {  	v24 =	vld.idx.msk [tilespmem:v58+s16+$0x0], $0xffff;
	v2 =	vadd.f32 v18, v2  }
0xd7: {  	v25 =	vld.idx.msk [tilespmem:v61+s16+$0x0], $0xffff;
	v3 =	vadd.f32 v19, v3  }
0xd8: {  	v2 =	vadd.f32 v20, v2;
	v26 =	vld.idx.msk [tilespmem:v21+s16+$0x0], $0xffff  }
0xd9: {  	v3 =	vadd.f32 v22, v3  }
0xda: {  	v2 =	vadd.f32 v23, v2  }
0xdb: {  	v3 =	vadd.f32 v24, v3  }
0xdc: {  	v2 =	vadd.f32 v25, v2  }
0xdd: {  	v3 =	vadd.f32 v26, v3;
	v62 =	vpop (erf)  }
0xde: {  	v2 =	vmul.f32 v62, v2;
	v63 =	vpop (erf)  }
0xdf: {  	v3 =	vmul.f32 v63, v3  }
0xe0: {  	[tilespmem:$0x3DC0] =	vst v2  }
0xe1: {  	[tilespmem:$0x3DD0] =	vst v3  }
0xe2: {  	[tilespmem:s21], [sflag:$0x1] =	stream.linear.gather [hbm4b:s8+s29], $0xC40, $0x38;
	[tilespmem:$0x7B60] =	vst v63  }
0xe3: {  	_ =	swait.ge [sflag:s15], $0xC40  }
0xe4: {  	[sflag:s15] =	ssyncset.done $0x0  }
0xe5: {  	[sflag:s15] =	ssyncadd.s32 $0xFFFFF3C0  }
0xe6: {  	[tilespmem:s22], [sflag:$0x1] =	stream.linear.gather [hbm4b:s9+s29], $0xC40, $0x38;
	[tilespmem:$0x7B60] =	vst v63  }
0xe7: {  	_ =	swait.ge [sflag:s15], $0xC40  }
0xe8: {  	[sflag:s15] =	ssyncset.done $0x0  }
0xe9: {  	[sflag:s15] =	ssyncadd.s32 $0xFFFFF3C0  }
0xea: {  	[tilespmem:s23], [sflag:$0x1] =	stream.linear.gather [hbm4b:s10+s29], $0xC40, $0x38;
	[tilespmem:$0x7B60] =	vst v63  }
0xeb: {  	_ =	swait.ge [sflag:s15], $0xC40  }
0xec: {  	[sflag:s15] =	ssyncset.done $0x0  }
0xed: {  	s29 =	simm.s32 $0x0;
	[sflag:s15] =	ssyncadd.s32 $0xFFFFF3C0  }
0xee: {  	v2 =	vld [tilespmem:s29+$0x3DE0];
	_ =	sdelay $0x4  }
0xef: {  	vm0 =	vlt.s32 v2, $0x1F  }
0xf0: {  	v2 =	vnsel vm0, $0x1F, v2;
	_ =	sdelay $0x3  }
0xf1: {  	v3 =	vld [tilespmem:s29+$0x4A20]  }
0xf2: {  	v2 =	vld.idx.msk [tilespmem:v2+s24+$0x0], $0xffff;
	_ =	sdelay $0x4  }
0xf3: {  	v2 =	vadd.f32 v2, v3;
	_ =	sdelay $0x1  }
0xf4: {  	v3 =	vadd.f32 v2, v2;
	_ =	sdelay $0x1  }
0xf5: {  	v3 =	vmul.f32 $1.442695020e+00, v3;
	_ =	sdelay $0x1  }
0xf6: {  	(erf) = vpow2.f32 v3;
	_ =	sdelay $0x8  }
0xf7: {  	v3 =	vpop (erf)  }
0xf8: {  	v3 =	vsub.f32 $1.000000000e+00, v3;
	_ =	sdelay $0x1  }
0xf9: {  	v62 =	vld [tilespmem:s29+$0x5660];
	v3 =	vmul.f32 $1.500000000e+00, v3;
	_ =	sdelay $0x1  }
0xfa: {  	v3 =	vmul.f32 $1.442695020e+00, v3;
	_ =	sdelay $0x1  }
0xfb: {  	(erf) = vpow2.f32 v3;
	_ =	sdelay $0x3  }
0xfc: {  	s31 =	simm.s32 $0x10;
	s30 =	simm.s32 $0x80;
	v63 =	vld.idx.msk [tilespmem:v62+s18+$0x0], $0xffff  }
.LBB2_8:
0xfd: {  	p1 =	sne.s32 s30, $0x30C0;
	v3 =	vld [tilespmem:s31+$0x3DE0]  }
0xfe: {  	v4 =	vld.idx.msk [tilespmem:v62+s19+$0x0], $0xffff;
	[tilespmem:s29+$0x62A0] =	vst v2;
	_ =	sdelay $0x2  }
0xff: {  	v62 =	vld [tilespmem:s31+$0x5660];
	v2 =	vpop (erf)  }
0x100: {  	vm0 =	vlt.s32 v3, $0x1F;
	v2 =	vmul.f32 v2, v63  }
0x101: {  	v3 =	vnsel vm0, $0x1F, v3  }
0x102: {  	v4 =	vadd.s32 $0x8000, v4;
	v2 =	vadd.s32 $0x8000, v2  }
0x103: {  	v4 =	vshrl.u32 v4, $0x10;
	v2 =	vand.u32 $0xFFFF0000, v2  }
0x104: {  	v2 =	vor.u32 v4, v2  }
0x105: {  	v4 =	vld [tilespmem:s31+$0x4A20];
	[tilespmem:s29+$0x6EE0] =	vst v2;
	s29 =	smov.u32 s31  }
0x106: {  	v2 =	vld.idx.msk [tilespmem:v3+s24+$0x0], $0xffff  }
0x107: {  	v63 =	vld.idx.msk [tilespmem:v62+s18+$0x0], $0xffff;
	_ =	sdelay $0x4  }
0x108: {  	v2 =	vadd.f32 v2, v4;
	_ =	sdelay $0x1  }
0x109: {  	v3 =	vadd.f32 v2, v2;
	_ =	sdelay $0x1  }
0x10a: {  	v3 =	vmul.f32 $1.442695020e+00, v3;
	_ =	sdelay $0x1  }
0x10b: {  	(erf) = vpow2.f32 v3;
	_ =	sdelay $0x8  }
0x10c: {  	v3 =	vpop (erf)  }
0x10d: {  	v3 =	vsub.f32 $1.000000000e+00, v3;
	_ =	sdelay $0x1  }
0x10e: {  	v3 =	vmul.f32 $1.500000000e+00, v3;
	_ =	sdelay $0x1  }
0x10f: {  	v3 =	vmul.f32 $1.442695020e+00, v3;
	_ =	sdelay $0x1  }
.Ltmp4:
0x110: {  	(erf) = vpow2.f32 v3;
	(pc) =	sbr.rel @p1 .LBB2_8-.Ltmp4, $2  }
0x111: {  	_ =	sdelay $0x2  }
0x112: {  	s31 =	sshra.s32 s30, $0x2;
	s30 =	sadd.s32 $0x40, s30  }
0x113: {  	_ =	sdelay $0x1  }
0x114: {  	v3 =	vld [tilespmem:s31+$0x3DE0];
	_ =	sdelay $0x1  }
0x115: {  	v4 =	vld.idx.msk [tilespmem:v62+s19+$0x0], $0xffff;
	_ =	sdelay $0x1  }
0x116: {  	v5 =	vpop (erf)  }
0x117: {  	vm0 =	vlt.s32 v3, $0x1F;
	v5 =	vmul.f32 v5, v63  }
0x118: {  	v3 =	vnsel vm0, $0x1F, v3  }
0x119: {  	[tilespmem:s29+$0x62A0] =	vst v2;
	v4 =	vadd.s32 $0x8000, v4;
	v2 =	vadd.s32 $0x8000, v5  }
0x11a: {  	v4 =	vshrl.u32 v4, $0x10;
	v2 =	vand.u32 $0xFFFF0000, v2  }
0x11b: {  	v25 =	vld [tilespmem:s31+$0x5660];
	v2 =	vor.u32 v4, v2  }
0x11c: {  	v26 =	vld [tilespmem:s31+$0x4A20];
	[tilespmem:s29+$0x6EE0] =	vst v2  }
0x11d: {  	v2 =	vld.idx.msk [tilespmem:v3+s24+$0x0], $0xffff;
	_ =	sdelay $0x4  }
0x11e: {  	v2 =	vadd.f32 v2, v26;
	_ =	sdelay $0x1  }
0x11f: {  	v3 =	vadd.f32 v2, v2;
	_ =	sdelay $0x1  }
0x120: {  	v3 =	vmul.f32 $1.442695020e+00, v3;
	_ =	sdelay $0x1  }
0x121: {  	(erf) = vpow2.f32 v3;
	_ =	sdelay $0x8  }
0x122: {  	v3 =	vpop (erf)  }
0x123: {  	v3 =	vsub.f32 $1.000000000e+00, v3;
	_ =	sdelay $0x1  }
0x124: {  	v3 =	vmul.f32 $1.500000000e+00, v3;
	_ =	sdelay $0x1  }
0x125: {  	v3 =	vmul.f32 $1.442695020e+00, v3;
	_ =	sdelay $0x1  }
0x126: {  	(erf) = vpow2.f32 v3;
	_ =	sdelay $0x4  }
0x127: {  	v3 =	vld.idx.msk [tilespmem:v25+s18+$0x0], $0xffff;
	_ =	sdelay $0x1  }
0x128: {  	v62 =	vld.idx.msk [tilespmem:v25+s19+$0x0], $0xffff;
	_ =	sdelay $0x1  }
0x129: {  	v63 =	vpop (erf)  }
0x12a: {  	v3 =	vmul.f32 v63, v3;
	_ =	sdelay $0x1  }
0x12b: {  	v4 =	vadd.s32 $0x8000, v62;
	v3 =	vadd.s32 $0x8000, v3  }
0x12c: {  	v4 =	vshrl.u32 v4, $0x10;
	v3 =	vand.u32 $0xFFFF0000, v3  }
0x12d: {  	[tilespmem:s31+$0x62A0] =	vst v2;
	v2 =	vor.u32 v4, v3  }
0x12e: {  	[tilespmem:s31+$0x6EE0] =	vst v2  }
0x12f: {  	[hbm4b:s11+s3] =	stream.linear.scatter [tilespmem:s25], [sflag:$0x1], $0xC40, $0x38;
	[tilespmem:$0x7B60] =	vst v63  }
0x130: {  	s28 =	sadd.s32 $0x1, s28;
	_ =	swait.ge [sflag:s15], $0xC40  }
0x131: {  	p1 =	sne.s32 s28, s13;
	[sflag:s15] =	ssyncset.done $0x0  }
.Ltmp5:
0x132: {  	[sflag:s15] =	ssyncadd.s32 $0xFFFFF3C0;
	(pc) =	sbr.rel @p1 .LBB2_1-.Ltmp5, $4  }
0x133: {  	[hbm4b:s12+s3] =	stream.linear.scatter [tilespmem:s26], [sflag:$0x1], $0xC40, $0x38;
	[tilespmem:$0x7B60] =	vst v63  }
0x134: {  	_ =	swait.ge [sflag:s15], $0xC40  }
0x135: {  	[sflag:s15] =	ssyncset.done $0x0  }
0x136: {  	[sflag:s15] =	ssyncadd.s32 $0xFFFFF3C0  }
0x137: {  	_ =	sfence.sel $0x180000  }
0x138: {  	[bflag:$0x0] =	sbarrier.arrive $0xFFFF  }
0x139: {  	_ =	strace $0x90000047  }
0x13a: {  	[bflag:$0x2] =	sbarrier.arrive $0xFFFF  }
0x13b: {  	s0 =	rddreg [dreg:$0x3]  }
0x13c: {  	s0 =	sadd.s32 @!p0 $0x100000, s0  }
0x13d: {  	[sflag:s0] =	ssyncadd.tile.s32 @!p0 $0x1;
	_ =	shalt  }
.Lfunc_end2:
_tile_overlayer_lowered:
.L_overlay_start_2:
0x13e: {  	(tag) =	ssettag $0x2  }
0x13f: {  	s0 =	rddreg [dreg:$0x0];
	s2 =	stileid.u32  }
0x140: {  	s1 =	rddreg [dreg:$0x1];
	p0 =	sne.s32 s2, $0x0  }
0x141: {  	s3 =	rddreg [dreg:$0x2];
	[bflag:$0x3] =	sbarrier.arrive $0xFFFF;
	s2 =	simm.s32 @!p0 $0x1C01  }
0x142: {  	[timem:s3], [sflag:s2] =	dma.local @!p0 [hbm:s0], s1  }
0x143: {  	s0 =	simm.s32 @!p0 $0x1  }
0x144: {  	_ =	swait.ge @!p0 [sflag:s0], s1  }
0x145: {  	s1 =	ssub.s32 @!p0 $0x0, s1;
	[sflag:s0] =	ssyncset.done @!p0 $0x0  }
0x146: {  	[sflag:s0] =	ssyncadd.s32 @!p0 s1  }
0x147: {  	[bflag:$0x3] =	sbarrier.arrive $0xFFFF  }
0x148: {  	_ =	shalt  }

// kernel: kernel.8.cloned.1.call-start
scs
__scs_entry_jumppad:
0x0: {  	(pc) =	sbr.rel $0x88, $3  }
0x1: {  	(tag) =	ssettag $0x0;
	lr =	simm.s32 $0x1  }
0x2: {  	[smem:$0x3F99] =	sst lr;
	_ =	strace $0xD0000000  }
0x3: {  	_ = 	snop  }
0x4: {  	_ = 	snop  }
0x5: {  	_ = 	snop  }
0x6: {  	_ = 	snop  }
0x7: {  	_ = 	snop  }
__scs_overlays_trampoline_lowered:
0x8: {  	[smem:$0x3FA8] =	sst s0  }
0x9: {  	[smem:$0x3FA9] =	sst s1  }
0xa: {  	[smem:$0x3FAA] =	sst s2  }
0xb: {  	[smem:$0x3FAB] =	sst s3  }
0xc: {  	[smem:$0x3FAC] =	sst s4  }
0xd: {  	[smem:$0x3FAD] =	sst s5  }
0xe: {  	[smem:$0x3FAE] =	sst s6  }
0xf: {  	[smem:$0x3FAF] =	sst s7  }
0x10: {  	[smem:$0x3FB0] =	sst s8  }
0x11: {  	[smem:$0x3FB1] =	sst s9;
	s0 =	simm.s32 @!p0 $0x0  }
0x12: {  	s1 =	sld [smem:$0x3F97];
	s0 =	simm.s32 @p0 $0x1  }
0x13: {  	[smem:$0x3FB2] =	sst s0;
	s0 =	simm.s32 @!p1 $0x0  }
0x14: {  	s2 =	sld [smem:$0x3F96];
	s0 =	simm.s32 @p1 $0x1  }
0x15: {  	[smem:$0x3FB3] =	sst s0;
	s0 =	simm.s32 @!p2 $0x0  }
0x16: {  	s3 =	sld [smem:$0x3FDB];
	s0 =	simm.s32 @p2 $0x1  }
0x17: {  	s4 =	simm.s32 $0x1BF5;
	[smem:$0x3FB5] =	sst s0  }
0x18: {  	s0 =	sld [smem:$0x3F98];
	_ =	swait.ge [sflag:s4], $0x0  }
0x19: {  	s7 =	sld [smem:$0x3F99]  }
0x1a: {  	s8 =	sadd.s32 $0xFFFFE003, lr  }
0x1b: {  	s9 =	sadd.s32 $0xFFFFFEF7, lr;
	s5 =	simm.s32 $0xFFFFFFFF;
	p2 =	slt.u32 s8, $0xFFFFF086  }
0x1c: {  	p1 =	slt.u32 s9, $0xF7A;
	s5 =	simm.s32 @!p2 $0x0  }
0x1d: {  	s5 =	simm.s32 @p1 $0x1;
	p0 =	seq.s32 s7, s2  }
0x1e: {  	s7 =	smul.u32 @!p0 $0xF7A, s2;
	p2 =	seq.s32 @!p0 s5, $0x0  }
0x1f: {  	s9 =	smul.u32 $0xF7A, s1;
	s8 =	simm.s32 @!p0 $0x1BF5;
	p2 =	por !p2, p0  }
0x20: {  	[sflag:s8] =	ssyncset.s32 @!p0 $0xFFFFF086;
	s6 =	sadd.s32 @!p0 s3, s7;
	s7 =	simm.s32 @!p0 $0x108  }
0x21: {  	s3 =	sadd.s32 s3, s9;
	s6 =	sadd.s32 @!p0 $0x88, s6;
	s7 =	simm.s32 @p2 $0x1082  }
0x22: {  	[simem:s7], [sflag:s8] =	dma.local @!p0 [hbm:s6], $0xF7A  }
0x23: {  	s9 =	sor.u32 $0xD0000000, s2;
	s6 =	simm.s32 $0x108;
	_ =	swait.ge @!p0 [sflag:s8], $0x0  }
0x24: {  	s3 =	sadd.s32 $0x88, s3;
	s6 =	simm.s32 @!p1 $0x1082;
	[sflag:s4] =	ssyncset.s32 $0xFFFFF086  }
0x25: {  	[simem:s6], [sflag:s4] =	dma.local [hbm:s3], $0xF7A  }
0x26: {  	[smem:$0x3F99] =	sst s1;
	(tag) =	ssettag s2;
	_ =	strace s9  }
0x27: {  	s1 =	sld [smem:$0x3FA9]  }
0x28: {  	s2 =	sld [smem:$0x3FAA]  }
0x29: {  	s4 =	sld [smem:$0x3FAC]  }
0x2a: {  	p0 =	seq.s32 s5, $0x0;
	s5 =	sld [smem:$0x3FAD]  }
0x2b: {  	s6 =	sld [smem:$0x3FAE]  }
0x2c: {  	s7 =	sld [smem:$0x3FAF]  }
0x2d: {  	s3 =	simm.s32 $0x108;
	s8 =	sld [smem:$0x3FB0]  }
0x2e: {  	s3 =	simm.s32 @!p0 $0x1082;
	s9 =	sld [smem:$0x3FB1]  }
0x2f: {  	lr =	sadd.s32 s0, s3;
	s0 =	sld [smem:$0x3FA8]  }
0x30: {  	s3 =	sld [smem:$0x3FAB]  }
0x31: {  	[smem:$0x3FB4] =	sst s10  }
0x32: {  	s10 =	sld [smem:$0x3FB2];
	_ =	sdelay $0x3  }
0x33: {  	p0 =	seq.s32 s10, $0x1;
	s10 =	sld [smem:$0x3FB4];
	_ =	sdelay $0x3  }
0x34: {  	[smem:$0x3FB4] =	sst s10  }
0x35: {  	s10 =	sld [smem:$0x3FB3];
	_ =	sdelay $0x3  }
0x36: {  	p1 =	seq.s32 s10, $0x1;
	s10 =	sld [smem:$0x3FB4];
	_ =	sdelay $0x3  }
0x37: {  	[smem:$0x3FB4] =	sst s10  }
0x38: {  	s10 =	sld [smem:$0x3FB5]  }
0x39: {  	_ = 	snop;
	(pc) =	sbr.ind lr, $3  }
0x3a: {  	_ = 	snop  }
0x3b: {  	_ = 	snop  }
0x3c: {  	p2 =	seq.s32 s10, $0x1;
	s10 =	sld [smem:$0x3FB4]  }
0x3d: {  	_ =	shalt  }
0x3e: {  	_ =	shalt  }
0x3f: {  	_ =	shalt  }
0x40: {  	_ =	shalt  }
0x41: {  	_ =	shalt  }
0x42: {  	_ =	shalt  }
0x43: {  	_ =	shalt  }
0x44: {  	_ =	shalt  }
0x45: {  	_ =	shalt  }
0x46: {  	_ =	shalt  }
0x47: {  	_ =	shalt  }
0x48: {  	_ =	shalt  }
0x49: {  	_ =	shalt  }
0x4a: {  	_ =	shalt  }
0x4b: {  	_ =	shalt  }
0x4c: {  	_ =	shalt  }
0x4d: {  	_ =	shalt  }
0x4e: {  	_ =	shalt  }
0x4f: {  	_ =	shalt  }
0x50: {  	_ =	shalt  }
0x51: {  	_ =	shalt  }
0x52: {  	_ =	shalt  }
0x53: {  	_ =	shalt  }
0x54: {  	_ =	shalt  }
0x55: {  	_ =	shalt  }
0x56: {  	_ =	shalt  }
0x57: {  	_ =	shalt  }
0x58: {  	_ =	shalt  }
0x59: {  	_ =	shalt  }
0x5a: {  	_ =	shalt  }
0x5b: {  	_ =	shalt  }
0x5c: {  	_ =	shalt  }
0x5d: {  	_ =	shalt  }
0x5e: {  	_ =	shalt  }
0x5f: {  	_ =	shalt  }
0x60: {  	_ =	shalt  }
0x61: {  	_ =	shalt  }
0x62: {  	_ =	shalt  }
0x63: {  	_ =	shalt  }
0x64: {  	_ =	shalt  }
0x65: {  	_ =	shalt  }
0x66: {  	_ =	shalt  }
0x67: {  	_ =	shalt  }
0x68: {  	_ =	shalt  }
0x69: {  	_ =	shalt  }
0x6a: {  	_ =	shalt  }
0x6b: {  	_ =	shalt  }
0x6c: {  	_ =	shalt  }
0x6d: {  	_ =	shalt  }
0x6e: {  	_ =	shalt  }
0x6f: {  	_ =	shalt  }
0x70: {  	_ =	shalt  }
0x71: {  	_ =	shalt  }
0x72: {  	_ =	shalt  }
0x73: {  	_ =	shalt  }
0x74: {  	_ =	shalt  }
0x75: {  	_ =	shalt  }
0x76: {  	_ =	shalt  }
0x77: {  	_ =	shalt  }
0x78: {  	_ =	shalt  }
0x79: {  	_ =	shalt  }
0x7a: {  	_ =	shalt  }
0x7b: {  	_ =	shalt  }
0x7c: {  	_ =	shalt  }
0x7d: {  	_ =	shalt  }
0x7e: {  	_ =	shalt  }
0x7f: {  	_ =	shalt  }
0x80: {  	_ =	shalt  }
0x81: {  	_ =	shalt  }
0x82: {  	_ =	shalt  }
0x83: {  	_ =	shalt  }
0x84: {  	_ =	shalt  }
0x85: {  	_ =	shalt  }
0x86: {  	_ =	shalt  }
0x87: {  	_ =	shalt  }
.Lfunc_end0:
.L_simem_size_0:
called_computation.1_lowered:
.L_overlay_start_0:
0x88: {  	s2 =	sld [smem:$0x3FD9]  }
0x89: {  	s3 =	sld [smem:$0x3FFE];
	_ =	sdelay $0x1  }
0x8a: {  	s1 =	srdreg.scid  }
0x8b: {  	s0 =	sand.u32 $0x1, s1  }
0x8c: {  	s17 =	sshll.u32 s0, $0xA;
	s2 =	sadd.s32 s3, s2  }
0x8d: {  	s2 =	sadd.s32 s2, s17  }
0x8e: {  	[smem:$0x3FC0] =	sst s2  }
0x8f: {  	_ = 	snop  }
0x90: {  	s2 =	sld [smem:$0x3FC6]  }
0x91: {  	s18 =	sld [smem:$0x3FC5];
	(tm) =	ssettm $0x1  }
0x92: {  	s4 =	sld [smem:$0x3FFB];
	_ =	sdelay $0x3  }
0x93: {  	_ =	strace s4  }
0x94: {  	s4 =	sld [smem:$0x3FFC];
	_ =	sdelay $0x3  }
0x95: {  	_ =	strace s4  }
0x96: {  	s4 =	sld [smem:$0x3FFD];
	_ =	sdelay $0x3  }
0x97: {  	_ =	strace s4  }
0x98: {  	_ =	strace $0x8FFFFFFF  }
0x99: {  	s19 =	sld [smem:$0x3FDB];
	_ =	sdelay $0x1  }
0x9a: {  	s5 =	simm.s32 $_scs_section_size  }
0x9b: {  	s6 =	simm.s32 $_size__tile_overlayer_lowered;
	s7 =	simm.s32 $_tile_overlayer_lowered  }
0x9c: {  	s22 =	simm.s32 $0x1BFF;
	s21 =	sshll.u32 s7, $0x1;
	s4 =	sadd.s32 s5, s19  }
0x9d: {  	s8 =	simm.s32 $0x0;
	s20 =	sshll.u32 s6, $0x1;
	s6 =	sadd.s32 s21, s4  }
0x9e: {  	[timem:s8], [sflag:s22] =	dma.local [hbm:s6], s20  }
0x9f: {  	_ =	swait.ge [sflag:s22], s20  }
0xa0: {  	s5 =	ssub.s32 $0x0, s20;
	[sflag:s22] =	ssyncset.done $0x0  }
0xa1: {  	[sflag:s22] =	ssyncadd.s32 s5;
	_ =	sdelay $0x1  }
0xa2: {  	s23 =	simm.s32 $0x1B8B  }
0xa3: {  	_ =	swait.ge [sflag:s23], $0x1  }
0xa4: {  	[sflag:s23] =	ssyncset.done $0x0  }
0xa5: {  	s25 =	simm.s32 $0x1B8E;
	s24 =	sld [smem:$0x3FFE];
	[sflag:s23] =	ssyncadd.s32 $0xFFFFFFFF  }
0xa6: {  	s26 =	simm.s32 $execute0_lowered;
	[smem:$0x3FD2] =	sst s25  }
0xa7: {  	s6 =	sshll.u32 s26, $0x1;
	_ =	strace $0x80000049;
	[dreg:$0x1] =	wrdreg $0xFFFFFFFF  }
0xa8: {  	s28 =	simm.s32 $_size_execute0_lowered;
	s4 =	sadd.s32 s4, s6;
	[dreg:$0x0] =	wrdreg $0x0  }
0xa9: {  	s6 =	sshll.u32 s28, $0x1;
	[dreg:$0x2] =	wrdreg s4  }
0xaa: {  	[dreg:$0x3] =	wrdreg s6  }
0xab: {  	[dreg:$0x4] =	wrdreg $0xC0  }
0xac: {  	_ =	task [dreg:s8], $0x5FFFF  }
0xad: {  	[dreg:$0x1] =	wrdreg $0xFFFFFFFF  }
0xae: {  	[dreg:$0x0] =	wrdreg $0x60  }
0xaf: {  	[dreg:$0x2] =	wrdreg s24  }
0xb0: {  	[dreg:$0x3] =	wrdreg s2  }
0xb1: {  	[dreg:$0x4] =	wrdreg s18  }
0xb2: {  	[dreg:$0x5] =	wrdreg $0x113000  }
0xb3: {  	[dreg:$0x6] =	wrdreg $0x9  }
0xb4: {  	_ =	task.clear_ibuf [dreg:s8], $0x7FFFF;
	_ =	strace $0x90000049  }
0xb5: {  	s29 =	simm.s32 $0x9;
	_ =	strace $0x8000004B  }
0xb6: {  	_ =	swait.ge [sflag:s29], $0x1  }
0xb7: {  	[sflag:s29] =	ssyncadd.s32 $0xFFFFFFFF  }
0xb8: {  	_ =	strace $0x9000004B  }
0xb9: {  	_ =	sfence  }
0xba: {  	s30 =	sld [smem:$0x0];
	_ =	sdelay $0x2  }
0xbb: {  	s31 =	sshll.u32 s1, $0xD;
	s1 =	sshrl.u32 s1, $0x2  }
0xbc: {  	s3 =	sand.u32 $0x4000, s31;
	s1 =	sadd.s32 s1, s30  }
0xbd: {  	s0 =	sor.u32 s3, s0;
	s1 =	sshll.u32 s1, $0x11  }
0xbe: {  	s0 =	sor.u32 s1, s0  }
0xbf: {  	s0 =	sadd.s32 $0x8F2B, s0  }
0xc0: {  	[sflag:s0] =	ssyncadd.remote.s32 $0x1  }
0xc1: {  	_ =	sfence.sel $0xFFFF  }
0xc2: {  	[dreg:$0x0] =	wrdreg $0xFFFFFFFF;
	(pc) =	sbr.abs _section_cstart, $3  }
0xc3: {  	[dreg:$0x1] =	wrdreg $0xFFFFFFFF  }
0xc4: {  	_ =	task.clear_ibuf [dreg:s8], $0x2FFFF;
	_ =	strace $0x9FFFFFFF  }
0xc5: {  	(tm) =	ssettm $0x7FFFFFFF  }
tec
execute0_lowered:
.L_overlay_start_1:
0x0: {  	(tag) =	ssettag $0x1  }
0x1: {  	s0 =	rddreg [dreg:$0x0]  }
0x2: {  	s1 =	rddreg [dreg:$0x1]  }
0x3: {  	s2 =	rddreg [dreg:$0x2]  }
0x4: {  	s3 =	rddreg [dreg:$0x3];
	s4 =	simm.s32 $0x0;
	s5 =	srdreg.scid  }
0x5: {  	s16 =	stileid.u32;
	s20 =	simm.s32 $0x3;
	s21 =	simm.s32 $0xC80  }
0x6: {  	s22 =	simm.s32 $0xFA00;
	s23 =	simm.s32 $0x4;
	s24 =	simm.s32 $0x10680  }
0x7: {  	s26 =	simm.s32 $0x7;
	[smem:$0x7FF] =	sst s4;
	s5 =	sand.u32 $0x1, s5  }
0x8: {  	s6 =	sadd.s32 $0xD600, s0;
	s15 =	smul.u32 $0x1870, s16;
	s7 =	sadd.s32 $0x10800, s0  }
0x9: {  	s8 =	sadd.s32 $0x19A600, s0;
	s9 =	sadd.s32 $0xD7000, s0;
	s10 =	sadd.s32 $0x13A00, s0  }
0xa: {  	s12 =	sadd.s32 $0x3C00, s0;
	s13 =	sshll.u32 s16, $0x1;
	p0 =	sne.s32 s16, $0x0  }
0xb: {  	s11 =	smul.u32 $0x18700, s5;
	_ =	strace $0x8000004A;
	s29 =	ssub.s32 $0x2, s5  }
0xc: {  	[dreg:$0x5] =	wrdreg s12;
	s5 =	sor.u32 s5, s13;
	s30 =	sshrl.u32 s29, $0x1  }
0xd: {  	s12 =	ssub.s32 $0x7D0, s5;
	s14 =	smul.u32 $0xC80, s5;
	s11 =	sadd.s32 s15, s11  }
.Ltmp0:
0xe: {  	s17 =	ssub.s32 $0x850, s5;
	s11 =	sshrl.u32 s11, $0x3;
	(pc) =	sbr.rel .LBB2_1-.Ltmp0, $4  }
0xf: {  	s18 =	ssub.s32 $0x830, s5;
	s5 =	sshrl.u32 @!p0 s3, $0x3;
	s0 =	sadd.s32 s11, s0  }
0x10: {  	[dreg:$0x8] =	wrdreg s5;
	s11 =	ssub.s32 s29, s30;
	s0 =	sadd.s32 $0x6E00, s0  }
0x11: {  	s31 =	sadd.s32 s15, s3;
	s11 =	smax.u32 s11, $0x1;
	[dreg:$0x6] =	wrdreg s0  }
0x12: {  	s13 =	ssub.s32 $0x7D0, s13;
	s25 =	sshrl.u32 s31, $0x3;
	[dreg:$0x7] =	wrdreg s11  }
.LBB2_11:
0x13: {  	s0 =	stileid.u32  }
0x14: {  	[bflag:$0x0] =	sbarrier.arrive $0xFFFF;
	s0 =	sshll.u32 s0, $0x6  }
0x15: {  	s5 =	rddreg [dreg:$0x6];
	s0 =	sor.u32 $0x1C07, s0  }
0x16: {  	[hbm:s5], [sflag:s0] =	dma.local [spmem:s25], $0x30E  }
0x17: {  	_ =	swait.ge [sflag:s26], $0x30E  }
0x18: {  	s4 =	sadd.s32 $0x1, s4;
	s31 =	rddreg [dreg:$0x7]  }
0x19: {  	p1 =	sne.s32 s4, s31  }
.Ltmp1:
0x1a: {  	_ = 	snop;
	(pc) =	sbr.rel @!p1 .LBB2_12-.Ltmp1, $3  }
0x1b: {  	_ =	sdelay $0x1  }
0x1c: {  	[sflag:s26] =	ssyncset.done $0x0  }
0x1d: {  	[sflag:s26] =	ssyncadd.s32 $0xFFFFFCF2  }
.LBB2_1:
0x1e: {  	s5 =	rddreg [dreg:$0x5]  }
0x1f: {  	s0 =	simm.s32 @!p0 $0x1C07;
	s11 =	rddreg [dreg:$0x8]  }
0x20: {  	[spmem:s11], [sflag:s0] =	dma.local @!p0 [hbm:s5], $0x30E0  }
0x21: {  	s0 =	simm.s32 @!p0 $0x7  }
.Ltmp2:
0x22: {  	_ =	swait.ge @!p0 [sflag:s0], $0x30E0;
	(pc) =	sbr.rel .LBB2_2-.Ltmp2, $4  }
0x23: {  	[sflag:s0] =	ssyncset.done @!p0 $0x0  }
0x24: {  	[sflag:s0] =	ssyncadd.s32 @!p0 $0xFFFFCF20  }
0x25: {  	[bflag:$0x0] =	sbarrier.arrive $0xFFFF  }
0x26: {  	s28 =	simm.s32 $0x0  }
.LBB2_10:
0x27: {  	s0 =	sor.u32 $0x1, s29  }
0x28: {  	s5 =	sshll.u32 s0, $0x5  }
0x29: {  	p1 =	sge.u32 s5, s13  }
0x2a: {  	s5 =	smul.u32 @!p1 $0x19000, s0;
	_ =	sdelay $0x1  }
0x2b: {  	s5 =	sadd.s32 @!p1 s14, s5  }
0x2c: {  	s15 =	simm.s32 @!p1 $0x0;
	s5 =	sshrl.u32 @!p1 s5, $0x3  }
0x2d: {  	s16 =	simm.s32 @!p1 $0xC80;
	s0 =	sand.u32 @!p1 $0x3, s0;
	s11 =	sadd.s32 @!p1 s8, s5  }
0x2e: {  	[tilespmem:s16], [sflag:$0x2] =	stream.linear.gather @!p1 [hbm4b:s11+s15], $0xC80, $0x38;
	[tilespmem:$0x12B70] =	vst v63  }
0x2f: {  	s0 =	smul.u32 @!p1 $0x3200, s0;
	s11 =	sadd.s32 @!p1 s9, s5;
	s16 =	simm.s32 @!p1 $0x2580  }
0x30: {  	[tilespmem:s16], [sflag:$0x2] =	stream.linear.gather @!p1 [hbm4b:s11+s15], $0xC80, $0x38;
	[tilespmem:$0x12B70] =	vst v63  }
0x31: {  	s0 =	sshrl.u32 @!p1 s0, $0x2;
	s11 =	sadd.s32 @!p1 s10, s5;
	s16 =	simm.s32 @!p1 $0x3E80  }
0x32: {  	[tilespmem:s16], [sflag:$0x2] =	stream.linear.gather @!p1 [hbm4b:s11+s15], $0xC80, $0x38;
	[tilespmem:$0x12B70] =	vst v63  }
0x33: {  	s0 =	sadd.s32 @!p1 $0x4B00, s0;
	s11 =	sadd.s32 @!p1 s1, s5  }
0x34: {  	[tilespmem:s0], [sflag:$0x2] =	stream.linear.gather @!p1 [hbm4b:s11+s15], $0xC80, $0x38;
	[tilespmem:$0x12B70] =	vst v63  }
0x35: {  	s28 =	sadd.s32 $0x1, s28;
	s0 =	sadd.s32 @!p1 s2, s5;
	s5 =	simm.s32 @!p1 $0x8980  }
0x36: {  	[tilespmem:s5], [sflag:$0x2] =	stream.linear.gather @!p1 [hbm4b:s0+s15], $0xC80, $0x38;
	[tilespmem:$0x12B70] =	vst v63  }
0x37: {  	p1 =	sne.s32 s28, $0x22  }
.Ltmp3:
0x38: {  	_ = 	snop;
	(pc) =	sbr.rel @!p1 .LBB2_11-.Ltmp3, $1  }
0x39: {  	_ =	sdelay $0x3  }
.LBB2_2:
0x3a: {  	s29 =	sshll.u32 s28, $0x1;
	p2 =	slt.u32 s28, $0x2;
	s31 =	sshll.u32 s28, $0x6  }
0x3b: {  	p1 =	sge.u32 @!p2 s31, s17;
	s30 =	sadd.s32 $0xFFFFFFFF, s29  }
0x3c: {  	p3 =	por p1, p2;
	s0 =	sshll.u32 s30, $0x5  }
0x3d: {  	p6 =	sne.s32 s28, $0x0;
	s5 =	simm.s32 @!p3 $0x5;
	p4 =	slt.s32 s0, s12  }
0x3e: {  	_ =	swait.ge @!p3 [sflag:s5], $0xC80;
	p1 =	por !p6, !p4  }
0x3f: {  	[sflag:s5] =	ssyncset.done @!p3 $0x0;
	p1 =	por !p1, !p1  }
0x40: {  	[sflag:s5] =	ssyncadd.s32 @!p3 $0xFFFFF380;
	s0 =	simm.s32 @p1 $0x2  }
0x41: {  	_ =	swait.ge @p1 [sflag:s0], $0xC80  }
0x42: {  	[sflag:s0] =	ssyncset.done @p1 $0x0  }
0x43: {  	[sflag:s0] =	ssyncadd.s32 @p1 $0xFFFFF380  }
0x44: {  	_ =	swait.ge @p1 [sflag:s0], $0xC80  }
0x45: {  	[sflag:s0] =	ssyncset.done @p1 $0x0  }
0x46: {  	[sflag:s0] =	ssyncadd.s32 @p1 $0xFFFFF380  }
0x47: {  	_ =	swait.ge @p1 [sflag:s0], $0xC80  }
0x48: {  	[sflag:s0] =	ssyncset.done @p1 $0x0  }
0x49: {  	[sflag:s0] =	ssyncadd.s32 @p1 $0xFFFFF380  }
0x4a: {  	_ =	swait.ge @p1 [sflag:s0], $0xC80  }
0x4b: {  	s5 =	sand.u32 @p1 $0x3, s30;
	[sflag:s0] =	ssyncset.done @p1 $0x0  }
0x4c: {  	s5 =	smul.u32 @p1 $0x3200, s5;
	[sflag:s0] =	ssyncadd.s32 @p1 $0xFFFFF380  }
0x4d: {  	_ =	swait.ge @p1 [sflag:s0], $0xC80  }
0x4e: {  	s11 =	simm.s32 @p1 $0xA280;
	s5 =	sshrl.u32 @p1 s5, $0x2;
	[sflag:s0] =	ssyncset.done @p1 $0x0  }
0x4f: {  	s5 =	sadd.s32 @p1 $0x4B00, s5;
	[sflag:s0] =	ssyncadd.s32 @p1 $0xFFFFF380;
	s0 =	simm.s32 @p1 $0xC80  }
0x50: {  	[tilespmem:s11], [sflag:$0x4] =	stream.indirect.gather @p1 [hbm4b:s6+s0], $0x1, s5, s0, $0xb8;
	[tilespmem:$0x12B70] =	vst v63  }
0x51: {  	s11 =	simm.s32 @p1 $0xBB80  }
0x52: {  	[tilespmem:s11], [sflag:$0x4] =	stream.indirect.gather @p1 [hbm4b:s7+s0], $0x1, s5, s0, $0xb8;
	[tilespmem:$0x12B70] =	vst v63  }
0x53: {  	s5 =	simm.s32 @p1 $0x8980;
	s11 =	simm.s32 @p1 $0xD480  }
0x54: {  	[tilespmem:s11], [sflag:$0x4] =	stream.indirect.gather @p1 [hbm4b:s6+s0], $0x1, s5, s0, $0xb8;
	[tilespmem:$0x12B70] =	vst v63  }
0x55: {  	s11 =	simm.s32 @p1 $0xED80  }
0x56: {  	[tilespmem:s11], [sflag:$0x4] =	stream.indirect.gather @p1 [hbm4b:s7+s0], $0x1, s5, s0, $0xb8;
	[tilespmem:$0x12B70] =	vst v63  }
0x57: {  	s0 =	sadd.s32 $0xFFFFFFFE, s29  }
0x58: {  	p3 =	seq.s32 s28, $0x0;
	s5 =	sshll.u32 s0, $0x5  }
0x59: {  	p4 =	sge.s32 @!p3 s5, s12  }
0x5a: {  	p3 =	por p3, p4  }
.Ltmp4:
0x5b: {  	_ = 	snop;
	(pc) =	sbr.rel @p3 .LBB2_6-.Ltmp4, $1  }
0x5c: {  	_ =	sdelay $0x3  }
0x5d: {  	_ =	swait.ge [sflag:s20], $0xC80  }
0x5e: {  	[sflag:s20] =	ssyncset.done $0x0  }
0x5f: {  	[sflag:s20] =	ssyncadd.s32 $0xFFFFF380  }
0x60: {  	_ =	swait.ge [sflag:s20], $0xC80  }
0x61: {  	[sflag:s20] =	ssyncset.done $0x0  }
0x62: {  	[sflag:s20] =	ssyncadd.s32 $0xFFFFF380  }
0x63: {  	_ =	swait.ge [sflag:s20], $0xC80  }
0x64: {  	[sflag:s20] =	ssyncset.done $0x0  }
0x65: {  	[sflag:s20] =	ssyncadd.s32 $0xFFFFF380  }
0x66: {  	_ =	swait.ge [sflag:s20], $0xC80  }
0x67: {  	[sflag:s20] =	ssyncset.done $0x0  }
0x68: {  	s5 =	simm.s32 $0x0;
	[sflag:s20] =	ssyncadd.s32 $0xFFFFF380  }
0x69: {  	v0 =	vld [tilespmem:s5+$0x1900]  }
0x6a: {  	v1 =	vld [tilespmem:s5+$0x0];
	_ =	sdelay $0x1  }
0x6b: {  	v2 =	vld [tilespmem:s5+$0x3200];
	_ =	sdelay $0x2  }
0x6c: {  	v1 =	vmul.f32 v1, v1;
	v0 =	vmul.f32 v0, v0;
	_ =	sdelay $0x1  }
0x6d: {  	v2 =	vmul.f32 v2, v2;
	v0 =	vadd.f32 v0, v1;
	_ =	sdelay $0x1  }
0x6e: {  	v5 =	vadd.f32 v2, v0  }
0x6f: {  	v1 =	vld [tilespmem:s5+$0xAF00]  }
0x70: {  	v2 =	vadd.f32 $1.000000000e+00, v5  }
0x71: {  	v0 =	vld [tilespmem:s5+$0xE100];
	v6 =	vshra.s32 v5, $0x1  }
0x72: {  	v7 =	vmul.f32 $5.000000000e-01, v5;
	v3 =	vshra.s32 v2, $0x1;
	v4 =	vmul.f32 $5.000000000e-01, v2  }
0x73: {  	v6 =	vsub.s32 $0x5F3759DF, v6;
	v3 =	vsub.s32 $0x5F3759DF, v3  }
0x74: {  	v8 =	vld [tilespmem:s5+$0x9600];
	v9 =	vshll.u32 v1, $0x10;
	v11 =	vmul.f32 v6, v7;
	v10 =	vmul.f32 v3, v4  }
0x75: {  	v9 =	vmul.f32 $1.732050780e+00, v9  }
0x76: {  	v12 =	vld [tilespmem:s5+$0xC800];
	v13 =	vshll.u32 v0, $0x10;
	v11 =	vmul.f32 v6, v11;
	v10 =	vmul.f32 v3, v10  }
0x77: {  	v9 =	vmul.f32 v13, v9  }
0x78: {  	v11 =	vsub.f32 $1.500000000e+00, v11;
	v10 =	vsub.f32 $1.500000000e+00, v10  }
0x79: {  	s11 =	simm.s32 $0x10;
	v8 =	vmul.f32 $7.199822420e+00, v8;
	v13 =	vmul.f32 $4.000000060e-01, v9  }
0x7a: {  	v6 =	vmul.f32 v6, v11;
	v11 =	vld [tilespmem:s11+$0x0];
	v3 =	vmul.f32 v3, v10  }
0x7b: {  	v14 =	vand.u32 $0xFFFF0000, v0;
	v0 =	vmul.f32 v12, v8;
	v8 =	vadd.f32 $5.000000000e+00, v13;
	v10 =	vld [tilespmem:s11+$0x1900]  }
0x7c: {  	v15 =	vmul.f32 v5, v5;
	v1 =	vand.u32 $0xFFFF0000, v1;
	v13 =	vmul.f32 v3, v4  }
0x7d: {  	v14 =	vmul.f32 v14, v1;
	v1 =	vmul.f32 v8, v8;
	v8 =	vld [tilespmem:s11+$0x3200]  }
0x7e: {  	v13 =	vmul.f32 v13, v3  }
0x7f: {  	v12 =	vmul.f32 v15, v5;
	v17 =	vmul.f32 v1, v1  }
0x80: {  	v11 =	vmul.f32 v11, v11;
	v10 =	vmul.f32 v10, v10;
	v13 =	vsub.f32 $1.500000000e+00, v13  }
0x81: {  	v16 =	vmul.f32 v12, v5;
	v17 =	vmul.f32 v17, v1  }
0x82: {  	v18 =	vld [tilespmem:s11+$0x9600];
	v13 =	vmul.f32 v13, v3;
	v3 =	vmul.f32 v8, v8;
	v8 =	vadd.f32 v10, v11  }
0x83: {  	v9 =	vmul.f32 v9, v9;
	v10 =	vmul.f32 $1.200000050e+00, v14  }
0x84: {  	v15 =	vmul.f32 v6, v7;
	v11 =	vadd.f32 v17, v12;
	v3 =	vadd.f32 v3, v8  }
0x85: {  	v1 =	vmul.f32 v17, v1;
	v9 =	vmul.f32 v9, v10;
	v10 =	vld [tilespmem:s11+$0xAF00]  }
0x86: {  	v4 =	vmul.f32 v13, v4;
	(erf) = vrcp.f32 v11;
	v11 =	vadd.f32 $1.000000000e+00, v3  }
0x87: {  	v1 =	vadd.f32 v1, v16;
	v12 =	vld [tilespmem:s11+$0xE100];
	v8 =	vmul.f32 v15, v6;
	v15 =	vmul.f32 $7.199822420e+00, v18  }
0x88: {  	v18 =	vld [tilespmem:s11+$0xC800];
	v4 =	vmul.f32 v4, v13;
	v16 =	vshra.s32 v11, $0x1;
	v17 =	vmul.f32 $5.000000000e-01, v11  }
0x89: {  	(erf) = vrcp.f32 v1;
	v19 =	vshra.s32 v3, $0x1;
	v16 =	vsub.s32 $0x5F3759DF, v16  }
0x8a: {  	v1 =	vsub.f32 $1.500000000e+00, v4;
	v20 =	vshll.u32 v10, $0x10;
	v21 =	vmul.f32 v16, v17  }
0x8b: {  	v8 =	vsub.f32 $1.500000000e+00, v8;
	v4 =	vmul.f32 $5.000000000e-01, v3;
	v20 =	vmul.f32 $1.732050780e+00, v20  }
0x8c: {  	v19 =	vsub.s32 $0x5F3759DF, v19;
	v13 =	vmul.f32 v1, v13;
	v21 =	vmul.f32 v16, v21  }
0x8d: {  	v23 =	vshll.u32 v12, $0x10;
	v22 =	vmul.f32 v19, v4;
	v1 =	vmul.f32 v18, v15  }
0x8e: {  	v20 =	vmul.f32 v23, v20;
	v15 =	vmul.f32 v13, v2;
	v2 =	vsub.f32 $1.500000000e+00, v21  }
0x8f: {  	v12 =	vand.u32 $0xFFFF0000, v12;
	v6 =	vmul.f32 v8, v6;
	v22 =	vmul.f32 v19, v22  }
0x90: {  	v10 =	vand.u32 $0xFFFF0000, v10;
	v21 =	vmul.f32 $4.000000060e-01, v20;
	v2 =	vmul.f32 v16, v2  }
0x91: {  	v12 =	vmul.f32 v12, v10;
	v7 =	vmul.f32 v6, v7;
	v22 =	vsub.f32 $1.500000000e+00, v22  }
0x92: {  	v23 =	vmul.f32 v3, v3;
	v18 =	vpop (erf);
	v16 =	vadd.f32 $5.000000000e+00, v21;
	v21 =	vmul.f32 v2, v17  }
0x93: {  	v14 =	vmul.f32 v18, v14;
	v19 =	vmul.f32 v19, v22  }
0x94: {  	v10 =	vmul.f32 v16, v16;
	v8 =	vmul.f32 v21, v2  }
0x95: {  	v24 =	vpop (erf);
	v18 =	vmul.f32 v23, v3;
	v16 =	vmul.f32 v19, v4  }
0x96: {  	s15 =	simm.s32 $0x20;
	v9 =	vmul.f32 v24, v9;
	v21 =	vmul.f32 v10, v10;
	v8 =	vsub.f32 $1.500000000e+00, v8  }
0x97: {  	v26 =	vld [tilespmem:s15+$0x1900];
	v22 =	vmul.f32 v18, v3;
	v16 =	vmul.f32 v16, v19  }
0x98: {  	v24 =	vld [tilespmem:s15+$0xE100];
	v9 =	vadd.f32 v9, v14;
	v21 =	vmul.f32 v21, v10;
	v8 =	vmul.f32 v8, v2  }
0x99: {  	v14 =	vld [tilespmem:s15+$0x3200];
	v25 =	vsub.f32 $1.500000000e+00, v16;
	v2 =	vmul.f32 v7, v6;
	v7 =	vmul.f32 v20, v20  }
0x9a: {  	v16 =	vld [tilespmem:s15+$0x9600];
	v20 =	vmul.f32 $1.200000050e+00, v12;
	v10 =	vmul.f32 v21, v10  }
0x9b: {  	v23 =	vld [tilespmem:s15+$0xC800];
	v19 =	vmul.f32 v25, v19;
	v17 =	vmul.f32 v8, v17;
	v27 =	vsub.f32 $1.500000000e+00, v2  }
0x9c: {  	v2 =	vmul.f32 $5.000000000e-01, v9;
	v9 =	vadd.f32 v21, v18;
	v18 =	vld [tilespmem:s15+$0x0];
	v20 =	vmul.f32 v7, v20  }
0x9d: {  	v7 =	vadd.f32 v10, v22;
	v10 =	vld [tilespmem:s15+$0xAF00];
	v17 =	vmul.f32 v17, v8;
	v21 =	vmul.f32 v27, v6  }
0x9e: {  	vm0 =	vlt.f32 v15, $1.000000000e+01;
	(erf) = vrcp.f32 v9;
	v6 =	vmul.f32 $9.999999770e-03, v15  }
0x9f: {  	v22 =	vand.u32 $0xFFFF0000, v24;
	v9 =	vmul.f32 v14, v14;
	v14 =	vmul.f32 $7.199822420e+00, v16  }
0xa0: {  	v16 =	vshll.u32 v24, $0x10;
	(erf) = vrcp.f32 v7;
	v24 =	vmul.f32 v21, v5  }
0xa1: {  	v15 =	vsub.f32 $1.500000000e+00, v17;
	v17 =	vmul.f32 v18, v18;
	v18 =	vmul.f32 v26, v26  }
0xa2: {  	v13 =	vadd.f32 v6, v13;
	v5 =	vmul.f32 v23, v14;
	v26 =	vshll.u32 v10, $0x10  }
0xa3: {  	v6 =	vmul.f32 v15, v8;
	v7 =	vadd.f32 $-2.500000000e+00, v24;
	v8 =	vadd.f32 v18, v17  }
0xa4: {  	v14 =	vmul.f32 $1.732050780e+00, v26;
	v15 =	vmul.f32 $9.999999770e-03, v24  }
0xa5: {  	v18 =	vand.u32 $0xFFFF0000, v10;
	v23 =	vmul.f32 $2.000000030e-01, v7;
	v10 =	vadd.f32 v9, v8  }
0xa6: {  	v14 =	vmul.f32 v16, v14;
	v8 =	vmul.f32 v6, v11;
	v9 =	vadd.f32 v15, v21  }
0xa7: {  	v11 =	vmul.f32 $-6.000000000e+00, v23;
	v7 =	vshra.s32 v10, $0x1;
	v16 =	vmul.f32 $5.000000000e-01, v10  }
0xa8: {  	v21 =	vmul.f32 $4.000000060e-01, v14;
	v17 =	vsub.s32 $0x5F3759DF, v7;
	v7 =	vadd.f32 $1.000000000e+00, v10  }
0xa9: {  	v13 =	vadd.f32 $-2.000000030e-01, v13;
	v27 =	vmul.f32 v23, v23;
	v26 =	vmul.f32 v17, v16  }
0xaa: {  	v11 =	vadd.f32 $1.500000000e+01, v11;
	v28 =	vshra.s32 v7, $0x1;
	v15 =	vmul.f32 $5.000000000e-01, v7  }
0xab: {  	v29 =	vadd.f32 $-2.000000030e-01, v9;
	v9 =	vpop (erf);
	v26 =	vmul.f32 v17, v26;
	v28 =	vsub.s32 $0x5F3759DF, v28  }
0xac: {  	v32 =	vadd.f32 $5.000000000e+00, v21;
	v21 =	vpop (erf);
	v11 =	vmul.f32 v11, v23;
	v31 =	vmul.f32 v28, v15  }
0xad: {  	v9 =	vmul.f32 v9, v12;
	v12 =	vmul.f32 v21, v20;
	v26 =	vsub.f32 $1.500000000e+00, v26  }
0xae: {  	v21 =	vmul.f32 v27, v23;
	v27 =	vadd.f32 $-1.000000000e+01, v11;
	v20 =	vmul.f32 v28, v31  }
0xaf: {  	v30 =	vmul.f32 v10, v10;
	v12 =	vadd.f32 v12, v9;
	v11 =	vmul.f32 v17, v26  }
0xb0: {  	v9 =	vmul.f32 v22, v18;
	v22 =	vmul.f32 v27, v21;
	v26 =	vsub.f32 $1.500000000e+00, v20  }
0xb1: {  	vm1 =	vlt.f32 v24, $1.000000000e+01;
	v17 =	vmul.f32 v30, v10;
	v27 =	vmul.f32 v11, v16  }
0xb2: {  	vm15 =	vge.f32 v23, $1.000000000e+00;
	v12 =	vmul.f32 $5.000000000e-01, v12;
	v21 =	vmul.f32 v28, v26  }
0xb3: {  	v20 =	vnsel vm0, $0x0, v13;
	v13 =	vadd.f32 $1.000000000e+00, v22;
	v22 =	vmul.f32 v27, v11  }
0xb4: {  	vm2 =	vle.f32 v23, $0.0e+00;
	v18 =	vmul.f32 v17, v10;
	v24 =	vmul.f32 v21, v15  }
0xb5: {  	v23 =	vsel vm15, $0x0, v13;
	v13 =	vsub.f32 $1.500000000e+00, v22;
	v22 =	vmul.f32 v32, v32  }
0xb6: {  	s16 =	simm.s32 $0xC0;
	v25 =	vmul.f32 v24, v21;
	v24 =	vsel vm2, $0x3F800000, v23;
	v23 =	vnsel vm1, $0x0, v29  }
.LBB2_4:
0xb7: {  	s19 =	sshra.s32 s16, $0x2;
	p3 =	sne.s32 s16, $0x31C0;
	s16 =	sadd.s32 $0x40, s16;
	v26 =	vmul.f32 v22, v22;
	v20 =	vmul.f32 v24, v20;
	v24 =	vsub.f32 $1.000000000e+00, v24  }
0xb8: {  	v14 =	vmul.f32 v14, v14;
	v28 =	vmul.f32 v19, v4;
	v4 =	vmovc v16;
	v27 =	vld [tilespmem:s19+$0xC800];
	v25 =	vsub.f32 $1.500000000e+00, v25  }
0xb9: {  	v16 =	vld [tilespmem:s19+$0xE100];
	v26 =	vmul.f32 v26, v22;
	v23 =	vmul.f32 v24, v23  }
0xba: {  	v24 =	vld [tilespmem:s19+$0x3200];
	v21 =	vmul.f32 v25, v21;
	v25 =	vmul.f32 v28, v19  }
0xbb: {  	v29 =	vmul.f32 $1.200000050e+00, v9;
	v28 =	vld [tilespmem:s19+$0x9600];
	v22 =	vmul.f32 v26, v22;
	v20 =	vadd.f32 v23, v20  }
0xbc: {  	v17 =	vadd.f32 v26, v17;
	v23 =	vld [tilespmem:s19+$0x1900];
	v15 =	vmul.f32 v21, v15;
	v25 =	vsub.f32 $1.500000000e+00, v25  }
0xbd: {  	v29 =	vmul.f32 v14, v29;
	v26 =	vld [tilespmem:s19+$0x0];
	v14 =	vadd.f32 v22, v18;
	v18 =	vmul.f32 v20, v0;
	v0 =	vmovc v1  }
0xbe: {  	vm0 =	vlt.f32 v8, $1.000000000e+01;
	v1 =	vmovc v5;
	v20 =	vld [tilespmem:s19+$0xAF00];
	v15 =	vmul.f32 v15, v21;
	v19 =	vmul.f32 v25, v19  }
0xbf: {  	v5 =	vmul.f32 $9.999999770e-03, v8;
	(erf) = vrcp.f32 v17;
	v8 =	vsub.f32 v18, v2;
	v2 =	vmovc v12  }
0xc0: {  	v12 =	vmul.f32 v24, v24;
	v17 =	vmul.f32 $7.199822420e+00, v28;
	v15 =	vsub.f32 $1.500000000e+00, v15  }
0xc1: {  	v18 =	vand.u32 $0xFFFF0000, v16;
	v16 =	vshll.u32 v16, $0x10;
	v22 =	vmul.f32 v19, v3;
	v3 =	vmovc v10;
	[tilespmem:s5+$0xFA00] =	vst v8;
	s5 =	smov.u32 s11;
	s11 =	smov.u32 s15;
	s15 =	smov.u32 s19  }
0xc2: {  	v10 =	vmul.f32 v23, v23;
	v23 =	vadd.f32 v5, v6;
	v8 =	vmul.f32 v26, v26  }
0xc3: {  	v5 =	vmul.f32 v27, v17;
	v6 =	vmul.f32 v15, v21;
	v24 =	vshll.u32 v20, $0x10  }
0xc4: {  	v8 =	vadd.f32 v10, v8;
	(erf) = vrcp.f32 v14;
	v14 =	vadd.f32 $-2.500000000e+00, v22  }
0xc5: {  	v17 =	vmul.f32 $9.999999770e-03, v22;
	v20 =	vand.u32 $0xFFFF0000, v20;
	v15 =	vmul.f32 $1.732050780e+00, v24  }
0xc6: {  	v10 =	vadd.f32 v12, v8;
	v8 =	vmul.f32 v6, v7;
	v12 =	vmul.f32 $2.000000030e-01, v14  }
0xc7: {  	v17 =	vadd.f32 v17, v19;
	v19 =	vadd.f32 $-2.000000030e-01, v23;
	v14 =	vmul.f32 v16, v15  }
0xc8: {  	v7 =	vshra.s32 v10, $0x1;
	v16 =	vmul.f32 $5.000000000e-01, v10;
	v21 =	vpop (erf);
	v15 =	vmul.f32 $-6.000000000e+00, v12  }
0xc9: {  	v24 =	vmul.f32 $4.000000060e-01, v14;
	v23 =	vsub.s32 $0x5F3759DF, v7;
	v7 =	vadd.f32 $1.000000000e+00, v10  }
0xca: {  	v26 =	vmul.f32 v12, v12;
	v25 =	vmul.f32 v23, v16;
	v27 =	vadd.f32 $1.500000000e+01, v15  }
0xcb: {  	v30 =	vadd.f32 $-2.000000030e-01, v17;
	v28 =	vshra.s32 v7, $0x1;
	v15 =	vmul.f32 $5.000000000e-01, v7  }
0xcc: {  	v17 =	vmul.f32 v23, v25;
	v25 =	vsub.s32 $0x5F3759DF, v28;
	v28 =	vmul.f32 v10, v10  }
0xcd: {  	v24 =	vadd.f32 $5.000000000e+00, v24;
	v27 =	vmul.f32 v27, v12;
	v31 =	vmul.f32 v25, v15;
	v32 =	vpop (erf)  }
0xce: {  	v9 =	vmul.f32 v21, v9;
	v17 =	vsub.f32 $1.500000000e+00, v17;
	v21 =	vmul.f32 v32, v29  }
0xcf: {  	v26 =	vmul.f32 v26, v12;
	v27 =	vadd.f32 $-1.000000000e+01, v27;
	v29 =	vmul.f32 v25, v31  }
0xd0: {  	v23 =	vmul.f32 v23, v17;
	v17 =	vmul.f32 v28, v10;
	v28 =	vadd.f32 v21, v9  }
0xd1: {  	v9 =	vmul.f32 v18, v20;
	v26 =	vmul.f32 v27, v26;
	v21 =	vsub.f32 $1.500000000e+00, v29  }
0xd2: {  	v20 =	vnsel vm0, $0x0, v19;
	v27 =	vmul.f32 v23, v16;
	v18 =	vmul.f32 v17, v10  }
.Ltmp5:
0xd3: {  	v19 =	vmul.f32 v13, v11;
	v13 =	vadd.f32 $1.000000000e+00, v26;
	v11 =	vmovc v23;
	v21 =	vmul.f32 v25, v21;
	(pc) =	sbr.rel @p3 .LBB2_4-.Ltmp5, $4  }
0xd4: {  	vm1 =	vlt.f32 v22, $1.000000000e+01;
	vm0 =	vge.f32 v12, $1.000000000e+00;
	v23 =	vmul.f32 v27, v11  }
0xd5: {  	vm2 =	vle.f32 v12, $0.0e+00;
	v26 =	vsel vm0, $0x0, v13;
	v25 =	vmul.f32 v21, v15  }
0xd6: {  	v22 =	vmul.f32 v24, v24;
	v12 =	vmul.f32 $5.000000000e-01, v28;
	v13 =	vsub.f32 $1.500000000e+00, v23  }
0xd7: {  	v24 =	vsel vm2, $0x3F800000, v26;
	v23 =	vnsel vm1, $0x0, v30;
	v25 =	vmul.f32 v25, v21  }
0xd8: {  	v11 =	vmul.f32 v13, v11  }
0xd9: {  	v4 =	vmul.f32 v19, v4  }
0xda: {  	v13 =	vmul.f32 v11, v16  }
0xdb: {  	v4 =	vmul.f32 v4, v19  }
0xdc: {  	v33 =	vmul.f32 v22, v22;
	v13 =	vmul.f32 v13, v11  }
0xdd: {  	v14 =	vmul.f32 v14, v14;
	v37 =	vmul.f32 $1.200000050e+00, v9;
	v4 =	vsub.f32 $1.500000000e+00, v4  }
0xde: {  	v43 =	vmul.f32 v24, v20;
	v45 =	vmul.f32 $9.999999770e-03, v8;
	v13 =	vsub.f32 $1.500000000e+00, v13  }
0xdf: {  	v16 =	vmul.f32 v33, v22;
	v4 =	vmul.f32 v4, v19  }
0xe0: {  	v41 =	vsub.f32 $1.000000000e+00, v24;
	v14 =	vmul.f32 v14, v37;
	v11 =	vmul.f32 v13, v11  }
0xe1: {  	v34 =	vsub.f32 $1.500000000e+00, v25;
	v35 =	vmul.f32 v16, v22;
	v3 =	vmul.f32 v4, v3  }
0xe2: {  	v6 =	vadd.f32 v45, v6;
	v16 =	vadd.f32 v16, v17;
	v10 =	vmul.f32 v11, v10  }
0xe3: {  	v19 =	vmul.f32 v34, v21;
	v39 =	vadd.f32 v35, v18;
	v36 =	vadd.f32 $-2.500000000e+00, v3  }
0xe4: {  	(erf) = vrcp.f32 v16;
	v16 =	vmul.f32 v41, v23;
	v44 =	vadd.f32 $-2.500000000e+00, v10  }
0xe5: {  	v38 =	vmul.f32 v19, v15;
	v40 =	vmul.f32 $2.000000030e-01, v36  }
0xe6: {  	v6 =	vadd.f32 $-2.000000030e-01, v6;
	(erf) = vrcp.f32 v39;
	v20 =	vmul.f32 $2.000000030e-01, v44  }
0xe7: {  	vm0 =	vlt.f32 v8, $1.000000000e+01;
	v13 =	vmul.f32 v38, v19;
	v42 =	vmul.f32 $-6.000000000e+00, v40  }
0xe8: {  	v6 =	vnsel vm0, $0x0, v6;
	v47 =	vmul.f32 $9.999999770e-03, v3;
	v46 =	vmul.f32 $-6.000000000e+00, v20  }
0xe9: {  	vm1 =	vlt.f32 v3, $1.000000000e+01;
	v13 =	vsub.f32 $1.500000000e+00, v13;
	v15 =	vadd.f32 $1.500000000e+01, v42  }
0xea: {  	v56 =	vmul.f32 $9.999999770e-03, v10;
	v22 =	vmul.f32 v40, v40;
	v48 =	vadd.f32 $1.500000000e+01, v46  }
0xeb: {  	v4 =	vadd.f32 v47, v4;
	v13 =	vmul.f32 v13, v19;
	v15 =	vmul.f32 v15, v40  }
0xec: {  	vm15 =	vlt.f32 v10, $1.000000000e+01;
	v51 =	vmul.f32 v20, v20;
	v8 =	vmul.f32 v48, v20  }
0xed: {  	v4 =	vadd.f32 $-2.000000030e-01, v4;
	v22 =	vmul.f32 v22, v40;
	v15 =	vadd.f32 $-1.000000000e+01, v15  }
0xee: {  	v7 =	vmul.f32 v13, v7;
	v53 =	vmul.f32 v51, v20;
	v8 =	vadd.f32 $-1.000000000e+01, v8  }
0xef: {  	vm11 =	vge.f32 v40, $1.000000000e+00;
	vm2 =	vle.f32 v40, $0.0e+00;
	v15 =	vmul.f32 v15, v22  }
0xf0: {  	v11 =	vadd.f32 v56, v11;
	v49 =	vpop (erf);
	v55 =	vmul.f32 $9.999999770e-03, v7;
	v8 =	vmul.f32 v8, v53  }
0xf1: {  	v52 =	vmul.f32 v49, v9;
	v4 =	vnsel vm1, $0x0, v4;
	v15 =	vadd.f32 $1.000000000e+00, v15  }
0xf2: {  	vm12 =	vge.f32 v20, $1.000000000e+00;
	v13 =	vadd.f32 v55, v13;
	v8 =	vadd.f32 $1.000000000e+00, v8  }
0xf3: {  	vm13 =	vle.f32 v20, $0.0e+00;
	v11 =	vadd.f32 $-2.000000030e-01, v11;
	v54 =	vsel vm11, $0x0, v15  }
0xf4: {  	v13 =	vadd.f32 $-2.000000030e-01, v13;
	v3 =	vsel vm2, $0x3F800000, v54;
	v8 =	vsel vm12, $0x0, v8  }
0xf5: {  	v50 =	vpop (erf);
	v6 =	vmul.f32 v3, v6;
	v3 =	vsub.f32 $1.000000000e+00, v3;
	v8 =	vsel vm13, $0x3F800000, v8  }
0xf6: {  	v14 =	vmul.f32 v50, v14;
	vm14 =	vlt.f32 v7, $1.000000000e+01;
	v57 =	vsub.f32 $1.000000000e+00, v8  }
0xf7: {  	v10 =	vnsel vm15, $0x0, v11;
	v58 =	vnsel vm14, $0x0, v13;
	v3 =	vmul.f32 v3, v4  }
0xf8: {  	v59 =	vadd.f32 v16, v43;
	v4 =	vmul.f32 v8, v58;
	v7 =	vmul.f32 v57, v10  }
0xf9: {  	v3 =	vadd.f32 v3, v6  }
0xfa: {  	v0 =	vmul.f32 v59, v0;
	v60 =	vadd.f32 v14, v52;
	v4 =	vadd.f32 v7, v4  }
0xfb: {  	v1 =	vmul.f32 v3, v1  }
0xfc: {  	s0 =	sand.u32 $0x2, s0;
	v0 =	vsub.f32 v0, v2;
	v61 =	vmul.f32 $5.000000000e-01, v60;
	v62 =	vmul.f32 v4, v5  }
0xfd: {  	s0 =	smul.u32 $0x3200, s0;
	v1 =	vsub.f32 v1, v12  }
0xfe: {  	[tilespmem:s5+$0xFA00] =	vst v0;
	v63 =	vsub.f32 v62, v61  }
0xff: {  	s0 =	sshrl.u32 s0, $0x2;
	[tilespmem:s11+$0xFA00] =	vst v1  }
0x100: {  	s0 =	sadd.s32 $0x4B00, s0;
	[tilespmem:s15+$0xFA00] =	vst v63  }
0x101: {  	[spmem:s3] =	stream.indirect.scatter.add.f32 [tilespmem:s22], [sflag:$0x5], $0x1, s0, s21, $0xb8;
	[tilespmem:$0x12B70] =	vst v63  }
.LBB2_6:
0x102: {  	p3 =	sgt.u32 s28, $0x1F  }
0x103: {  	p4 =	sge.u32 @!p3 s31, s13  }
0x104: {  	p3 =	por p4, p3  }
0x105: {  	s0 =	smul.u32 @!p3 $0x32000, s28;
	_ =	sdelay $0x1  }
0x106: {  	s0 =	sadd.s32 @!p3 s14, s0  }
0x107: {  	s0 =	sshrl.u32 @!p3 s0, $0x3  }
0x108: {  	s11 =	simm.s32 @!p3 $0x0;
	s5 =	sadd.s32 @!p3 s8, s0  }
0x109: {  	[tilespmem:s11], [sflag:$0x1] =	stream.linear.gather @!p3 [hbm4b:s5+s11], $0xC80, $0x38;
	[tilespmem:$0x12B70] =	vst v63  }
0x10a: {  	s5 =	sand.u32 @!p3 $0x2, s29  }
0x10b: {  	s16 =	simm.s32 @!p3 $0x1900;
	s15 =	sadd.s32 @!p3 s9, s0;
	s5 =	smul.u32 @!p3 $0x3200, s5  }
0x10c: {  	[tilespmem:s16], [sflag:$0x1] =	stream.linear.gather @!p3 [hbm4b:s15+s11], $0xC80, $0x38;
	[tilespmem:$0x12B70] =	vst v63  }
0x10d: {  	s15 =	sadd.s32 @!p3 s10, s0;
	s16 =	simm.s32 @!p3 $0x3200;
	s5 =	sshrl.u32 @!p3 s5, $0x2  }
0x10e: {  	[tilespmem:s16], [sflag:$0x1] =	stream.linear.gather @!p3 [hbm4b:s15+s11], $0xC80, $0x38;
	[tilespmem:$0x12B70] =	vst v63  }
0x10f: {  	s5 =	sadd.s32 @!p3 $0x4B00, s5;
	s15 =	sadd.s32 @!p3 s1, s0  }
0x110: {  	[tilespmem:s5], [sflag:$0x1] =	stream.linear.gather @!p3 [hbm4b:s15+s11], $0xC80, $0x38;
	[tilespmem:$0x12B70] =	vst v63  }
0x111: {  	s0 =	sadd.s32 @!p3 s2, s0;
	s5 =	simm.s32 @!p3 $0x7D00  }
0x112: {  	[tilespmem:s5], [sflag:$0x1] =	stream.linear.gather @!p3 [hbm4b:s0+s11], $0xC80, $0x38;
	[tilespmem:$0x12B70] =	vst v63  }
0x113: {  	p3 =	sge.u32 @!p2 s31, s18  }
0x114: {  	p3 =	por p3, p2  }
0x115: {  	s0 =	simm.s32 @!p3 $0x6  }
0x116: {  	_ =	swait.ge @!p3 [sflag:s0], $0xC80  }
0x117: {  	p2 =	sge.u32 s31, s13;
	[sflag:s0] =	ssyncset.done @!p3 $0x0  }
0x118: {  	[sflag:s0] =	ssyncadd.s32 @!p3 $0xFFFFF380;
	s0 =	simm.s32 @!p2 $0x1  }
0x119: {  	_ =	swait.ge @!p2 [sflag:s0], $0xC80  }
0x11a: {  	[sflag:s0] =	ssyncset.done @!p2 $0x0  }
0x11b: {  	[sflag:s0] =	ssyncadd.s32 @!p2 $0xFFFFF380  }
0x11c: {  	_ =	swait.ge @!p2 [sflag:s0], $0xC80  }
0x11d: {  	[sflag:s0] =	ssyncset.done @!p2 $0x0  }
0x11e: {  	[sflag:s0] =	ssyncadd.s32 @!p2 $0xFFFFF380  }
0x11f: {  	_ =	swait.ge @!p2 [sflag:s0], $0xC80  }
0x120: {  	[sflag:s0] =	ssyncset.done @!p2 $0x0  }
0x121: {  	[sflag:s0] =	ssyncadd.s32 @!p2 $0xFFFFF380  }
0x122: {  	_ =	swait.ge @!p2 [sflag:s0], $0xC80  }
0x123: {  	s5 =	sand.u32 @!p2 $0x2, s29;
	[sflag:s0] =	ssyncset.done @!p2 $0x0  }
0x124: {  	s5 =	smul.u32 @!p2 $0x3200, s5;
	[sflag:s0] =	ssyncadd.s32 @!p2 $0xFFFFF380  }
0x125: {  	_ =	swait.ge @!p2 [sflag:s0], $0xC80  }
0x126: {  	s11 =	simm.s32 @!p2 $0x9600;
	s5 =	sshrl.u32 @!p2 s5, $0x2;
	[sflag:s0] =	ssyncset.done @!p2 $0x0  }
0x127: {  	s5 =	sadd.s32 @!p2 $0x4B00, s5;
	[sflag:s0] =	ssyncadd.s32 @!p2 $0xFFFFF380;
	s0 =	simm.s32 @!p2 $0xC80  }
0x128: {  	[tilespmem:s11], [sflag:$0x3] =	stream.indirect.gather @!p2 [hbm4b:s6+s0], $0x1, s5, s0, $0xb8;
	[tilespmem:$0x12B70] =	vst v63  }
0x129: {  	s11 =	simm.s32 @!p2 $0xAF00  }
0x12a: {  	[tilespmem:s11], [sflag:$0x3] =	stream.indirect.gather @!p2 [hbm4b:s7+s0], $0x1, s5, s0, $0xb8;
	[tilespmem:$0x12B70] =	vst v63  }
.Ltmp6:
0x12b: {  	_ = 	snop;
	(pc) =	sbr.rel @!p1 .LBB2_10-.Ltmp6, $4  }
0x12c: {  	s5 =	simm.s32 @!p2 $0x7D00;
	s11 =	simm.s32 @!p2 $0xC800  }
0x12d: {  	[tilespmem:s11], [sflag:$0x3] =	stream.indirect.gather @!p2 [hbm4b:s6+s0], $0x1, s5, s0, $0xb8;
	[tilespmem:$0x12B70] =	vst v63  }
0x12e: {  	s11 =	simm.s32 @!p2 $0xE100  }
0x12f: {  	[tilespmem:s11], [sflag:$0x3] =	stream.indirect.gather @!p2 [hbm4b:s7+s0], $0x1, s5, s0, $0xb8;
	[tilespmem:$0x12B70] =	vst v63  }
0x130: {  	_ =	swait.ge [sflag:s23], $0xC80  }
0x131: {  	[sflag:s23] =	ssyncset.done $0x0  }
0x132: {  	[sflag:s23] =	ssyncadd.s32 $0xFFFFF380  }
0x133: {  	_ =	swait.ge [sflag:s23], $0xC80  }
0x134: {  	[sflag:s23] =	ssyncset.done $0x0  }
0x135: {  	[sflag:s23] =	ssyncadd.s32 $0xFFFFF380  }
0x136: {  	_ =	swait.ge [sflag:s23], $0xC80  }
0x137: {  	[sflag:s23] =	ssyncset.done $0x0  }
0x138: {  	[sflag:s23] =	ssyncadd.s32 $0xFFFFF380  }
0x139: {  	_ =	swait.ge [sflag:s23], $0xC80  }
0x13a: {  	[sflag:s23] =	ssyncset.done $0x0  }
0x13b: {  	s0 =	simm.s32 $0xC80;
	[sflag:s23] =	ssyncadd.s32 $0xFFFFF380  }
0x13c: {  	v0 =	vld [tilespmem:s0+$0x1900]  }
0x13d: {  	v1 =	vld [tilespmem:s0+$0x0];
	_ =	sdelay $0x1  }
0x13e: {  	v2 =	vld [tilespmem:s0+$0x3200];
	_ =	sdelay $0x2  }
0x13f: {  	v1 =	vmul.f32 v1, v1;
	v0 =	vmul.f32 v0, v0;
	_ =	sdelay $0x1  }
0x140: {  	v2 =	vmul.f32 v2, v2;
	v0 =	vadd.f32 v0, v1;
	_ =	sdelay $0x1  }
0x141: {  	v5 =	vadd.f32 v2, v0  }
0x142: {  	v1 =	vld [tilespmem:s0+$0xAF00]  }
0x143: {  	v2 =	vadd.f32 $1.000000000e+00, v5  }
0x144: {  	v0 =	vld [tilespmem:s0+$0xE100];
	v7 =	vshra.s32 v5, $0x1  }
0x145: {  	v8 =	vmul.f32 $5.000000000e-01, v5;
	v3 =	vshra.s32 v2, $0x1;
	v4 =	vmul.f32 $5.000000000e-01, v2  }
0x146: {  	v7 =	vsub.s32 $0x5F3759DF, v7;
	v3 =	vsub.s32 $0x5F3759DF, v3  }
0x147: {  	v6 =	vld [tilespmem:s0+$0x9600];
	v9 =	vshll.u32 v1, $0x10;
	v11 =	vmul.f32 v7, v8;
	v10 =	vmul.f32 v3, v4  }
0x148: {  	v9 =	vmul.f32 $1.732050780e+00, v9  }
0x149: {  	v12 =	vld [tilespmem:s0+$0xC800];
	v13 =	vshll.u32 v0, $0x10;
	v11 =	vmul.f32 v7, v11;
	v10 =	vmul.f32 v3, v10  }
0x14a: {  	v9 =	vmul.f32 v13, v9  }
0x14b: {  	v11 =	vsub.f32 $1.500000000e+00, v11;
	v10 =	vsub.f32 $1.500000000e+00, v10  }
0x14c: {  	s5 =	simm.s32 $0xC90;
	v6 =	vmul.f32 $7.199822420e+00, v6;
	v13 =	vmul.f32 $4.000000060e-01, v9  }
0x14d: {  	v7 =	vmul.f32 v7, v11;
	v11 =	vld [tilespmem:s5+$0x0];
	v3 =	vmul.f32 v3, v10  }
0x14e: {  	v14 =	vand.u32 $0xFFFF0000, v0;
	v0 =	vmul.f32 v12, v6;
	v6 =	vadd.f32 $5.000000000e+00, v13;
	v10 =	vld [tilespmem:s5+$0x1900]  }
0x14f: {  	v15 =	vmul.f32 v5, v5;
	v1 =	vand.u32 $0xFFFF0000, v1;
	v13 =	vmul.f32 v3, v4  }
0x150: {  	v14 =	vmul.f32 v14, v1;
	v1 =	vmul.f32 v6, v6;
	v6 =	vld [tilespmem:s5+$0x3200]  }
0x151: {  	v13 =	vmul.f32 v13, v3  }
0x152: {  	v12 =	vmul.f32 v15, v5;
	v17 =	vmul.f32 v1, v1  }
0x153: {  	v11 =	vmul.f32 v11, v11;
	v10 =	vmul.f32 v10, v10;
	v13 =	vsub.f32 $1.500000000e+00, v13  }
0x154: {  	v16 =	vmul.f32 v12, v5;
	v17 =	vmul.f32 v17, v1  }
0x155: {  	v18 =	vld [tilespmem:s5+$0x9600];
	v13 =	vmul.f32 v13, v3;
	v3 =	vmul.f32 v6, v6;
	v6 =	vadd.f32 v10, v11  }
0x156: {  	v9 =	vmul.f32 v9, v9;
	v10 =	vmul.f32 $1.200000050e+00, v14  }
0x157: {  	v15 =	vmul.f32 v7, v8;
	v11 =	vadd.f32 v17, v12;
	v3 =	vadd.f32 v3, v6  }
0x158: {  	v1 =	vmul.f32 v17, v1;
	v9 =	vmul.f32 v9, v10;
	v10 =	vld [tilespmem:s5+$0xAF00]  }
0x159: {  	v4 =	vmul.f32 v13, v4;
	(erf) = vrcp.f32 v11;
	v11 =	vadd.f32 $1.000000000e+00, v3  }
0x15a: {  	v1 =	vadd.f32 v1, v16;
	v12 =	vld [tilespmem:s5+$0xE100];
	v6 =	vmul.f32 v15, v7;
	v15 =	vmul.f32 $7.199822420e+00, v18  }
0x15b: {  	v18 =	vld [tilespmem:s5+$0xC800];
	v4 =	vmul.f32 v4, v13;
	v16 =	vshra.s32 v11, $0x1;
	v17 =	vmul.f32 $5.000000000e-01, v11  }
0x15c: {  	(erf) = vrcp.f32 v1;
	v19 =	vshra.s32 v3, $0x1;
	v16 =	vsub.s32 $0x5F3759DF, v16  }
0x15d: {  	v1 =	vsub.f32 $1.500000000e+00, v4;
	v20 =	vshll.u32 v10, $0x10;
	v21 =	vmul.f32 v16, v17  }
0x15e: {  	v6 =	vsub.f32 $1.500000000e+00, v6;
	v4 =	vmul.f32 $5.000000000e-01, v3;
	v20 =	vmul.f32 $1.732050780e+00, v20  }
0x15f: {  	v19 =	vsub.s32 $0x5F3759DF, v19;
	v13 =	vmul.f32 v1, v13;
	v21 =	vmul.f32 v16, v21  }
0x160: {  	v23 =	vshll.u32 v12, $0x10;
	v22 =	vmul.f32 v19, v4;
	v1 =	vmul.f32 v18, v15  }
0x161: {  	v20 =	vmul.f32 v23, v20;
	v15 =	vmul.f32 v13, v2;
	v2 =	vsub.f32 $1.500000000e+00, v21  }
0x162: {  	v12 =	vand.u32 $0xFFFF0000, v12;
	v6 =	vmul.f32 v6, v7;
	v22 =	vmul.f32 v19, v22  }
0x163: {  	v10 =	vand.u32 $0xFFFF0000, v10;
	v21 =	vmul.f32 $4.000000060e-01, v20;
	v2 =	vmul.f32 v16, v2  }
0x164: {  	v12 =	vmul.f32 v12, v10;
	v8 =	vmul.f32 v6, v8;
	v22 =	vsub.f32 $1.500000000e+00, v22  }
0x165: {  	v23 =	vmul.f32 v3, v3;
	v18 =	vpop (erf);
	v16 =	vadd.f32 $5.000000000e+00, v21;
	v21 =	vmul.f32 v2, v17  }
0x166: {  	v14 =	vmul.f32 v18, v14;
	v19 =	vmul.f32 v19, v22  }
0x167: {  	v10 =	vmul.f32 v16, v16;
	v7 =	vmul.f32 v21, v2  }
0x168: {  	v24 =	vpop (erf);
	v18 =	vmul.f32 v23, v3;
	v16 =	vmul.f32 v19, v4  }
0x169: {  	s11 =	simm.s32 $0xCA0;
	v9 =	vmul.f32 v24, v9;
	v21 =	vmul.f32 v10, v10;
	v7 =	vsub.f32 $1.500000000e+00, v7  }
0x16a: {  	v26 =	vld [tilespmem:s11+$0x1900];
	v22 =	vmul.f32 v18, v3;
	v16 =	vmul.f32 v16, v19  }
0x16b: {  	v24 =	vld [tilespmem:s11+$0xE100];
	v9 =	vadd.f32 v9, v14;
	v21 =	vmul.f32 v21, v10;
	v7 =	vmul.f32 v7, v2  }
0x16c: {  	v14 =	vld [tilespmem:s11+$0x3200];
	v25 =	vsub.f32 $1.500000000e+00, v16;
	v2 =	vmul.f32 v8, v6;
	v8 =	vmul.f32 v20, v20  }
0x16d: {  	v16 =	vld [tilespmem:s11+$0x9600];
	v20 =	vmul.f32 $1.200000050e+00, v12;
	v10 =	vmul.f32 v21, v10  }
0x16e: {  	v23 =	vld [tilespmem:s11+$0xC800];
	v19 =	vmul.f32 v25, v19;
	v17 =	vmul.f32 v7, v17;
	v27 =	vsub.f32 $1.500000000e+00, v2  }
0x16f: {  	v2 =	vmul.f32 $5.000000000e-01, v9;
	v9 =	vadd.f32 v21, v18;
	v18 =	vld [tilespmem:s11+$0x0];
	v20 =	vmul.f32 v8, v20  }
0x170: {  	v8 =	vadd.f32 v10, v22;
	v10 =	vld [tilespmem:s11+$0xAF00];
	v17 =	vmul.f32 v17, v7;
	v21 =	vmul.f32 v27, v6  }
0x171: {  	vm0 =	vlt.f32 v15, $1.000000000e+01;
	(erf) = vrcp.f32 v9;
	v6 =	vmul.f32 $9.999999770e-03, v15  }
0x172: {  	v22 =	vand.u32 $0xFFFF0000, v24;
	v9 =	vmul.f32 v14, v14;
	v14 =	vmul.f32 $7.199822420e+00, v16  }
0x173: {  	v16 =	vshll.u32 v24, $0x10;
	(erf) = vrcp.f32 v8;
	v24 =	vmul.f32 v21, v5  }
0x174: {  	v15 =	vsub.f32 $1.500000000e+00, v17;
	v17 =	vmul.f32 v18, v18;
	v18 =	vmul.f32 v26, v26  }
0x175: {  	v13 =	vadd.f32 v6, v13;
	v5 =	vmul.f32 v23, v14;
	v26 =	vshll.u32 v10, $0x10  }
0x176: {  	v6 =	vmul.f32 v15, v7;
	v14 =	vadd.f32 $-2.500000000e+00, v24;
	v7 =	vadd.f32 v18, v17  }
0x177: {  	v15 =	vmul.f32 $1.732050780e+00, v26;
	v17 =	vmul.f32 $9.999999770e-03, v24  }
0x178: {  	v18 =	vand.u32 $0xFFFF0000, v10;
	v23 =	vmul.f32 $2.000000030e-01, v14;
	v10 =	vadd.f32 v9, v7  }
0x179: {  	v8 =	vmul.f32 v6, v11;
	v14 =	vmul.f32 v16, v15;
	v9 =	vadd.f32 v17, v21  }
0x17a: {  	v11 =	vmul.f32 $-6.000000000e+00, v23;
	v7 =	vshra.s32 v10, $0x1;
	v16 =	vmul.f32 $5.000000000e-01, v10  }
0x17b: {  	v21 =	vmul.f32 $4.000000060e-01, v14;
	v17 =	vsub.s32 $0x5F3759DF, v7;
	v7 =	vadd.f32 $1.000000000e+00, v10  }
0x17c: {  	v13 =	vadd.f32 $-2.000000030e-01, v13;
	v27 =	vmul.f32 v23, v23;
	v26 =	vmul.f32 v17, v16  }
0x17d: {  	v11 =	vadd.f32 $1.500000000e+01, v11;
	v28 =	vshra.s32 v7, $0x1;
	v15 =	vmul.f32 $5.000000000e-01, v7  }
0x17e: {  	v29 =	vadd.f32 $-2.000000030e-01, v9;
	v9 =	vpop (erf);
	v26 =	vmul.f32 v17, v26;
	v28 =	vsub.s32 $0x5F3759DF, v28  }
0x17f: {  	v32 =	vadd.f32 $5.000000000e+00, v21;
	v21 =	vpop (erf);
	v11 =	vmul.f32 v11, v23;
	v31 =	vmul.f32 v28, v15  }
0x180: {  	v9 =	vmul.f32 v9, v12;
	v12 =	vmul.f32 v21, v20;
	v26 =	vsub.f32 $1.500000000e+00, v26  }
0x181: {  	v21 =	vmul.f32 v27, v23;
	v27 =	vadd.f32 $-1.000000000e+01, v11;
	v20 =	vmul.f32 v28, v31  }
0x182: {  	v30 =	vmul.f32 v10, v10;
	v12 =	vadd.f32 v12, v9;
	v11 =	vmul.f32 v17, v26  }
0x183: {  	v9 =	vmul.f32 v22, v18;
	v22 =	vmul.f32 v27, v21;
	v26 =	vsub.f32 $1.500000000e+00, v20  }
0x184: {  	vm1 =	vlt.f32 v24, $1.000000000e+01;
	v17 =	vmul.f32 v30, v10;
	v27 =	vmul.f32 v11, v16  }
0x185: {  	vm15 =	vge.f32 v23, $1.000000000e+00;
	v12 =	vmul.f32 $5.000000000e-01, v12;
	v21 =	vmul.f32 v28, v26  }
0x186: {  	v20 =	vnsel vm0, $0x0, v13;
	v13 =	vadd.f32 $1.000000000e+00, v22;
	v22 =	vmul.f32 v27, v11  }
0x187: {  	vm2 =	vle.f32 v23, $0.0e+00;
	v18 =	vmul.f32 v17, v10;
	v24 =	vmul.f32 v21, v15  }
0x188: {  	v23 =	vsel vm15, $0x0, v13;
	v13 =	vsub.f32 $1.500000000e+00, v22;
	v22 =	vmul.f32 v32, v32  }
0x189: {  	s15 =	simm.s32 $0x32C0;
	v25 =	vmul.f32 v24, v21;
	v24 =	vsel vm2, $0x3F800000, v23;
	v23 =	vnsel vm1, $0x0, v29  }
.LBB2_8:
0x18a: {  	s16 =	sshra.s32 s15, $0x2;
	p1 =	sne.s32 s15, $0x63C0;
	s15 =	sadd.s32 $0x40, s15;
	v26 =	vmul.f32 v22, v22;
	v20 =	vmul.f32 v24, v20;
	v24 =	vsub.f32 $1.000000000e+00, v24  }
0x18b: {  	v14 =	vmul.f32 v14, v14;
	v28 =	vmul.f32 v19, v4;
	v4 =	vmovc v16;
	v27 =	vld [tilespmem:s16+$0xC800];
	v25 =	vsub.f32 $1.500000000e+00, v25  }
0x18c: {  	v16 =	vld [tilespmem:s16+$0xE100];
	v26 =	vmul.f32 v26, v22;
	v23 =	vmul.f32 v24, v23  }
0x18d: {  	v24 =	vld [tilespmem:s16+$0x3200];
	v21 =	vmul.f32 v25, v21;
	v25 =	vmul.f32 v28, v19  }
0x18e: {  	v29 =	vmul.f32 $1.200000050e+00, v9;
	v28 =	vld [tilespmem:s16+$0x9600];
	v22 =	vmul.f32 v26, v22;
	v20 =	vadd.f32 v23, v20  }
0x18f: {  	v17 =	vadd.f32 v26, v17;
	v23 =	vld [tilespmem:s16+$0x1900];
	v15 =	vmul.f32 v21, v15;
	v25 =	vsub.f32 $1.500000000e+00, v25  }
0x190: {  	v29 =	vmul.f32 v14, v29;
	v26 =	vld [tilespmem:s16+$0x0];
	v14 =	vadd.f32 v22, v18;
	v18 =	vmul.f32 v20, v0;
	v0 =	vmovc v1  }
0x191: {  	vm0 =	vlt.f32 v8, $1.000000000e+01;
	v1 =	vmovc v5;
	v20 =	vld [tilespmem:s16+$0xAF00];
	v15 =	vmul.f32 v15, v21;
	v19 =	vmul.f32 v25, v19  }
0x192: {  	v5 =	vmul.f32 $9.999999770e-03, v8;
	(erf) = vrcp.f32 v17;
	v8 =	vsub.f32 v18, v2;
	v2 =	vmovc v12  }
0x193: {  	v12 =	vmul.f32 v24, v24;
	v17 =	vmul.f32 $7.199822420e+00, v28;
	v15 =	vsub.f32 $1.500000000e+00, v15  }
0x194: {  	v18 =	vand.u32 $0xFFFF0000, v16;
	v16 =	vshll.u32 v16, $0x10;
	v22 =	vmul.f32 v19, v3;
	v3 =	vmovc v10;
	[tilespmem:s0+$0xFA00] =	vst v8;
	s0 =	smov.u32 s5;
	s5 =	smov.u32 s11;
	s11 =	smov.u32 s16  }
0x195: {  	v10 =	vmul.f32 v23, v23;
	v23 =	vadd.f32 v5, v6;
	v8 =	vmul.f32 v26, v26  }
0x196: {  	v5 =	vmul.f32 v27, v17;
	v6 =	vmul.f32 v15, v21;
	v24 =	vshll.u32 v20, $0x10  }
0x197: {  	v8 =	vadd.f32 v10, v8;
	(erf) = vrcp.f32 v14;
	v14 =	vadd.f32 $-2.500000000e+00, v22  }
0x198: {  	v17 =	vmul.f32 $9.999999770e-03, v22;
	v20 =	vand.u32 $0xFFFF0000, v20;
	v15 =	vmul.f32 $1.732050780e+00, v24  }
0x199: {  	v10 =	vadd.f32 v12, v8;
	v8 =	vmul.f32 v6, v7;
	v12 =	vmul.f32 $2.000000030e-01, v14  }
0x19a: {  	v17 =	vadd.f32 v17, v19;
	v19 =	vadd.f32 $-2.000000030e-01, v23;
	v14 =	vmul.f32 v16, v15  }
0x19b: {  	v7 =	vshra.s32 v10, $0x1;
	v16 =	vmul.f32 $5.000000000e-01, v10;
	v21 =	vpop (erf);
	v15 =	vmul.f32 $-6.000000000e+00, v12  }
0x19c: {  	v24 =	vmul.f32 $4.000000060e-01, v14;
	v23 =	vsub.s32 $0x5F3759DF, v7;
	v7 =	vadd.f32 $1.000000000e+00, v10  }
0x19d: {  	v26 =	vmul.f32 v12, v12;
	v25 =	vmul.f32 v23, v16;
	v27 =	vadd.f32 $1.500000000e+01, v15  }
0x19e: {  	v30 =	vadd.f32 $-2.000000030e-01, v17;
	v28 =	vshra.s32 v7, $0x1;
	v15 =	vmul.f32 $5.000000000e-01, v7  }
0x19f: {  	v17 =	vmul.f32 v23, v25;
	v25 =	vsub.s32 $0x5F3759DF, v28;
	v28 =	vmul.f32 v10, v10  }
0x1a0: {  	v24 =	vadd.f32 $5.000000000e+00, v24;
	v27 =	vmul.f32 v27, v12;
	v31 =	vmul.f32 v25, v15;
	v32 =	vpop (erf)  }
0x1a1: {  	v9 =	vmul.f32 v21, v9;
	v17 =	vsub.f32 $1.500000000e+00, v17;
	v21 =	vmul.f32 v32, v29  }
0x1a2: {  	v26 =	vmul.f32 v26, v12;
	v27 =	vadd.f32 $-1.000000000e+01, v27;
	v29 =	vmul.f32 v25, v31  }
0x1a3: {  	v23 =	vmul.f32 v23, v17;
	v17 =	vmul.f32 v28, v10;
	v28 =	vadd.f32 v21, v9  }
0x1a4: {  	v9 =	vmul.f32 v18, v20;
	v26 =	vmul.f32 v27, v26;
	v21 =	vsub.f32 $1.500000000e+00, v29  }
0x1a5: {  	v20 =	vnsel vm0, $0x0, v19;
	v27 =	vmul.f32 v23, v16;
	v18 =	vmul.f32 v17, v10  }
.Ltmp7:
0x1a6: {  	v19 =	vmul.f32 v13, v11;
	v13 =	vadd.f32 $1.000000000e+00, v26;
	v11 =	vmovc v23;
	v21 =	vmul.f32 v25, v21;
	(pc) =	sbr.rel @p1 .LBB2_8-.Ltmp7, $4  }
0x1a7: {  	vm1 =	vlt.f32 v22, $1.000000000e+01;
	vm0 =	vge.f32 v12, $1.000000000e+00;
	v23 =	vmul.f32 v27, v11  }
0x1a8: {  	vm2 =	vle.f32 v12, $0.0e+00;
	v26 =	vsel vm0, $0x0, v13;
	v25 =	vmul.f32 v21, v15  }
0x1a9: {  	v22 =	vmul.f32 v24, v24;
	v12 =	vmul.f32 $5.000000000e-01, v28;
	v13 =	vsub.f32 $1.500000000e+00, v23  }
0x1aa: {  	v24 =	vsel vm2, $0x3F800000, v26;
	v23 =	vnsel vm1, $0x0, v30;
	v25 =	vmul.f32 v25, v21  }
0x1ab: {  	v11 =	vmul.f32 v13, v11  }
0x1ac: {  	v4 =	vmul.f32 v19, v4  }
0x1ad: {  	v13 =	vmul.f32 v11, v16  }
0x1ae: {  	v4 =	vmul.f32 v4, v19  }
0x1af: {  	v33 =	vmul.f32 v22, v22;
	v13 =	vmul.f32 v13, v11  }
0x1b0: {  	v14 =	vmul.f32 v14, v14;
	v37 =	vmul.f32 $1.200000050e+00, v9;
	v4 =	vsub.f32 $1.500000000e+00, v4  }
0x1b1: {  	v43 =	vmul.f32 v24, v20;
	v45 =	vmul.f32 $9.999999770e-03, v8;
	v13 =	vsub.f32 $1.500000000e+00, v13  }
0x1b2: {  	v16 =	vmul.f32 v33, v22;
	v4 =	vmul.f32 v4, v19  }
0x1b3: {  	v41 =	vsub.f32 $1.000000000e+00, v24;
	v14 =	vmul.f32 v14, v37;
	v11 =	vmul.f32 v13, v11  }
0x1b4: {  	v34 =	vsub.f32 $1.500000000e+00, v25;
	v35 =	vmul.f32 v16, v22;
	v3 =	vmul.f32 v4, v3  }
0x1b5: {  	v6 =	vadd.f32 v45, v6;
	v16 =	vadd.f32 v16, v17;
	v10 =	vmul.f32 v11, v10  }
0x1b6: {  	v19 =	vmul.f32 v34, v21;
	v39 =	vadd.f32 v35, v18;
	v36 =	vadd.f32 $-2.500000000e+00, v3  }
0x1b7: {  	(erf) = vrcp.f32 v16;
	v16 =	vmul.f32 v41, v23;
	v44 =	vadd.f32 $-2.500000000e+00, v10  }
0x1b8: {  	v38 =	vmul.f32 v19, v15;
	v40 =	vmul.f32 $2.000000030e-01, v36  }
0x1b9: {  	v6 =	vadd.f32 $-2.000000030e-01, v6;
	(erf) = vrcp.f32 v39;
	v20 =	vmul.f32 $2.000000030e-01, v44  }
0x1ba: {  	vm0 =	vlt.f32 v8, $1.000000000e+01;
	v13 =	vmul.f32 v38, v19;
	v42 =	vmul.f32 $-6.000000000e+00, v40  }
0x1bb: {  	v6 =	vnsel vm0, $0x0, v6;
	v47 =	vmul.f32 $9.999999770e-03, v3;
	v46 =	vmul.f32 $-6.000000000e+00, v20  }
0x1bc: {  	vm1 =	vlt.f32 v3, $1.000000000e+01;
	v13 =	vsub.f32 $1.500000000e+00, v13;
	v15 =	vadd.f32 $1.500000000e+01, v42  }
0x1bd: {  	v56 =	vmul.f32 $9.999999770e-03, v10;
	v22 =	vmul.f32 v40, v40;
	v48 =	vadd.f32 $1.500000000e+01, v46  }
0x1be: {  	v4 =	vadd.f32 v47, v4;
	v13 =	vmul.f32 v13, v19;
	v15 =	vmul.f32 v15, v40  }
0x1bf: {  	vm15 =	vlt.f32 v10, $1.000000000e+01;
	v51 =	vmul.f32 v20, v20;
	v8 =	vmul.f32 v48, v20  }
0x1c0: {  	v4 =	vadd.f32 $-2.000000030e-01, v4;
	v22 =	vmul.f32 v22, v40;
	v15 =	vadd.f32 $-1.000000000e+01, v15  }
0x1c1: {  	v7 =	vmul.f32 v13, v7;
	v53 =	vmul.f32 v51, v20;
	v8 =	vadd.f32 $-1.000000000e+01, v8  }
0x1c2: {  	vm11 =	vge.f32 v40, $1.000000000e+00;
	vm2 =	vle.f32 v40, $0.0e+00;
	v15 =	vmul.f32 v15, v22  }
0x1c3: {  	v11 =	vadd.f32 v56, v11;
	v49 =	vpop (erf);
	v55 =	vmul.f32 $9.999999770e-03, v7;
	v8 =	vmul.f32 v8, v53  }
0x1c4: {  	v52 =	vmul.f32 v49, v9;
	v4 =	vnsel vm1, $0x0, v4;
	v15 =	vadd.f32 $1.000000000e+00, v15  }
0x1c5: {  	vm12 =	vge.f32 v20, $1.000000000e+00;
	v13 =	vadd.f32 v55, v13;
	v8 =	vadd.f32 $1.000000000e+00, v8  }
0x1c6: {  	vm13 =	vle.f32 v20, $0.0e+00;
	v11 =	vadd.f32 $-2.000000030e-01, v11;
	v54 =	vsel vm11, $0x0, v15  }
0x1c7: {  	v13 =	vadd.f32 $-2.000000030e-01, v13;
	v3 =	vsel vm2, $0x3F800000, v54;
	v8 =	vsel vm12, $0x0, v8  }
0x1c8: {  	v50 =	vpop (erf);
	v6 =	vmul.f32 v3, v6;
	v3 =	vsub.f32 $1.000000000e+00, v3;
	v8 =	vsel vm13, $0x3F800000, v8  }
0x1c9: {  	v14 =	vmul.f32 v50, v14;
	vm14 =	vlt.f32 v7, $1.000000000e+01;
	v57 =	vsub.f32 $1.000000000e+00, v8  }
0x1ca: {  	v10 =	vnsel vm15, $0x0, v11;
	v58 =	vnsel vm14, $0x0, v13;
	v3 =	vmul.f32 v3, v4  }
0x1cb: {  	v59 =	vadd.f32 v16, v43;
	v4 =	vmul.f32 v8, v58;
	v7 =	vmul.f32 v57, v10  }
0x1cc: {  	v3 =	vadd.f32 v3, v6  }
0x1cd: {  	v0 =	vmul.f32 v59, v0;
	v60 =	vadd.f32 v14, v52;
	v4 =	vadd.f32 v7, v4  }
0x1ce: {  	s15 =	sand.u32 $0x3, s30;
	v1 =	vmul.f32 v3, v1  }
0x1cf: {  	s15 =	smul.u32 $0x3200, s15;
	v0 =	vsub.f32 v0, v2;
	v61 =	vmul.f32 $5.000000000e-01, v60;
	v62 =	vmul.f32 v4, v5  }
.Ltmp8:
0x1d0: {  	v1 =	vsub.f32 v1, v12;
	(pc) =	sbr.rel .LBB2_10-.Ltmp8, $4  }
0x1d1: {  	[tilespmem:s0+$0xFA00] =	vst v0;
	v63 =	vsub.f32 v62, v61  }
0x1d2: {  	s31 =	sshrl.u32 s15, $0x2;
	[tilespmem:s5+$0xFA00] =	vst v1  }
0x1d3: {  	s0 =	sadd.s32 $0x4B00, s31;
	[tilespmem:s11+$0xFA00] =	vst v63  }
0x1d4: {  	[spmem:s3] =	stream.indirect.scatter.add.f32 [tilespmem:s24], [sflag:$0x6], $0x1, s0, s21, $0xb8;
	[tilespmem:$0x12B70] =	vst v63  }
.LBB2_12:
0x1d5: {  	_ =	sfence.sel $0x180000  }
0x1d6: {  	[bflag:$0x0] =	sbarrier.arrive $0xFFFF  }
0x1d7: {  	_ =	strace $0x9000004A  }
0x1d8: {  	[bflag:$0x2] =	sbarrier.arrive $0xFFFF  }
0x1d9: {  	s0 =	rddreg [dreg:$0x4]  }
0x1da: {  	s0 =	sadd.s32 @!p0 $0x100000, s0  }
0x1db: {  	[sflag:s0] =	ssyncadd.tile.s32 @!p0 $0x1;
	_ =	shalt  }
.Lfunc_end2:
_tile_overlayer_lowered:
.L_overlay_start_2:
0x1dc: {  	(tag) =	ssettag $0x2  }
0x1dd: {  	s0 =	rddreg [dreg:$0x0];
	s2 =	stileid.u32  }
0x1de: {  	s1 =	rddreg [dreg:$0x1];
	p0 =	sne.s32 s2, $0x0  }
0x1df: {  	s3 =	rddreg [dreg:$0x2];
	[bflag:$0x3] =	sbarrier.arrive $0xFFFF;
	s2 =	simm.s32 @!p0 $0x1C07  }
0x1e0: {  	[timem:s3], [sflag:s2] =	dma.local @!p0 [hbm:s0], s1  }
0x1e1: {  	s0 =	simm.s32 @!p0 $0x7  }
0x1e2: {  	_ =	swait.ge @!p0 [sflag:s0], s1  }
0x1e3: {  	s1 =	ssub.s32 @!p0 $0x0, s1;
	[sflag:s0] =	ssyncset.done @!p0 $0x0  }
0x1e4: {  	[sflag:s0] =	ssyncadd.s32 @!p0 s1  }
0x1e5: {  	[bflag:$0x3] =	sbarrier.arrive $0xFFFF  }
0x1e6: {  	_ =	shalt  }

</sc_bundles>
